<compile_context>
chip_gen: v7x
topology: tpu7x:2x2x1
jax: 0.10.2.dev20260603
libtpu: 0.0.44.dev20260713+nightly
codegen_flags: <defaults>
</compile_context>

<pallas_src>
import functools

import jax
import jax.numpy as jnp
from jax import lax
from jax.experimental import pallas as pl
from jax.experimental.pallas import tpu as pltpu
from jax.experimental.pallas import tpu_sc as plsc

N = 10000
E = 320000
D = 128

NC = 2
NS = 16
NW = NC * NS

EPT = E // NW
CH = 80
NCHUNK = EPT // CH
HB = 64
WCH = 632
WCH15 = N - 15 * WCH

_mesh = plsc.VectorSubcoreMesh(core_axis_name="c", subcore_axis_name="s")


@functools.partial(
    pl.kernel,
    out_type=(
        jax.ShapeDtypeStruct((NC, N, D), jnp.float32),
        jax.ShapeDtypeStruct((NC * N,), jnp.float32),
    ),
    mesh=_mesh,
    scratch_types=[
        pltpu.VMEM((HB, CH), jnp.int32),
        pltpu.VMEM((HB, CH), jnp.int32),
        pltpu.VMEM((CH, D), jnp.float32),
        pltpu.VMEM((CH, D), jnp.float32),
        pltpu.VMEM((CH, D), jnp.float32),
        pltpu.VMEM((CH,), jnp.float32),
        pltpu.VMEM((1000,), jnp.float32),
        pltpu.VMEM_SHARED((N, D), jnp.float32),
        pltpu.VMEM_SHARED((N,), jnp.float32),
        pltpu.SemaphoreType.DMA,
        pltpu.SemaphoreType.DMA,
        pltpu.SemaphoreType.DMA,
        pltpu.SemaphoreType.DMA,
        pltpu.SemaphoreType.DMA,
        pltpu.SemaphoreType.DMA,
        pltpu.SemaphoreType.DMA,
    ],
)
def _sage_agg(h_hbm, edge_hbm, agg_out, deg_out,
              idx_s, idx_d, rows0, rows1, rows2, ones_v, dzero, agg_sh, deg_sh,
              g0, g1, g2, sc0, sc1, sc2, dsem):
    c = lax.axis_index("c")
    s = lax.axis_index("s")
    wid = c * NS + s

    zero16 = jnp.zeros((16,), jnp.float32)

    for i in range(CH // 16):
        ones_v[pl.ds(i * 16, 16)] = jnp.ones((16,), jnp.float32)

    def _rows_zero_body(i, _):
        r = i // (D // 16)
        col = (i % (D // 16)) * 16
        rows2[r, pl.ds(col, 16)] = zero16
        return 0
    lax.fori_loop(0, CH * (D // 16), _rows_zero_body, 0)

    def _dzero_body(i, _):
        dzero[pl.ds(i * 16, 16)] = zero16
        return 0
    lax.fori_loop(0, 1000 // 16, _dzero_body, 0)
    dzero[pl.ds(1000 - 16, 16)] = zero16

    base_r = s * WCH

    def _fire_zero(nrows):
        for k in range(nrows // CH):
            pltpu.async_copy(rows2, agg_sh.at[pl.ds(base_r + k * CH, CH)], sc0)
        rem = nrows % CH
        if rem:
            pltpu.async_copy(rows2.at[pl.ds(0, rem)],
                             agg_sh.at[pl.ds(base_r + nrows - rem, rem)], sc0)

    @pl.when(s < 10)
    def _():
        pltpu.async_copy(dzero, deg_sh.at[pl.ds(s * 1000, 1000)], sc1)

    @pl.when(s < NS - 1)
    def _():
        _fire_zero(WCH)

    @pl.when(s >= NS - 1)
    def _():
        _fire_zero(WCH15)

    pltpu.sync_copy(edge_hbm.at[0, wid, pl.ds(0, HB)], idx_s)
    pltpu.sync_copy(edge_hbm.at[1, wid, pl.ds(0, HB)], idx_d)

    bufs = (rows0, rows1, rows2)
    gsems = (g0, g1, g2)
    scsems = (sc0, sc1, sc2)

    def _start_gather(l, b):
        pltpu.async_copy(h_hbm.at[idx_s.at[l]], bufs[b], gsems[b])

    def _wait_gather(l, b):
        pltpu.make_async_copy(h_hbm.at[idx_s.at[l]], bufs[b], gsems[b]).wait()

    def _wait_scatter(b):
        pltpu.make_async_copy(bufs[b], agg_sh.at[idx_d.at[0]], scsems[b]).wait()

    _start_gather(0, 0)
    _start_gather(1, 1)

    def _drain_zero(nrows):
        for k in range(nrows // CH):
            pltpu.make_async_copy(rows2, agg_sh.at[pl.ds(base_r, CH)],
                                  sc0).wait()
        rem = nrows % CH
        if rem:
            pltpu.make_async_copy(rows2.at[pl.ds(0, rem)],
                                  agg_sh.at[pl.ds(base_r, rem)], sc0).wait()

    @pl.when(s < 10)
    def _():
        pltpu.make_async_copy(dzero, deg_sh.at[pl.ds(s * 1000, 1000)],
                              sc1).wait()

    @pl.when(s < NS - 1)
    def _():
        _drain_zero(WCH)

    @pl.when(s >= NS - 1)
    def _():
        _drain_zero(WCH15)

    plsc.subcore_barrier()

    def _half(base, nh, first):
        if not first:
            pltpu.sync_copy(edge_hbm.at[0, wid, pl.ds(base, nh)],
                            idx_s.at[pl.ds(0, nh)])
            pltpu.sync_copy(edge_hbm.at[1, wid, pl.ds(base, nh)],
                            idx_d.at[pl.ds(0, nh)])
            _start_gather(0, 0)
            _start_gather(1, 1)

        @pl.loop(0, nh, step=3)
        def _triple(l):
            for k in range(3):
                @pl.when(l + k < nh)
                def _(m=l + k, b=k):
                    @pl.when(m + 2 < nh)
                    def _():
                        @pl.when(m >= 1)
                        def _():
                            _wait_scatter((b + 2) % 3)
                        _start_gather(m + 2, (b + 2) % 3)

                    _wait_gather(m, b)
                    pltpu.async_copy(bufs[b], agg_sh.at[idx_d.at[m]],
                                     scsems[b], add=True)
                    pltpu.async_copy(ones_v, deg_sh.at[idx_d.at[m]], dsem,
                                     add=True)

        _wait_scatter(0)
        _wait_scatter(1)
        _wait_scatter(2)

        def _deg_drain(i, _):
            pltpu.make_async_copy(ones_v, deg_sh.at[idx_d.at[0]], dsem).wait()
            return 0
        lax.fori_loop(0, nh, _deg_drain, 0)

    _half(0, HB, True)
    _half(HB, NCHUNK - HB, False)

    plsc.subcore_barrier()

    @pl.when(s < NS - 1)
    def _():
        pltpu.sync_copy(agg_sh.at[pl.ds(base_r, WCH)],
                        agg_out.at[c, pl.ds(base_r, WCH)])

    @pl.when(s >= NS - 1)
    def _():
        pltpu.sync_copy(agg_sh.at[pl.ds(base_r, WCH15)],
                        agg_out.at[c, pl.ds(base_r, WCH15)])

    @pl.when(s < 10)
    def _():
        pltpu.sync_copy(deg_sh.at[pl.ds(s * 1000, 1000)], dzero)
        off = 4000 * (s // 2) + 2000 * c + 1000 * (s % 2)
        pltpu.sync_copy(dzero, deg_out.at[pl.ds(off, 1000)])


def _tc_layer_body(relu, h_ref, agg_ref, deg_ref, ws_ref, wn_ref, b_ref,
                   o_ref):
    agg = agg_ref[0] + agg_ref[1]
    deg = deg_ref[0, 0] + deg_ref[0, 1]
    hn = agg / jnp.maximum(deg, 1.0)[:, None]
    acc = (jnp.dot(h_ref[...], ws_ref[...], preferred_element_type=jnp.float32)
           + jnp.dot(hn, wn_ref[...], preferred_element_type=jnp.float32)
           + b_ref[...])
    o_ref[...] = jnp.maximum(acc, 0.0) if relu else acc


def _tc_layer(h, agg, deg, w_self, w_neigh, b, relu):
    bm = 2000
    return pl.pallas_call(
        functools.partial(_tc_layer_body, relu),
        grid=(N // bm,),
        in_specs=[
            pl.BlockSpec((bm, D), lambda i: (i, 0)),
            pl.BlockSpec((NC, bm, D), lambda i: (0, i, 0)),
            pl.BlockSpec((1, NC, bm), lambda i: (i, 0, 0)),
            pl.BlockSpec((D, D), lambda i: (0, 0)),
            pl.BlockSpec((D, D), lambda i: (0, 0)),
            pl.BlockSpec((1, D), lambda i: (0, 0)),
        ],
        out_specs=pl.BlockSpec((bm, D), lambda i: (i, 0)),
        out_shape=jax.ShapeDtypeStruct((N, D), jnp.float32),
    )(h, agg, deg.reshape(N // bm, NC, bm), w_self, w_neigh, b)


def _edge_relayout_body(e_ref, o_ref):
    o_ref[...] = e_ref[...].reshape(2, 8, NCHUNK, CH)


def _edge_relayout(e):
    tpb = 8
    return pl.pallas_call(
        _edge_relayout_body,
        grid=(NW // tpb,),
        in_specs=[pl.BlockSpec((2, tpb * EPT), lambda i: (0, i))],
        out_specs=pl.BlockSpec((2, tpb, NCHUNK, CH), lambda i: (0, i, 0, 0)),
        out_shape=jax.ShapeDtypeStruct((2, NW, NCHUNK, CH), jnp.int32),
    )(e)


def kernel(x, edge_index0, edge_index1, W_self0, W_neigh0, b0,
           W_self1, W_neigh1, b1):
    e0 = _edge_relayout(edge_index0)
    e1 = _edge_relayout(edge_index1)
    b0r = b0.reshape(1, D)
    b1r = b1.reshape(1, D)

    agg0, deg0 = _sage_agg(x, e0)
    h1 = _tc_layer(x, agg0, deg0, W_self0, W_neigh0, b0r, relu=True)
    agg1, deg1 = _sage_agg(h1, e1)
    return _tc_layer(h1, agg1, deg1, W_self1, W_neigh1, b1r, relu=False)

# --- scband reference (transcript-rebuilt; emitter-appended) ---
"""Pipeline reference for scband-graph-sage-11793980195323 (READ-ONLY COPY).

The authoritative reference and input builder live on the scoring server;
editing this copy changes nothing except your own understanding.
"""

import jax, jax.numpy as jnp
import numpy as np

N_NODES = 10000
N_EDGES = 320000
D_IN = 128
D_HID = 128
D_OUT = 128


def setup_inputs(seed: int = 0) -> dict:
    key = jax.random.key(seed)
    ks = jax.random.split(key, 10)
    x = jax.random.normal(ks[0], (N_NODES, D_IN), dtype=jnp.float32)
    edge_index0 = jax.random.randint(ks[1], (2, N_EDGES), 0, N_NODES, dtype=jnp.int64 if jax.config.jax_enable_x64 else jnp.int32).astype(jnp.int32)
    edge_index1 = jax.random.randint(ks[2], (2, N_EDGES), 0, N_NODES, dtype=jnp.int64 if jax.config.jax_enable_x64 else jnp.int32).astype(jnp.int32)
    s0 = 1.0 / np.sqrt(D_IN)
    s1 = 1.0 / np.sqrt(D_HID)
    W_self0 = jax.random.uniform(ks[3], (D_IN, D_HID), jnp.float32, -s0, s0)
    W_neigh0 = jax.random.uniform(ks[4], (D_IN, D_HID), jnp.float32, -s0, s0)
    b0 = jnp.zeros((D_HID,), jnp.float32)
    W_self1 = jax.random.uniform(ks[5], (D_HID, D_OUT), jnp.float32, -s1, s1)
    W_neigh1 = jax.random.uniform(ks[6], (D_HID, D_OUT), jnp.float32, -s1, s1)
    b1 = jnp.zeros((D_OUT,), jnp.float32)
    return {"x": x, "edge_index0": edge_index0, "edge_index1": edge_index1,
            "W_self0": W_self0, "W_neigh0": W_neigh0, "b0": b0,
            "W_self1": W_self1, "W_neigh1": W_neigh1, "b1": b1}


def _sage_conv(h, edge_index, W_self, W_neigh, b):
    # DGL SAGEConv with mean aggregator: rst = fc_self(h) + fc_neigh(mean_{j in N(i)} h_j) + bias
    src = edge_index[0]
    dst = edge_index[1]
    n = h.shape[0]
    msg = jnp.take(h, src, axis=0)  # gather neighbor features [E, d]
    agg = jax.ops.segment_sum(msg, dst, num_segments=n)  # scatter-add by dst
    deg = jax.ops.segment_sum(jnp.ones((edge_index.shape[1],), h.dtype), dst, num_segments=n)
    h_neigh = agg / jnp.clip(deg, 1.0, None)[:, None]
    return h @ W_self + h_neigh @ W_neigh + b


def reference(x, edge_index0, edge_index1, W_self0, W_neigh0, b0, W_self1, W_neigh1, b1):
    h = _sage_conv(x, edge_index0, W_self0, W_neigh0, b0)
    h = jax.nn.relu(h)  # activation between layers (not after last)
    h = _sage_conv(h, edge_index1, W_self1, W_neigh1, b1)
    return h

if __name__ == "__main__":
    import jax
    _d = setup_inputs()
    print(jax.jit(kernel)(*tuple(_d.values())))

</pallas_src>

<mosaic_0001>
#map = affine_map<(d0, d1) -> (0, 0)>
#map1 = affine_map<(d0, d1) -> (0, 0, 0, 0)>
#map2 = affine_map<(d0, d1) -> (0, 0, 0)>
#map3 = affine_map<(d0, d1) -> (0)>
module attributes {stable_mosaic.version = 14 : i64} {
  func.func @_sage_agg(%arg0: i32, %arg1: i32, %arg2: memref<10000x128xf32, #tpu.memory_space<hbm>>, %arg3: memref<2x32x125x80xi32, #tpu.memory_space<hbm>>, %arg4: memref<2x10000x128xf32, #tpu.memory_space<hbm>>, %arg5: memref<20000xf32, #tpu.memory_space<hbm>>, %arg6: memref<64x80xi32, #tpu.memory_space<vmem>>, %arg7: memref<64x80xi32, #tpu.memory_space<vmem>>, %arg8: memref<80x128xf32, #tpu.memory_space<vmem>>, %arg9: memref<80x128xf32, #tpu.memory_space<vmem>>, %arg10: memref<80x128xf32, #tpu.memory_space<vmem>>, %arg11: memref<80xf32, #tpu.memory_space<vmem>>, %arg12: memref<1000xf32, #tpu.memory_space<vmem>>, %arg13: memref<10000x128xf32, #tpu.memory_space<vmem_shared>>, %arg14: memref<10000xf32, #tpu.memory_space<vmem_shared>>, %arg15: memref<!tpu.dma_semaphore, #tpu.memory_space<semaphore_mem>>, %arg16: memref<!tpu.dma_semaphore, #tpu.memory_space<semaphore_mem>>, %arg17: memref<!tpu.dma_semaphore, #tpu.memory_space<semaphore_mem>>, %arg18: memref<!tpu.dma_semaphore, #tpu.memory_space<semaphore_mem>>, %arg19: memref<!tpu.dma_semaphore, #tpu.memory_space<semaphore_mem>>, %arg20: memref<!tpu.dma_semaphore, #tpu.memory_space<semaphore_mem>>, %arg21: memref<!tpu.dma_semaphore, #tpu.memory_space<semaphore_mem>>) attributes {dimension_semantics = [#tpu.dimension_semantics<core_parallel>, #tpu.dimension_semantics<subcore_parallel>], iteration_bounds = array<i64: 2, 16>, scalar_prefetch = 0 : i64, scratch_operands = 16 : i64, tpu.core_type = #tpu.core_type<sc_vector_subcore>, window_params = [{transform_indices = #map}, {transform_indices = #map1}, {transform_indices = #map2}, {transform_indices = #map3}]} {
    %mul3A = arith.constant 16 : i32
    %mul3A_0 = arith.muli %arg0, %mul3A : i32
    %add3A = arith.addi %mul3A_0, %arg1 : i32
    %broadcast_in_dim3A = arith.constant 0.000000e+00 : f32
    %broadcast_in_dim3A_1 = vector.broadcast %broadcast_in_dim3A : f32 to vector<16xf32>
    %broadcast_in_dim3A_2 = arith.constant 1.000000e+00 : f32
    %broadcast_in_dim3A_3 = vector.broadcast %broadcast_in_dim3A_2 : f32 to vector<16xf32>
    %swap3A = arith.constant 0 : index
    %swap3A_4 = tpu.vector_load %arg11[%swap3A] {strides = array<i32>} : memref<80xf32, #tpu.memory_space<vmem>>, vector<16xf32>,
    %swap3A_5 = vector.shape_cast %swap3A_4 : vector<16xf32> to vector<16xf32>
    %swap3A_6 = vector.shape_cast %broadcast_in_dim3A_3 : vector<16xf32> to vector<16xf32>
    tpu.vector_store %arg11[%swap3A], %swap3A_6 {strides = array<i32>} : memref<80xf32, #tpu.memory_space<vmem>>, vector<16xf32>,
    %broadcast_in_dim3A_7 = arith.constant 1.000000e+00 : f32
    %broadcast_in_dim3A_8 = vector.broadcast %broadcast_in_dim3A_7 : f32 to vector<16xf32>
    %swap3A_9 = arith.constant 16 : index
    %swap3A_10 = tpu.vector_load %arg11[%swap3A_9] {strides = array<i32>} : memref<80xf32, #tpu.memory_space<vmem>>, vector<16xf32>,
    %swap3A_11 = vector.shape_cast %swap3A_10 : vector<16xf32> to vector<16xf32>
    %swap3A_12 = vector.shape_cast %broadcast_in_dim3A_8 : vector<16xf32> to vector<16xf32>
    tpu.vector_store %arg11[%swap3A_9], %swap3A_12 {strides = array<i32>} : memref<80xf32, #tpu.memory_space<vmem>>, vector<16xf32>,
    %broadcast_in_dim3A_13 = arith.constant 1.000000e+00 : f32
    %broadcast_in_dim3A_14 = vector.broadcast %broadcast_in_dim3A_13 : f32 to vector<16xf32>
    %swap3A_15 = arith.constant 32 : index
    %swap3A_16 = tpu.vector_load %arg11[%swap3A_15] {strides = array<i32>} : memref<80xf32, #tpu.memory_space<vmem>>, vector<16xf32>,
    %swap3A_17 = vector.shape_cast %swap3A_16 : vector<16xf32> to vector<16xf32>
    %swap3A_18 = vector.shape_cast %broadcast_in_dim3A_14 : vector<16xf32> to vector<16xf32>
    tpu.vector_store %arg11[%swap3A_15], %swap3A_18 {strides = array<i32>} : memref<80xf32, #tpu.memory_space<vmem>>, vector<16xf32>,
    %broadcast_in_dim3A_19 = arith.constant 1.000000e+00 : f32
    %broadcast_in_dim3A_20 = vector.broadcast %broadcast_in_dim3A_19 : f32 to vector<16xf32>
    %swap3A_21 = arith.constant 48 : index
    %swap3A_22 = tpu.vector_load %arg11[%swap3A_21] {strides = array<i32>} : memref<80xf32, #tpu.memory_space<vmem>>, vector<16xf32>,
    %swap3A_23 = vector.shape_cast %swap3A_22 : vector<16xf32> to vector<16xf32>
    %swap3A_24 = vector.shape_cast %broadcast_in_dim3A_20 : vector<16xf32> to vector<16xf32>
    tpu.vector_store %arg11[%swap3A_21], %swap3A_24 {strides = array<i32>} : memref<80xf32, #tpu.memory_space<vmem>>, vector<16xf32>,
    %broadcast_in_dim3A_25 = arith.constant 1.000000e+00 : f32
    %broadcast_in_dim3A_26 = vector.broadcast %broadcast_in_dim3A_25 : f32 to vector<16xf32>
    %swap3A_27 = arith.constant 64 : index
    %swap3A_28 = tpu.vector_load %arg11[%swap3A_27] {strides = array<i32>} : memref<80xf32, #tpu.memory_space<vmem>>, vector<16xf32>,
    %swap3A_29 = vector.shape_cast %swap3A_28 : vector<16xf32> to vector<16xf32>
    %swap3A_30 = vector.shape_cast %broadcast_in_dim3A_26 : vector<16xf32> to vector<16xf32>
    tpu.vector_store %arg11[%swap3A_27], %swap3A_30 {strides = array<i32>} : memref<80xf32, #tpu.memory_space<vmem>>, vector<16xf32>,
    %scan3A = arith.constant 0 : i32
    %scan3A_31 = arith.constant 0 : i32
    %scan3A_32 = arith.constant 640 : i32
    %scan3A_33 = arith.addi %scan3A_31, %scan3A_32 : i32
    %scan3A_34 = arith.constant 1 : i32
    %scan3A_35 = scf.for %scan3A_187 = %scan3A_31 to %scan3A_33 step %scan3A_34 iter_args(%scan3A_188 = %scan3A) -> (i32)  : i32 {
      %jit3A = arith.constant 8 : i32
      %div3A = arith.divsi %scan3A_187, %jit3A : i32
      %sign3A = arith.constant 0 : i32
      %sign3A_189 = arith.cmpi sgt, %scan3A_187, %sign3A : i32
      %sign3A_190 = arith.extui %sign3A_189 : i1 to i32
      %sign3A_191 = arith.constant 0 : i32
      %sign3A_192 = arith.cmpi slt, %scan3A_187, %sign3A_191 : i32
      %sign3A_193 = arith.extui %sign3A_192 : i1 to i32
      %sign3A_194 = arith.subi %sign3A_190, %sign3A_193 : i32
      %sign3A_195 = arith.constant 0 : i32
      %sign3A_196 = arith.cmpi sgt, %jit3A, %sign3A_195 : i32
      %sign3A_197 = arith.extui %sign3A_196 : i1 to i32
      %sign3A_198 = arith.constant 0 : i32
      %sign3A_199 = arith.cmpi slt, %jit3A, %sign3A_198 : i32
      %sign3A_200 = arith.extui %sign3A_199 : i1 to i32
      %sign3A_201 = arith.subi %sign3A_197, %sign3A_200 : i32
      %ne3A = arith.cmpi ne, %sign3A_194, %sign3A_201 : i32
      %rem3A = arith.remsi %scan3A_187, %jit3A : i32
      %ne3A_202 = arith.constant 0 : i32
      %ne3A_203 = arith.cmpi ne, %rem3A, %ne3A_202 : i32
      %and3A = arith.andi %ne3A, %ne3A_203 : i1
      %sub3A = arith.constant 1 : i32
      %sub3A_204 = arith.subi %div3A, %sub3A : i32
      %select_n3A = arith.select %and3A, %sub3A_204, %div3A : i32
      %jit3A_205 = arith.constant 8 : i32
      %eq3A = arith.constant 0 : i32
      %eq3A_206 = arith.cmpi eq, %jit3A_205, %eq3A : i32
      %jit3A_207 = arith.constant 1 : i32
      %select_n3A_208 = arith.select %eq3A_206, %jit3A_207, %jit3A_205 : i32
      %rem3A_209 = arith.remsi %scan3A_187, %select_n3A_208 : i32
      %ne3A_210 = arith.constant 0 : i32
      %ne3A_211 = arith.cmpi ne, %rem3A_209, %ne3A_210 : i32
      %lt3A_212 = arith.constant 0 : i32
      %lt3A_213 = arith.cmpi slt, %rem3A_209, %lt3A_212 : i32
      %lt3A_214 = arith.constant 0 : i32
      %lt3A_215 = arith.cmpi slt, %select_n3A_208, %lt3A_214 : i32
      %ne3A_216 = arith.xori %lt3A_213, %lt3A_215 : i1
      %and3A_217 = arith.andi %ne3A_216, %ne3A_211 : i1
      %add3A_218 = arith.addi %rem3A_209, %select_n3A_208 : i32
      %select_n3A_219 = arith.select %and3A_217, %add3A_218, %rem3A_209 : i32
      %mul3A_220 = arith.constant 16 : i32
      %mul3A_221 = arith.muli %select_n3A_219, %mul3A_220 : i32
      %swap3A_222 = arith.index_cast %select_n3A : i32 to index
      %swap3A_223 = arith.index_cast %mul3A_221 : i32 to index
      %swap3A_224 = tpu.vector_load %arg10[%swap3A_222, %swap3A_223] {strides = array<i32>} : memref<80x128xf32, #tpu.memory_space<vmem>>, vector<1x16xf32>,
      %swap3A_225 = vector.shape_cast %swap3A_224 : vector<1x16xf32> to vector<16xf32>
      %swap3A_226 = vector.shape_cast %broadcast_in_dim3A_1 : vector<16xf32> to vector<1x16xf32>
      tpu.vector_store %arg10[%swap3A_222, %swap3A_223], %swap3A_226 {strides = array<i32>} : memref<80x128xf32, #tpu.memory_space<vmem>>, vector<1x16xf32>,
      %scan3A_227 = arith.constant 0 : i32
      scf.yield %scan3A_227 : i32
    }
    %scan3A_36 = arith.constant 640 : i32
    %scan3A_37 = arith.constant 0 : i32
    %scan3A_38 = arith.constant 0 : i32
    %scan3A_39 = arith.constant 62 : i32
    %scan3A_40 = arith.addi %scan3A_38, %scan3A_39 : i32
    %scan3A_41 = arith.constant 1 : i32
    %scan3A_42 = scf.for %scan3A_187 = %scan3A_38 to %scan3A_40 step %scan3A_41 iter_args(%scan3A_188 = %scan3A_37) -> (i32)  : i32 {
      %mul3A_189 = arith.constant 16 : i32
      %mul3A_190 = arith.muli %scan3A_187, %mul3A_189 : i32
      %swap3A_191 = arith.index_cast %mul3A_190 : i32 to index
      %swap3A_192 = tpu.vector_load %arg12[%swap3A_191] {strides = array<i32>} : memref<1000xf32, #tpu.memory_space<vmem>>, vector<16xf32>,
      %swap3A_193 = vector.shape_cast %swap3A_192 : vector<16xf32> to vector<16xf32>
      %swap3A_194 = vector.shape_cast %broadcast_in_dim3A_1 : vector<16xf32> to vector<16xf32>
      tpu.vector_store %arg12[%swap3A_191], %swap3A_194 {strides = array<i32>} : memref<1000xf32, #tpu.memory_space<vmem>>, vector<16xf32>,
      %scan3A_195 = arith.constant 0 : i32
      scf.yield %scan3A_195 : i32
    }
    %scan3A_43 = arith.constant 62 : i32
    %swap3A_44 = arith.constant 984 : index
    %swap3A_45 = tpu.vector_load %arg12[%swap3A_44] {strides = array<i32>} : memref<1000xf32, #tpu.memory_space<vmem>>, vector<16xf32>,
    %swap3A_46 = vector.shape_cast %swap3A_45 : vector<16xf32> to vector<16xf32>
    %swap3A_47 = vector.shape_cast %broadcast_in_dim3A_1 : vector<16xf32> to vector<16xf32>
    tpu.vector_store %arg12[%swap3A_44], %swap3A_47 {strides = array<i32>} : memref<1000xf32, #tpu.memory_space<vmem>>, vector<16xf32>,
    %mul3A_48 = arith.constant 632 : i32
    %mul3A_49 = arith.muli %arg1, %mul3A_48 : i32
    %lt3A = arith.constant 10 : i32
    %lt3A_50 = arith.cmpi slt, %arg1, %lt3A : i32
    %convert_element_type3A = arith.extui %lt3A_50 : i1 to i32
    %cond3A = arith.constant 0 : i32
    %cond3A_51 = arith.cmpi ne, %convert_element_type3A, %cond3A : i32
    scf.if %cond3A_51 {
      %mul3A_187 = arith.constant 1000 : i32
      %mul3A_188 = arith.muli %arg1, %mul3A_187 : i32
      %dma_start3A_189 = tpu.memref_slice %arg14[%mul3A_188] : memref<10000xf32, #tpu.memory_space<vmem_shared>> -> memref<1000xf32, #tpu.memory_space<vmem_shared>>
      %dma_start3A_190 = tpu.memref_slice %arg14[%mul3A_188] : memref<10000xf32, #tpu.memory_space<vmem_shared>> -> memref<1000xf32, #tpu.memory_space<vmem_shared>>
      tpu.enqueue_dma source(%arg12 : memref<1000xf32, #tpu.memory_space<vmem>>) target(%dma_start3A_190 : memref<1000xf32, #tpu.memory_space<vmem_shared>>) target_semaphore(%arg19 : memref<!tpu.dma_semaphore, #tpu.memory_space<semaphore_mem>>)
    } else {
    }
    %lt3A_52 = arith.constant 15 : i32
    %lt3A_53 = arith.cmpi slt, %arg1, %lt3A_52 : i32
    %convert_element_type3A_54 = arith.extui %lt3A_53 : i1 to i32
    %cond3A_55 = arith.constant 0 : i32
    %cond3A_56 = arith.cmpi ne, %convert_element_type3A_54, %cond3A_55 : i32
    scf.if %cond3A_56 {
      %add3A_187 = arith.constant 0 : i32
      %add3A_188 = arith.addi %mul3A_49, %add3A_187 : i32
      %dma_start3A_189 = arith.constant 0 : i32
      %dma_start3A_190 = tpu.memref_slice %arg13[%add3A_188, %dma_start3A_189] : memref<10000x128xf32, #tpu.memory_space<vmem_shared>> -> memref<80x128xf32, #tpu.memory_space<vmem_shared>>
      %dma_start3A_191 = arith.constant 0 : i32
      %dma_start3A_192 = tpu.memref_slice %arg13[%add3A_188, %dma_start3A_191] : memref<10000x128xf32, #tpu.memory_space<vmem_shared>> -> memref<80x128xf32, #tpu.memory_space<vmem_shared>>
      tpu.enqueue_dma source(%arg10 : memref<80x128xf32, #tpu.memory_space<vmem>>) target(%dma_start3A_192 : memref<80x128xf32, #tpu.memory_space<vmem_shared>>) target_semaphore(%arg18 : memref<!tpu.dma_semaphore, #tpu.memory_space<semaphore_mem>>)
      %add3A_193 = arith.constant 80 : i32
      %add3A_194 = arith.addi %mul3A_49, %add3A_193 : i32
      %dma_start3A_195 = arith.constant 0 : i32
      %dma_start3A_196 = tpu.memref_slice %arg13[%add3A_194, %dma_start3A_195] : memref<10000x128xf32, #tpu.memory_space<vmem_shared>> -> memref<80x128xf32, #tpu.memory_space<vmem_shared>>
      %dma_start3A_197 = arith.constant 0 : i32
      %dma_start3A_198 = tpu.memref_slice %arg13[%add3A_194, %dma_start3A_197] : memref<10000x128xf32, #tpu.memory_space<vmem_shared>> -> memref<80x128xf32, #tpu.memory_space<vmem_shared>>
      tpu.enqueue_dma source(%arg10 : memref<80x128xf32, #tpu.memory_space<vmem>>) target(%dma_start3A_198 : memref<80x128xf32, #tpu.memory_space<vmem_shared>>) target_semaphore(%arg18 : memref<!tpu.dma_semaphore, #tpu.memory_space<semaphore_mem>>)
      %add3A_199 = arith.constant 160 : i32
      %add3A_200 = arith.addi %mul3A_49, %add3A_199 : i32
      %dma_start3A_201 = arith.constant 0 : i32
      %dma_start3A_202 = tpu.memref_slice %arg13[%add3A_200, %dma_start3A_201] : memref<10000x128xf32, #tpu.memory_space<vmem_shared>> -> memref<80x128xf32, #tpu.memory_space<vmem_shared>>
      %dma_start3A_203 = arith.constant 0 : i32
      %dma_start3A_204 = tpu.memref_slice %arg13[%add3A_200, %dma_start3A_203] : memref<10000x128xf32, #tpu.memory_space<vmem_shared>> -> memref<80x128xf32, #tpu.memory_space<vmem_shared>>
      tpu.enqueue_dma source(%arg10 : memref<80x128xf32, #tpu.memory_space<vmem>>) target(%dma_start3A_204 : memref<80x128xf32, #tpu.memory_space<vmem_shared>>) target_semaphore(%arg18 : memref<!tpu.dma_semaphore, #tpu.memory_space<semaphore_mem>>)
      %add3A_205 = arith.constant 240 : i32
      %add3A_206 = arith.addi %mul3A_49, %add3A_205 : i32
      %dma_start3A_207 = arith.constant 0 : i32
      %dma_start3A_208 = tpu.memref_slice %arg13[%add3A_206, %dma_start3A_207] : memref<10000x128xf32, #tpu.memory_space<vmem_shared>> -> memref<80x128xf32, #tpu.memory_space<vmem_shared>>
      %dma_start3A_209 = arith.constant 0 : i32
      %dma_start3A_210 = tpu.memref_slice %arg13[%add3A_206, %dma_start3A_209] : memref<10000x128xf32, #tpu.memory_space<vmem_shared>> -> memref<80x128xf32, #tpu.memory_space<vmem_shared>>
      tpu.enqueue_dma source(%arg10 : memref<80x128xf32, #tpu.memory_space<vmem>>) target(%dma_start3A_210 : memref<80x128xf32, #tpu.memory_space<vmem_shared>>) target_semaphore(%arg18 : memref<!tpu.dma_semaphore, #tpu.memory_space<semaphore_mem>>)
      %add3A_211 = arith.constant 320 : i32
      %add3A_212 = arith.addi %mul3A_49, %add3A_211 : i32
      %dma_start3A_213 = arith.constant 0 : i32
      %dma_start3A_214 = tpu.memref_slice %arg13[%add3A_212, %dma_start3A_213] : memref<10000x128xf32, #tpu.memory_space<vmem_shared>> -> memref<80x128xf32, #tpu.memory_space<vmem_shared>>
      %dma_start3A_215 = arith.constant 0 : i32
      %dma_start3A_216 = tpu.memref_slice %arg13[%add3A_212, %dma_start3A_215] : memref<10000x128xf32, #tpu.memory_space<vmem_shared>> -> memref<80x128xf32, #tpu.memory_space<vmem_shared>>
      tpu.enqueue_dma source(%arg10 : memref<80x128xf32, #tpu.memory_space<vmem>>) target(%dma_start3A_216 : memref<80x128xf32, #tpu.memory_space<vmem_shared>>) target_semaphore(%arg18 : memref<!tpu.dma_semaphore, #tpu.memory_space<semaphore_mem>>)
      %add3A_217 = arith.constant 400 : i32
      %add3A_218 = arith.addi %mul3A_49, %add3A_217 : i32
      %dma_start3A_219 = arith.constant 0 : i32
      %dma_start3A_220 = tpu.memref_slice %arg13[%add3A_218, %dma_start3A_219] : memref<10000x128xf32, #tpu.memory_space<vmem_shared>> -> memref<80x128xf32, #tpu.memory_space<vmem_shared>>
      %dma_start3A_221 = arith.constant 0 : i32
      %dma_start3A_222 = tpu.memref_slice %arg13[%add3A_218, %dma_start3A_221] : memref<10000x128xf32, #tpu.memory_space<vmem_shared>> -> memref<80x128xf32, #tpu.memory_space<vmem_shared>>
      tpu.enqueue_dma source(%arg10 : memref<80x128xf32, #tpu.memory_space<vmem>>) target(%dma_start3A_222 : memref<80x128xf32, #tpu.memory_space<vmem_shared>>) target_semaphore(%arg18 : memref<!tpu.dma_semaphore, #tpu.memory_space<semaphore_mem>>)
      %add3A_223 = arith.constant 480 : i32
      %add3A_224 = arith.addi %mul3A_49, %add3A_223 : i32
      %dma_start3A_225 = arith.constant 0 : i32
      %dma_start3A_226 = tpu.memref_slice %arg13[%add3A_224, %dma_start3A_225] : memref<10000x128xf32, #tpu.memory_space<vmem_shared>> -> memref<80x128xf32, #tpu.memory_space<vmem_shared>>
      %dma_start3A_227 = arith.constant 0 : i32
      %dma_start3A_228 = tpu.memref_slice %arg13[%add3A_224, %dma_start3A_227] : memref<10000x128xf32, #tpu.memory_space<vmem_shared>> -> memref<80x128xf32, #tpu.memory_space<vmem_shared>>
      tpu.enqueue_dma source(%arg10 : memref<80x128xf32, #tpu.memory_space<vmem>>) target(%dma_start3A_228 : memref<80x128xf32, #tpu.memory_space<vmem_shared>>) target_semaphore(%arg18 : memref<!tpu.dma_semaphore, #tpu.memory_space<semaphore_mem>>)
      %add3A_229 = arith.constant 632 : i32
      %add3A_230 = arith.addi %mul3A_49, %add3A_229 : i32
      %sub3A = arith.constant 72 : i32
      %sub3A_231 = arith.subi %add3A_230, %sub3A : i32
      %dma_start3A_232 = arith.constant 0 : i32
      %dma_start3A_233 = arith.constant 0 : i32
      %dma_start3A_234 = tpu.memref_slice %arg10[%dma_start3A_232, %dma_start3A_233] : memref<80x128xf32, #tpu.memory_space<vmem>> -> memref<72x128xf32, #tpu.memory_space<vmem>>
      %dma_start3A_235 = arith.constant 0 : i32
      %dma_start3A_236 = tpu.memref_slice %arg13[%sub3A_231, %dma_start3A_235] : memref<10000x128xf32, #tpu.memory_space<vmem_shared>> -> memref<72x128xf32, #tpu.memory_space<vmem_shared>>
      %dma_start3A_237 = arith.constant 0 : i32
      %dma_start3A_238 = tpu.memref_slice %arg13[%sub3A_231, %dma_start3A_237] : memref<10000x128xf32, #tpu.memory_space<vmem_shared>> -> memref<72x128xf32, #tpu.memory_space<vmem_shared>>
      %dma_start3A_239 = arith.constant 0 : i32
      %dma_start3A_240 = arith.constant 0 : i32
      %dma_start3A_241 = tpu.memref_slice %arg10[%dma_start3A_239, %dma_start3A_240] : memref<80x128xf32, #tpu.memory_space<vmem>> -> memref<72x128xf32, #tpu.memory_space<vmem>>
      tpu.enqueue_dma source(%dma_start3A_241 : memref<72x128xf32, #tpu.memory_space<vmem>>) target(%dma_start3A_238 : memref<72x128xf32, #tpu.memory_space<vmem_shared>>) target_semaphore(%arg18 : memref<!tpu.dma_semaphore, #tpu.memory_space<semaphore_mem>>)
    } else {
    }
    %ge3A = arith.constant 15 : i32
    %ge3A_57 = arith.cmpi sge, %arg1, %ge3A : i32
    %convert_element_type3A_58 = arith.extui %ge3A_57 : i1 to i32
    %cond3A_59 = arith.constant 0 : i32
    %cond3A_60 = arith.cmpi ne, %convert_element_type3A_58, %cond3A_59 : i32
    scf.if %cond3A_60 {
      %add3A_187 = arith.constant 0 : i32
      %add3A_188 = arith.addi %mul3A_49, %add3A_187 : i32
      %dma_start3A_189 = arith.constant 0 : i32
      %dma_start3A_190 = tpu.memref_slice %arg13[%add3A_188, %dma_start3A_189] : memref<10000x128xf32, #tpu.memory_space<vmem_shared>> -> memref<80x128xf32, #tpu.memory_space<vmem_shared>>
      %dma_start3A_191 = arith.constant 0 : i32
      %dma_start3A_192 = tpu.memref_slice %arg13[%add3A_188, %dma_start3A_191] : memref<10000x128xf32, #tpu.memory_space<vmem_shared>> -> memref<80x128xf32, #tpu.memory_space<vmem_shared>>
      tpu.enqueue_dma source(%arg10 : memref<80x128xf32, #tpu.memory_space<vmem>>) target(%dma_start3A_192 : memref<80x128xf32, #tpu.memory_space<vmem_shared>>) target_semaphore(%arg18 : memref<!tpu.dma_semaphore, #tpu.memory_space<semaphore_mem>>)
      %add3A_193 = arith.constant 80 : i32
      %add3A_194 = arith.addi %mul3A_49, %add3A_193 : i32
      %dma_start3A_195 = arith.constant 0 : i32
      %dma_start3A_196 = tpu.memref_slice %arg13[%add3A_194, %dma_start3A_195] : memref<10000x128xf32, #tpu.memory_space<vmem_shared>> -> memref<80x128xf32, #tpu.memory_space<vmem_shared>>
      %dma_start3A_197 = arith.constant 0 : i32
      %dma_start3A_198 = tpu.memref_slice %arg13[%add3A_194, %dma_start3A_197] : memref<10000x128xf32, #tpu.memory_space<vmem_shared>> -> memref<80x128xf32, #tpu.memory_space<vmem_shared>>
      tpu.enqueue_dma source(%arg10 : memref<80x128xf32, #tpu.memory_space<vmem>>) target(%dma_start3A_198 : memref<80x128xf32, #tpu.memory_space<vmem_shared>>) target_semaphore(%arg18 : memref<!tpu.dma_semaphore, #tpu.memory_space<semaphore_mem>>)
      %add3A_199 = arith.constant 160 : i32
      %add3A_200 = arith.addi %mul3A_49, %add3A_199 : i32
      %dma_start3A_201 = arith.constant 0 : i32
      %dma_start3A_202 = tpu.memref_slice %arg13[%add3A_200, %dma_start3A_201] : memref<10000x128xf32, #tpu.memory_space<vmem_shared>> -> memref<80x128xf32, #tpu.memory_space<vmem_shared>>
      %dma_start3A_203 = arith.constant 0 : i32
      %dma_start3A_204 = tpu.memref_slice %arg13[%add3A_200, %dma_start3A_203] : memref<10000x128xf32, #tpu.memory_space<vmem_shared>> -> memref<80x128xf32, #tpu.memory_space<vmem_shared>>
      tpu.enqueue_dma source(%arg10 : memref<80x128xf32, #tpu.memory_space<vmem>>) target(%dma_start3A_204 : memref<80x128xf32, #tpu.memory_space<vmem_shared>>) target_semaphore(%arg18 : memref<!tpu.dma_semaphore, #tpu.memory_space<semaphore_mem>>)
      %add3A_205 = arith.constant 240 : i32
      %add3A_206 = arith.addi %mul3A_49, %add3A_205 : i32
      %dma_start3A_207 = arith.constant 0 : i32
      %dma_start3A_208 = tpu.memref_slice %arg13[%add3A_206, %dma_start3A_207] : memref<10000x128xf32, #tpu.memory_space<vmem_shared>> -> memref<80x128xf32, #tpu.memory_space<vmem_shared>>
      %dma_start3A_209 = arith.constant 0 : i32
      %dma_start3A_210 = tpu.memref_slice %arg13[%add3A_206, %dma_start3A_209] : memref<10000x128xf32, #tpu.memory_space<vmem_shared>> -> memref<80x128xf32, #tpu.memory_space<vmem_shared>>
      tpu.enqueue_dma source(%arg10 : memref<80x128xf32, #tpu.memory_space<vmem>>) target(%dma_start3A_210 : memref<80x128xf32, #tpu.memory_space<vmem_shared>>) target_semaphore(%arg18 : memref<!tpu.dma_semaphore, #tpu.memory_space<semaphore_mem>>)
      %add3A_211 = arith.constant 320 : i32
      %add3A_212 = arith.addi %mul3A_49, %add3A_211 : i32
      %dma_start3A_213 = arith.constant 0 : i32
      %dma_start3A_214 = tpu.memref_slice %arg13[%add3A_212, %dma_start3A_213] : memref<10000x128xf32, #tpu.memory_space<vmem_shared>> -> memref<80x128xf32, #tpu.memory_space<vmem_shared>>
      %dma_start3A_215 = arith.constant 0 : i32
      %dma_start3A_216 = tpu.memref_slice %arg13[%add3A_212, %dma_start3A_215] : memref<10000x128xf32, #tpu.memory_space<vmem_shared>> -> memref<80x128xf32, #tpu.memory_space<vmem_shared>>
      tpu.enqueue_dma source(%arg10 : memref<80x128xf32, #tpu.memory_space<vmem>>) target(%dma_start3A_216 : memref<80x128xf32, #tpu.memory_space<vmem_shared>>) target_semaphore(%arg18 : memref<!tpu.dma_semaphore, #tpu.memory_space<semaphore_mem>>)
      %add3A_217 = arith.constant 400 : i32
      %add3A_218 = arith.addi %mul3A_49, %add3A_217 : i32
      %dma_start3A_219 = arith.constant 0 : i32
      %dma_start3A_220 = tpu.memref_slice %arg13[%add3A_218, %dma_start3A_219] : memref<10000x128xf32, #tpu.memory_space<vmem_shared>> -> memref<80x128xf32, #tpu.memory_space<vmem_shared>>
      %dma_start3A_221 = arith.constant 0 : i32
      %dma_start3A_222 = tpu.memref_slice %arg13[%add3A_218, %dma_start3A_221] : memref<10000x128xf32, #tpu.memory_space<vmem_shared>> -> memref<80x128xf32, #tpu.memory_space<vmem_shared>>
      tpu.enqueue_dma source(%arg10 : memref<80x128xf32, #tpu.memory_space<vmem>>) target(%dma_start3A_222 : memref<80x128xf32, #tpu.memory_space<vmem_shared>>) target_semaphore(%arg18 : memref<!tpu.dma_semaphore, #tpu.memory_space<semaphore_mem>>)
      %add3A_223 = arith.constant 520 : i32
      %add3A_224 = arith.addi %mul3A_49, %add3A_223 : i32
      %sub3A = arith.constant 40 : i32
      %sub3A_225 = arith.subi %add3A_224, %sub3A : i32
      %dma_start3A_226 = arith.constant 0 : i32
      %dma_start3A_227 = arith.constant 0 : i32
      %dma_start3A_228 = tpu.memref_slice %arg10[%dma_start3A_226, %dma_start3A_227] : memref<80x128xf32, #tpu.memory_space<vmem>> -> memref<40x128xf32, #tpu.memory_space<vmem>>
      %dma_start3A_229 = arith.constant 0 : i32
      %dma_start3A_230 = tpu.memref_slice %arg13[%sub3A_225, %dma_start3A_229] : memref<10000x128xf32, #tpu.memory_space<vmem_shared>> -> memref<40x128xf32, #tpu.memory_space<vmem_shared>>
      %dma_start3A_231 = arith.constant 0 : i32
      %dma_start3A_232 = tpu.memref_slice %arg13[%sub3A_225, %dma_start3A_231] : memref<10000x128xf32, #tpu.memory_space<vmem_shared>> -> memref<40x128xf32, #tpu.memory_space<vmem_shared>>
      %dma_start3A_233 = arith.constant 0 : i32
      %dma_start3A_234 = arith.constant 0 : i32
      %dma_start3A_235 = tpu.memref_slice %arg10[%dma_start3A_233, %dma_start3A_234] : memref<80x128xf32, #tpu.memory_space<vmem>> -> memref<40x128xf32, #tpu.memory_space<vmem>>
      tpu.enqueue_dma source(%dma_start3A_235 : memref<40x128xf32, #tpu.memory_space<vmem>>) target(%dma_start3A_232 : memref<40x128xf32, #tpu.memory_space<vmem_shared>>) target_semaphore(%arg18 : memref<!tpu.dma_semaphore, #tpu.memory_space<semaphore_mem>>)
    } else {
    }
    %run_scoped3A = arith.constant 0 : i32
    "tpu.region"() ({
      %run_scoped3A_187 = tpu.sem_alloc : memref<!tpu.dma_semaphore, #tpu.memory_space<semaphore_mem>>
      %dma_start3A_188 = arith.constant 0 : i32
      %dma_start3A_189 = arith.constant 0 : i32
      %dma_start3A_190 = tpu.memref_slice %arg3[%run_scoped3A, %add3A, %dma_start3A_188, %dma_start3A_189] : memref<2x32x125x80xi32, #tpu.memory_space<hbm>> -> memref<1x1x64x80xi32, #tpu.memory_space<hbm>>
      %dma_start3A_191 = tpu.memref_squeeze %dma_start3A_190 : memref<1x1x64x80xi32, #tpu.memory_space<hbm>> -> memref<64x80xi32, #tpu.memory_space<hbm>>
      %dma_start3A_192 = arith.constant 0 : i32
      %dma_start3A_193 = arith.constant 0 : i32
      %dma_start3A_194 = tpu.memref_slice %arg3[%run_scoped3A, %add3A, %dma_start3A_192, %dma_start3A_193] : memref<2x32x125x80xi32, #tpu.memory_space<hbm>> -> memref<1x1x64x80xi32, #tpu.memory_space<hbm>>
      %dma_start3A_195 = tpu.memref_squeeze %dma_start3A_194 : memref<1x1x64x80xi32, #tpu.memory_space<hbm>> -> memref<64x80xi32, #tpu.memory_space<hbm>>
      tpu.enqueue_dma source(%dma_start3A_195 : memref<64x80xi32, #tpu.memory_space<hbm>>) target(%arg6 : memref<64x80xi32, #tpu.memory_space<vmem>>) target_semaphore(%run_scoped3A_187 : memref<!tpu.dma_semaphore, #tpu.memory_space<semaphore_mem>>)
      %dma_wait3A_196 = arith.constant 0 : i32
      %dma_wait3A_197 = arith.constant 0 : i32
      %dma_wait3A_198 = tpu.memref_slice %arg3[%run_scoped3A, %add3A, %dma_wait3A_196, %dma_wait3A_197] : memref<2x32x125x80xi32, #tpu.memory_space<hbm>> -> memref<1x1x64x80xi32, #tpu.memory_space<hbm>>
      %dma_wait3A_199 = tpu.memref_squeeze %dma_wait3A_198 : memref<1x1x64x80xi32, #tpu.memory_space<hbm>> -> memref<64x80xi32, #tpu.memory_space<hbm>>
      %dma_wait3A_200 = arith.constant 0 : i32
      %dma_wait3A_201 = arith.constant 0 : i32
      %dma_wait3A_202 = tpu.memref_slice %arg3[%run_scoped3A, %add3A, %dma_wait3A_200, %dma_wait3A_201] : memref<2x32x125x80xi32, #tpu.memory_space<hbm>> -> memref<1x1x64x80xi32, #tpu.memory_space<hbm>>
      %dma_wait3A_203 = tpu.memref_squeeze %dma_wait3A_202 : memref<1x1x64x80xi32, #tpu.memory_space<hbm>> -> memref<64x80xi32, #tpu.memory_space<hbm>>
      tpu.wait_dma2 semaphore(%run_scoped3A_187 : memref<!tpu.dma_semaphore, #tpu.memory_space<semaphore_mem>>) src(%dma_wait3A_203 : memref<64x80xi32, #tpu.memory_space<hbm>>) dst(%arg6 : memref<64x80xi32, #tpu.memory_space<vmem>>)
      tpu.yield
    }) : () -> ()
    %run_scoped3A_61 = arith.constant 1 : i32
    "tpu.region"() ({
      %run_scoped3A_187 = tpu.sem_alloc : memref<!tpu.dma_semaphore, #tpu.memory_space<semaphore_mem>>
      %dma_start3A_188 = arith.constant 0 : i32
      %dma_start3A_189 = arith.constant 0 : i32
      %dma_start3A_190 = tpu.memref_slice %arg3[%run_scoped3A_61, %add3A, %dma_start3A_188, %dma_start3A_189] : memref<2x32x125x80xi32, #tpu.memory_space<hbm>> -> memref<1x1x64x80xi32, #tpu.memory_space<hbm>>
      %dma_start3A_191 = tpu.memref_squeeze %dma_start3A_190 : memref<1x1x64x80xi32, #tpu.memory_space<hbm>> -> memref<64x80xi32, #tpu.memory_space<hbm>>
      %dma_start3A_192 = arith.constant 0 : i32
      %dma_start3A_193 = arith.constant 0 : i32
      %dma_start3A_194 = tpu.memref_slice %arg3[%run_scoped3A_61, %add3A, %dma_start3A_192, %dma_start3A_193] : memref<2x32x125x80xi32, #tpu.memory_space<hbm>> -> memref<1x1x64x80xi32, #tpu.memory_space<hbm>>
      %dma_start3A_195 = tpu.memref_squeeze %dma_start3A_194 : memref<1x1x64x80xi32, #tpu.memory_space<hbm>> -> memref<64x80xi32, #tpu.memory_space<hbm>>
      tpu.enqueue_dma source(%dma_start3A_195 : memref<64x80xi32, #tpu.memory_space<hbm>>) target(%arg7 : memref<64x80xi32, #tpu.memory_space<vmem>>) target_semaphore(%run_scoped3A_187 : memref<!tpu.dma_semaphore, #tpu.memory_space<semaphore_mem>>)
      %dma_wait3A_196 = arith.constant 0 : i32
      %dma_wait3A_197 = arith.constant 0 : i32
      %dma_wait3A_198 = tpu.memref_slice %arg3[%run_scoped3A_61, %add3A, %dma_wait3A_196, %dma_wait3A_197] : memref<2x32x125x80xi32, #tpu.memory_space<hbm>> -> memref<1x1x64x80xi32, #tpu.memory_space<hbm>>
      %dma_wait3A_199 = tpu.memref_squeeze %dma_wait3A_198 : memref<1x1x64x80xi32, #tpu.memory_space<hbm>> -> memref<64x80xi32, #tpu.memory_space<hbm>>
      %dma_wait3A_200 = arith.constant 0 : i32
      %dma_wait3A_201 = arith.constant 0 : i32
      %dma_wait3A_202 = tpu.memref_slice %arg3[%run_scoped3A_61, %add3A, %dma_wait3A_200, %dma_wait3A_201] : memref<2x32x125x80xi32, #tpu.memory_space<hbm>> -> memref<1x1x64x80xi32, #tpu.memory_space<hbm>>
      %dma_wait3A_203 = tpu.memref_squeeze %dma_wait3A_202 : memref<1x1x64x80xi32, #tpu.memory_space<hbm>> -> memref<64x80xi32, #tpu.memory_space<hbm>>
      tpu.wait_dma2 semaphore(%run_scoped3A_187 : memref<!tpu.dma_semaphore, #tpu.memory_space<semaphore_mem>>) src(%dma_wait3A_203 : memref<64x80xi32, #tpu.memory_space<hbm>>) dst(%arg7 : memref<64x80xi32, #tpu.memory_space<vmem>>)
      tpu.yield
    }) : () -> ()
    %dma_start3A = arith.constant 0 : i32
    %dma_start3A_62 = arith.constant 0 : i32
    %dma_start3A_63 = tpu.memref_slice %arg6[%dma_start3A, %dma_start3A_62] : memref<64x80xi32, #tpu.memory_space<vmem>> -> memref<1x80xi32, #tpu.memory_space<vmem>>
    %dma_start3A_64 = tpu.memref_squeeze %dma_start3A_63 : memref<1x80xi32, #tpu.memory_space<vmem>> -> memref<80xi32, #tpu.memory_space<vmem>>
    %dma_start3A_65 = arith.constant 0 : i32
    %dma_start3A_66 = arith.constant 0 : i32
    %dma_start3A_67 = tpu.memref_slice %arg2[%dma_start3A_65, %dma_start3A_66] : memref<10000x128xf32, #tpu.memory_space<hbm>> -> memref<10000x128xf32, #tpu.memory_space<hbm>>
    tpu.enqueue_indirect_dma source(%dma_start3A_67 : memref<10000x128xf32, #tpu.memory_space<hbm>>) target(%arg8 : memref<80x128xf32, #tpu.memory_space<vmem>>) offsets(%dma_start3A_64 : memref<80xi32, #tpu.memory_space<vmem>>) semaphore(%arg15 : memref<!tpu.dma_semaphore, #tpu.memory_space<semaphore_mem>>)
    %dma_start3A_68 = arith.constant 1 : i32
    %dma_start3A_69 = arith.constant 0 : i32
    %dma_start3A_70 = tpu.memref_slice %arg6[%dma_start3A_68, %dma_start3A_69] : memref<64x80xi32, #tpu.memory_space<vmem>> -> memref<1x80xi32, #tpu.memory_space<vmem>>
    %dma_start3A_71 = tpu.memref_squeeze %dma_start3A_70 : memref<1x80xi32, #tpu.memory_space<vmem>> -> memref<80xi32, #tpu.memory_space<vmem>>
    %dma_start3A_72 = arith.constant 0 : i32
    %dma_start3A_73 = arith.constant 0 : i32
    %dma_start3A_74 = tpu.memref_slice %arg2[%dma_start3A_72, %dma_start3A_73] : memref<10000x128xf32, #tpu.memory_space<hbm>> -> memref<10000x128xf32, #tpu.memory_space<hbm>>
    tpu.enqueue_indirect_dma source(%dma_start3A_74 : memref<10000x128xf32, #tpu.memory_space<hbm>>) target(%arg9 : memref<80x128xf32, #tpu.memory_space<vmem>>) offsets(%dma_start3A_71 : memref<80xi32, #tpu.memory_space<vmem>>) semaphore(%arg16 : memref<!tpu.dma_semaphore, #tpu.memory_space<semaphore_mem>>)
    %lt3A_75 = arith.constant 10 : i32
    %lt3A_76 = arith.cmpi slt, %arg1, %lt3A_75 : i32
    %convert_element_type3A_77 = arith.extui %lt3A_76 : i1 to i32
    %cond3A_78 = arith.constant 0 : i32
    %cond3A_79 = arith.cmpi ne, %convert_element_type3A_77, %cond3A_78 : i32
    scf.if %cond3A_79 {
      %mul3A_187 = arith.constant 1000 : i32
      %mul3A_188 = arith.muli %arg1, %mul3A_187 : i32
      %dma_wait3A_189 = tpu.memref_slice %arg14[%mul3A_188] : memref<10000xf32, #tpu.memory_space<vmem_shared>> -> memref<1000xf32, #tpu.memory_space<vmem_shared>>
      %dma_wait3A_190 = tpu.memref_slice %arg14[%mul3A_188] : memref<10000xf32, #tpu.memory_space<vmem_shared>> -> memref<1000xf32, #tpu.memory_space<vmem_shared>>
      tpu.wait_dma2 semaphore(%arg19 : memref<!tpu.dma_semaphore, #tpu.memory_space<semaphore_mem>>) src(%arg12 : memref<1000xf32, #tpu.memory_space<vmem>>) dst(%dma_wait3A_190 : memref<1000xf32, #tpu.memory_space<vmem_shared>>)
    } else {
    }
    %lt3A_80 = arith.constant 15 : i32
    %lt3A_81 = arith.cmpi slt, %arg1, %lt3A_80 : i32
    %convert_element_type3A_82 = arith.extui %lt3A_81 : i1 to i32
    %cond3A_83 = arith.constant 0 : i32
    %cond3A_84 = arith.cmpi ne, %convert_element_type3A_82, %cond3A_83 : i32
    scf.if %cond3A_84 {
      %dma_wait3A_187 = arith.constant 0 : i32
      %dma_wait3A_188 = tpu.memref_slice %arg13[%mul3A_49, %dma_wait3A_187] : memref<10000x128xf32, #tpu.memory_space<vmem_shared>> -> memref<80x128xf32, #tpu.memory_space<vmem_shared>>
      %dma_wait3A_189 = arith.constant 0 : i32
      %dma_wait3A_190 = tpu.memref_slice %arg13[%mul3A_49, %dma_wait3A_189] : memref<10000x128xf32, #tpu.memory_space<vmem_shared>> -> memref<80x128xf32, #tpu.memory_space<vmem_shared>>
      tpu.wait_dma2 semaphore(%arg18 : memref<!tpu.dma_semaphore, #tpu.memory_space<semaphore_mem>>) src(%arg10 : memref<80x128xf32, #tpu.memory_space<vmem>>) dst(%dma_wait3A_190 : memref<80x128xf32, #tpu.memory_space<vmem_shared>>)
      %dma_wait3A_191 = arith.constant 0 : i32
      %dma_wait3A_192 = tpu.memref_slice %arg13[%mul3A_49, %dma_wait3A_191] : memref<10000x128xf32, #tpu.memory_space<vmem_shared>> -> memref<80x128xf32, #tpu.memory_space<vmem_shared>>
      %dma_wait3A_193 = arith.constant 0 : i32
      %dma_wait3A_194 = tpu.memref_slice %arg13[%mul3A_49, %dma_wait3A_193] : memref<10000x128xf32, #tpu.memory_space<vmem_shared>> -> memref<80x128xf32, #tpu.memory_space<vmem_shared>>
      tpu.wait_dma2 semaphore(%arg18 : memref<!tpu.dma_semaphore, #tpu.memory_space<semaphore_mem>>) src(%arg10 : memref<80x128xf32, #tpu.memory_space<vmem>>) dst(%dma_wait3A_194 : memref<80x128xf32, #tpu.memory_space<vmem_shared>>)
      %dma_wait3A_195 = arith.constant 0 : i32
      %dma_wait3A_196 = tpu.memref_slice %arg13[%mul3A_49, %dma_wait3A_195] : memref<10000x128xf32, #tpu.memory_space<vmem_shared>> -> memref<80x128xf32, #tpu.memory_space<vmem_shared>>
      %dma_wait3A_197 = arith.constant 0 : i32
      %dma_wait3A_198 = tpu.memref_slice %arg13[%mul3A_49, %dma_wait3A_197] : memref<10000x128xf32, #tpu.memory_space<vmem_shared>> -> memref<80x128xf32, #tpu.memory_space<vmem_shared>>
      tpu.wait_dma2 semaphore(%arg18 : memref<!tpu.dma_semaphore, #tpu.memory_space<semaphore_mem>>) src(%arg10 : memref<80x128xf32, #tpu.memory_space<vmem>>) dst(%dma_wait3A_198 : memref<80x128xf32, #tpu.memory_space<vmem_shared>>)
      %dma_wait3A_199 = arith.constant 0 : i32
      %dma_wait3A_200 = tpu.memref_slice %arg13[%mul3A_49, %dma_wait3A_199] : memref<10000x128xf32, #tpu.memory_space<vmem_shared>> -> memref<80x128xf32, #tpu.memory_space<vmem_shared>>
      %dma_wait3A_201 = arith.constant 0 : i32
      %dma_wait3A_202 = tpu.memref_slice %arg13[%mul3A_49, %dma_wait3A_201] : memref<10000x128xf32, #tpu.memory_space<vmem_shared>> -> memref<80x128xf32, #tpu.memory_space<vmem_shared>>
      tpu.wait_dma2 semaphore(%arg18 : memref<!tpu.dma_semaphore, #tpu.memory_space<semaphore_mem>>) src(%arg10 : memref<80x128xf32, #tpu.memory_space<vmem>>) dst(%dma_wait3A_202 : memref<80x128xf32, #tpu.memory_space<vmem_shared>>)
      %dma_wait3A_203 = arith.constant 0 : i32
      %dma_wait3A_204 = tpu.memref_slice %arg13[%mul3A_49, %dma_wait3A_203] : memref<10000x128xf32, #tpu.memory_space<vmem_shared>> -> memref<80x128xf32, #tpu.memory_space<vmem_shared>>
      %dma_wait3A_205 = arith.constant 0 : i32
      %dma_wait3A_206 = tpu.memref_slice %arg13[%mul3A_49, %dma_wait3A_205] : memref<10000x128xf32, #tpu.memory_space<vmem_shared>> -> memref<80x128xf32, #tpu.memory_space<vmem_shared>>
      tpu.wait_dma2 semaphore(%arg18 : memref<!tpu.dma_semaphore, #tpu.memory_space<semaphore_mem>>) src(%arg10 : memref<80x128xf32, #tpu.memory_space<vmem>>) dst(%dma_wait3A_206 : memref<80x128xf32, #tpu.memory_space<vmem_shared>>)
      %dma_wait3A_207 = arith.constant 0 : i32
      %dma_wait3A_208 = tpu.memref_slice %arg13[%mul3A_49, %dma_wait3A_207] : memref<10000x128xf32, #tpu.memory_space<vmem_shared>> -> memref<80x128xf32, #tpu.memory_space<vmem_shared>>
      %dma_wait3A_209 = arith.constant 0 : i32
      %dma_wait3A_210 = tpu.memref_slice %arg13[%mul3A_49, %dma_wait3A_209] : memref<10000x128xf32, #tpu.memory_space<vmem_shared>> -> memref<80x128xf32, #tpu.memory_space<vmem_shared>>
      tpu.wait_dma2 semaphore(%arg18 : memref<!tpu.dma_semaphore, #tpu.memory_space<semaphore_mem>>) src(%arg10 : memref<80x128xf32, #tpu.memory_space<vmem>>) dst(%dma_wait3A_210 : memref<80x128xf32, #tpu.memory_space<vmem_shared>>)
      %dma_wait3A_211 = arith.constant 0 : i32
      %dma_wait3A_212 = tpu.memref_slice %arg13[%mul3A_49, %dma_wait3A_211] : memref<10000x128xf32, #tpu.memory_space<vmem_shared>> -> memref<80x128xf32, #tpu.memory_space<vmem_shared>>
      %dma_wait3A_213 = arith.constant 0 : i32
      %dma_wait3A_214 = tpu.memref_slice %arg13[%mul3A_49, %dma_wait3A_213] : memref<10000x128xf32, #tpu.memory_space<vmem_shared>> -> memref<80x128xf32, #tpu.memory_space<vmem_shared>>
      tpu.wait_dma2 semaphore(%arg18 : memref<!tpu.dma_semaphore, #tpu.memory_space<semaphore_mem>>) src(%arg10 : memref<80x128xf32, #tpu.memory_space<vmem>>) dst(%dma_wait3A_214 : memref<80x128xf32, #tpu.memory_space<vmem_shared>>)
      %dma_wait3A_215 = arith.constant 0 : i32
      %dma_wait3A_216 = arith.constant 0 : i32
      %dma_wait3A_217 = tpu.memref_slice %arg10[%dma_wait3A_215, %dma_wait3A_216] : memref<80x128xf32, #tpu.memory_space<vmem>> -> memref<72x128xf32, #tpu.memory_space<vmem>>
      %dma_wait3A_218 = arith.constant 0 : i32
      %dma_wait3A_219 = tpu.memref_slice %arg13[%mul3A_49, %dma_wait3A_218] : memref<10000x128xf32, #tpu.memory_space<vmem_shared>> -> memref<72x128xf32, #tpu.memory_space<vmem_shared>>
      %dma_wait3A_220 = arith.constant 0 : i32
      %dma_wait3A_221 = tpu.memref_slice %arg13[%mul3A_49, %dma_wait3A_220] : memref<10000x128xf32, #tpu.memory_space<vmem_shared>> -> memref<72x128xf32, #tpu.memory_space<vmem_shared>>
      %dma_wait3A_222 = arith.constant 0 : i32
      %dma_wait3A_223 = arith.constant 0 : i32
      %dma_wait3A_224 = tpu.memref_slice %arg10[%dma_wait3A_222, %dma_wait3A_223] : memref<80x128xf32, #tpu.memory_space<vmem>> -> memref<72x128xf32, #tpu.memory_space<vmem>>
      tpu.wait_dma2 semaphore(%arg18 : memref<!tpu.dma_semaphore, #tpu.memory_space<semaphore_mem>>) src(%dma_wait3A_224 : memref<72x128xf32, #tpu.memory_space<vmem>>) dst(%dma_wait3A_221 : memref<72x128xf32, #tpu.memory_space<vmem_shared>>)
    } else {
    }
    %ge3A_85 = arith.constant 15 : i32
    %ge3A_86 = arith.cmpi sge, %arg1, %ge3A_85 : i32
    %convert_element_type3A_87 = arith.extui %ge3A_86 : i1 to i32
    %cond3A_88 = arith.constant 0 : i32
    %cond3A_89 = arith.cmpi ne, %convert_element_type3A_87, %cond3A_88 : i32
    scf.if %cond3A_89 {
      %dma_wait3A_187 = arith.constant 0 : i32
      %dma_wait3A_188 = tpu.memref_slice %arg13[%mul3A_49, %dma_wait3A_187] : memref<10000x128xf32, #tpu.memory_space<vmem_shared>> -> memref<80x128xf32, #tpu.memory_space<vmem_shared>>
      %dma_wait3A_189 = arith.constant 0 : i32
      %dma_wait3A_190 = tpu.memref_slice %arg13[%mul3A_49, %dma_wait3A_189] : memref<10000x128xf32, #tpu.memory_space<vmem_shared>> -> memref<80x128xf32, #tpu.memory_space<vmem_shared>>
      tpu.wait_dma2 semaphore(%arg18 : memref<!tpu.dma_semaphore, #tpu.memory_space<semaphore_mem>>) src(%arg10 : memref<80x128xf32, #tpu.memory_space<vmem>>) dst(%dma_wait3A_190 : memref<80x128xf32, #tpu.memory_space<vmem_shared>>)
      %dma_wait3A_191 = arith.constant 0 : i32
      %dma_wait3A_192 = tpu.memref_slice %arg13[%mul3A_49, %dma_wait3A_191] : memref<10000x128xf32, #tpu.memory_space<vmem_shared>> -> memref<80x128xf32, #tpu.memory_space<vmem_shared>>
      %dma_wait3A_193 = arith.constant 0 : i32
      %dma_wait3A_194 = tpu.memref_slice %arg13[%mul3A_49, %dma_wait3A_193] : memref<10000x128xf32, #tpu.memory_space<vmem_shared>> -> memref<80x128xf32, #tpu.memory_space<vmem_shared>>
      tpu.wait_dma2 semaphore(%arg18 : memref<!tpu.dma_semaphore, #tpu.memory_space<semaphore_mem>>) src(%arg10 : memref<80x128xf32, #tpu.memory_space<vmem>>) dst(%dma_wait3A_194 : memref<80x128xf32, #tpu.memory_space<vmem_shared>>)
      %dma_wait3A_195 = arith.constant 0 : i32
      %dma_wait3A_196 = tpu.memref_slice %arg13[%mul3A_49, %dma_wait3A_195] : memref<10000x128xf32, #tpu.memory_space<vmem_shared>> -> memref<80x128xf32, #tpu.memory_space<vmem_shared>>
      %dma_wait3A_197 = arith.constant 0 : i32
      %dma_wait3A_198 = tpu.memref_slice %arg13[%mul3A_49, %dma_wait3A_197] : memref<10000x128xf32, #tpu.memory_space<vmem_shared>> -> memref<80x128xf32, #tpu.memory_space<vmem_shared>>
      tpu.wait_dma2 semaphore(%arg18 : memref<!tpu.dma_semaphore, #tpu.memory_space<semaphore_mem>>) src(%arg10 : memref<80x128xf32, #tpu.memory_space<vmem>>) dst(%dma_wait3A_198 : memref<80x128xf32, #tpu.memory_space<vmem_shared>>)
      %dma_wait3A_199 = arith.constant 0 : i32
      %dma_wait3A_200 = tpu.memref_slice %arg13[%mul3A_49, %dma_wait3A_199] : memref<10000x128xf32, #tpu.memory_space<vmem_shared>> -> memref<80x128xf32, #tpu.memory_space<vmem_shared>>
      %dma_wait3A_201 = arith.constant 0 : i32
      %dma_wait3A_202 = tpu.memref_slice %arg13[%mul3A_49, %dma_wait3A_201] : memref<10000x128xf32, #tpu.memory_space<vmem_shared>> -> memref<80x128xf32, #tpu.memory_space<vmem_shared>>
      tpu.wait_dma2 semaphore(%arg18 : memref<!tpu.dma_semaphore, #tpu.memory_space<semaphore_mem>>) src(%arg10 : memref<80x128xf32, #tpu.memory_space<vmem>>) dst(%dma_wait3A_202 : memref<80x128xf32, #tpu.memory_space<vmem_shared>>)
      %dma_wait3A_203 = arith.constant 0 : i32
      %dma_wait3A_204 = tpu.memref_slice %arg13[%mul3A_49, %dma_wait3A_203] : memref<10000x128xf32, #tpu.memory_space<vmem_shared>> -> memref<80x128xf32, #tpu.memory_space<vmem_shared>>
      %dma_wait3A_205 = arith.constant 0 : i32
      %dma_wait3A_206 = tpu.memref_slice %arg13[%mul3A_49, %dma_wait3A_205] : memref<10000x128xf32, #tpu.memory_space<vmem_shared>> -> memref<80x128xf32, #tpu.memory_space<vmem_shared>>
      tpu.wait_dma2 semaphore(%arg18 : memref<!tpu.dma_semaphore, #tpu.memory_space<semaphore_mem>>) src(%arg10 : memref<80x128xf32, #tpu.memory_space<vmem>>) dst(%dma_wait3A_206 : memref<80x128xf32, #tpu.memory_space<vmem_shared>>)
      %dma_wait3A_207 = arith.constant 0 : i32
      %dma_wait3A_208 = tpu.memref_slice %arg13[%mul3A_49, %dma_wait3A_207] : memref<10000x128xf32, #tpu.memory_space<vmem_shared>> -> memref<80x128xf32, #tpu.memory_space<vmem_shared>>
      %dma_wait3A_209 = arith.constant 0 : i32
      %dma_wait3A_210 = tpu.memref_slice %arg13[%mul3A_49, %dma_wait3A_209] : memref<10000x128xf32, #tpu.memory_space<vmem_shared>> -> memref<80x128xf32, #tpu.memory_space<vmem_shared>>
      tpu.wait_dma2 semaphore(%arg18 : memref<!tpu.dma_semaphore, #tpu.memory_space<semaphore_mem>>) src(%arg10 : memref<80x128xf32, #tpu.memory_space<vmem>>) dst(%dma_wait3A_210 : memref<80x128xf32, #tpu.memory_space<vmem_shared>>)
      %dma_wait3A_211 = arith.constant 0 : i32
      %dma_wait3A_212 = arith.constant 0 : i32
      %dma_wait3A_213 = tpu.memref_slice %arg10[%dma_wait3A_211, %dma_wait3A_212] : memref<80x128xf32, #tpu.memory_space<vmem>> -> memref<40x128xf32, #tpu.memory_space<vmem>>
      %dma_wait3A_214 = arith.constant 0 : i32
      %dma_wait3A_215 = tpu.memref_slice %arg13[%mul3A_49, %dma_wait3A_214] : memref<10000x128xf32, #tpu.memory_space<vmem_shared>> -> memref<40x128xf32, #tpu.memory_space<vmem_shared>>
      %dma_wait3A_216 = arith.constant 0 : i32
      %dma_wait3A_217 = tpu.memref_slice %arg13[%mul3A_49, %dma_wait3A_216] : memref<10000x128xf32, #tpu.memory_space<vmem_shared>> -> memref<40x128xf32, #tpu.memory_space<vmem_shared>>
      %dma_wait3A_218 = arith.constant 0 : i32
      %dma_wait3A_219 = arith.constant 0 : i32
      %dma_wait3A_220 = tpu.memref_slice %arg10[%dma_wait3A_218, %dma_wait3A_219] : memref<80x128xf32, #tpu.memory_space<vmem>> -> memref<40x128xf32, #tpu.memory_space<vmem>>
      tpu.wait_dma2 semaphore(%arg18 : memref<!tpu.dma_semaphore, #tpu.memory_space<semaphore_mem>>) src(%dma_wait3A_220 : memref<40x128xf32, #tpu.memory_space<vmem>>) dst(%dma_wait3A_217 : memref<40x128xf32, #tpu.memory_space<vmem_shared>>)
    } else {
    }
    %barrier3A = arith.constant 0 : index
    tpu.barrier barrier_id(%barrier3A)
    %scan3A_90 = arith.constant 0 : i32
    %scan3A_91 = arith.constant 22 : i32
    %scan3A_92 = arith.addi %scan3A_90, %scan3A_91 : i32
    %scan3A_93 = arith.constant 1 : i32
    scf.for %scan3A_187 = %scan3A_90 to %scan3A_92 step %scan3A_93  : i32 {
      %mul3A_188 = arith.constant 3 : i32
      %mul3A_189 = arith.muli %scan3A_187, %mul3A_188 : i32
      %add3A_190 = arith.constant 0 : i32
      %add3A_191 = arith.addi %add3A_190, %mul3A_189 : i32
      %add3A_192 = arith.constant 0 : i32
      %add3A_193 = arith.addi %add3A_191, %add3A_192 : i32
      %lt3A_194 = arith.constant 64 : i32
      %lt3A_195 = arith.cmpi slt, %add3A_193, %lt3A_194 : i32
      %add3A_196 = arith.constant 0 : i32
      %add3A_197 = arith.addi %add3A_191, %add3A_196 : i32
      %convert_element_type3A_198 = arith.extui %lt3A_195 : i1 to i32
      %cond3A_199 = arith.constant 0 : i32
      %cond3A_200 = arith.cmpi ne, %convert_element_type3A_198, %cond3A_199 : i32
      scf.if %cond3A_200 {
        %add3A_219 = arith.constant 2 : i32
        %add3A_220 = arith.addi %add3A_197, %add3A_219 : i32
        %lt3A_221 = arith.constant 64 : i32
        %lt3A_222 = arith.cmpi slt, %add3A_220, %lt3A_221 : i32
        %convert_element_type3A_223 = arith.extui %lt3A_222 : i1 to i32
        %cond3A_224 = arith.constant 0 : i32
        %cond3A_225 = arith.cmpi ne, %convert_element_type3A_223, %cond3A_224 : i32
        scf.if %cond3A_225 {
          %ge3A_243 = arith.constant 1 : i32
          %ge3A_244 = arith.cmpi sge, %add3A_197, %ge3A_243 : i32
          %convert_element_type3A_245 = arith.extui %ge3A_244 : i1 to i32
          %cond3A_246 = arith.constant 0 : i32
          %cond3A_247 = arith.cmpi ne, %convert_element_type3A_245, %cond3A_246 : i32
          scf.if %cond3A_247 {
            %dma_wait3A_256 = arith.constant 0 : i32
            %dma_wait3A_257 = arith.constant 0 : i32
            %dma_wait3A_258 = tpu.memref_slice %arg7[%dma_wait3A_256, %dma_wait3A_257] : memref<64x80xi32, #tpu.memory_space<vmem>> -> memref<1x80xi32, #tpu.memory_space<vmem>>
            %dma_wait3A_259 = tpu.memref_squeeze %dma_wait3A_258 : memref<1x80xi32, #tpu.memory_space<vmem>> -> memref<80xi32, #tpu.memory_space<vmem>>
            %dma_wait3A_260 = arith.constant 0 : i32
            %dma_wait3A_261 = arith.constant 0 : i32
            %dma_wait3A_262 = tpu.memref_slice %arg13[%dma_wait3A_260, %dma_wait3A_261] : memref<10000x128xf32, #tpu.memory_space<vmem_shared>> -> memref<10000x128xf32, #tpu.memory_space<vmem_shared>>
            tpu.wait_indirect_dma semaphore(%arg20 : memref<!tpu.dma_semaphore, #tpu.memory_space<semaphore_mem>>) src(%arg10 : memref<80x128xf32, #tpu.memory_space<vmem>>) dst(%dma_wait3A_262 : memref<10000x128xf32, #tpu.memory_space<vmem_shared>>)
          } else {
          }
          %add3A_248 = arith.constant 2 : i32
          %add3A_249 = arith.addi %add3A_197, %add3A_248 : i32
          %dma_start3A_250 = arith.constant 0 : i32
          %dma_start3A_251 = tpu.memref_slice %arg6[%add3A_249, %dma_start3A_250] : memref<64x80xi32, #tpu.memory_space<vmem>> -> memref<1x80xi32, #tpu.memory_space<vmem>>
          %dma_start3A_252 = tpu.memref_squeeze %dma_start3A_251 : memref<1x80xi32, #tpu.memory_space<vmem>> -> memref<80xi32, #tpu.memory_space<vmem>>
          %dma_start3A_253 = arith.constant 0 : i32
          %dma_start3A_254 = arith.constant 0 : i32
          %dma_start3A_255 = tpu.memref_slice %arg2[%dma_start3A_253, %dma_start3A_254] : memref<10000x128xf32, #tpu.memory_space<hbm>> -> memref<10000x128xf32, #tpu.memory_space<hbm>>
          tpu.enqueue_indirect_dma source(%dma_start3A_255 : memref<10000x128xf32, #tpu.memory_space<hbm>>) target(%arg10 : memref<80x128xf32, #tpu.memory_space<vmem>>) offsets(%dma_start3A_252 : memref<80xi32, #tpu.memory_space<vmem>>) semaphore(%arg17 : memref<!tpu.dma_semaphore, #tpu.memory_space<semaphore_mem>>)
        } else {
        }
        %dma_wait3A_226 = arith.constant 0 : i32
        %dma_wait3A_227 = tpu.memref_slice %arg6[%add3A_197, %dma_wait3A_226] : memref<64x80xi32, #tpu.memory_space<vmem>> -> memref<1x80xi32, #tpu.memory_space<vmem>>
        %dma_wait3A_228 = tpu.memref_squeeze %dma_wait3A_227 : memref<1x80xi32, #tpu.memory_space<vmem>> -> memref<80xi32, #tpu.memory_space<vmem>>
        %dma_wait3A_229 = arith.constant 0 : i32
        %dma_wait3A_230 = arith.constant 0 : i32
        %dma_wait3A_231 = tpu.memref_slice %arg2[%dma_wait3A_229, %dma_wait3A_230] : memref<10000x128xf32, #tpu.memory_space<hbm>> -> memref<10000x128xf32, #tpu.memory_space<hbm>>
        tpu.wait_indirect_dma semaphore(%arg15 : memref<!tpu.dma_semaphore, #tpu.memory_space<semaphore_mem>>) src(%dma_wait3A_231 : memref<10000x128xf32, #tpu.memory_space<hbm>>) dst(%arg8 : memref<80x128xf32, #tpu.memory_space<vmem>>)
        %dma_start3A_232 = arith.constant 0 : i32
        %dma_start3A_233 = tpu.memref_slice %arg7[%add3A_197, %dma_start3A_232] : memref<64x80xi32, #tpu.memory_space<vmem>> -> memref<1x80xi32, #tpu.memory_space<vmem>>
        %dma_start3A_234 = tpu.memref_squeeze %dma_start3A_233 : memref<1x80xi32, #tpu.memory_space<vmem>> -> memref<80xi32, #tpu.memory_space<vmem>>
        %dma_start3A_235 = arith.constant 0 : i32
        %dma_start3A_236 = arith.constant 0 : i32
        %dma_start3A_237 = tpu.memref_slice %arg13[%dma_start3A_235, %dma_start3A_236] : memref<10000x128xf32, #tpu.memory_space<vmem_shared>> -> memref<10000x128xf32, #tpu.memory_space<vmem_shared>>
        tpu.enqueue_indirect_dma source(%arg8 : memref<80x128xf32, #tpu.memory_space<vmem>>) target(%dma_start3A_237 : memref<10000x128xf32, #tpu.memory_space<vmem_shared>>) offsets(%dma_start3A_234 : memref<80xi32, #tpu.memory_space<vmem>>) semaphore(%arg18 : memref<!tpu.dma_semaphore, #tpu.memory_space<semaphore_mem>>) {add = true}
        %dma_start3A_238 = arith.constant 0 : i32
        %dma_start3A_239 = tpu.memref_slice %arg7[%add3A_197, %dma_start3A_238] : memref<64x80xi32, #tpu.memory_space<vmem>> -> memref<1x80xi32, #tpu.memory_space<vmem>>
        %dma_start3A_240 = tpu.memref_squeeze %dma_start3A_239 : memref<1x80xi32, #tpu.memory_space<vmem>> -> memref<80xi32, #tpu.memory_space<vmem>>
        %dma_start3A_241 = arith.constant 0 : i32
        %dma_start3A_242 = tpu.memref_slice %arg14[%dma_start3A_241] : memref<10000xf32, #tpu.memory_space<vmem_shared>> -> memref<10000xf32, #tpu.memory_space<vmem_shared>>
        tpu.enqueue_indirect_dma source(%arg11 : memref<80xf32, #tpu.memory_space<vmem>>) target(%dma_start3A_242 : memref<10000xf32, #tpu.memory_space<vmem_shared>>) offsets(%dma_start3A_240 : memref<80xi32, #tpu.memory_space<vmem>>) semaphore(%arg21 : memref<!tpu.dma_semaphore, #tpu.memory_space<semaphore_mem>>) {add = true}
      } else {
      }
      %add3A_201 = arith.constant 1 : i32
      %add3A_202 = arith.addi %add3A_191, %add3A_201 : i32
      %lt3A_203 = arith.constant 64 : i32
      %lt3A_204 = arith.cmpi slt, %add3A_202, %lt3A_203 : i32
      %add3A_205 = arith.constant 1 : i32
      %add3A_206 = arith.addi %add3A_191, %add3A_205 : i32
      %convert_element_type3A_207 = arith.extui %lt3A_204 : i1 to i32
      %cond3A_208 = arith.constant 0 : i32
      %cond3A_209 = arith.cmpi ne, %convert_element_type3A_207, %cond3A_208 : i32
      scf.if %cond3A_209 {
        %add3A_219 = arith.constant 2 : i32
        %add3A_220 = arith.addi %add3A_206, %add3A_219 : i32
        %lt3A_221 = arith.constant 64 : i32
        %lt3A_222 = arith.cmpi slt, %add3A_220, %lt3A_221 : i32
        %convert_element_type3A_223 = arith.extui %lt3A_222 : i1 to i32
        %cond3A_224 = arith.constant 0 : i32
        %cond3A_225 = arith.cmpi ne, %convert_element_type3A_223, %cond3A_224 : i32
        scf.if %cond3A_225 {
          %ge3A_243 = arith.constant 1 : i32
          %ge3A_244 = arith.cmpi sge, %add3A_206, %ge3A_243 : i32
          %convert_element_type3A_245 = arith.extui %ge3A_244 : i1 to i32
          %cond3A_246 = arith.constant 0 : i32
          %cond3A_247 = arith.cmpi ne, %convert_element_type3A_245, %cond3A_246 : i32
          scf.if %cond3A_247 {
            %dma_wait3A_256 = arith.constant 0 : i32
            %dma_wait3A_257 = arith.constant 0 : i32
            %dma_wait3A_258 = tpu.memref_slice %arg7[%dma_wait3A_256, %dma_wait3A_257] : memref<64x80xi32, #tpu.memory_space<vmem>> -> memref<1x80xi32, #tpu.memory_space<vmem>>
            %dma_wait3A_259 = tpu.memref_squeeze %dma_wait3A_258 : memref<1x80xi32, #tpu.memory_space<vmem>> -> memref<80xi32, #tpu.memory_space<vmem>>
            %dma_wait3A_260 = arith.constant 0 : i32
            %dma_wait3A_261 = arith.constant 0 : i32
            %dma_wait3A_262 = tpu.memref_slice %arg13[%dma_wait3A_260, %dma_wait3A_261] : memref<10000x128xf32, #tpu.memory_space<vmem_shared>> -> memref<10000x128xf32, #tpu.memory_space<vmem_shared>>
            tpu.wait_indirect_dma semaphore(%arg18 : memref<!tpu.dma_semaphore, #tpu.memory_space<semaphore_mem>>) src(%arg8 : memref<80x128xf32, #tpu.memory_space<vmem>>) dst(%dma_wait3A_262 : memref<10000x128xf32, #tpu.memory_space<vmem_shared>>)
          } else {
          }
          %add3A_248 = arith.constant 2 : i32
          %add3A_249 = arith.addi %add3A_206, %add3A_248 : i32
          %dma_start3A_250 = arith.constant 0 : i32
          %dma_start3A_251 = tpu.memref_slice %arg6[%add3A_249, %dma_start3A_250] : memref<64x80xi32, #tpu.memory_space<vmem>> -> memref<1x80xi32, #tpu.memory_space<vmem>>
          %dma_start3A_252 = tpu.memref_squeeze %dma_start3A_251 : memref<1x80xi32, #tpu.memory_space<vmem>> -> memref<80xi32, #tpu.memory_space<vmem>>
          %dma_start3A_253 = arith.constant 0 : i32
          %dma_start3A_254 = arith.constant 0 : i32
          %dma_start3A_255 = tpu.memref_slice %arg2[%dma_start3A_253, %dma_start3A_254] : memref<10000x128xf32, #tpu.memory_space<hbm>> -> memref<10000x128xf32, #tpu.memory_space<hbm>>
          tpu.enqueue_indirect_dma source(%dma_start3A_255 : memref<10000x128xf32, #tpu.memory_space<hbm>>) target(%arg8 : memref<80x128xf32, #tpu.memory_space<vmem>>) offsets(%dma_start3A_252 : memref<80xi32, #tpu.memory_space<vmem>>) semaphore(%arg15 : memref<!tpu.dma_semaphore, #tpu.memory_space<semaphore_mem>>)
        } else {
        }
        %dma_wait3A_226 = arith.constant 0 : i32
        %dma_wait3A_227 = tpu.memref_slice %arg6[%add3A_206, %dma_wait3A_226] : memref<64x80xi32, #tpu.memory_space<vmem>> -> memref<1x80xi32, #tpu.memory_space<vmem>>
        %dma_wait3A_228 = tpu.memref_squeeze %dma_wait3A_227 : memref<1x80xi32, #tpu.memory_space<vmem>> -> memref<80xi32, #tpu.memory_space<vmem>>
        %dma_wait3A_229 = arith.constant 0 : i32
        %dma_wait3A_230 = arith.constant 0 : i32
        %dma_wait3A_231 = tpu.memref_slice %arg2[%dma_wait3A_229, %dma_wait3A_230] : memref<10000x128xf32, #tpu.memory_space<hbm>> -> memref<10000x128xf32, #tpu.memory_space<hbm>>
        tpu.wait_indirect_dma semaphore(%arg16 : memref<!tpu.dma_semaphore, #tpu.memory_space<semaphore_mem>>) src(%dma_wait3A_231 : memref<10000x128xf32, #tpu.memory_space<hbm>>) dst(%arg9 : memref<80x128xf32, #tpu.memory_space<vmem>>)
        %dma_start3A_232 = arith.constant 0 : i32
        %dma_start3A_233 = tpu.memref_slice %arg7[%add3A_206, %dma_start3A_232] : memref<64x80xi32, #tpu.memory_space<vmem>> -> memref<1x80xi32, #tpu.memory_space<vmem>>
        %dma_start3A_234 = tpu.memref_squeeze %dma_start3A_233 : memref<1x80xi32, #tpu.memory_space<vmem>> -> memref<80xi32, #tpu.memory_space<vmem>>
        %dma_start3A_235 = arith.constant 0 : i32
        %dma_start3A_236 = arith.constant 0 : i32
        %dma_start3A_237 = tpu.memref_slice %arg13[%dma_start3A_235, %dma_start3A_236] : memref<10000x128xf32, #tpu.memory_space<vmem_shared>> -> memref<10000x128xf32, #tpu.memory_space<vmem_shared>>
        tpu.enqueue_indirect_dma source(%arg9 : memref<80x128xf32, #tpu.memory_space<vmem>>) target(%dma_start3A_237 : memref<10000x128xf32, #tpu.memory_space<vmem_shared>>) offsets(%dma_start3A_234 : memref<80xi32, #tpu.memory_space<vmem>>) semaphore(%arg19 : memref<!tpu.dma_semaphore, #tpu.memory_space<semaphore_mem>>) {add = true}
        %dma_start3A_238 = arith.constant 0 : i32
        %dma_start3A_239 = tpu.memref_slice %arg7[%add3A_206, %dma_start3A_238] : memref<64x80xi32, #tpu.memory_space<vmem>> -> memref<1x80xi32, #tpu.memory_space<vmem>>
        %dma_start3A_240 = tpu.memref_squeeze %dma_start3A_239 : memref<1x80xi32, #tpu.memory_space<vmem>> -> memref<80xi32, #tpu.memory_space<vmem>>
        %dma_start3A_241 = arith.constant 0 : i32
        %dma_start3A_242 = tpu.memref_slice %arg14[%dma_start3A_241] : memref<10000xf32, #tpu.memory_space<vmem_shared>> -> memref<10000xf32, #tpu.memory_space<vmem_shared>>
        tpu.enqueue_indirect_dma source(%arg11 : memref<80xf32, #tpu.memory_space<vmem>>) target(%dma_start3A_242 : memref<10000xf32, #tpu.memory_space<vmem_shared>>) offsets(%dma_start3A_240 : memref<80xi32, #tpu.memory_space<vmem>>) semaphore(%arg21 : memref<!tpu.dma_semaphore, #tpu.memory_space<semaphore_mem>>) {add = true}
      } else {
      }
      %add3A_210 = arith.constant 2 : i32
      %add3A_211 = arith.addi %add3A_191, %add3A_210 : i32
      %lt3A_212 = arith.constant 64 : i32
      %lt3A_213 = arith.cmpi slt, %add3A_211, %lt3A_212 : i32
      %add3A_214 = arith.constant 2 : i32
      %add3A_215 = arith.addi %add3A_191, %add3A_214 : i32
      %convert_element_type3A_216 = arith.extui %lt3A_213 : i1 to i32
      %cond3A_217 = arith.constant 0 : i32
      %cond3A_218 = arith.cmpi ne, %convert_element_type3A_216, %cond3A_217 : i32
      scf.if %cond3A_218 {
        %add3A_219 = arith.constant 2 : i32
        %add3A_220 = arith.addi %add3A_215, %add3A_219 : i32
        %lt3A_221 = arith.constant 64 : i32
        %lt3A_222 = arith.cmpi slt, %add3A_220, %lt3A_221 : i32
        %convert_element_type3A_223 = arith.extui %lt3A_222 : i1 to i32
        %cond3A_224 = arith.constant 0 : i32
        %cond3A_225 = arith.cmpi ne, %convert_element_type3A_223, %cond3A_224 : i32
        scf.if %cond3A_225 {
          %ge3A_243 = arith.constant 1 : i32
          %ge3A_244 = arith.cmpi sge, %add3A_215, %ge3A_243 : i32
          %convert_element_type3A_245 = arith.extui %ge3A_244 : i1 to i32
          %cond3A_246 = arith.constant 0 : i32
          %cond3A_247 = arith.cmpi ne, %convert_element_type3A_245, %cond3A_246 : i32
          scf.if %cond3A_247 {
            %dma_wait3A_256 = arith.constant 0 : i32
            %dma_wait3A_257 = arith.constant 0 : i32
            %dma_wait3A_258 = tpu.memref_slice %arg7[%dma_wait3A_256, %dma_wait3A_257] : memref<64x80xi32, #tpu.memory_space<vmem>> -> memref<1x80xi32, #tpu.memory_space<vmem>>
            %dma_wait3A_259 = tpu.memref_squeeze %dma_wait3A_258 : memref<1x80xi32, #tpu.memory_space<vmem>> -> memref<80xi32, #tpu.memory_space<vmem>>
            %dma_wait3A_260 = arith.constant 0 : i32
            %dma_wait3A_261 = arith.constant 0 : i32
            %dma_wait3A_262 = tpu.memref_slice %arg13[%dma_wait3A_260, %dma_wait3A_261] : memref<10000x128xf32, #tpu.memory_space<vmem_shared>> -> memref<10000x128xf32, #tpu.memory_space<vmem_shared>>
            tpu.wait_indirect_dma semaphore(%arg19 : memref<!tpu.dma_semaphore, #tpu.memory_space<semaphore_mem>>) src(%arg9 : memref<80x128xf32, #tpu.memory_space<vmem>>) dst(%dma_wait3A_262 : memref<10000x128xf32, #tpu.memory_space<vmem_shared>>)
          } else {
          }
          %add3A_248 = arith.constant 2 : i32
          %add3A_249 = arith.addi %add3A_215, %add3A_248 : i32
          %dma_start3A_250 = arith.constant 0 : i32
          %dma_start3A_251 = tpu.memref_slice %arg6[%add3A_249, %dma_start3A_250] : memref<64x80xi32, #tpu.memory_space<vmem>> -> memref<1x80xi32, #tpu.memory_space<vmem>>
          %dma_start3A_252 = tpu.memref_squeeze %dma_start3A_251 : memref<1x80xi32, #tpu.memory_space<vmem>> -> memref<80xi32, #tpu.memory_space<vmem>>
          %dma_start3A_253 = arith.constant 0 : i32
          %dma_start3A_254 = arith.constant 0 : i32
          %dma_start3A_255 = tpu.memref_slice %arg2[%dma_start3A_253, %dma_start3A_254] : memref<10000x128xf32, #tpu.memory_space<hbm>> -> memref<10000x128xf32, #tpu.memory_space<hbm>>
          tpu.enqueue_indirect_dma source(%dma_start3A_255 : memref<10000x128xf32, #tpu.memory_space<hbm>>) target(%arg9 : memref<80x128xf32, #tpu.memory_space<vmem>>) offsets(%dma_start3A_252 : memref<80xi32, #tpu.memory_space<vmem>>) semaphore(%arg16 : memref<!tpu.dma_semaphore, #tpu.memory_space<semaphore_mem>>)
        } else {
        }
        %dma_wait3A_226 = arith.constant 0 : i32
        %dma_wait3A_227 = tpu.memref_slice %arg6[%add3A_215, %dma_wait3A_226] : memref<64x80xi32, #tpu.memory_space<vmem>> -> memref<1x80xi32, #tpu.memory_space<vmem>>
        %dma_wait3A_228 = tpu.memref_squeeze %dma_wait3A_227 : memref<1x80xi32, #tpu.memory_space<vmem>> -> memref<80xi32, #tpu.memory_space<vmem>>
        %dma_wait3A_229 = arith.constant 0 : i32
        %dma_wait3A_230 = arith.constant 0 : i32
        %dma_wait3A_231 = tpu.memref_slice %arg2[%dma_wait3A_229, %dma_wait3A_230] : memref<10000x128xf32, #tpu.memory_space<hbm>> -> memref<10000x128xf32, #tpu.memory_space<hbm>>
        tpu.wait_indirect_dma semaphore(%arg17 : memref<!tpu.dma_semaphore, #tpu.memory_space<semaphore_mem>>) src(%dma_wait3A_231 : memref<10000x128xf32, #tpu.memory_space<hbm>>) dst(%arg10 : memref<80x128xf32, #tpu.memory_space<vmem>>)
        %dma_start3A_232 = arith.constant 0 : i32
        %dma_start3A_233 = tpu.memref_slice %arg7[%add3A_215, %dma_start3A_232] : memref<64x80xi32, #tpu.memory_space<vmem>> -> memref<1x80xi32, #tpu.memory_space<vmem>>
        %dma_start3A_234 = tpu.memref_squeeze %dma_start3A_233 : memref<1x80xi32, #tpu.memory_space<vmem>> -> memref<80xi32, #tpu.memory_space<vmem>>
        %dma_start3A_235 = arith.constant 0 : i32
        %dma_start3A_236 = arith.constant 0 : i32
        %dma_start3A_237 = tpu.memref_slice %arg13[%dma_start3A_235, %dma_start3A_236] : memref<10000x128xf32, #tpu.memory_space<vmem_shared>> -> memref<10000x128xf32, #tpu.memory_space<vmem_shared>>
        tpu.enqueue_indirect_dma source(%arg10 : memref<80x128xf32, #tpu.memory_space<vmem>>) target(%dma_start3A_237 : memref<10000x128xf32, #tpu.memory_space<vmem_shared>>) offsets(%dma_start3A_234 : memref<80xi32, #tpu.memory_space<vmem>>) semaphore(%arg20 : memref<!tpu.dma_semaphore, #tpu.memory_space<semaphore_mem>>) {add = true}
        %dma_start3A_238 = arith.constant 0 : i32
        %dma_start3A_239 = tpu.memref_slice %arg7[%add3A_215, %dma_start3A_238] : memref<64x80xi32, #tpu.memory_space<vmem>> -> memref<1x80xi32, #tpu.memory_space<vmem>>
        %dma_start3A_240 = tpu.memref_squeeze %dma_start3A_239 : memref<1x80xi32, #tpu.memory_space<vmem>> -> memref<80xi32, #tpu.memory_space<vmem>>
        %dma_start3A_241 = arith.constant 0 : i32
        %dma_start3A_242 = tpu.memref_slice %arg14[%dma_start3A_241] : memref<10000xf32, #tpu.memory_space<vmem_shared>> -> memref<10000xf32, #tpu.memory_space<vmem_shared>>
        tpu.enqueue_indirect_dma source(%arg11 : memref<80xf32, #tpu.memory_space<vmem>>) target(%dma_start3A_242 : memref<10000xf32, #tpu.memory_space<vmem_shared>>) offsets(%dma_start3A_240 : memref<80xi32, #tpu.memory_space<vmem>>) semaphore(%arg21 : memref<!tpu.dma_semaphore, #tpu.memory_space<semaphore_mem>>) {add = true}
      } else {
      }
    }
    %scan3A_94 = arith.constant 22 : i32
    %dma_wait3A = arith.constant 0 : i32
    %dma_wait3A_95 = arith.constant 0 : i32
    %dma_wait3A_96 = tpu.memref_slice %arg7[%dma_wait3A, %dma_wait3A_95] : memref<64x80xi32, #tpu.memory_space<vmem>> -> memref<1x80xi32, #tpu.memory_space<vmem>>
    %dma_wait3A_97 = tpu.memref_squeeze %dma_wait3A_96 : memref<1x80xi32, #tpu.memory_space<vmem>> -> memref<80xi32, #tpu.memory_space<vmem>>
    %dma_wait3A_98 = arith.constant 0 : i32
    %dma_wait3A_99 = arith.constant 0 : i32
    %dma_wait3A_100 = tpu.memref_slice %arg13[%dma_wait3A_98, %dma_wait3A_99] : memref<10000x128xf32, #tpu.memory_space<vmem_shared>> -> memref<10000x128xf32, #tpu.memory_space<vmem_shared>>
    tpu.wait_indirect_dma semaphore(%arg18 : memref<!tpu.dma_semaphore, #tpu.memory_space<semaphore_mem>>) src(%arg8 : memref<80x128xf32, #tpu.memory_space<vmem>>) dst(%dma_wait3A_100 : memref<10000x128xf32, #tpu.memory_space<vmem_shared>>)
    %dma_wait3A_101 = arith.constant 0 : i32
    %dma_wait3A_102 = arith.constant 0 : i32
    %dma_wait3A_103 = tpu.memref_slice %arg7[%dma_wait3A_101, %dma_wait3A_102] : memref<64x80xi32, #tpu.memory_space<vmem>> -> memref<1x80xi32, #tpu.memory_space<vmem>>
    %dma_wait3A_104 = tpu.memref_squeeze %dma_wait3A_103 : memref<1x80xi32, #tpu.memory_space<vmem>> -> memref<80xi32, #tpu.memory_space<vmem>>
    %dma_wait3A_105 = arith.constant 0 : i32
    %dma_wait3A_106 = arith.constant 0 : i32
    %dma_wait3A_107 = tpu.memref_slice %arg13[%dma_wait3A_105, %dma_wait3A_106] : memref<10000x128xf32, #tpu.memory_space<vmem_shared>> -> memref<10000x128xf32, #tpu.memory_space<vmem_shared>>
    tpu.wait_indirect_dma semaphore(%arg19 : memref<!tpu.dma_semaphore, #tpu.memory_space<semaphore_mem>>) src(%arg9 : memref<80x128xf32, #tpu.memory_space<vmem>>) dst(%dma_wait3A_107 : memref<10000x128xf32, #tpu.memory_space<vmem_shared>>)
    %dma_wait3A_108 = arith.constant 0 : i32
    %dma_wait3A_109 = arith.constant 0 : i32
    %dma_wait3A_110 = tpu.memref_slice %arg7[%dma_wait3A_108, %dma_wait3A_109] : memref<64x80xi32, #tpu.memory_space<vmem>> -> memref<1x80xi32, #tpu.memory_space<vmem>>
    %dma_wait3A_111 = tpu.memref_squeeze %dma_wait3A_110 : memref<1x80xi32, #tpu.memory_space<vmem>> -> memref<80xi32, #tpu.memory_space<vmem>>
    %dma_wait3A_112 = arith.constant 0 : i32
    %dma_wait3A_113 = arith.constant 0 : i32
    %dma_wait3A_114 = tpu.memref_slice %arg13[%dma_wait3A_112, %dma_wait3A_113] : memref<10000x128xf32, #tpu.memory_space<vmem_shared>> -> memref<10000x128xf32, #tpu.memory_space<vmem_shared>>
    tpu.wait_indirect_dma semaphore(%arg20 : memref<!tpu.dma_semaphore, #tpu.memory_space<semaphore_mem>>) src(%arg10 : memref<80x128xf32, #tpu.memory_space<vmem>>) dst(%dma_wait3A_114 : memref<10000x128xf32, #tpu.memory_space<vmem_shared>>)
    %scan3A_115 = arith.constant 0 : i32
    %scan3A_116 = arith.constant 0 : i32
    %scan3A_117 = arith.constant 64 : i32
    %scan3A_118 = arith.addi %scan3A_116, %scan3A_117 : i32
    %scan3A_119 = arith.constant 1 : i32
    %scan3A_120 = scf.for %scan3A_187 = %scan3A_116 to %scan3A_118 step %scan3A_119 iter_args(%scan3A_188 = %scan3A_115) -> (i32)  : i32 {
      %dma_wait3A_189 = arith.constant 0 : i32
      %dma_wait3A_190 = arith.constant 0 : i32
      %dma_wait3A_191 = tpu.memref_slice %arg7[%dma_wait3A_189, %dma_wait3A_190] : memref<64x80xi32, #tpu.memory_space<vmem>> -> memref<1x80xi32, #tpu.memory_space<vmem>>
      %dma_wait3A_192 = tpu.memref_squeeze %dma_wait3A_191 : memref<1x80xi32, #tpu.memory_space<vmem>> -> memref<80xi32, #tpu.memory_space<vmem>>
      %dma_wait3A_193 = arith.constant 0 : i32
      %dma_wait3A_194 = tpu.memref_slice %arg14[%dma_wait3A_193] : memref<10000xf32, #tpu.memory_space<vmem_shared>> -> memref<10000xf32, #tpu.memory_space<vmem_shared>>
      tpu.wait_indirect_dma semaphore(%arg21 : memref<!tpu.dma_semaphore, #tpu.memory_space<semaphore_mem>>) src(%arg11 : memref<80xf32, #tpu.memory_space<vmem>>) dst(%dma_wait3A_194 : memref<10000xf32, #tpu.memory_space<vmem_shared>>)
      %scan3A_195 = arith.constant 0 : i32
      scf.yield %scan3A_195 : i32
    }
    %scan3A_121 = arith.constant 64 : i32
    %run_scoped3A_122 = arith.constant 0 : i32
    "tpu.region"() ({
      %run_scoped3A_187 = tpu.sem_alloc : memref<!tpu.dma_semaphore, #tpu.memory_space<semaphore_mem>>
      %dma_start3A_188 = arith.constant 0 : i32
      %dma_start3A_189 = arith.constant 0 : i32
      %dma_start3A_190 = tpu.memref_slice %arg6[%dma_start3A_188, %dma_start3A_189] : memref<64x80xi32, #tpu.memory_space<vmem>> -> memref<61x80xi32, #tpu.memory_space<vmem>>
      %dma_start3A_191 = arith.constant 64 : i32
      %dma_start3A_192 = arith.constant 0 : i32
      %dma_start3A_193 = tpu.memref_slice %arg3[%run_scoped3A_122, %add3A, %dma_start3A_191, %dma_start3A_192] : memref<2x32x125x80xi32, #tpu.memory_space<hbm>> -> memref<1x1x61x80xi32, #tpu.memory_space<hbm>>
      %dma_start3A_194 = tpu.memref_squeeze %dma_start3A_193 : memref<1x1x61x80xi32, #tpu.memory_space<hbm>> -> memref<61x80xi32, #tpu.memory_space<hbm>>
      %dma_start3A_195 = arith.constant 0 : i32
      %dma_start3A_196 = arith.constant 0 : i32
      %dma_start3A_197 = tpu.memref_slice %arg6[%dma_start3A_195, %dma_start3A_196] : memref<64x80xi32, #tpu.memory_space<vmem>> -> memref<61x80xi32, #tpu.memory_space<vmem>>
      %dma_start3A_198 = arith.constant 64 : i32
      %dma_start3A_199 = arith.constant 0 : i32
      %dma_start3A_200 = tpu.memref_slice %arg3[%run_scoped3A_122, %add3A, %dma_start3A_198, %dma_start3A_199] : memref<2x32x125x80xi32, #tpu.memory_space<hbm>> -> memref<1x1x61x80xi32, #tpu.memory_space<hbm>>
      %dma_start3A_201 = tpu.memref_squeeze %dma_start3A_200 : memref<1x1x61x80xi32, #tpu.memory_space<hbm>> -> memref<61x80xi32, #tpu.memory_space<hbm>>
      tpu.enqueue_dma source(%dma_start3A_201 : memref<61x80xi32, #tpu.memory_space<hbm>>) target(%dma_start3A_197 : memref<61x80xi32, #tpu.memory_space<vmem>>) target_semaphore(%run_scoped3A_187 : memref<!tpu.dma_semaphore, #tpu.memory_space<semaphore_mem>>)
      %dma_wait3A_202 = arith.constant 0 : i32
      %dma_wait3A_203 = arith.constant 0 : i32
      %dma_wait3A_204 = tpu.memref_slice %arg6[%dma_wait3A_202, %dma_wait3A_203] : memref<64x80xi32, #tpu.memory_space<vmem>> -> memref<61x80xi32, #tpu.memory_space<vmem>>
      %dma_wait3A_205 = arith.constant 64 : i32
      %dma_wait3A_206 = arith.constant 0 : i32
      %dma_wait3A_207 = tpu.memref_slice %arg3[%run_scoped3A_122, %add3A, %dma_wait3A_205, %dma_wait3A_206] : memref<2x32x125x80xi32, #tpu.memory_space<hbm>> -> memref<1x1x61x80xi32, #tpu.memory_space<hbm>>
      %dma_wait3A_208 = tpu.memref_squeeze %dma_wait3A_207 : memref<1x1x61x80xi32, #tpu.memory_space<hbm>> -> memref<61x80xi32, #tpu.memory_space<hbm>>
      %dma_wait3A_209 = arith.constant 0 : i32
      %dma_wait3A_210 = arith.constant 0 : i32
      %dma_wait3A_211 = tpu.memref_slice %arg6[%dma_wait3A_209, %dma_wait3A_210] : memref<64x80xi32, #tpu.memory_space<vmem>> -> memref<61x80xi32, #tpu.memory_space<vmem>>
      %dma_wait3A_212 = arith.constant 64 : i32
      %dma_wait3A_213 = arith.constant 0 : i32
      %dma_wait3A_214 = tpu.memref_slice %arg3[%run_scoped3A_122, %add3A, %dma_wait3A_212, %dma_wait3A_213] : memref<2x32x125x80xi32, #tpu.memory_space<hbm>> -> memref<1x1x61x80xi32, #tpu.memory_space<hbm>>
      %dma_wait3A_215 = tpu.memref_squeeze %dma_wait3A_214 : memref<1x1x61x80xi32, #tpu.memory_space<hbm>> -> memref<61x80xi32, #tpu.memory_space<hbm>>
      tpu.wait_dma2 semaphore(%run_scoped3A_187 : memref<!tpu.dma_semaphore, #tpu.memory_space<semaphore_mem>>) src(%dma_wait3A_215 : memref<61x80xi32, #tpu.memory_space<hbm>>) dst(%dma_wait3A_211 : memref<61x80xi32, #tpu.memory_space<vmem>>)
      tpu.yield
    }) : () -> ()
    %run_scoped3A_123 = arith.constant 1 : i32
    "tpu.region"() ({
      %run_scoped3A_187 = tpu.sem_alloc : memref<!tpu.dma_semaphore, #tpu.memory_space<semaphore_mem>>
      %dma_start3A_188 = arith.constant 0 : i32
      %dma_start3A_189 = arith.constant 0 : i32
      %dma_start3A_190 = tpu.memref_slice %arg7[%dma_start3A_188, %dma_start3A_189] : memref<64x80xi32, #tpu.memory_space<vmem>> -> memref<61x80xi32, #tpu.memory_space<vmem>>
      %dma_start3A_191 = arith.constant 64 : i32
      %dma_start3A_192 = arith.constant 0 : i32
      %dma_start3A_193 = tpu.memref_slice %arg3[%run_scoped3A_123, %add3A, %dma_start3A_191, %dma_start3A_192] : memref<2x32x125x80xi32, #tpu.memory_space<hbm>> -> memref<1x1x61x80xi32, #tpu.memory_space<hbm>>
      %dma_start3A_194 = tpu.memref_squeeze %dma_start3A_193 : memref<1x1x61x80xi32, #tpu.memory_space<hbm>> -> memref<61x80xi32, #tpu.memory_space<hbm>>
      %dma_start3A_195 = arith.constant 0 : i32
      %dma_start3A_196 = arith.constant 0 : i32
      %dma_start3A_197 = tpu.memref_slice %arg7[%dma_start3A_195, %dma_start3A_196] : memref<64x80xi32, #tpu.memory_space<vmem>> -> memref<61x80xi32, #tpu.memory_space<vmem>>
      %dma_start3A_198 = arith.constant 64 : i32
      %dma_start3A_199 = arith.constant 0 : i32
      %dma_start3A_200 = tpu.memref_slice %arg3[%run_scoped3A_123, %add3A, %dma_start3A_198, %dma_start3A_199] : memref<2x32x125x80xi32, #tpu.memory_space<hbm>> -> memref<1x1x61x80xi32, #tpu.memory_space<hbm>>
      %dma_start3A_201 = tpu.memref_squeeze %dma_start3A_200 : memref<1x1x61x80xi32, #tpu.memory_space<hbm>> -> memref<61x80xi32, #tpu.memory_space<hbm>>
      tpu.enqueue_dma source(%dma_start3A_201 : memref<61x80xi32, #tpu.memory_space<hbm>>) target(%dma_start3A_197 : memref<61x80xi32, #tpu.memory_space<vmem>>) target_semaphore(%run_scoped3A_187 : memref<!tpu.dma_semaphore, #tpu.memory_space<semaphore_mem>>)
      %dma_wait3A_202 = arith.constant 0 : i32
      %dma_wait3A_203 = arith.constant 0 : i32
      %dma_wait3A_204 = tpu.memref_slice %arg7[%dma_wait3A_202, %dma_wait3A_203] : memref<64x80xi32, #tpu.memory_space<vmem>> -> memref<61x80xi32, #tpu.memory_space<vmem>>
      %dma_wait3A_205 = arith.constant 64 : i32
      %dma_wait3A_206 = arith.constant 0 : i32
      %dma_wait3A_207 = tpu.memref_slice %arg3[%run_scoped3A_123, %add3A, %dma_wait3A_205, %dma_wait3A_206] : memref<2x32x125x80xi32, #tpu.memory_space<hbm>> -> memref<1x1x61x80xi32, #tpu.memory_space<hbm>>
      %dma_wait3A_208 = tpu.memref_squeeze %dma_wait3A_207 : memref<1x1x61x80xi32, #tpu.memory_space<hbm>> -> memref<61x80xi32, #tpu.memory_space<hbm>>
      %dma_wait3A_209 = arith.constant 0 : i32
      %dma_wait3A_210 = arith.constant 0 : i32
      %dma_wait3A_211 = tpu.memref_slice %arg7[%dma_wait3A_209, %dma_wait3A_210] : memref<64x80xi32, #tpu.memory_space<vmem>> -> memref<61x80xi32, #tpu.memory_space<vmem>>
      %dma_wait3A_212 = arith.constant 64 : i32
      %dma_wait3A_213 = arith.constant 0 : i32
      %dma_wait3A_214 = tpu.memref_slice %arg3[%run_scoped3A_123, %add3A, %dma_wait3A_212, %dma_wait3A_213] : memref<2x32x125x80xi32, #tpu.memory_space<hbm>> -> memref<1x1x61x80xi32, #tpu.memory_space<hbm>>
      %dma_wait3A_215 = tpu.memref_squeeze %dma_wait3A_214 : memref<1x1x61x80xi32, #tpu.memory_space<hbm>> -> memref<61x80xi32, #tpu.memory_space<hbm>>
      tpu.wait_dma2 semaphore(%run_scoped3A_187 : memref<!tpu.dma_semaphore, #tpu.memory_space<semaphore_mem>>) src(%dma_wait3A_215 : memref<61x80xi32, #tpu.memory_space<hbm>>) dst(%dma_wait3A_211 : memref<61x80xi32, #tpu.memory_space<vmem>>)
      tpu.yield
    }) : () -> ()
    %dma_start3A_124 = arith.constant 0 : i32
    %dma_start3A_125 = arith.constant 0 : i32
    %dma_start3A_126 = tpu.memref_slice %arg6[%dma_start3A_124, %dma_start3A_125] : memref<64x80xi32, #tpu.memory_space<vmem>> -> memref<1x80xi32, #tpu.memory_space<vmem>>
    %dma_start3A_127 = tpu.memref_squeeze %dma_start3A_126 : memref<1x80xi32, #tpu.memory_space<vmem>> -> memref<80xi32, #tpu.memory_space<vmem>>
    %dma_start3A_128 = arith.constant 0 : i32
    %dma_start3A_129 = arith.constant 0 : i32
    %dma_start3A_130 = tpu.memref_slice %arg2[%dma_start3A_128, %dma_start3A_129] : memref<10000x128xf32, #tpu.memory_space<hbm>> -> memref<10000x128xf32, #tpu.memory_space<hbm>>
    tpu.enqueue_indirect_dma source(%dma_start3A_130 : memref<10000x128xf32, #tpu.memory_space<hbm>>) target(%arg8 : memref<80x128xf32, #tpu.memory_space<vmem>>) offsets(%dma_start3A_127 : memref<80xi32, #tpu.memory_space<vmem>>) semaphore(%arg15 : memref<!tpu.dma_semaphore, #tpu.memory_space<semaphore_mem>>)
    %dma_start3A_131 = arith.constant 1 : i32
    %dma_start3A_132 = arith.constant 0 : i32
    %dma_start3A_133 = tpu.memref_slice %arg6[%dma_start3A_131, %dma_start3A_132] : memref<64x80xi32, #tpu.memory_space<vmem>> -> memref<1x80xi32, #tpu.memory_space<vmem>>
    %dma_start3A_134 = tpu.memref_squeeze %dma_start3A_133 : memref<1x80xi32, #tpu.memory_space<vmem>> -> memref<80xi32, #tpu.memory_space<vmem>>
    %dma_start3A_135 = arith.constant 0 : i32
    %dma_start3A_136 = arith.constant 0 : i32
    %dma_start3A_137 = tpu.memref_slice %arg2[%dma_start3A_135, %dma_start3A_136] : memref<10000x128xf32, #tpu.memory_space<hbm>> -> memref<10000x128xf32, #tpu.memory_space<hbm>>
    tpu.enqueue_indirect_dma source(%dma_start3A_137 : memref<10000x128xf32, #tpu.memory_space<hbm>>) target(%arg9 : memref<80x128xf32, #tpu.memory_space<vmem>>) offsets(%dma_start3A_134 : memref<80xi32, #tpu.memory_space<vmem>>) semaphore(%arg16 : memref<!tpu.dma_semaphore, #tpu.memory_space<semaphore_mem>>)
    %scan3A_138 = arith.constant 0 : i32
    %scan3A_139 = arith.constant 21 : i32
    %scan3A_140 = arith.addi %scan3A_138, %scan3A_139 : i32
    %scan3A_141 = arith.constant 1 : i32
    scf.for %scan3A_187 = %scan3A_138 to %scan3A_140 step %scan3A_141  : i32 {
      %mul3A_188 = arith.constant 3 : i32
      %mul3A_189 = arith.muli %scan3A_187, %mul3A_188 : i32
      %add3A_190 = arith.constant 0 : i32
      %add3A_191 = arith.addi %add3A_190, %mul3A_189 : i32
      %add3A_192 = arith.constant 0 : i32
      %add3A_193 = arith.addi %add3A_191, %add3A_192 : i32
      %lt3A_194 = arith.constant 61 : i32
      %lt3A_195 = arith.cmpi slt, %add3A_193, %lt3A_194 : i32
      %add3A_196 = arith.constant 0 : i32
      %add3A_197 = arith.addi %add3A_191, %add3A_196 : i32
      %convert_element_type3A_198 = arith.extui %lt3A_195 : i1 to i32
      %cond3A_199 = arith.constant 0 : i32
      %cond3A_200 = arith.cmpi ne, %convert_element_type3A_198, %cond3A_199 : i32
      scf.if %cond3A_200 {
        %add3A_219 = arith.constant 2 : i32
        %add3A_220 = arith.addi %add3A_197, %add3A_219 : i32
        %lt3A_221 = arith.constant 61 : i32
        %lt3A_222 = arith.cmpi slt, %add3A_220, %lt3A_221 : i32
        %convert_element_type3A_223 = arith.extui %lt3A_222 : i1 to i32
        %cond3A_224 = arith.constant 0 : i32
        %cond3A_225 = arith.cmpi ne, %convert_element_type3A_223, %cond3A_224 : i32
        scf.if %cond3A_225 {
          %ge3A_243 = arith.constant 1 : i32
          %ge3A_244 = arith.cmpi sge, %add3A_197, %ge3A_243 : i32
          %convert_element_type3A_245 = arith.extui %ge3A_244 : i1 to i32
          %cond3A_246 = arith.constant 0 : i32
          %cond3A_247 = arith.cmpi ne, %convert_element_type3A_245, %cond3A_246 : i32
          scf.if %cond3A_247 {
            %dma_wait3A_256 = arith.constant 0 : i32
            %dma_wait3A_257 = arith.constant 0 : i32
            %dma_wait3A_258 = tpu.memref_slice %arg7[%dma_wait3A_256, %dma_wait3A_257] : memref<64x80xi32, #tpu.memory_space<vmem>> -> memref<1x80xi32, #tpu.memory_space<vmem>>
            %dma_wait3A_259 = tpu.memref_squeeze %dma_wait3A_258 : memref<1x80xi32, #tpu.memory_space<vmem>> -> memref<80xi32, #tpu.memory_space<vmem>>
            %dma_wait3A_260 = arith.constant 0 : i32
            %dma_wait3A_261 = arith.constant 0 : i32
            %dma_wait3A_262 = tpu.memref_slice %arg13[%dma_wait3A_260, %dma_wait3A_261] : memref<10000x128xf32, #tpu.memory_space<vmem_shared>> -> memref<10000x128xf32, #tpu.memory_space<vmem_shared>>
            tpu.wait_indirect_dma semaphore(%arg20 : memref<!tpu.dma_semaphore, #tpu.memory_space<semaphore_mem>>) src(%arg10 : memref<80x128xf32, #tpu.memory_space<vmem>>) dst(%dma_wait3A_262 : memref<10000x128xf32, #tpu.memory_space<vmem_shared>>)
          } else {
          }
          %add3A_248 = arith.constant 2 : i32
          %add3A_249 = arith.addi %add3A_197, %add3A_248 : i32
          %dma_start3A_250 = arith.constant 0 : i32
          %dma_start3A_251 = tpu.memref_slice %arg6[%add3A_249, %dma_start3A_250] : memref<64x80xi32, #tpu.memory_space<vmem>> -> memref<1x80xi32, #tpu.memory_space<vmem>>
          %dma_start3A_252 = tpu.memref_squeeze %dma_start3A_251 : memref<1x80xi32, #tpu.memory_space<vmem>> -> memref<80xi32, #tpu.memory_space<vmem>>
          %dma_start3A_253 = arith.constant 0 : i32
          %dma_start3A_254 = arith.constant 0 : i32
          %dma_start3A_255 = tpu.memref_slice %arg2[%dma_start3A_253, %dma_start3A_254] : memref<10000x128xf32, #tpu.memory_space<hbm>> -> memref<10000x128xf32, #tpu.memory_space<hbm>>
          tpu.enqueue_indirect_dma source(%dma_start3A_255 : memref<10000x128xf32, #tpu.memory_space<hbm>>) target(%arg10 : memref<80x128xf32, #tpu.memory_space<vmem>>) offsets(%dma_start3A_252 : memref<80xi32, #tpu.memory_space<vmem>>) semaphore(%arg17 : memref<!tpu.dma_semaphore, #tpu.memory_space<semaphore_mem>>)
        } else {
        }
        %dma_wait3A_226 = arith.constant 0 : i32
        %dma_wait3A_227 = tpu.memref_slice %arg6[%add3A_197, %dma_wait3A_226] : memref<64x80xi32, #tpu.memory_space<vmem>> -> memref<1x80xi32, #tpu.memory_space<vmem>>
        %dma_wait3A_228 = tpu.memref_squeeze %dma_wait3A_227 : memref<1x80xi32, #tpu.memory_space<vmem>> -> memref<80xi32, #tpu.memory_space<vmem>>
        %dma_wait3A_229 = arith.constant 0 : i32
        %dma_wait3A_230 = arith.constant 0 : i32
        %dma_wait3A_231 = tpu.memref_slice %arg2[%dma_wait3A_229, %dma_wait3A_230] : memref<10000x128xf32, #tpu.memory_space<hbm>> -> memref<10000x128xf32, #tpu.memory_space<hbm>>
        tpu.wait_indirect_dma semaphore(%arg15 : memref<!tpu.dma_semaphore, #tpu.memory_space<semaphore_mem>>) src(%dma_wait3A_231 : memref<10000x128xf32, #tpu.memory_space<hbm>>) dst(%arg8 : memref<80x128xf32, #tpu.memory_space<vmem>>)
        %dma_start3A_232 = arith.constant 0 : i32
        %dma_start3A_233 = tpu.memref_slice %arg7[%add3A_197, %dma_start3A_232] : memref<64x80xi32, #tpu.memory_space<vmem>> -> memref<1x80xi32, #tpu.memory_space<vmem>>
        %dma_start3A_234 = tpu.memref_squeeze %dma_start3A_233 : memref<1x80xi32, #tpu.memory_space<vmem>> -> memref<80xi32, #tpu.memory_space<vmem>>
        %dma_start3A_235 = arith.constant 0 : i32
        %dma_start3A_236 = arith.constant 0 : i32
        %dma_start3A_237 = tpu.memref_slice %arg13[%dma_start3A_235, %dma_start3A_236] : memref<10000x128xf32, #tpu.memory_space<vmem_shared>> -> memref<10000x128xf32, #tpu.memory_space<vmem_shared>>
        tpu.enqueue_indirect_dma source(%arg8 : memref<80x128xf32, #tpu.memory_space<vmem>>) target(%dma_start3A_237 : memref<10000x128xf32, #tpu.memory_space<vmem_shared>>) offsets(%dma_start3A_234 : memref<80xi32, #tpu.memory_space<vmem>>) semaphore(%arg18 : memref<!tpu.dma_semaphore, #tpu.memory_space<semaphore_mem>>) {add = true}
        %dma_start3A_238 = arith.constant 0 : i32
        %dma_start3A_239 = tpu.memref_slice %arg7[%add3A_197, %dma_start3A_238] : memref<64x80xi32, #tpu.memory_space<vmem>> -> memref<1x80xi32, #tpu.memory_space<vmem>>
        %dma_start3A_240 = tpu.memref_squeeze %dma_start3A_239 : memref<1x80xi32, #tpu.memory_space<vmem>> -> memref<80xi32, #tpu.memory_space<vmem>>
        %dma_start3A_241 = arith.constant 0 : i32
        %dma_start3A_242 = tpu.memref_slice %arg14[%dma_start3A_241] : memref<10000xf32, #tpu.memory_space<vmem_shared>> -> memref<10000xf32, #tpu.memory_space<vmem_shared>>
        tpu.enqueue_indirect_dma source(%arg11 : memref<80xf32, #tpu.memory_space<vmem>>) target(%dma_start3A_242 : memref<10000xf32, #tpu.memory_space<vmem_shared>>) offsets(%dma_start3A_240 : memref<80xi32, #tpu.memory_space<vmem>>) semaphore(%arg21 : memref<!tpu.dma_semaphore, #tpu.memory_space<semaphore_mem>>) {add = true}
      } else {
      }
      %add3A_201 = arith.constant 1 : i32
      %add3A_202 = arith.addi %add3A_191, %add3A_201 : i32
      %lt3A_203 = arith.constant 61 : i32
      %lt3A_204 = arith.cmpi slt, %add3A_202, %lt3A_203 : i32
      %add3A_205 = arith.constant 1 : i32
      %add3A_206 = arith.addi %add3A_191, %add3A_205 : i32
      %convert_element_type3A_207 = arith.extui %lt3A_204 : i1 to i32
      %cond3A_208 = arith.constant 0 : i32
      %cond3A_209 = arith.cmpi ne, %convert_element_type3A_207, %cond3A_208 : i32
      scf.if %cond3A_209 {
        %add3A_219 = arith.constant 2 : i32
        %add3A_220 = arith.addi %add3A_206, %add3A_219 : i32
        %lt3A_221 = arith.constant 61 : i32
        %lt3A_222 = arith.cmpi slt, %add3A_220, %lt3A_221 : i32
        %convert_element_type3A_223 = arith.extui %lt3A_222 : i1 to i32
        %cond3A_224 = arith.constant 0 : i32
        %cond3A_225 = arith.cmpi ne, %convert_element_type3A_223, %cond3A_224 : i32
        scf.if %cond3A_225 {
          %ge3A_243 = arith.constant 1 : i32
          %ge3A_244 = arith.cmpi sge, %add3A_206, %ge3A_243 : i32
          %convert_element_type3A_245 = arith.extui %ge3A_244 : i1 to i32
          %cond3A_246 = arith.constant 0 : i32
          %cond3A_247 = arith.cmpi ne, %convert_element_type3A_245, %cond3A_246 : i32
          scf.if %cond3A_247 {
            %dma_wait3A_256 = arith.constant 0 : i32
            %dma_wait3A_257 = arith.constant 0 : i32
            %dma_wait3A_258 = tpu.memref_slice %arg7[%dma_wait3A_256, %dma_wait3A_257] : memref<64x80xi32, #tpu.memory_space<vmem>> -> memref<1x80xi32, #tpu.memory_space<vmem>>
            %dma_wait3A_259 = tpu.memref_squeeze %dma_wait3A_258 : memref<1x80xi32, #tpu.memory_space<vmem>> -> memref<80xi32, #tpu.memory_space<vmem>>
            %dma_wait3A_260 = arith.constant 0 : i32
            %dma_wait3A_261 = arith.constant 0 : i32
            %dma_wait3A_262 = tpu.memref_slice %arg13[%dma_wait3A_260, %dma_wait3A_261] : memref<10000x128xf32, #tpu.memory_space<vmem_shared>> -> memref<10000x128xf32, #tpu.memory_space<vmem_shared>>
            tpu.wait_indirect_dma semaphore(%arg18 : memref<!tpu.dma_semaphore, #tpu.memory_space<semaphore_mem>>) src(%arg8 : memref<80x128xf32, #tpu.memory_space<vmem>>) dst(%dma_wait3A_262 : memref<10000x128xf32, #tpu.memory_space<vmem_shared>>)
          } else {
          }
          %add3A_248 = arith.constant 2 : i32
          %add3A_249 = arith.addi %add3A_206, %add3A_248 : i32
          %dma_start3A_250 = arith.constant 0 : i32
          %dma_start3A_251 = tpu.memref_slice %arg6[%add3A_249, %dma_start3A_250] : memref<64x80xi32, #tpu.memory_space<vmem>> -> memref<1x80xi32, #tpu.memory_space<vmem>>
          %dma_start3A_252 = tpu.memref_squeeze %dma_start3A_251 : memref<1x80xi32, #tpu.memory_space<vmem>> -> memref<80xi32, #tpu.memory_space<vmem>>
          %dma_start3A_253 = arith.constant 0 : i32
          %dma_start3A_254 = arith.constant 0 : i32
          %dma_start3A_255 = tpu.memref_slice %arg2[%dma_start3A_253, %dma_start3A_254] : memref<10000x128xf32, #tpu.memory_space<hbm>> -> memref<10000x128xf32, #tpu.memory_space<hbm>>
          tpu.enqueue_indirect_dma source(%dma_start3A_255 : memref<10000x128xf32, #tpu.memory_space<hbm>>) target(%arg8 : memref<80x128xf32, #tpu.memory_space<vmem>>) offsets(%dma_start3A_252 : memref<80xi32, #tpu.memory_space<vmem>>) semaphore(%arg15 : memref<!tpu.dma_semaphore, #tpu.memory_space<semaphore_mem>>)
        } else {
        }
        %dma_wait3A_226 = arith.constant 0 : i32
        %dma_wait3A_227 = tpu.memref_slice %arg6[%add3A_206, %dma_wait3A_226] : memref<64x80xi32, #tpu.memory_space<vmem>> -> memref<1x80xi32, #tpu.memory_space<vmem>>
        %dma_wait3A_228 = tpu.memref_squeeze %dma_wait3A_227 : memref<1x80xi32, #tpu.memory_space<vmem>> -> memref<80xi32, #tpu.memory_space<vmem>>
        %dma_wait3A_229 = arith.constant 0 : i32
        %dma_wait3A_230 = arith.constant 0 : i32
        %dma_wait3A_231 = tpu.memref_slice %arg2[%dma_wait3A_229, %dma_wait3A_230] : memref<10000x128xf32, #tpu.memory_space<hbm>> -> memref<10000x128xf32, #tpu.memory_space<hbm>>
        tpu.wait_indirect_dma semaphore(%arg16 : memref<!tpu.dma_semaphore, #tpu.memory_space<semaphore_mem>>) src(%dma_wait3A_231 : memref<10000x128xf32, #tpu.memory_space<hbm>>) dst(%arg9 : memref<80x128xf32, #tpu.memory_space<vmem>>)
        %dma_start3A_232 = arith.constant 0 : i32
        %dma_start3A_233 = tpu.memref_slice %arg7[%add3A_206, %dma_start3A_232] : memref<64x80xi32, #tpu.memory_space<vmem>> -> memref<1x80xi32, #tpu.memory_space<vmem>>
        %dma_start3A_234 = tpu.memref_squeeze %dma_start3A_233 : memref<1x80xi32, #tpu.memory_space<vmem>> -> memref<80xi32, #tpu.memory_space<vmem>>
        %dma_start3A_235 = arith.constant 0 : i32
        %dma_start3A_236 = arith.constant 0 : i32
        %dma_start3A_237 = tpu.memref_slice %arg13[%dma_start3A_235, %dma_start3A_236] : memref<10000x128xf32, #tpu.memory_space<vmem_shared>> -> memref<10000x128xf32, #tpu.memory_space<vmem_shared>>
        tpu.enqueue_indirect_dma source(%arg9 : memref<80x128xf32, #tpu.memory_space<vmem>>) target(%dma_start3A_237 : memref<10000x128xf32, #tpu.memory_space<vmem_shared>>) offsets(%dma_start3A_234 : memref<80xi32, #tpu.memory_space<vmem>>) semaphore(%arg19 : memref<!tpu.dma_semaphore, #tpu.memory_space<semaphore_mem>>) {add = true}
        %dma_start3A_238 = arith.constant 0 : i32
        %dma_start3A_239 = tpu.memref_slice %arg7[%add3A_206, %dma_start3A_238] : memref<64x80xi32, #tpu.memory_space<vmem>> -> memref<1x80xi32, #tpu.memory_space<vmem>>
        %dma_start3A_240 = tpu.memref_squeeze %dma_start3A_239 : memref<1x80xi32, #tpu.memory_space<vmem>> -> memref<80xi32, #tpu.memory_space<vmem>>
        %dma_start3A_241 = arith.constant 0 : i32
        %dma_start3A_242 = tpu.memref_slice %arg14[%dma_start3A_241] : memref<10000xf32, #tpu.memory_space<vmem_shared>> -> memref<10000xf32, #tpu.memory_space<vmem_shared>>
        tpu.enqueue_indirect_dma source(%arg11 : memref<80xf32, #tpu.memory_space<vmem>>) target(%dma_start3A_242 : memref<10000xf32, #tpu.memory_space<vmem_shared>>) offsets(%dma_start3A_240 : memref<80xi32, #tpu.memory_space<vmem>>) semaphore(%arg21 : memref<!tpu.dma_semaphore, #tpu.memory_space<semaphore_mem>>) {add = true}
      } else {
      }
      %add3A_210 = arith.constant 2 : i32
      %add3A_211 = arith.addi %add3A_191, %add3A_210 : i32
      %lt3A_212 = arith.constant 61 : i32
      %lt3A_213 = arith.cmpi slt, %add3A_211, %lt3A_212 : i32
      %add3A_214 = arith.constant 2 : i32
      %add3A_215 = arith.addi %add3A_191, %add3A_214 : i32
      %convert_element_type3A_216 = arith.extui %lt3A_213 : i1 to i32
      %cond3A_217 = arith.constant 0 : i32
      %cond3A_218 = arith.cmpi ne, %convert_element_type3A_216, %cond3A_217 : i32
      scf.if %cond3A_218 {
        %add3A_219 = arith.constant 2 : i32
        %add3A_220 = arith.addi %add3A_215, %add3A_219 : i32
        %lt3A_221 = arith.constant 61 : i32
        %lt3A_222 = arith.cmpi slt, %add3A_220, %lt3A_221 : i32
        %convert_element_type3A_223 = arith.extui %lt3A_222 : i1 to i32
        %cond3A_224 = arith.constant 0 : i32
        %cond3A_225 = arith.cmpi ne, %convert_element_type3A_223, %cond3A_224 : i32
        scf.if %cond3A_225 {
          %ge3A_243 = arith.constant 1 : i32
          %ge3A_244 = arith.cmpi sge, %add3A_215, %ge3A_243 : i32
          %convert_element_type3A_245 = arith.extui %ge3A_244 : i1 to i32
          %cond3A_246 = arith.constant 0 : i32
          %cond3A_247 = arith.cmpi ne, %convert_element_type3A_245, %cond3A_246 : i32
          scf.if %cond3A_247 {
            %dma_wait3A_256 = arith.constant 0 : i32
            %dma_wait3A_257 = arith.constant 0 : i32
            %dma_wait3A_258 = tpu.memref_slice %arg7[%dma_wait3A_256, %dma_wait3A_257] : memref<64x80xi32, #tpu.memory_space<vmem>> -> memref<1x80xi32, #tpu.memory_space<vmem>>
            %dma_wait3A_259 = tpu.memref_squeeze %dma_wait3A_258 : memref<1x80xi32, #tpu.memory_space<vmem>> -> memref<80xi32, #tpu.memory_space<vmem>>
            %dma_wait3A_260 = arith.constant 0 : i32
            %dma_wait3A_261 = arith.constant 0 : i32
            %dma_wait3A_262 = tpu.memref_slice %arg13[%dma_wait3A_260, %dma_wait3A_261] : memref<10000x128xf32, #tpu.memory_space<vmem_shared>> -> memref<10000x128xf32, #tpu.memory_space<vmem_shared>>
            tpu.wait_indirect_dma semaphore(%arg19 : memref<!tpu.dma_semaphore, #tpu.memory_space<semaphore_mem>>) src(%arg9 : memref<80x128xf32, #tpu.memory_space<vmem>>) dst(%dma_wait3A_262 : memref<10000x128xf32, #tpu.memory_space<vmem_shared>>)
          } else {
          }
          %add3A_248 = arith.constant 2 : i32
          %add3A_249 = arith.addi %add3A_215, %add3A_248 : i32
          %dma_start3A_250 = arith.constant 0 : i32
          %dma_start3A_251 = tpu.memref_slice %arg6[%add3A_249, %dma_start3A_250] : memref<64x80xi32, #tpu.memory_space<vmem>> -> memref<1x80xi32, #tpu.memory_space<vmem>>
          %dma_start3A_252 = tpu.memref_squeeze %dma_start3A_251 : memref<1x80xi32, #tpu.memory_space<vmem>> -> memref<80xi32, #tpu.memory_space<vmem>>
          %dma_start3A_253 = arith.constant 0 : i32
          %dma_start3A_254 = arith.constant 0 : i32
          %dma_start3A_255 = tpu.memref_slice %arg2[%dma_start3A_253, %dma_start3A_254] : memref<10000x128xf32, #tpu.memory_space<hbm>> -> memref<10000x128xf32, #tpu.memory_space<hbm>>
          tpu.enqueue_indirect_dma source(%dma_start3A_255 : memref<10000x128xf32, #tpu.memory_space<hbm>>) target(%arg9 : memref<80x128xf32, #tpu.memory_space<vmem>>) offsets(%dma_start3A_252 : memref<80xi32, #tpu.memory_space<vmem>>) semaphore(%arg16 : memref<!tpu.dma_semaphore, #tpu.memory_space<semaphore_mem>>)
        } else {
        }
        %dma_wait3A_226 = arith.constant 0 : i32
        %dma_wait3A_227 = tpu.memref_slice %arg6[%add3A_215, %dma_wait3A_226] : memref<64x80xi32, #tpu.memory_space<vmem>> -> memref<1x80xi32, #tpu.memory_space<vmem>>
        %dma_wait3A_228 = tpu.memref_squeeze %dma_wait3A_227 : memref<1x80xi32, #tpu.memory_space<vmem>> -> memref<80xi32, #tpu.memory_space<vmem>>
        %dma_wait3A_229 = arith.constant 0 : i32
        %dma_wait3A_230 = arith.constant 0 : i32
        %dma_wait3A_231 = tpu.memref_slice %arg2[%dma_wait3A_229, %dma_wait3A_230] : memref<10000x128xf32, #tpu.memory_space<hbm>> -> memref<10000x128xf32, #tpu.memory_space<hbm>>
        tpu.wait_indirect_dma semaphore(%arg17 : memref<!tpu.dma_semaphore, #tpu.memory_space<semaphore_mem>>) src(%dma_wait3A_231 : memref<10000x128xf32, #tpu.memory_space<hbm>>) dst(%arg10 : memref<80x128xf32, #tpu.memory_space<vmem>>)
        %dma_start3A_232 = arith.constant 0 : i32
        %dma_start3A_233 = tpu.memref_slice %arg7[%add3A_215, %dma_start3A_232] : memref<64x80xi32, #tpu.memory_space<vmem>> -> memref<1x80xi32, #tpu.memory_space<vmem>>
        %dma_start3A_234 = tpu.memref_squeeze %dma_start3A_233 : memref<1x80xi32, #tpu.memory_space<vmem>> -> memref<80xi32, #tpu.memory_space<vmem>>
        %dma_start3A_235 = arith.constant 0 : i32
        %dma_start3A_236 = arith.constant 0 : i32
        %dma_start3A_237 = tpu.memref_slice %arg13[%dma_start3A_235, %dma_start3A_236] : memref<10000x128xf32, #tpu.memory_space<vmem_shared>> -> memref<10000x128xf32, #tpu.memory_space<vmem_shared>>
        tpu.enqueue_indirect_dma source(%arg10 : memref<80x128xf32, #tpu.memory_space<vmem>>) target(%dma_start3A_237 : memref<10000x128xf32, #tpu.memory_space<vmem_shared>>) offsets(%dma_start3A_234 : memref<80xi32, #tpu.memory_space<vmem>>) semaphore(%arg20 : memref<!tpu.dma_semaphore, #tpu.memory_space<semaphore_mem>>) {add = true}
        %dma_start3A_238 = arith.constant 0 : i32
        %dma_start3A_239 = tpu.memref_slice %arg7[%add3A_215, %dma_start3A_238] : memref<64x80xi32, #tpu.memory_space<vmem>> -> memref<1x80xi32, #tpu.memory_space<vmem>>
        %dma_start3A_240 = tpu.memref_squeeze %dma_start3A_239 : memref<1x80xi32, #tpu.memory_space<vmem>> -> memref<80xi32, #tpu.memory_space<vmem>>
        %dma_start3A_241 = arith.constant 0 : i32
        %dma_start3A_242 = tpu.memref_slice %arg14[%dma_start3A_241] : memref<10000xf32, #tpu.memory_space<vmem_shared>> -> memref<10000xf32, #tpu.memory_space<vmem_shared>>
        tpu.enqueue_indirect_dma source(%arg11 : memref<80xf32, #tpu.memory_space<vmem>>) target(%dma_start3A_242 : memref<10000xf32, #tpu.memory_space<vmem_shared>>) offsets(%dma_start3A_240 : memref<80xi32, #tpu.memory_space<vmem>>) semaphore(%arg21 : memref<!tpu.dma_semaphore, #tpu.memory_space<semaphore_mem>>) {add = true}
      } else {
      }
    }
    %scan3A_142 = arith.constant 21 : i32
    %dma_wait3A_143 = arith.constant 0 : i32
    %dma_wait3A_144 = arith.constant 0 : i32
    %dma_wait3A_145 = tpu.memref_slice %arg7[%dma_wait3A_143, %dma_wait3A_144] : memref<64x80xi32, #tpu.memory_space<vmem>> -> memref<1x80xi32, #tpu.memory_space<vmem>>
    %dma_wait3A_146 = tpu.memref_squeeze %dma_wait3A_145 : memref<1x80xi32, #tpu.memory_space<vmem>> -> memref<80xi32, #tpu.memory_space<vmem>>
    %dma_wait3A_147 = arith.constant 0 : i32
    %dma_wait3A_148 = arith.constant 0 : i32
    %dma_wait3A_149 = tpu.memref_slice %arg13[%dma_wait3A_147, %dma_wait3A_148] : memref<10000x128xf32, #tpu.memory_space<vmem_shared>> -> memref<10000x128xf32, #tpu.memory_space<vmem_shared>>
    tpu.wait_indirect_dma semaphore(%arg18 : memref<!tpu.dma_semaphore, #tpu.memory_space<semaphore_mem>>) src(%arg8 : memref<80x128xf32, #tpu.memory_space<vmem>>) dst(%dma_wait3A_149 : memref<10000x128xf32, #tpu.memory_space<vmem_shared>>)
    %dma_wait3A_150 = arith.constant 0 : i32
    %dma_wait3A_151 = arith.constant 0 : i32
    %dma_wait3A_152 = tpu.memref_slice %arg7[%dma_wait3A_150, %dma_wait3A_151] : memref<64x80xi32, #tpu.memory_space<vmem>> -> memref<1x80xi32, #tpu.memory_space<vmem>>
    %dma_wait3A_153 = tpu.memref_squeeze %dma_wait3A_152 : memref<1x80xi32, #tpu.memory_space<vmem>> -> memref<80xi32, #tpu.memory_space<vmem>>
    %dma_wait3A_154 = arith.constant 0 : i32
    %dma_wait3A_155 = arith.constant 0 : i32
    %dma_wait3A_156 = tpu.memref_slice %arg13[%dma_wait3A_154, %dma_wait3A_155] : memref<10000x128xf32, #tpu.memory_space<vmem_shared>> -> memref<10000x128xf32, #tpu.memory_space<vmem_shared>>
    tpu.wait_indirect_dma semaphore(%arg19 : memref<!tpu.dma_semaphore, #tpu.memory_space<semaphore_mem>>) src(%arg9 : memref<80x128xf32, #tpu.memory_space<vmem>>) dst(%dma_wait3A_156 : memref<10000x128xf32, #tpu.memory_space<vmem_shared>>)
    %dma_wait3A_157 = arith.constant 0 : i32
    %dma_wait3A_158 = arith.constant 0 : i32
    %dma_wait3A_159 = tpu.memref_slice %arg7[%dma_wait3A_157, %dma_wait3A_158] : memref<64x80xi32, #tpu.memory_space<vmem>> -> memref<1x80xi32, #tpu.memory_space<vmem>>
    %dma_wait3A_160 = tpu.memref_squeeze %dma_wait3A_159 : memref<1x80xi32, #tpu.memory_space<vmem>> -> memref<80xi32, #tpu.memory_space<vmem>>
    %dma_wait3A_161 = arith.constant 0 : i32
    %dma_wait3A_162 = arith.constant 0 : i32
    %dma_wait3A_163 = tpu.memref_slice %arg13[%dma_wait3A_161, %dma_wait3A_162] : memref<10000x128xf32, #tpu.memory_space<vmem_shared>> -> memref<10000x128xf32, #tpu.memory_space<vmem_shared>>
    tpu.wait_indirect_dma semaphore(%arg20 : memref<!tpu.dma_semaphore, #tpu.memory_space<semaphore_mem>>) src(%arg10 : memref<80x128xf32, #tpu.memory_space<vmem>>) dst(%dma_wait3A_163 : memref<10000x128xf32, #tpu.memory_space<vmem_shared>>)
    %scan3A_164 = arith.constant 0 : i32
    %scan3A_165 = arith.constant 0 : i32
    %scan3A_166 = arith.constant 61 : i32
    %scan3A_167 = arith.addi %scan3A_165, %scan3A_166 : i32
    %scan3A_168 = arith.constant 1 : i32
    %scan3A_169 = scf.for %scan3A_187 = %scan3A_165 to %scan3A_167 step %scan3A_168 iter_args(%scan3A_188 = %scan3A_164) -> (i32)  : i32 {
      %dma_wait3A_189 = arith.constant 0 : i32
      %dma_wait3A_190 = arith.constant 0 : i32
      %dma_wait3A_191 = tpu.memref_slice %arg7[%dma_wait3A_189, %dma_wait3A_190] : memref<64x80xi32, #tpu.memory_space<vmem>> -> memref<1x80xi32, #tpu.memory_space<vmem>>
      %dma_wait3A_192 = tpu.memref_squeeze %dma_wait3A_191 : memref<1x80xi32, #tpu.memory_space<vmem>> -> memref<80xi32, #tpu.memory_space<vmem>>
      %dma_wait3A_193 = arith.constant 0 : i32
      %dma_wait3A_194 = tpu.memref_slice %arg14[%dma_wait3A_193] : memref<10000xf32, #tpu.memory_space<vmem_shared>> -> memref<10000xf32, #tpu.memory_space<vmem_shared>>
      tpu.wait_indirect_dma semaphore(%arg21 : memref<!tpu.dma_semaphore, #tpu.memory_space<semaphore_mem>>) src(%arg11 : memref<80xf32, #tpu.memory_space<vmem>>) dst(%dma_wait3A_194 : memref<10000xf32, #tpu.memory_space<vmem_shared>>)
      %scan3A_195 = arith.constant 0 : i32
      scf.yield %scan3A_195 : i32
    }
    %scan3A_170 = arith.constant 61 : i32
    %barrier3A_171 = arith.constant 0 : index
    tpu.barrier barrier_id(%barrier3A_171)
    %lt3A_172 = arith.constant 15 : i32
    %lt3A_173 = arith.cmpi slt, %arg1, %lt3A_172 : i32
    %convert_element_type3A_174 = arith.extui %lt3A_173 : i1 to i32
    %cond3A_175 = arith.constant 0 : i32
    %cond3A_176 = arith.cmpi ne, %convert_element_type3A_174, %cond3A_175 : i32
    scf.if %cond3A_176 {
      "tpu.region"() ({
        %run_scoped3A_187 = tpu.sem_alloc : memref<!tpu.dma_semaphore, #tpu.memory_space<semaphore_mem>>
        %dma_start3A_188 = arith.constant 0 : i32
        %dma_start3A_189 = tpu.memref_slice %arg4[%arg0, %mul3A_49, %dma_start3A_188] : memref<2x10000x128xf32, #tpu.memory_space<hbm>> -> memref<1x632x128xf32, #tpu.memory_space<hbm>>
        %dma_start3A_190 = tpu.memref_squeeze %dma_start3A_189 : memref<1x632x128xf32, #tpu.memory_space<hbm>> -> memref<632x128xf32, #tpu.memory_space<hbm>>
        %dma_start3A_191 = arith.constant 0 : i32
        %dma_start3A_192 = tpu.memref_slice %arg13[%mul3A_49, %dma_start3A_191] : memref<10000x128xf32, #tpu.memory_space<vmem_shared>> -> memref<632x128xf32, #tpu.memory_space<vmem_shared>>
        tpu.enqueue_dma source(%dma_start3A_192 : memref<632x128xf32, #tpu.memory_space<vmem_shared>>) target(%dma_start3A_190 : memref<632x128xf32, #tpu.memory_space<hbm>>) target_semaphore(%run_scoped3A_187 : memref<!tpu.dma_semaphore, #tpu.memory_space<semaphore_mem>>)
        %dma_wait3A_193 = arith.constant 0 : i32
        %dma_wait3A_194 = tpu.memref_slice %arg4[%arg0, %mul3A_49, %dma_wait3A_193] : memref<2x10000x128xf32, #tpu.memory_space<hbm>> -> memref<1x632x128xf32, #tpu.memory_space<hbm>>
        %dma_wait3A_195 = tpu.memref_squeeze %dma_wait3A_194 : memref<1x632x128xf32, #tpu.memory_space<hbm>> -> memref<632x128xf32, #tpu.memory_space<hbm>>
        %dma_wait3A_196 = arith.constant 0 : i32
        %dma_wait3A_197 = tpu.memref_slice %arg13[%mul3A_49, %dma_wait3A_196] : memref<10000x128xf32, #tpu.memory_space<vmem_shared>> -> memref<632x128xf32, #tpu.memory_space<vmem_shared>>
        tpu.wait_dma2 semaphore(%run_scoped3A_187 : memref<!tpu.dma_semaphore, #tpu.memory_space<semaphore_mem>>) src(%dma_wait3A_197 : memref<632x128xf32, #tpu.memory_space<vmem_shared>>) dst(%dma_wait3A_195 : memref<632x128xf32, #tpu.memory_space<hbm>>)
        tpu.yield
      }) : () -> ()
    } else {
    }
    %ge3A_177 = arith.constant 15 : i32
    %ge3A_178 = arith.cmpi sge, %arg1, %ge3A_177 : i32
    %convert_element_type3A_179 = arith.extui %ge3A_178 : i1 to i32
    %cond3A_180 = arith.constant 0 : i32
    %cond3A_181 = arith.cmpi ne, %convert_element_type3A_179, %cond3A_180 : i32
    scf.if %cond3A_181 {
      "tpu.region"() ({
        %run_scoped3A_187 = tpu.sem_alloc : memref<!tpu.dma_semaphore, #tpu.memory_space<semaphore_mem>>
        %dma_start3A_188 = arith.constant 0 : i32
        %dma_start3A_189 = tpu.memref_slice %arg4[%arg0, %mul3A_49, %dma_start3A_188] : memref<2x10000x128xf32, #tpu.memory_space<hbm>> -> memref<1x520x128xf32, #tpu.memory_space<hbm>>
        %dma_start3A_190 = tpu.memref_squeeze %dma_start3A_189 : memref<1x520x128xf32, #tpu.memory_space<hbm>> -> memref<520x128xf32, #tpu.memory_space<hbm>>
        %dma_start3A_191 = arith.constant 0 : i32
        %dma_start3A_192 = tpu.memref_slice %arg13[%mul3A_49, %dma_start3A_191] : memref<10000x128xf32, #tpu.memory_space<vmem_shared>> -> memref<520x128xf32, #tpu.memory_space<vmem_shared>>
        tpu.enqueue_dma source(%dma_start3A_192 : memref<520x128xf32, #tpu.memory_space<vmem_shared>>) target(%dma_start3A_190 : memref<520x128xf32, #tpu.memory_space<hbm>>) target_semaphore(%run_scoped3A_187 : memref<!tpu.dma_semaphore, #tpu.memory_space<semaphore_mem>>)
        %dma_wait3A_193 = arith.constant 0 : i32
        %dma_wait3A_194 = tpu.memref_slice %arg4[%arg0, %mul3A_49, %dma_wait3A_193] : memref<2x10000x128xf32, #tpu.memory_space<hbm>> -> memref<1x520x128xf32, #tpu.memory_space<hbm>>
        %dma_wait3A_195 = tpu.memref_squeeze %dma_wait3A_194 : memref<1x520x128xf32, #tpu.memory_space<hbm>> -> memref<520x128xf32, #tpu.memory_space<hbm>>
        %dma_wait3A_196 = arith.constant 0 : i32
        %dma_wait3A_197 = tpu.memref_slice %arg13[%mul3A_49, %dma_wait3A_196] : memref<10000x128xf32, #tpu.memory_space<vmem_shared>> -> memref<520x128xf32, #tpu.memory_space<vmem_shared>>
        tpu.wait_dma2 semaphore(%run_scoped3A_187 : memref<!tpu.dma_semaphore, #tpu.memory_space<semaphore_mem>>) src(%dma_wait3A_197 : memref<520x128xf32, #tpu.memory_space<vmem_shared>>) dst(%dma_wait3A_195 : memref<520x128xf32, #tpu.memory_space<hbm>>)
        tpu.yield
      }) : () -> ()
    } else {
    }
    %lt3A_182 = arith.constant 10 : i32
    %lt3A_183 = arith.cmpi slt, %arg1, %lt3A_182 : i32
    %convert_element_type3A_184 = arith.extui %lt3A_183 : i1 to i32
    %cond3A_185 = arith.constant 0 : i32
    %cond3A_186 = arith.cmpi ne, %convert_element_type3A_184, %cond3A_185 : i32
    scf.if %cond3A_186 {
      %mul3A_187 = arith.constant 1000 : i32
      %mul3A_188 = arith.muli %arg1, %mul3A_187 : i32
      "tpu.region"() ({
        %run_scoped3A_228 = tpu.sem_alloc : memref<!tpu.dma_semaphore, #tpu.memory_space<semaphore_mem>>
        %dma_start3A_229 = tpu.memref_slice %arg14[%mul3A_188] : memref<10000xf32, #tpu.memory_space<vmem_shared>> -> memref<1000xf32, #tpu.memory_space<vmem_shared>>
        %dma_start3A_230 = tpu.memref_slice %arg14[%mul3A_188] : memref<10000xf32, #tpu.memory_space<vmem_shared>> -> memref<1000xf32, #tpu.memory_space<vmem_shared>>
        tpu.enqueue_dma source(%dma_start3A_230 : memref<1000xf32, #tpu.memory_space<vmem_shared>>) target(%arg12 : memref<1000xf32, #tpu.memory_space<vmem>>) target_semaphore(%run_scoped3A_228 : memref<!tpu.dma_semaphore, #tpu.memory_space<semaphore_mem>>)
        %dma_wait3A_231 = tpu.memref_slice %arg14[%mul3A_188] : memref<10000xf32, #tpu.memory_space<vmem_shared>> -> memref<1000xf32, #tpu.memory_space<vmem_shared>>
        %dma_wait3A_232 = tpu.memref_slice %arg14[%mul3A_188] : memref<10000xf32, #tpu.memory_space<vmem_shared>> -> memref<1000xf32, #tpu.memory_space<vmem_shared>>
        tpu.wait_dma2 semaphore(%run_scoped3A_228 : memref<!tpu.dma_semaphore, #tpu.memory_space<semaphore_mem>>) src(%dma_wait3A_232 : memref<1000xf32, #tpu.memory_space<vmem_shared>>) dst(%arg12 : memref<1000xf32, #tpu.memory_space<vmem>>)
        tpu.yield
      }) : () -> ()
      %jit3A = arith.constant 2 : i32
      %div3A = arith.divsi %arg1, %jit3A : i32
      %sign3A = arith.constant 0 : i32
      %sign3A_189 = arith.cmpi sgt, %arg1, %sign3A : i32
      %sign3A_190 = arith.extui %sign3A_189 : i1 to i32
      %sign3A_191 = arith.constant 0 : i32
      %sign3A_192 = arith.cmpi slt, %arg1, %sign3A_191 : i32
      %sign3A_193 = arith.extui %sign3A_192 : i1 to i32
      %sign3A_194 = arith.subi %sign3A_190, %sign3A_193 : i32
      %sign3A_195 = arith.constant 0 : i32
      %sign3A_196 = arith.cmpi sgt, %jit3A, %sign3A_195 : i32
      %sign3A_197 = arith.extui %sign3A_196 : i1 to i32
      %sign3A_198 = arith.constant 0 : i32
      %sign3A_199 = arith.cmpi slt, %jit3A, %sign3A_198 : i32
      %sign3A_200 = arith.extui %sign3A_199 : i1 to i32
      %sign3A_201 = arith.subi %sign3A_197, %sign3A_200 : i32
      %ne3A = arith.cmpi ne, %sign3A_194, %sign3A_201 : i32
      %rem3A = arith.remsi %arg1, %jit3A : i32
      %ne3A_202 = arith.constant 0 : i32
      %ne3A_203 = arith.cmpi ne, %rem3A, %ne3A_202 : i32
      %and3A = arith.andi %ne3A, %ne3A_203 : i1
      %sub3A = arith.constant 1 : i32
      %sub3A_204 = arith.subi %div3A, %sub3A : i32
      %select_n3A = arith.select %and3A, %sub3A_204, %div3A : i32
      %mul3A_205 = arith.constant 4000 : i32
      %mul3A_206 = arith.muli %mul3A_205, %select_n3A : i32
      %mul3A_207 = arith.constant 2000 : i32
      %mul3A_208 = arith.muli %mul3A_207, %arg0 : i32
      %add3A_209 = arith.addi %mul3A_206, %mul3A_208 : i32
      %jit3A_210 = arith.constant 2 : i32
      %eq3A = arith.constant 0 : i32
      %eq3A_211 = arith.cmpi eq, %jit3A_210, %eq3A : i32
      %jit3A_212 = arith.constant 1 : i32
      %select_n3A_213 = arith.select %eq3A_211, %jit3A_212, %jit3A_210 : i32
      %rem3A_214 = arith.remsi %arg1, %select_n3A_213 : i32
      %ne3A_215 = arith.constant 0 : i32
      %ne3A_216 = arith.cmpi ne, %rem3A_214, %ne3A_215 : i32
      %lt3A_217 = arith.constant 0 : i32
      %lt3A_218 = arith.cmpi slt, %rem3A_214, %lt3A_217 : i32
      %lt3A_219 = arith.constant 0 : i32
      %lt3A_220 = arith.cmpi slt, %select_n3A_213, %lt3A_219 : i32
      %ne3A_221 = arith.xori %lt3A_218, %lt3A_220 : i1
      %and3A_222 = arith.andi %ne3A_221, %ne3A_216 : i1
      %add3A_223 = arith.addi %rem3A_214, %select_n3A_213 : i32
      %select_n3A_224 = arith.select %and3A_222, %add3A_223, %rem3A_214 : i32
      %mul3A_225 = arith.constant 1000 : i32
      %mul3A_226 = arith.muli %mul3A_225, %select_n3A_224 : i32
      %add3A_227 = arith.addi %add3A_209, %mul3A_226 : i32
      "tpu.region"() ({
        %run_scoped3A_228 = tpu.sem_alloc : memref<!tpu.dma_semaphore, #tpu.memory_space<semaphore_mem>>
        %dma_start3A_229 = tpu.memref_slice %arg5[%add3A_227] : memref<20000xf32, #tpu.memory_space<hbm>> -> memref<1000xf32, #tpu.memory_space<hbm>>
        %dma_start3A_230 = tpu.memref_slice %arg5[%add3A_227] : memref<20000xf32, #tpu.memory_space<hbm>> -> memref<1000xf32, #tpu.memory_space<hbm>>
        tpu.enqueue_dma source(%arg12 : memref<1000xf32, #tpu.memory_space<vmem>>) target(%dma_start3A_230 : memref<1000xf32, #tpu.memory_space<hbm>>) target_semaphore(%run_scoped3A_228 : memref<!tpu.dma_semaphore, #tpu.memory_space<semaphore_mem>>)
        %dma_wait3A_231 = tpu.memref_slice %arg5[%add3A_227] : memref<20000xf32, #tpu.memory_space<hbm>> -> memref<1000xf32, #tpu.memory_space<hbm>>
        %dma_wait3A_232 = tpu.memref_slice %arg5[%add3A_227] : memref<20000xf32, #tpu.memory_space<hbm>> -> memref<1000xf32, #tpu.memory_space<hbm>>
        tpu.wait_dma2 semaphore(%run_scoped3A_228 : memref<!tpu.dma_semaphore, #tpu.memory_space<semaphore_mem>>) src(%arg12 : memref<1000xf32, #tpu.memory_space<vmem>>) dst(%dma_wait3A_232 : memref<1000xf32, #tpu.memory_space<hbm>>)
        tpu.yield
      }) : () -> ()
    } else {
    }
    return
  }
}

#map = affine_map<(d0, d1) -> (0, 0)>
#map1 = affine_map<(d0, d1) -> (0, 0, 0, 0)>
#map2 = affine_map<(d0, d1) -> (0, 0, 0)>
#map3 = affine_map<(d0, d1) -> (0)>
module attributes {stable_mosaic.version = 14 : i64} {
  func.func @_sage_agg(%arg0: i32, %arg1: i32, %arg2: memref<10000x128xf32, #tpu.memory_space<hbm>>, %arg3: memref<2x32x125x80xi32, #tpu.memory_space<hbm>>, %arg4: memref<2x10000x128xf32, #tpu.memory_space<hbm>>, %arg5: memref<20000xf32, #tpu.memory_space<hbm>>, %arg6: memref<64x80xi32, #tpu.memory_space<vmem>>, %arg7: memref<64x80xi32, #tpu.memory_space<vmem>>, %arg8: memref<80x128xf32, #tpu.memory_space<vmem>>, %arg9: memref<80x128xf32, #tpu.memory_space<vmem>>, %arg10: memref<80x128xf32, #tpu.memory_space<vmem>>, %arg11: memref<80xf32, #tpu.memory_space<vmem>>, %arg12: memref<1000xf32, #tpu.memory_space<vmem>>, %arg13: memref<10000x128xf32, #tpu.memory_space<vmem_shared>>, %arg14: memref<10000xf32, #tpu.memory_space<vmem_shared>>, %arg15: memref<!tpu.dma_semaphore, #tpu.memory_space<semaphore_mem>>, %arg16: memref<!tpu.dma_semaphore, #tpu.memory_space<semaphore_mem>>, %arg17: memref<!tpu.dma_semaphore, #tpu.memory_space<semaphore_mem>>, %arg18: memref<!tpu.dma_semaphore, #tpu.memory_space<semaphore_mem>>, %arg19: memref<!tpu.dma_semaphore, #tpu.memory_space<semaphore_mem>>, %arg20: memref<!tpu.dma_semaphore, #tpu.memory_space<semaphore_mem>>, %arg21: memref<!tpu.dma_semaphore, #tpu.memory_space<semaphore_mem>>) attributes {dimension_semantics = [#tpu.dimension_semantics<core_parallel>, #tpu.dimension_semantics<subcore_parallel>], iteration_bounds = array<i64: 2, 16>, scalar_prefetch = 0 : i64, scratch_operands = 16 : i64, tpu.core_type = #tpu.core_type<sc_vector_subcore>, window_params = [{transform_indices = #map}, {transform_indices = #map1}, {transform_indices = #map2}, {transform_indices = #map3}]} {
    %mul3A = arith.constant 16 : i32
    %mul3A_0 = arith.muli %arg0, %mul3A : i32
    %add3A = arith.addi %mul3A_0, %arg1 : i32
    %broadcast_in_dim3A = arith.constant 0.000000e+00 : f32
    %broadcast_in_dim3A_1 = vector.broadcast %broadcast_in_dim3A : f32 to vector<16xf32>
    %broadcast_in_dim3A_2 = arith.constant 1.000000e+00 : f32
    %broadcast_in_dim3A_3 = vector.broadcast %broadcast_in_dim3A_2 : f32 to vector<16xf32>
    %swap3A = arith.constant 0 : index
    %swap3A_4 = tpu.vector_load %arg11[%swap3A] {strides = array<i32>} : memref<80xf32, #tpu.memory_space<vmem>>, vector<16xf32>,
    %swap3A_5 = vector.shape_cast %swap3A_4 : vector<16xf32> to vector<16xf32>
    %swap3A_6 = vector.shape_cast %broadcast_in_dim3A_3 : vector<16xf32> to vector<16xf32>
    tpu.vector_store %arg11[%swap3A], %swap3A_6 {strides = array<i32>} : memref<80xf32, #tpu.memory_space<vmem>>, vector<16xf32>,
    %broadcast_in_dim3A_7 = arith.constant 1.000000e+00 : f32
    %broadcast_in_dim3A_8 = vector.broadcast %broadcast_in_dim3A_7 : f32 to vector<16xf32>
    %swap3A_9 = arith.constant 16 : index
    %swap3A_10 = tpu.vector_load %arg11[%swap3A_9] {strides = array<i32>} : memref<80xf32, #tpu.memory_space<vmem>>, vector<16xf32>,
    %swap3A_11 = vector.shape_cast %swap3A_10 : vector<16xf32> to vector<16xf32>
    %swap3A_12 = vector.shape_cast %broadcast_in_dim3A_8 : vector<16xf32> to vector<16xf32>
    tpu.vector_store %arg11[%swap3A_9], %swap3A_12 {strides = array<i32>} : memref<80xf32, #tpu.memory_space<vmem>>, vector<16xf32>,
    %broadcast_in_dim3A_13 = arith.constant 1.000000e+00 : f32
    %broadcast_in_dim3A_14 = vector.broadcast %broadcast_in_dim3A_13 : f32 to vector<16xf32>
    %swap3A_15 = arith.constant 32 : index
    %swap3A_16 = tpu.vector_load %arg11[%swap3A_15] {strides = array<i32>} : memref<80xf32, #tpu.memory_space<vmem>>, vector<16xf32>,
    %swap3A_17 = vector.shape_cast %swap3A_16 : vector<16xf32> to vector<16xf32>
    %swap3A_18 = vector.shape_cast %broadcast_in_dim3A_14 : vector<16xf32> to vector<16xf32>
    tpu.vector_store %arg11[%swap3A_15], %swap3A_18 {strides = array<i32>} : memref<80xf32, #tpu.memory_space<vmem>>, vector<16xf32>,
    %broadcast_in_dim3A_19 = arith.constant 1.000000e+00 : f32
    %broadcast_in_dim3A_20 = vector.broadcast %broadcast_in_dim3A_19 : f32 to vector<16xf32>
    %swap3A_21 = arith.constant 48 : index
    %swap3A_22 = tpu.vector_load %arg11[%swap3A_21] {strides = array<i32>} : memref<80xf32, #tpu.memory_space<vmem>>, vector<16xf32>,
    %swap3A_23 = vector.shape_cast %swap3A_22 : vector<16xf32> to vector<16xf32>
    %swap3A_24 = vector.shape_cast %broadcast_in_dim3A_20 : vector<16xf32> to vector<16xf32>
    tpu.vector_store %arg11[%swap3A_21], %swap3A_24 {strides = array<i32>} : memref<80xf32, #tpu.memory_space<vmem>>, vector<16xf32>,
    %broadcast_in_dim3A_25 = arith.constant 1.000000e+00 : f32
    %broadcast_in_dim3A_26 = vector.broadcast %broadcast_in_dim3A_25 : f32 to vector<16xf32>
    %swap3A_27 = arith.constant 64 : index
    %swap3A_28 = tpu.vector_load %arg11[%swap3A_27] {strides = array<i32>} : memref<80xf32, #tpu.memory_space<vmem>>, vector<16xf32>,
    %swap3A_29 = vector.shape_cast %swap3A_28 : vector<16xf32> to vector<16xf32>
    %swap3A_30 = vector.shape_cast %broadcast_in_dim3A_26 : vector<16xf32> to vector<16xf32>
    tpu.vector_store %arg11[%swap3A_27], %swap3A_30 {strides = array<i32>} : memref<80xf32, #tpu.memory_space<vmem>>, vector<16xf32>,
    %scan3A = arith.constant 0 : i32
    %scan3A_31 = arith.constant 0 : i32
    %scan3A_32 = arith.constant 640 : i32
    %scan3A_33 = arith.addi %scan3A_31, %scan3A_32 : i32
    %scan3A_34 = arith.constant 1 : i32
    %scan3A_35 = scf.for %scan3A_187 = %scan3A_31 to %scan3A_33 step %scan3A_34 iter_args(%scan3A_188 = %scan3A) -> (i32)  : i32 {
      %jit3A = arith.constant 8 : i32
      %div3A = arith.divsi %scan3A_187, %jit3A : i32
      %sign3A = arith.constant 0 : i32
      %sign3A_189 = arith.cmpi sgt, %scan3A_187, %sign3A : i32
      %sign3A_190 = arith.extui %sign3A_189 : i1 to i32
      %sign3A_191 = arith.constant 0 : i32
      %sign3A_192 = arith.cmpi slt, %scan3A_187, %sign3A_191 : i32
      %sign3A_193 = arith.extui %sign3A_192 : i1 to i32
      %sign3A_194 = arith.subi %sign3A_190, %sign3A_193 : i32
      %sign3A_195 = arith.constant 0 : i32
      %sign3A_196 = arith.cmpi sgt, %jit3A, %sign3A_195 : i32
      %sign3A_197 = arith.extui %sign3A_196 : i1 to i32
      %sign3A_198 = arith.constant 0 : i32
      %sign3A_199 = arith.cmpi slt, %jit3A, %sign3A_198 : i32
      %sign3A_200 = arith.extui %sign3A_199 : i1 to i32
      %sign3A_201 = arith.subi %sign3A_197, %sign3A_200 : i32
      %ne3A = arith.cmpi ne, %sign3A_194, %sign3A_201 : i32
      %rem3A = arith.remsi %scan3A_187, %jit3A : i32
      %ne3A_202 = arith.constant 0 : i32
      %ne3A_203 = arith.cmpi ne, %rem3A, %ne3A_202 : i32
      %and3A = arith.andi %ne3A, %ne3A_203 : i1
      %sub3A = arith.constant 1 : i32
      %sub3A_204 = arith.subi %div3A, %sub3A : i32
      %select_n3A = arith.select %and3A, %sub3A_204, %div3A : i32
      %jit3A_205 = arith.constant 8 : i32
      %eq3A = arith.constant 0 : i32
      %eq3A_206 = arith.cmpi eq, %jit3A_205, %eq3A : i32
      %jit3A_207 = arith.constant 1 : i32
      %select_n3A_208 = arith.select %eq3A_206, %jit3A_207, %jit3A_205 : i32
      %rem3A_209 = arith.remsi %scan3A_187, %select_n3A_208 : i32
      %ne3A_210 = arith.constant 0 : i32
      %ne3A_211 = arith.cmpi ne, %rem3A_209, %ne3A_210 : i32
      %lt3A_212 = arith.constant 0 : i32
      %lt3A_213 = arith.cmpi slt, %rem3A_209, %lt3A_212 : i32
      %lt3A_214 = arith.constant 0 : i32
      %lt3A_215 = arith.cmpi slt, %select_n3A_208, %lt3A_214 : i32
      %ne3A_216 = arith.xori %lt3A_213, %lt3A_215 : i1
      %and3A_217 = arith.andi %ne3A_216, %ne3A_211 : i1
      %add3A_218 = arith.addi %rem3A_209, %select_n3A_208 : i32
      %select_n3A_219 = arith.select %and3A_217, %add3A_218, %rem3A_209 : i32
      %mul3A_220 = arith.constant 16 : i32
      %mul3A_221 = arith.muli %select_n3A_219, %mul3A_220 : i32
      %swap3A_222 = arith.index_cast %select_n3A : i32 to index
      %swap3A_223 = arith.index_cast %mul3A_221 : i32 to index
      %swap3A_224 = tpu.vector_load %arg10[%swap3A_222, %swap3A_223] {strides = array<i32>} : memref<80x128xf32, #tpu.memory_space<vmem>>, vector<1x16xf32>,
      %swap3A_225 = vector.shape_cast %swap3A_224 : vector<1x16xf32> to vector<16xf32>
      %swap3A_226 = vector.shape_cast %broadcast_in_dim3A_1 : vector<16xf32> to vector<1x16xf32>
      tpu.vector_store %arg10[%swap3A_222, %swap3A_223], %swap3A_226 {strides = array<i32>} : memref<80x128xf32, #tpu.memory_space<vmem>>, vector<1x16xf32>,
      %scan3A_227 = arith.constant 0 : i32
      scf.yield %scan3A_227 : i32
    }
    %scan3A_36 = arith.constant 640 : i32
    %scan3A_37 = arith.constant 0 : i32
    %scan3A_38 = arith.constant 0 : i32
    %scan3A_39 = arith.constant 62 : i32
    %scan3A_40 = arith.addi %scan3A_38, %scan3A_39 : i32
    %scan3A_41 = arith.constant 1 : i32
    %scan3A_42 = scf.for %scan3A_187 = %scan3A_38 to %scan3A_40 step %scan3A_41 iter_args(%scan3A_188 = %scan3A_37) -> (i32)  : i32 {
      %mul3A_189 = arith.constant 16 : i32
      %mul3A_190 = arith.muli %scan3A_187, %mul3A_189 : i32
      %swap3A_191 = arith.index_cast %mul3A_190 : i32 to index
      %swap3A_192 = tpu.vector_load %arg12[%swap3A_191] {strides = array<i32>} : memref<1000xf32, #tpu.memory_space<vmem>>, vector<16xf32>,
      %swap3A_193 = vector.shape_cast %swap3A_192 : vector<16xf32> to vector<16xf32>
      %swap3A_194 = vector.shape_cast %broadcast_in_dim3A_1 : vector<16xf32> to vector<16xf32>
      tpu.vector_store %arg12[%swap3A_191], %swap3A_194 {strides = array<i32>} : memref<1000xf32, #tpu.memory_space<vmem>>, vector<16xf32>,
      %scan3A_195 = arith.constant 0 : i32
      scf.yield %scan3A_195 : i32
    }
    %scan3A_43 = arith.constant 62 : i32
    %swap3A_44 = arith.constant 984 : index
    %swap3A_45 = tpu.vector_load %arg12[%swap3A_44] {strides = array<i32>} : memref<1000xf32, #tpu.memory_space<vmem>>, vector<16xf32>,
    %swap3A_46 = vector.shape_cast %swap3A_45 : vector<16xf32> to vector<16xf32>
    %swap3A_47 = vector.shape_cast %broadcast_in_dim3A_1 : vector<16xf32> to vector<16xf32>
    tpu.vector_store %arg12[%swap3A_44], %swap3A_47 {strides = array<i32>} : memref<1000xf32, #tpu.memory_space<vmem>>, vector<16xf32>,
    %mul3A_48 = arith.constant 632 : i32
    %mul3A_49 = arith.muli %arg1, %mul3A_48 : i32
    %lt3A = arith.constant 10 : i32
    %lt3A_50 = arith.cmpi slt, %arg1, %lt3A : i32
    %convert_element_type3A = arith.extui %lt3A_50 : i1 to i32
    %cond3A = arith.constant 0 : i32
    %cond3A_51 = arith.cmpi ne, %convert_element_type3A, %cond3A : i32
    scf.if %cond3A_51 {
      %mul3A_187 = arith.constant 1000 : i32
      %mul3A_188 = arith.muli %arg1, %mul3A_187 : i32
      %dma_start3A_189 = tpu.memref_slice %arg14[%mul3A_188] : memref<10000xf32, #tpu.memory_space<vmem_shared>> -> memref<1000xf32, #tpu.memory_space<vmem_shared>>
      %dma_start3A_190 = tpu.memref_slice %arg14[%mul3A_188] : memref<10000xf32, #tpu.memory_space<vmem_shared>> -> memref<1000xf32, #tpu.memory_space<vmem_shared>>
      tpu.enqueue_dma source(%arg12 : memref<1000xf32, #tpu.memory_space<vmem>>) target(%dma_start3A_190 : memref<1000xf32, #tpu.memory_space<vmem_shared>>) target_semaphore(%arg19 : memref<!tpu.dma_semaphore, #tpu.memory_space<semaphore_mem>>)
    } else {
    }
    %lt3A_52 = arith.constant 15 : i32
    %lt3A_53 = arith.cmpi slt, %arg1, %lt3A_52 : i32
    %convert_element_type3A_54 = arith.extui %lt3A_53 : i1 to i32
    %cond3A_55 = arith.constant 0 : i32
    %cond3A_56 = arith.cmpi ne, %convert_element_type3A_54, %cond3A_55 : i32
    scf.if %cond3A_56 {
      %add3A_187 = arith.constant 0 : i32
      %add3A_188 = arith.addi %mul3A_49, %add3A_187 : i32
      %dma_start3A_189 = arith.constant 0 : i32
      %dma_start3A_190 = tpu.memref_slice %arg13[%add3A_188, %dma_start3A_189] : memref<10000x128xf32, #tpu.memory_space<vmem_shared>> -> memref<80x128xf32, #tpu.memory_space<vmem_shared>>
      %dma_start3A_191 = arith.constant 0 : i32
      %dma_start3A_192 = tpu.memref_slice %arg13[%add3A_188, %dma_start3A_191] : memref<10000x128xf32, #tpu.memory_space<vmem_shared>> -> memref<80x128xf32, #tpu.memory_space<vmem_shared>>
      tpu.enqueue_dma source(%arg10 : memref<80x128xf32, #tpu.memory_space<vmem>>) target(%dma_start3A_192 : memref<80x128xf32, #tpu.memory_space<vmem_shared>>) target_semaphore(%arg18 : memref<!tpu.dma_semaphore, #tpu.memory_space<semaphore_mem>>)
      %add3A_193 = arith.constant 80 : i32
      %add3A_194 = arith.addi %mul3A_49, %add3A_193 : i32
      %dma_start3A_195 = arith.constant 0 : i32
      %dma_start3A_196 = tpu.memref_slice %arg13[%add3A_194, %dma_start3A_195] : memref<10000x128xf32, #tpu.memory_space<vmem_shared>> -> memref<80x128xf32, #tpu.memory_space<vmem_shared>>
      %dma_start3A_197 = arith.constant 0 : i32
      %dma_start3A_198 = tpu.memref_slice %arg13[%add3A_194, %dma_start3A_197] : memref<10000x128xf32, #tpu.memory_space<vmem_shared>> -> memref<80x128xf32, #tpu.memory_space<vmem_shared>>
      tpu.enqueue_dma source(%arg10 : memref<80x128xf32, #tpu.memory_space<vmem>>) target(%dma_start3A_198 : memref<80x128xf32, #tpu.memory_space<vmem_shared>>) target_semaphore(%arg18 : memref<!tpu.dma_semaphore, #tpu.memory_space<semaphore_mem>>)
      %add3A_199 = arith.constant 160 : i32
      %add3A_200 = arith.addi %mul3A_49, %add3A_199 : i32
      %dma_start3A_201 = arith.constant 0 : i32
      %dma_start3A_202 = tpu.memref_slice %arg13[%add3A_200, %dma_start3A_201] : memref<10000x128xf32, #tpu.memory_space<vmem_shared>> -> memref<80x128xf32, #tpu.memory_space<vmem_shared>>
      %dma_start3A_203 = arith.constant 0 : i32
      %dma_start3A_204 = tpu.memref_slice %arg13[%add3A_200, %dma_start3A_203] : memref<10000x128xf32, #tpu.memory_space<vmem_shared>> -> memref<80x128xf32, #tpu.memory_space<vmem_shared>>
      tpu.enqueue_dma source(%arg10 : memref<80x128xf32, #tpu.memory_space<vmem>>) target(%dma_start3A_204 : memref<80x128xf32, #tpu.memory_space<vmem_shared>>) target_semaphore(%arg18 : memref<!tpu.dma_semaphore, #tpu.memory_space<semaphore_mem>>)
      %add3A_205 = arith.constant 240 : i32
      %add3A_206 = arith.addi %mul3A_49, %add3A_205 : i32
      %dma_start3A_207 = arith.constant 0 : i32
      %dma_start3A_208 = tpu.memref_slice %arg13[%add3A_206, %dma_start3A_207] : memref<10000x128xf32, #tpu.memory_space<vmem_shared>> -> memref<80x128xf32, #tpu.memory_space<vmem_shared>>
      %dma_start3A_209 = arith.constant 0 : i32
      %dma_start3A_210 = tpu.memref_slice %arg13[%add3A_206, %dma_start3A_209] : memref<10000x128xf32, #tpu.memory_space<vmem_shared>> -> memref<80x128xf32, #tpu.memory_space<vmem_shared>>
      tpu.enqueue_dma source(%arg10 : memref<80x128xf32, #tpu.memory_space<vmem>>) target(%dma_start3A_210 : memref<80x128xf32, #tpu.memory_space<vmem_shared>>) target_semaphore(%arg18 : memref<!tpu.dma_semaphore, #tpu.memory_space<semaphore_mem>>)
      %add3A_211 = arith.constant 320 : i32
      %add3A_212 = arith.addi %mul3A_49, %add3A_211 : i32
      %dma_start3A_213 = arith.constant 0 : i32
      %dma_start3A_214 = tpu.memref_slice %arg13[%add3A_212, %dma_start3A_213] : memref<10000x128xf32, #tpu.memory_space<vmem_shared>> -> memref<80x128xf32, #tpu.memory_space<vmem_shared>>
      %dma_start3A_215 = arith.constant 0 : i32
      %dma_start3A_216 = tpu.memref_slice %arg13[%add3A_212, %dma_start3A_215] : memref<10000x128xf32, #tpu.memory_space<vmem_shared>> -> memref<80x128xf32, #tpu.memory_space<vmem_shared>>
      tpu.enqueue_dma source(%arg10 : memref<80x128xf32, #tpu.memory_space<vmem>>) target(%dma_start3A_216 : memref<80x128xf32, #tpu.memory_space<vmem_shared>>) target_semaphore(%arg18 : memref<!tpu.dma_semaphore, #tpu.memory_space<semaphore_mem>>)
      %add3A_217 = arith.constant 400 : i32
      %add3A_218 = arith.addi %mul3A_49, %add3A_217 : i32
      %dma_start3A_219 = arith.constant 0 : i32
      %dma_start3A_220 = tpu.memref_slice %arg13[%add3A_218, %dma_start3A_219] : memref<10000x128xf32, #tpu.memory_space<vmem_shared>> -> memref<80x128xf32, #tpu.memory_space<vmem_shared>>
      %dma_start3A_221 = arith.constant 0 : i32
      %dma_start3A_222 = tpu.memref_slice %arg13[%add3A_218, %dma_start3A_221] : memref<10000x128xf32, #tpu.memory_space<vmem_shared>> -> memref<80x128xf32, #tpu.memory_space<vmem_shared>>
      tpu.enqueue_dma source(%arg10 : memref<80x128xf32, #tpu.memory_space<vmem>>) target(%dma_start3A_222 : memref<80x128xf32, #tpu.memory_space<vmem_shared>>) target_semaphore(%arg18 : memref<!tpu.dma_semaphore, #tpu.memory_space<semaphore_mem>>)
      %add3A_223 = arith.constant 480 : i32
      %add3A_224 = arith.addi %mul3A_49, %add3A_223 : i32
      %dma_start3A_225 = arith.constant 0 : i32
      %dma_start3A_226 = tpu.memref_slice %arg13[%add3A_224, %dma_start3A_225] : memref<10000x128xf32, #tpu.memory_space<vmem_shared>> -> memref<80x128xf32, #tpu.memory_space<vmem_shared>>
      %dma_start3A_227 = arith.constant 0 : i32
      %dma_start3A_228 = tpu.memref_slice %arg13[%add3A_224, %dma_start3A_227] : memref<10000x128xf32, #tpu.memory_space<vmem_shared>> -> memref<80x128xf32, #tpu.memory_space<vmem_shared>>
      tpu.enqueue_dma source(%arg10 : memref<80x128xf32, #tpu.memory_space<vmem>>) target(%dma_start3A_228 : memref<80x128xf32, #tpu.memory_space<vmem_shared>>) target_semaphore(%arg18 : memref<!tpu.dma_semaphore, #tpu.memory_space<semaphore_mem>>)
      %add3A_229 = arith.constant 632 : i32
      %add3A_230 = arith.addi %mul3A_49, %add3A_229 : i32
      %sub3A = arith.constant 72 : i32
      %sub3A_231 = arith.subi %add3A_230, %sub3A : i32
      %dma_start3A_232 = arith.constant 0 : i32
      %dma_start3A_233 = arith.constant 0 : i32
      %dma_start3A_234 = tpu.memref_slice %arg10[%dma_start3A_232, %dma_start3A_233] : memref<80x128xf32, #tpu.memory_space<vmem>> -> memref<72x128xf32, #tpu.memory_space<vmem>>
      %dma_start3A_235 = arith.constant 0 : i32
      %dma_start3A_236 = tpu.memref_slice %arg13[%sub3A_231, %dma_start3A_235] : memref<10000x128xf32, #tpu.memory_space<vmem_shared>> -> memref<72x128xf32, #tpu.memory_space<vmem_shared>>
      %dma_start3A_237 = arith.constant 0 : i32
      %dma_start3A_238 = tpu.memref_slice %arg13[%sub3A_231, %dma_start3A_237] : memref<10000x128xf32, #tpu.memory_space<vmem_shared>> -> memref<72x128xf32, #tpu.memory_space<vmem_shared>>
      %dma_start3A_239 = arith.constant 0 : i32
      %dma_start3A_240 = arith.constant 0 : i32
      %dma_start3A_241 = tpu.memref_slice %arg10[%dma_start3A_239, %dma_start3A_240] : memref<80x128xf32, #tpu.memory_space<vmem>> -> memref<72x128xf32, #tpu.memory_space<vmem>>
      tpu.enqueue_dma source(%dma_start3A_241 : memref<72x128xf32, #tpu.memory_space<vmem>>) target(%dma_start3A_238 : memref<72x128xf32, #tpu.memory_space<vmem_shared>>) target_semaphore(%arg18 : memref<!tpu.dma_semaphore, #tpu.memory_space<semaphore_mem>>)
    } else {
    }
    %ge3A = arith.constant 15 : i32
    %ge3A_57 = arith.cmpi sge, %arg1, %ge3A : i32
    %convert_element_type3A_58 = arith.extui %ge3A_57 : i1 to i32
    %cond3A_59 = arith.constant 0 : i32
    %cond3A_60 = arith.cmpi ne, %convert_element_type3A_58, %cond3A_59 : i32
    scf.if %cond3A_60 {
      %add3A_187 = arith.constant 0 : i32
      %add3A_188 = arith.addi %mul3A_49, %add3A_187 : i32
      %dma_start3A_189 = arith.constant 0 : i32
      %dma_start3A_190 = tpu.memref_slice %arg13[%add3A_188, %dma_start3A_189] : memref<10000x128xf32, #tpu.memory_space<vmem_shared>> -> memref<80x128xf32, #tpu.memory_space<vmem_shared>>
      %dma_start3A_191 = arith.constant 0 : i32
      %dma_start3A_192 = tpu.memref_slice %arg13[%add3A_188, %dma_start3A_191] : memref<10000x128xf32, #tpu.memory_space<vmem_shared>> -> memref<80x128xf32, #tpu.memory_space<vmem_shared>>
      tpu.enqueue_dma source(%arg10 : memref<80x128xf32, #tpu.memory_space<vmem>>) target(%dma_start3A_192 : memref<80x128xf32, #tpu.memory_space<vmem_shared>>) target_semaphore(%arg18 : memref<!tpu.dma_semaphore, #tpu.memory_space<semaphore_mem>>)
      %add3A_193 = arith.constant 80 : i32
      %add3A_194 = arith.addi %mul3A_49, %add3A_193 : i32
      %dma_start3A_195 = arith.constant 0 : i32
      %dma_start3A_196 = tpu.memref_slice %arg13[%add3A_194, %dma_start3A_195] : memref<10000x128xf32, #tpu.memory_space<vmem_shared>> -> memref<80x128xf32, #tpu.memory_space<vmem_shared>>
      %dma_start3A_197 = arith.constant 0 : i32
      %dma_start3A_198 = tpu.memref_slice %arg13[%add3A_194, %dma_start3A_197] : memref<10000x128xf32, #tpu.memory_space<vmem_shared>> -> memref<80x128xf32, #tpu.memory_space<vmem_shared>>
      tpu.enqueue_dma source(%arg10 : memref<80x128xf32, #tpu.memory_space<vmem>>) target(%dma_start3A_198 : memref<80x128xf32, #tpu.memory_space<vmem_shared>>) target_semaphore(%arg18 : memref<!tpu.dma_semaphore, #tpu.memory_space<semaphore_mem>>)
      %add3A_199 = arith.constant 160 : i32
      %add3A_200 = arith.addi %mul3A_49, %add3A_199 : i32
      %dma_start3A_201 = arith.constant 0 : i32
      %dma_start3A_202 = tpu.memref_slice %arg13[%add3A_200, %dma_start3A_201] : memref<10000x128xf32, #tpu.memory_space<vmem_shared>> -> memref<80x128xf32, #tpu.memory_space<vmem_shared>>
      %dma_start3A_203 = arith.constant 0 : i32
      %dma_start3A_204 = tpu.memref_slice %arg13[%add3A_200, %dma_start3A_203] : memref<10000x128xf32, #tpu.memory_space<vmem_shared>> -> memref<80x128xf32, #tpu.memory_space<vmem_shared>>
      tpu.enqueue_dma source(%arg10 : memref<80x128xf32, #tpu.memory_space<vmem>>) target(%dma_start3A_204 : memref<80x128xf32, #tpu.memory_space<vmem_shared>>) target_semaphore(%arg18 : memref<!tpu.dma_semaphore, #tpu.memory_space<semaphore_mem>>)
      %add3A_205 = arith.constant 240 : i32
      %add3A_206 = arith.addi %mul3A_49, %add3A_205 : i32
      %dma_start3A_207 = arith.constant 0 : i32
      %dma_start3A_208 = tpu.memref_slice %arg13[%add3A_206, %dma_start3A_207] : memref<10000x128xf32, #tpu.memory_space<vmem_shared>> -> memref<80x128xf32, #tpu.memory_space<vmem_shared>>
      %dma_start3A_209 = arith.constant 0 : i32
      %dma_start3A_210 = tpu.memref_slice %arg13[%add3A_206, %dma_start3A_209] : memref<10000x128xf32, #tpu.memory_space<vmem_shared>> -> memref<80x128xf32, #tpu.memory_space<vmem_shared>>
      tpu.enqueue_dma source(%arg10 : memref<80x128xf32, #tpu.memory_space<vmem>>) target(%dma_start3A_210 : memref<80x128xf32, #tpu.memory_space<vmem_shared>>) target_semaphore(%arg18 : memref<!tpu.dma_semaphore, #tpu.memory_space<semaphore_mem>>)
      %add3A_211 = arith.constant 320 : i32
      %add3A_212 = arith.addi %mul3A_49, %add3A_211 : i32
      %dma_start3A_213 = arith.constant 0 : i32
      %dma_start3A_214 = tpu.memref_slice %arg13[%add3A_212, %dma_start3A_213] : memref<10000x128xf32, #tpu.memory_space<vmem_shared>> -> memref<80x128xf32, #tpu.memory_space<vmem_shared>>
      %dma_start3A_215 = arith.constant 0 : i32
      %dma_start3A_216 = tpu.memref_slice %arg13[%add3A_212, %dma_start3A_215] : memref<10000x128xf32, #tpu.memory_space<vmem_shared>> -> memref<80x128xf32, #tpu.memory_space<vmem_shared>>
      tpu.enqueue_dma source(%arg10 : memref<80x128xf32, #tpu.memory_space<vmem>>) target(%dma_start3A_216 : memref<80x128xf32, #tpu.memory_space<vmem_shared>>) target_semaphore(%arg18 : memref<!tpu.dma_semaphore, #tpu.memory_space<semaphore_mem>>)
      %add3A_217 = arith.constant 400 : i32
      %add3A_218 = arith.addi %mul3A_49, %add3A_217 : i32
      %dma_start3A_219 = arith.constant 0 : i32
      %dma_start3A_220 = tpu.memref_slice %arg13[%add3A_218, %dma_start3A_219] : memref<10000x128xf32, #tpu.memory_space<vmem_shared>> -> memref<80x128xf32, #tpu.memory_space<vmem_shared>>
      %dma_start3A_221 = arith.constant 0 : i32
      %dma_start3A_222 = tpu.memref_slice %arg13[%add3A_218, %dma_start3A_221] : memref<10000x128xf32, #tpu.memory_space<vmem_shared>> -> memref<80x128xf32, #tpu.memory_space<vmem_shared>>
      tpu.enqueue_dma source(%arg10 : memref<80x128xf32, #tpu.memory_space<vmem>>) target(%dma_start3A_222 : memref<80x128xf32, #tpu.memory_space<vmem_shared>>) target_semaphore(%arg18 : memref<!tpu.dma_semaphore, #tpu.memory_space<semaphore_mem>>)
      %add3A_223 = arith.constant 520 : i32
      %add3A_224 = arith.addi %mul3A_49, %add3A_223 : i32
      %sub3A = arith.constant 40 : i32
      %sub3A_225 = arith.subi %add3A_224, %sub3A : i32
      %dma_start3A_226 = arith.constant 0 : i32
      %dma_start3A_227 = arith.constant 0 : i32
      %dma_start3A_228 = tpu.memref_slice %arg10[%dma_start3A_226, %dma_start3A_227] : memref<80x128xf32, #tpu.memory_space<vmem>> -> memref<40x128xf32, #tpu.memory_space<vmem>>
      %dma_start3A_229 = arith.constant 0 : i32
      %dma_start3A_230 = tpu.memref_slice %arg13[%sub3A_225, %dma_start3A_229] : memref<10000x128xf32, #tpu.memory_space<vmem_shared>> -> memref<40x128xf32, #tpu.memory_space<vmem_shared>>
      %dma_start3A_231 = arith.constant 0 : i32
      %dma_start3A_232 = tpu.memref_slice %arg13[%sub3A_225, %dma_start3A_231] : memref<10000x128xf32, #tpu.memory_space<vmem_shared>> -> memref<40x128xf32, #tpu.memory_space<vmem_shared>>
      %dma_start3A_233 = arith.constant 0 : i32
      %dma_start3A_234 = arith.constant 0 : i32
      %dma_start3A_235 = tpu.memref_slice %arg10[%dma_start3A_233, %dma_start3A_234] : memref<80x128xf32, #tpu.memory_space<vmem>> -> memref<40x128xf32, #tpu.memory_space<vmem>>
      tpu.enqueue_dma source(%dma_start3A_235 : memref<40x128xf32, #tpu.memory_space<vmem>>) target(%dma_start3A_232 : memref<40x128xf32, #tpu.memory_space<vmem_shared>>) target_semaphore(%arg18 : memref<!tpu.dma_semaphore, #tpu.memory_space<semaphore_mem>>)
    } else {
    }
    %run_scoped3A = arith.constant 0 : i32
    "tpu.region"() ({
      %run_scoped3A_187 = tpu.sem_alloc : memref<!tpu.dma_semaphore, #tpu.memory_space<semaphore_mem>>
      %dma_start3A_188 = arith.constant 0 : i32
      %dma_start3A_189 = arith.constant 0 : i32
      %dma_start3A_190 = tpu.memref_slice %arg3[%run_scoped3A, %add3A, %dma_start3A_188, %dma_start3A_189] : memref<2x32x125x80xi32, #tpu.memory_space<hbm>> -> memref<1x1x64x80xi32, #tpu.memory_space<hbm>>
      %dma_start3A_191 = tpu.memref_squeeze %dma_start3A_190 : memref<1x1x64x80xi32, #tpu.memory_space<hbm>> -> memref<64x80xi32, #tpu.memory_space<hbm>>
      %dma_start3A_192 = arith.constant 0 : i32
      %dma_start3A_193 = arith.constant 0 : i32
      %dma_start3A_194 = tpu.memref_slice %arg3[%run_scoped3A, %add3A, %dma_start3A_192, %dma_start3A_193] : memref<2x32x125x80xi32, #tpu.memory_space<hbm>> -> memref<1x1x64x80xi32, #tpu.memory_space<hbm>>
      %dma_start3A_195 = tpu.memref_squeeze %dma_start3A_194 : memref<1x1x64x80xi32, #tpu.memory_space<hbm>> -> memref<64x80xi32, #tpu.memory_space<hbm>>
      tpu.enqueue_dma source(%dma_start3A_195 : memref<64x80xi32, #tpu.memory_space<hbm>>) target(%arg6 : memref<64x80xi32, #tpu.memory_space<vmem>>) target_semaphore(%run_scoped3A_187 : memref<!tpu.dma_semaphore, #tpu.memory_space<semaphore_mem>>)
      %dma_wait3A_196 = arith.constant 0 : i32
      %dma_wait3A_197 = arith.constant 0 : i32
      %dma_wait3A_198 = tpu.memref_slice %arg3[%run_scoped3A, %add3A, %dma_wait3A_196, %dma_wait3A_197] : memref<2x32x125x80xi32, #tpu.memory_space<hbm>> -> memref<1x1x64x80xi32, #tpu.memory_space<hbm>>
      %dma_wait3A_199 = tpu.memref_squeeze %dma_wait3A_198 : memref<1x1x64x80xi32, #tpu.memory_space<hbm>> -> memref<64x80xi32, #tpu.memory_space<hbm>>
      %dma_wait3A_200 = arith.constant 0 : i32
      %dma_wait3A_201 = arith.constant 0 : i32
      %dma_wait3A_202 = tpu.memref_slice %arg3[%run_scoped3A, %add3A, %dma_wait3A_200, %dma_wait3A_201] : memref<2x32x125x80xi32, #tpu.memory_space<hbm>> -> memref<1x1x64x80xi32, #tpu.memory_space<hbm>>
      %dma_wait3A_203 = tpu.memref_squeeze %dma_wait3A_202 : memref<1x1x64x80xi32, #tpu.memory_space<hbm>> -> memref<64x80xi32, #tpu.memory_space<hbm>>
      tpu.wait_dma2 semaphore(%run_scoped3A_187 : memref<!tpu.dma_semaphore, #tpu.memory_space<semaphore_mem>>) src(%dma_wait3A_203 : memref<64x80xi32, #tpu.memory_space<hbm>>) dst(%arg6 : memref<64x80xi32, #tpu.memory_space<vmem>>)
      tpu.yield
    }) : () -> ()
    %run_scoped3A_61 = arith.constant 1 : i32
    "tpu.region"() ({
      %run_scoped3A_187 = tpu.sem_alloc : memref<!tpu.dma_semaphore, #tpu.memory_space<semaphore_mem>>
      %dma_start3A_188 = arith.constant 0 : i32
      %dma_start3A_189 = arith.constant 0 : i32
      %dma_start3A_190 = tpu.memref_slice %arg3[%run_scoped3A_61, %add3A, %dma_start3A_188, %dma_start3A_189] : memref<2x32x125x80xi32, #tpu.memory_space<hbm>> -> memref<1x1x64x80xi32, #tpu.memory_space<hbm>>
      %dma_start3A_191 = tpu.memref_squeeze %dma_start3A_190 : memref<1x1x64x80xi32, #tpu.memory_space<hbm>> -> memref<64x80xi32, #tpu.memory_space<hbm>>
      %dma_start3A_192 = arith.constant 0 : i32
      %dma_start3A_193 = arith.constant 0 : i32
      %dma_start3A_194 = tpu.memref_slice %arg3[%run_scoped3A_61, %add3A, %dma_start3A_192, %dma_start3A_193] : memref<2x32x125x80xi32, #tpu.memory_space<hbm>> -> memref<1x1x64x80xi32, #tpu.memory_space<hbm>>
      %dma_start3A_195 = tpu.memref_squeeze %dma_start3A_194 : memref<1x1x64x80xi32, #tpu.memory_space<hbm>> -> memref<64x80xi32, #tpu.memory_space<hbm>>
      tpu.enqueue_dma source(%dma_start3A_195 : memref<64x80xi32, #tpu.memory_space<hbm>>) target(%arg7 : memref<64x80xi32, #tpu.memory_space<vmem>>) target_semaphore(%run_scoped3A_187 : memref<!tpu.dma_semaphore, #tpu.memory_space<semaphore_mem>>)
      %dma_wait3A_196 = arith.constant 0 : i32
      %dma_wait3A_197 = arith.constant 0 : i32
      %dma_wait3A_198 = tpu.memref_slice %arg3[%run_scoped3A_61, %add3A, %dma_wait3A_196, %dma_wait3A_197] : memref<2x32x125x80xi32, #tpu.memory_space<hbm>> -> memref<1x1x64x80xi32, #tpu.memory_space<hbm>>
      %dma_wait3A_199 = tpu.memref_squeeze %dma_wait3A_198 : memref<1x1x64x80xi32, #tpu.memory_space<hbm>> -> memref<64x80xi32, #tpu.memory_space<hbm>>
      %dma_wait3A_200 = arith.constant 0 : i32
      %dma_wait3A_201 = arith.constant 0 : i32
      %dma_wait3A_202 = tpu.memref_slice %arg3[%run_scoped3A_61, %add3A, %dma_wait3A_200, %dma_wait3A_201] : memref<2x32x125x80xi32, #tpu.memory_space<hbm>> -> memref<1x1x64x80xi32, #tpu.memory_space<hbm>>
      %dma_wait3A_203 = tpu.memref_squeeze %dma_wait3A_202 : memref<1x1x64x80xi32, #tpu.memory_space<hbm>> -> memref<64x80xi32, #tpu.memory_space<hbm>>
      tpu.wait_dma2 semaphore(%run_scoped3A_187 : memref<!tpu.dma_semaphore, #tpu.memory_space<semaphore_mem>>) src(%dma_wait3A_203 : memref<64x80xi32, #tpu.memory_space<hbm>>) dst(%arg7 : memref<64x80xi32, #tpu.memory_space<vmem>>)
      tpu.yield
    }) : () -> ()
    %dma_start3A = arith.constant 0 : i32
    %dma_start3A_62 = arith.constant 0 : i32
    %dma_start3A_63 = tpu.memref_slice %arg6[%dma_start3A, %dma_start3A_62] : memref<64x80xi32, #tpu.memory_space<vmem>> -> memref<1x80xi32, #tpu.memory_space<vmem>>
    %dma_start3A_64 = tpu.memref_squeeze %dma_start3A_63 : memref<1x80xi32, #tpu.memory_space<vmem>> -> memref<80xi32, #tpu.memory_space<vmem>>
    %dma_start3A_65 = arith.constant 0 : i32
    %dma_start3A_66 = arith.constant 0 : i32
    %dma_start3A_67 = tpu.memref_slice %arg2[%dma_start3A_65, %dma_start3A_66] : memref<10000x128xf32, #tpu.memory_space<hbm>> -> memref<10000x128xf32, #tpu.memory_space<hbm>>
    tpu.enqueue_indirect_dma source(%dma_start3A_67 : memref<10000x128xf32, #tpu.memory_space<hbm>>) target(%arg8 : memref<80x128xf32, #tpu.memory_space<vmem>>) offsets(%dma_start3A_64 : memref<80xi32, #tpu.memory_space<vmem>>) semaphore(%arg15 : memref<!tpu.dma_semaphore, #tpu.memory_space<semaphore_mem>>)
    %dma_start3A_68 = arith.constant 1 : i32
    %dma_start3A_69 = arith.constant 0 : i32
    %dma_start3A_70 = tpu.memref_slice %arg6[%dma_start3A_68, %dma_start3A_69] : memref<64x80xi32, #tpu.memory_space<vmem>> -> memref<1x80xi32, #tpu.memory_space<vmem>>
    %dma_start3A_71 = tpu.memref_squeeze %dma_start3A_70 : memref<1x80xi32, #tpu.memory_space<vmem>> -> memref<80xi32, #tpu.memory_space<vmem>>
    %dma_start3A_72 = arith.constant 0 : i32
    %dma_start3A_73 = arith.constant 0 : i32
    %dma_start3A_74 = tpu.memref_slice %arg2[%dma_start3A_72, %dma_start3A_73] : memref<10000x128xf32, #tpu.memory_space<hbm>> -> memref<10000x128xf32, #tpu.memory_space<hbm>>
    tpu.enqueue_indirect_dma source(%dma_start3A_74 : memref<10000x128xf32, #tpu.memory_space<hbm>>) target(%arg9 : memref<80x128xf32, #tpu.memory_space<vmem>>) offsets(%dma_start3A_71 : memref<80xi32, #tpu.memory_space<vmem>>) semaphore(%arg16 : memref<!tpu.dma_semaphore, #tpu.memory_space<semaphore_mem>>)
    %lt3A_75 = arith.constant 10 : i32
    %lt3A_76 = arith.cmpi slt, %arg1, %lt3A_75 : i32
    %convert_element_type3A_77 = arith.extui %lt3A_76 : i1 to i32
    %cond3A_78 = arith.constant 0 : i32
    %cond3A_79 = arith.cmpi ne, %convert_element_type3A_77, %cond3A_78 : i32
    scf.if %cond3A_79 {
      %mul3A_187 = arith.constant 1000 : i32
      %mul3A_188 = arith.muli %arg1, %mul3A_187 : i32
      %dma_wait3A_189 = tpu.memref_slice %arg14[%mul3A_188] : memref<10000xf32, #tpu.memory_space<vmem_shared>> -> memref<1000xf32, #tpu.memory_space<vmem_shared>>
      %dma_wait3A_190 = tpu.memref_slice %arg14[%mul3A_188] : memref<10000xf32, #tpu.memory_space<vmem_shared>> -> memref<1000xf32, #tpu.memory_space<vmem_shared>>
      tpu.wait_dma2 semaphore(%arg19 : memref<!tpu.dma_semaphore, #tpu.memory_space<semaphore_mem>>) src(%arg12 : memref<1000xf32, #tpu.memory_space<vmem>>) dst(%dma_wait3A_190 : memref<1000xf32, #tpu.memory_space<vmem_shared>>)
    } else {
    }
    %lt3A_80 = arith.constant 15 : i32
    %lt3A_81 = arith.cmpi slt, %arg1, %lt3A_80 : i32
    %convert_element_type3A_82 = arith.extui %lt3A_81 : i1 to i32
    %cond3A_83 = arith.constant 0 : i32
    %cond3A_84 = arith.cmpi ne, %convert_element_type3A_82, %cond3A_83 : i32
    scf.if %cond3A_84 {
      %dma_wait3A_187 = arith.constant 0 : i32
      %dma_wait3A_188 = tpu.memref_slice %arg13[%mul3A_49, %dma_wait3A_187] : memref<10000x128xf32, #tpu.memory_space<vmem_shared>> -> memref<80x128xf32, #tpu.memory_space<vmem_shared>>
      %dma_wait3A_189 = arith.constant 0 : i32
      %dma_wait3A_190 = tpu.memref_slice %arg13[%mul3A_49, %dma_wait3A_189] : memref<10000x128xf32, #tpu.memory_space<vmem_shared>> -> memref<80x128xf32, #tpu.memory_space<vmem_shared>>
      tpu.wait_dma2 semaphore(%arg18 : memref<!tpu.dma_semaphore, #tpu.memory_space<semaphore_mem>>) src(%arg10 : memref<80x128xf32, #tpu.memory_space<vmem>>) dst(%dma_wait3A_190 : memref<80x128xf32, #tpu.memory_space<vmem_shared>>)
      %dma_wait3A_191 = arith.constant 0 : i32
      %dma_wait3A_192 = tpu.memref_slice %arg13[%mul3A_49, %dma_wait3A_191] : memref<10000x128xf32, #tpu.memory_space<vmem_shared>> -> memref<80x128xf32, #tpu.memory_space<vmem_shared>>
      %dma_wait3A_193 = arith.constant 0 : i32
      %dma_wait3A_194 = tpu.memref_slice %arg13[%mul3A_49, %dma_wait3A_193] : memref<10000x128xf32, #tpu.memory_space<vmem_shared>> -> memref<80x128xf32, #tpu.memory_space<vmem_shared>>
      tpu.wait_dma2 semaphore(%arg18 : memref<!tpu.dma_semaphore, #tpu.memory_space<semaphore_mem>>) src(%arg10 : memref<80x128xf32, #tpu.memory_space<vmem>>) dst(%dma_wait3A_194 : memref<80x128xf32, #tpu.memory_space<vmem_shared>>)
      %dma_wait3A_195 = arith.constant 0 : i32
      %dma_wait3A_196 = tpu.memref_slice %arg13[%mul3A_49, %dma_wait3A_195] : memref<10000x128xf32, #tpu.memory_space<vmem_shared>> -> memref<80x128xf32, #tpu.memory_space<vmem_shared>>
      %dma_wait3A_197 = arith.constant 0 : i32
      %dma_wait3A_198 = tpu.memref_slice %arg13[%mul3A_49, %dma_wait3A_197] : memref<10000x128xf32, #tpu.memory_space<vmem_shared>> -> memref<80x128xf32, #tpu.memory_space<vmem_shared>>
      tpu.wait_dma2 semaphore(%arg18 : memref<!tpu.dma_semaphore, #tpu.memory_space<semaphore_mem>>) src(%arg10 : memref<80x128xf32, #tpu.memory_space<vmem>>) dst(%dma_wait3A_198 : memref<80x128xf32, #tpu.memory_space<vmem_shared>>)
      %dma_wait3A_199 = arith.constant 0 : i32
      %dma_wait3A_200 = tpu.memref_slice %arg13[%mul3A_49, %dma_wait3A_199] : memref<10000x128xf32, #tpu.memory_space<vmem_shared>> -> memref<80x128xf32, #tpu.memory_space<vmem_shared>>
      %dma_wait3A_201 = arith.constant 0 : i32
      %dma_wait3A_202 = tpu.memref_slice %arg13[%mul3A_49, %dma_wait3A_201] : memref<10000x128xf32, #tpu.memory_space<vmem_shared>> -> memref<80x128xf32, #tpu.memory_space<vmem_shared>>
      tpu.wait_dma2 semaphore(%arg18 : memref<!tpu.dma_semaphore, #tpu.memory_space<semaphore_mem>>) src(%arg10 : memref<80x128xf32, #tpu.memory_space<vmem>>) dst(%dma_wait3A_202 : memref<80x128xf32, #tpu.memory_space<vmem_shared>>)
      %dma_wait3A_203 = arith.constant 0 : i32
      %dma_wait3A_204 = tpu.memref_slice %arg13[%mul3A_49, %dma_wait3A_203] : memref<10000x128xf32, #tpu.memory_space<vmem_shared>> -> memref<80x128xf32, #tpu.memory_space<vmem_shared>>
      %dma_wait3A_205 = arith.constant 0 : i32
      %dma_wait3A_206 = tpu.memref_slice %arg13[%mul3A_49, %dma_wait3A_205] : memref<10000x128xf32, #tpu.memory_space<vmem_shared>> -> memref<80x128xf32, #tpu.memory_space<vmem_shared>>
      tpu.wait_dma2 semaphore(%arg18 : memref<!tpu.dma_semaphore, #tpu.memory_space<semaphore_mem>>) src(%arg10 : memref<80x128xf32, #tpu.memory_space<vmem>>) dst(%dma_wait3A_206 : memref<80x128xf32, #tpu.memory_space<vmem_shared>>)
      %dma_wait3A_207 = arith.constant 0 : i32
      %dma_wait3A_208 = tpu.memref_slice %arg13[%mul3A_49, %dma_wait3A_207] : memref<10000x128xf32, #tpu.memory_space<vmem_shared>> -> memref<80x128xf32, #tpu.memory_space<vmem_shared>>
      %dma_wait3A_209 = arith.constant 0 : i32
      %dma_wait3A_210 = tpu.memref_slice %arg13[%mul3A_49, %dma_wait3A_209] : memref<10000x128xf32, #tpu.memory_space<vmem_shared>> -> memref<80x128xf32, #tpu.memory_space<vmem_shared>>
      tpu.wait_dma2 semaphore(%arg18 : memref<!tpu.dma_semaphore, #tpu.memory_space<semaphore_mem>>) src(%arg10 : memref<80x128xf32, #tpu.memory_space<vmem>>) dst(%dma_wait3A_210 : memref<80x128xf32, #tpu.memory_space<vmem_shared>>)
      %dma_wait3A_211 = arith.constant 0 : i32
      %dma_wait3A_212 = tpu.memref_slice %arg13[%mul3A_49, %dma_wait3A_211] : memref<10000x128xf32, #tpu.memory_space<vmem_shared>> -> memref<80x128xf32, #tpu.memory_space<vmem_shared>>
      %dma_wait3A_213 = arith.constant 0 : i32
      %dma_wait3A_214 = tpu.memref_slice %arg13[%mul3A_49, %dma_wait3A_213] : memref<10000x128xf32, #tpu.memory_space<vmem_shared>> -> memref<80x128xf32, #tpu.memory_space<vmem_shared>>
      tpu.wait_dma2 semaphore(%arg18 : memref<!tpu.dma_semaphore, #tpu.memory_space<semaphore_mem>>) src(%arg10 : memref<80x128xf32, #tpu.memory_space<vmem>>) dst(%dma_wait3A_214 : memref<80x128xf32, #tpu.memory_space<vmem_shared>>)
      %dma_wait3A_215 = arith.constant 0 : i32
      %dma_wait3A_216 = arith.constant 0 : i32
      %dma_wait3A_217 = tpu.memref_slice %arg10[%dma_wait3A_215, %dma_wait3A_216] : memref<80x128xf32, #tpu.memory_space<vmem>> -> memref<72x128xf32, #tpu.memory_space<vmem>>
      %dma_wait3A_218 = arith.constant 0 : i32
      %dma_wait3A_219 = tpu.memref_slice %arg13[%mul3A_49, %dma_wait3A_218] : memref<10000x128xf32, #tpu.memory_space<vmem_shared>> -> memref<72x128xf32, #tpu.memory_space<vmem_shared>>
      %dma_wait3A_220 = arith.constant 0 : i32
      %dma_wait3A_221 = tpu.memref_slice %arg13[%mul3A_49, %dma_wait3A_220] : memref<10000x128xf32, #tpu.memory_space<vmem_shared>> -> memref<72x128xf32, #tpu.memory_space<vmem_shared>>
      %dma_wait3A_222 = arith.constant 0 : i32
      %dma_wait3A_223 = arith.constant 0 : i32
      %dma_wait3A_224 = tpu.memref_slice %arg10[%dma_wait3A_222, %dma_wait3A_223] : memref<80x128xf32, #tpu.memory_space<vmem>> -> memref<72x128xf32, #tpu.memory_space<vmem>>
      tpu.wait_dma2 semaphore(%arg18 : memref<!tpu.dma_semaphore, #tpu.memory_space<semaphore_mem>>) src(%dma_wait3A_224 : memref<72x128xf32, #tpu.memory_space<vmem>>) dst(%dma_wait3A_221 : memref<72x128xf32, #tpu.memory_space<vmem_shared>>)
    } else {
    }
    %ge3A_85 = arith.constant 15 : i32
    %ge3A_86 = arith.cmpi sge, %arg1, %ge3A_85 : i32
    %convert_element_type3A_87 = arith.extui %ge3A_86 : i1 to i32
    %cond3A_88 = arith.constant 0 : i32
    %cond3A_89 = arith.cmpi ne, %convert_element_type3A_87, %cond3A_88 : i32
    scf.if %cond3A_89 {
      %dma_wait3A_187 = arith.constant 0 : i32
      %dma_wait3A_188 = tpu.memref_slice %arg13[%mul3A_49, %dma_wait3A_187] : memref<10000x128xf32, #tpu.memory_space<vmem_shared>> -> memref<80x128xf32, #tpu.memory_space<vmem_shared>>
      %dma_wait3A_189 = arith.constant 0 : i32
      %dma_wait3A_190 = tpu.memref_slice %arg13[%mul3A_49, %dma_wait3A_189] : memref<10000x128xf32, #tpu.memory_space<vmem_shared>> -> memref<80x128xf32, #tpu.memory_space<vmem_shared>>
      tpu.wait_dma2 semaphore(%arg18 : memref<!tpu.dma_semaphore, #tpu.memory_space<semaphore_mem>>) src(%arg10 : memref<80x128xf32, #tpu.memory_space<vmem>>) dst(%dma_wait3A_190 : memref<80x128xf32, #tpu.memory_space<vmem_shared>>)
      %dma_wait3A_191 = arith.constant 0 : i32
      %dma_wait3A_192 = tpu.memref_slice %arg13[%mul3A_49, %dma_wait3A_191] : memref<10000x128xf32, #tpu.memory_space<vmem_shared>> -> memref<80x128xf32, #tpu.memory_space<vmem_shared>>
      %dma_wait3A_193 = arith.constant 0 : i32
      %dma_wait3A_194 = tpu.memref_slice %arg13[%mul3A_49, %dma_wait3A_193] : memref<10000x128xf32, #tpu.memory_space<vmem_shared>> -> memref<80x128xf32, #tpu.memory_space<vmem_shared>>
      tpu.wait_dma2 semaphore(%arg18 : memref<!tpu.dma_semaphore, #tpu.memory_space<semaphore_mem>>) src(%arg10 : memref<80x128xf32, #tpu.memory_space<vmem>>) dst(%dma_wait3A_194 : memref<80x128xf32, #tpu.memory_space<vmem_shared>>)
      %dma_wait3A_195 = arith.constant 0 : i32
      %dma_wait3A_196 = tpu.memref_slice %arg13[%mul3A_49, %dma_wait3A_195] : memref<10000x128xf32, #tpu.memory_space<vmem_shared>> -> memref<80x128xf32, #tpu.memory_space<vmem_shared>>
      %dma_wait3A_197 = arith.constant 0 : i32
      %dma_wait3A_198 = tpu.memref_slice %arg13[%mul3A_49, %dma_wait3A_197] : memref<10000x128xf32, #tpu.memory_space<vmem_shared>> -> memref<80x128xf32, #tpu.memory_space<vmem_shared>>
      tpu.wait_dma2 semaphore(%arg18 : memref<!tpu.dma_semaphore, #tpu.memory_space<semaphore_mem>>) src(%arg10 : memref<80x128xf32, #tpu.memory_space<vmem>>) dst(%dma_wait3A_198 : memref<80x128xf32, #tpu.memory_space<vmem_shared>>)
      %dma_wait3A_199 = arith.constant 0 : i32
      %dma_wait3A_200 = tpu.memref_slice %arg13[%mul3A_49, %dma_wait3A_199] : memref<10000x128xf32, #tpu.memory_space<vmem_shared>> -> memref<80x128xf32, #tpu.memory_space<vmem_shared>>
      %dma_wait3A_201 = arith.constant 0 : i32
      %dma_wait3A_202 = tpu.memref_slice %arg13[%mul3A_49, %dma_wait3A_201] : memref<10000x128xf32, #tpu.memory_space<vmem_shared>> -> memref<80x128xf32, #tpu.memory_space<vmem_shared>>
      tpu.wait_dma2 semaphore(%arg18 : memref<!tpu.dma_semaphore, #tpu.memory_space<semaphore_mem>>) src(%arg10 : memref<80x128xf32, #tpu.memory_space<vmem>>) dst(%dma_wait3A_202 : memref<80x128xf32, #tpu.memory_space<vmem_shared>>)
      %dma_wait3A_203 = arith.constant 0 : i32
      %dma_wait3A_204 = tpu.memref_slice %arg13[%mul3A_49, %dma_wait3A_203] : memref<10000x128xf32, #tpu.memory_space<vmem_shared>> -> memref<80x128xf32, #tpu.memory_space<vmem_shared>>
      %dma_wait3A_205 = arith.constant 0 : i32
      %dma_wait3A_206 = tpu.memref_slice %arg13[%mul3A_49, %dma_wait3A_205] : memref<10000x128xf32, #tpu.memory_space<vmem_shared>> -> memref<80x128xf32, #tpu.memory_space<vmem_shared>>
      tpu.wait_dma2 semaphore(%arg18 : memref<!tpu.dma_semaphore, #tpu.memory_space<semaphore_mem>>) src(%arg10 : memref<80x128xf32, #tpu.memory_space<vmem>>) dst(%dma_wait3A_206 : memref<80x128xf32, #tpu.memory_space<vmem_shared>>)
      %dma_wait3A_207 = arith.constant 0 : i32
      %dma_wait3A_208 = tpu.memref_slice %arg13[%mul3A_49, %dma_wait3A_207] : memref<10000x128xf32, #tpu.memory_space<vmem_shared>> -> memref<80x128xf32, #tpu.memory_space<vmem_shared>>
      %dma_wait3A_209 = arith.constant 0 : i32
      %dma_wait3A_210 = tpu.memref_slice %arg13[%mul3A_49, %dma_wait3A_209] : memref<10000x128xf32, #tpu.memory_space<vmem_shared>> -> memref<80x128xf32, #tpu.memory_space<vmem_shared>>
      tpu.wait_dma2 semaphore(%arg18 : memref<!tpu.dma_semaphore, #tpu.memory_space<semaphore_mem>>) src(%arg10 : memref<80x128xf32, #tpu.memory_space<vmem>>) dst(%dma_wait3A_210 : memref<80x128xf32, #tpu.memory_space<vmem_shared>>)
      %dma_wait3A_211 = arith.constant 0 : i32
      %dma_wait3A_212 = arith.constant 0 : i32
      %dma_wait3A_213 = tpu.memref_slice %arg10[%dma_wait3A_211, %dma_wait3A_212] : memref<80x128xf32, #tpu.memory_space<vmem>> -> memref<40x128xf32, #tpu.memory_space<vmem>>
      %dma_wait3A_214 = arith.constant 0 : i32
      %dma_wait3A_215 = tpu.memref_slice %arg13[%mul3A_49, %dma_wait3A_214] : memref<10000x128xf32, #tpu.memory_space<vmem_shared>> -> memref<40x128xf32, #tpu.memory_space<vmem_shared>>
      %dma_wait3A_216 = arith.constant 0 : i32
      %dma_wait3A_217 = tpu.memref_slice %arg13[%mul3A_49, %dma_wait3A_216] : memref<10000x128xf32, #tpu.memory_space<vmem_shared>> -> memref<40x128xf32, #tpu.memory_space<vmem_shared>>
      %dma_wait3A_218 = arith.constant 0 : i32
      %dma_wait3A_219 = arith.constant 0 : i32
      %dma_wait3A_220 = tpu.memref_slice %arg10[%dma_wait3A_218, %dma_wait3A_219] : memref<80x128xf32, #tpu.memory_space<vmem>> -> memref<40x128xf32, #tpu.memory_space<vmem>>
      tpu.wait_dma2 semaphore(%arg18 : memref<!tpu.dma_semaphore, #tpu.memory_space<semaphore_mem>>) src(%dma_wait3A_220 : memref<40x128xf32, #tpu.memory_space<vmem>>) dst(%dma_wait3A_217 : memref<40x128xf32, #tpu.memory_space<vmem_shared>>)
    } else {
    }
    %barrier3A = arith.constant 0 : index
    tpu.barrier barrier_id(%barrier3A)
    %scan3A_90 = arith.constant 0 : i32
    %scan3A_91 = arith.constant 22 : i32
    %scan3A_92 = arith.addi %scan3A_90, %scan3A_91 : i32
    %scan3A_93 = arith.constant 1 : i32
    scf.for %scan3A_187 = %scan3A_90 to %scan3A_92 step %scan3A_93  : i32 {
      %mul3A_188 = arith.constant 3 : i32
      %mul3A_189 = arith.muli %scan3A_187, %mul3A_188 : i32
      %add3A_190 = arith.constant 0 : i32
      %add3A_191 = arith.addi %add3A_190, %mul3A_189 : i32
      %add3A_192 = arith.constant 0 : i32
      %add3A_193 = arith.addi %add3A_191, %add3A_192 : i32
      %lt3A_194 = arith.constant 64 : i32
      %lt3A_195 = arith.cmpi slt, %add3A_193, %lt3A_194 : i32
      %add3A_196 = arith.constant 0 : i32
      %add3A_197 = arith.addi %add3A_191, %add3A_196 : i32
      %convert_element_type3A_198 = arith.extui %lt3A_195 : i1 to i32
      %cond3A_199 = arith.constant 0 : i32
      %cond3A_200 = arith.cmpi ne, %convert_element_type3A_198, %cond3A_199 : i32
      scf.if %cond3A_200 {
        %add3A_219 = arith.constant 2 : i32
        %add3A_220 = arith.addi %add3A_197, %add3A_219 : i32
        %lt3A_221 = arith.constant 64 : i32
        %lt3A_222 = arith.cmpi slt, %add3A_220, %lt3A_221 : i32
        %convert_element_type3A_223 = arith.extui %lt3A_222 : i1 to i32
        %cond3A_224 = arith.constant 0 : i32
        %cond3A_225 = arith.cmpi ne, %convert_element_type3A_223, %cond3A_224 : i32
        scf.if %cond3A_225 {
          %ge3A_243 = arith.constant 1 : i32
          %ge3A_244 = arith.cmpi sge, %add3A_197, %ge3A_243 : i32
          %convert_element_type3A_245 = arith.extui %ge3A_244 : i1 to i32
          %cond3A_246 = arith.constant 0 : i32
          %cond3A_247 = arith.cmpi ne, %convert_element_type3A_245, %cond3A_246 : i32
          scf.if %cond3A_247 {
            %dma_wait3A_256 = arith.constant 0 : i32
            %dma_wait3A_257 = arith.constant 0 : i32
            %dma_wait3A_258 = tpu.memref_slice %arg7[%dma_wait3A_256, %dma_wait3A_257] : memref<64x80xi32, #tpu.memory_space<vmem>> -> memref<1x80xi32, #tpu.memory_space<vmem>>
            %dma_wait3A_259 = tpu.memref_squeeze %dma_wait3A_258 : memref<1x80xi32, #tpu.memory_space<vmem>> -> memref<80xi32, #tpu.memory_space<vmem>>
            %dma_wait3A_260 = arith.constant 0 : i32
            %dma_wait3A_261 = arith.constant 0 : i32
            %dma_wait3A_262 = tpu.memref_slice %arg13[%dma_wait3A_260, %dma_wait3A_261] : memref<10000x128xf32, #tpu.memory_space<vmem_shared>> -> memref<10000x128xf32, #tpu.memory_space<vmem_shared>>
            tpu.wait_indirect_dma semaphore(%arg20 : memref<!tpu.dma_semaphore, #tpu.memory_space<semaphore_mem>>) src(%arg10 : memref<80x128xf32, #tpu.memory_space<vmem>>) dst(%dma_wait3A_262 : memref<10000x128xf32, #tpu.memory_space<vmem_shared>>)
          } else {
          }
          %add3A_248 = arith.constant 2 : i32
          %add3A_249 = arith.addi %add3A_197, %add3A_248 : i32
          %dma_start3A_250 = arith.constant 0 : i32
          %dma_start3A_251 = tpu.memref_slice %arg6[%add3A_249, %dma_start3A_250] : memref<64x80xi32, #tpu.memory_space<vmem>> -> memref<1x80xi32, #tpu.memory_space<vmem>>
          %dma_start3A_252 = tpu.memref_squeeze %dma_start3A_251 : memref<1x80xi32, #tpu.memory_space<vmem>> -> memref<80xi32, #tpu.memory_space<vmem>>
          %dma_start3A_253 = arith.constant 0 : i32
          %dma_start3A_254 = arith.constant 0 : i32
          %dma_start3A_255 = tpu.memref_slice %arg2[%dma_start3A_253, %dma_start3A_254] : memref<10000x128xf32, #tpu.memory_space<hbm>> -> memref<10000x128xf32, #tpu.memory_space<hbm>>
          tpu.enqueue_indirect_dma source(%dma_start3A_255 : memref<10000x128xf32, #tpu.memory_space<hbm>>) target(%arg10 : memref<80x128xf32, #tpu.memory_space<vmem>>) offsets(%dma_start3A_252 : memref<80xi32, #tpu.memory_space<vmem>>) semaphore(%arg17 : memref<!tpu.dma_semaphore, #tpu.memory_space<semaphore_mem>>)
        } else {
        }
        %dma_wait3A_226 = arith.constant 0 : i32
        %dma_wait3A_227 = tpu.memref_slice %arg6[%add3A_197, %dma_wait3A_226] : memref<64x80xi32, #tpu.memory_space<vmem>> -> memref<1x80xi32, #tpu.memory_space<vmem>>
        %dma_wait3A_228 = tpu.memref_squeeze %dma_wait3A_227 : memref<1x80xi32, #tpu.memory_space<vmem>> -> memref<80xi32, #tpu.memory_space<vmem>>
        %dma_wait3A_229 = arith.constant 0 : i32
        %dma_wait3A_230 = arith.constant 0 : i32
        %dma_wait3A_231 = tpu.memref_slice %arg2[%dma_wait3A_229, %dma_wait3A_230] : memref<10000x128xf32, #tpu.memory_space<hbm>> -> memref<10000x128xf32, #tpu.memory_space<hbm>>
        tpu.wait_indirect_dma semaphore(%arg15 : memref<!tpu.dma_semaphore, #tpu.memory_space<semaphore_mem>>) src(%dma_wait3A_231 : memref<10000x128xf32, #tpu.memory_space<hbm>>) dst(%arg8 : memref<80x128xf32, #tpu.memory_space<vmem>>)
        %dma_start3A_232 = arith.constant 0 : i32
        %dma_start3A_233 = tpu.memref_slice %arg7[%add3A_197, %dma_start3A_232] : memref<64x80xi32, #tpu.memory_space<vmem>> -> memref<1x80xi32, #tpu.memory_space<vmem>>
        %dma_start3A_234 = tpu.memref_squeeze %dma_start3A_233 : memref<1x80xi32, #tpu.memory_space<vmem>> -> memref<80xi32, #tpu.memory_space<vmem>>
        %dma_start3A_235 = arith.constant 0 : i32
        %dma_start3A_236 = arith.constant 0 : i32
        %dma_start3A_237 = tpu.memref_slice %arg13[%dma_start3A_235, %dma_start3A_236] : memref<10000x128xf32, #tpu.memory_space<vmem_shared>> -> memref<10000x128xf32, #tpu.memory_space<vmem_shared>>
        tpu.enqueue_indirect_dma source(%arg8 : memref<80x128xf32, #tpu.memory_space<vmem>>) target(%dma_start3A_237 : memref<10000x128xf32, #tpu.memory_space<vmem_shared>>) offsets(%dma_start3A_234 : memref<80xi32, #tpu.memory_space<vmem>>) semaphore(%arg18 : memref<!tpu.dma_semaphore, #tpu.memory_space<semaphore_mem>>) {add = true}
        %dma_start3A_238 = arith.constant 0 : i32
        %dma_start3A_239 = tpu.memref_slice %arg7[%add3A_197, %dma_start3A_238] : memref<64x80xi32, #tpu.memory_space<vmem>> -> memref<1x80xi32, #tpu.memory_space<vmem>>
        %dma_start3A_240 = tpu.memref_squeeze %dma_start3A_239 : memref<1x80xi32, #tpu.memory_space<vmem>> -> memref<80xi32, #tpu.memory_space<vmem>>
        %dma_start3A_241 = arith.constant 0 : i32
        %dma_start3A_242 = tpu.memref_slice %arg14[%dma_start3A_241] : memref<10000xf32, #tpu.memory_space<vmem_shared>> -> memref<10000xf32, #tpu.memory_space<vmem_shared>>
        tpu.enqueue_indirect_dma source(%arg11 : memref<80xf32, #tpu.memory_space<vmem>>) target(%dma_start3A_242 : memref<10000xf32, #tpu.memory_space<vmem_shared>>) offsets(%dma_start3A_240 : memref<80xi32, #tpu.memory_space<vmem>>) semaphore(%arg21 : memref<!tpu.dma_semaphore, #tpu.memory_space<semaphore_mem>>) {add = true}
      } else {
      }
      %add3A_201 = arith.constant 1 : i32
      %add3A_202 = arith.addi %add3A_191, %add3A_201 : i32
      %lt3A_203 = arith.constant 64 : i32
      %lt3A_204 = arith.cmpi slt, %add3A_202, %lt3A_203 : i32
      %add3A_205 = arith.constant 1 : i32
      %add3A_206 = arith.addi %add3A_191, %add3A_205 : i32
      %convert_element_type3A_207 = arith.extui %lt3A_204 : i1 to i32
      %cond3A_208 = arith.constant 0 : i32
      %cond3A_209 = arith.cmpi ne, %convert_element_type3A_207, %cond3A_208 : i32
      scf.if %cond3A_209 {
        %add3A_219 = arith.constant 2 : i32
        %add3A_220 = arith.addi %add3A_206, %add3A_219 : i32
        %lt3A_221 = arith.constant 64 : i32
        %lt3A_222 = arith.cmpi slt, %add3A_220, %lt3A_221 : i32
        %convert_element_type3A_223 = arith.extui %lt3A_222 : i1 to i32
        %cond3A_224 = arith.constant 0 : i32
        %cond3A_225 = arith.cmpi ne, %convert_element_type3A_223, %cond3A_224 : i32
        scf.if %cond3A_225 {
          %ge3A_243 = arith.constant 1 : i32
          %ge3A_244 = arith.cmpi sge, %add3A_206, %ge3A_243 : i32
          %convert_element_type3A_245 = arith.extui %ge3A_244 : i1 to i32
          %cond3A_246 = arith.constant 0 : i32
          %cond3A_247 = arith.cmpi ne, %convert_element_type3A_245, %cond3A_246 : i32
          scf.if %cond3A_247 {
            %dma_wait3A_256 = arith.constant 0 : i32
            %dma_wait3A_257 = arith.constant 0 : i32
            %dma_wait3A_258 = tpu.memref_slice %arg7[%dma_wait3A_256, %dma_wait3A_257] : memref<64x80xi32, #tpu.memory_space<vmem>> -> memref<1x80xi32, #tpu.memory_space<vmem>>
            %dma_wait3A_259 = tpu.memref_squeeze %dma_wait3A_258 : memref<1x80xi32, #tpu.memory_space<vmem>> -> memref<80xi32, #tpu.memory_space<vmem>>
            %dma_wait3A_260 = arith.constant 0 : i32
            %dma_wait3A_261 = arith.constant 0 : i32
            %dma_wait3A_262 = tpu.memref_slice %arg13[%dma_wait3A_260, %dma_wait3A_261] : memref<10000x128xf32, #tpu.memory_space<vmem_shared>> -> memref<10000x128xf32, #tpu.memory_space<vmem_shared>>
            tpu.wait_indirect_dma semaphore(%arg18 : memref<!tpu.dma_semaphore, #tpu.memory_space<semaphore_mem>>) src(%arg8 : memref<80x128xf32, #tpu.memory_space<vmem>>) dst(%dma_wait3A_262 : memref<10000x128xf32, #tpu.memory_space<vmem_shared>>)
          } else {
          }
          %add3A_248 = arith.constant 2 : i32
          %add3A_249 = arith.addi %add3A_206, %add3A_248 : i32
          %dma_start3A_250 = arith.constant 0 : i32
          %dma_start3A_251 = tpu.memref_slice %arg6[%add3A_249, %dma_start3A_250] : memref<64x80xi32, #tpu.memory_space<vmem>> -> memref<1x80xi32, #tpu.memory_space<vmem>>
          %dma_start3A_252 = tpu.memref_squeeze %dma_start3A_251 : memref<1x80xi32, #tpu.memory_space<vmem>> -> memref<80xi32, #tpu.memory_space<vmem>>
          %dma_start3A_253 = arith.constant 0 : i32
          %dma_start3A_254 = arith.constant 0 : i32
          %dma_start3A_255 = tpu.memref_slice %arg2[%dma_start3A_253, %dma_start3A_254] : memref<10000x128xf32, #tpu.memory_space<hbm>> -> memref<10000x128xf32, #tpu.memory_space<hbm>>
          tpu.enqueue_indirect_dma source(%dma_start3A_255 : memref<10000x128xf32, #tpu.memory_space<hbm>>) target(%arg8 : memref<80x128xf32, #tpu.memory_space<vmem>>) offsets(%dma_start3A_252 : memref<80xi32, #tpu.memory_space<vmem>>) semaphore(%arg15 : memref<!tpu.dma_semaphore, #tpu.memory_space<semaphore_mem>>)
        } else {
        }
        %dma_wait3A_226 = arith.constant 0 : i32
        %dma_wait3A_227 = tpu.memref_slice %arg6[%add3A_206, %dma_wait3A_226] : memref<64x80xi32, #tpu.memory_space<vmem>> -> memref<1x80xi32, #tpu.memory_space<vmem>>
        %dma_wait3A_228 = tpu.memref_squeeze %dma_wait3A_227 : memref<1x80xi32, #tpu.memory_space<vmem>> -> memref<80xi32, #tpu.memory_space<vmem>>
        %dma_wait3A_229 = arith.constant 0 : i32
        %dma_wait3A_230 = arith.constant 0 : i32
        %dma_wait3A_231 = tpu.memref_slice %arg2[%dma_wait3A_229, %dma_wait3A_230] : memref<10000x128xf32, #tpu.memory_space<hbm>> -> memref<10000x128xf32, #tpu.memory_space<hbm>>
        tpu.wait_indirect_dma semaphore(%arg16 : memref<!tpu.dma_semaphore, #tpu.memory_space<semaphore_mem>>) src(%dma_wait3A_231 : memref<10000x128xf32, #tpu.memory_space<hbm>>) dst(%arg9 : memref<80x128xf32, #tpu.memory_space<vmem>>)
        %dma_start3A_232 = arith.constant 0 : i32
        %dma_start3A_233 = tpu.memref_slice %arg7[%add3A_206, %dma_start3A_232] : memref<64x80xi32, #tpu.memory_space<vmem>> -> memref<1x80xi32, #tpu.memory_space<vmem>>
        %dma_start3A_234 = tpu.memref_squeeze %dma_start3A_233 : memref<1x80xi32, #tpu.memory_space<vmem>> -> memref<80xi32, #tpu.memory_space<vmem>>
        %dma_start3A_235 = arith.constant 0 : i32
        %dma_start3A_236 = arith.constant 0 : i32
        %dma_start3A_237 = tpu.memref_slice %arg13[%dma_start3A_235, %dma_start3A_236] : memref<10000x128xf32, #tpu.memory_space<vmem_shared>> -> memref<10000x128xf32, #tpu.memory_space<vmem_shared>>
        tpu.enqueue_indirect_dma source(%arg9 : memref<80x128xf32, #tpu.memory_space<vmem>>) target(%dma_start3A_237 : memref<10000x128xf32, #tpu.memory_space<vmem_shared>>) offsets(%dma_start3A_234 : memref<80xi32, #tpu.memory_space<vmem>>) semaphore(%arg19 : memref<!tpu.dma_semaphore, #tpu.memory_space<semaphore_mem>>) {add = true}
        %dma_start3A_238 = arith.constant 0 : i32
        %dma_start3A_239 = tpu.memref_slice %arg7[%add3A_206, %dma_start3A_238] : memref<64x80xi32, #tpu.memory_space<vmem>> -> memref<1x80xi32, #tpu.memory_space<vmem>>
        %dma_start3A_240 = tpu.memref_squeeze %dma_start3A_239 : memref<1x80xi32, #tpu.memory_space<vmem>> -> memref<80xi32, #tpu.memory_space<vmem>>
        %dma_start3A_241 = arith.constant 0 : i32
        %dma_start3A_242 = tpu.memref_slice %arg14[%dma_start3A_241] : memref<10000xf32, #tpu.memory_space<vmem_shared>> -> memref<10000xf32, #tpu.memory_space<vmem_shared>>
        tpu.enqueue_indirect_dma source(%arg11 : memref<80xf32, #tpu.memory_space<vmem>>) target(%dma_start3A_242 : memref<10000xf32, #tpu.memory_space<vmem_shared>>) offsets(%dma_start3A_240 : memref<80xi32, #tpu.memory_space<vmem>>) semaphore(%arg21 : memref<!tpu.dma_semaphore, #tpu.memory_space<semaphore_mem>>) {add = true}
      } else {
      }
      %add3A_210 = arith.constant 2 : i32
      %add3A_211 = arith.addi %add3A_191, %add3A_210 : i32
      %lt3A_212 = arith.constant 64 : i32
      %lt3A_213 = arith.cmpi slt, %add3A_211, %lt3A_212 : i32
      %add3A_214 = arith.constant 2 : i32
      %add3A_215 = arith.addi %add3A_191, %add3A_214 : i32
      %convert_element_type3A_216 = arith.extui %lt3A_213 : i1 to i32
      %cond3A_217 = arith.constant 0 : i32
      %cond3A_218 = arith.cmpi ne, %convert_element_type3A_216, %cond3A_217 : i32
      scf.if %cond3A_218 {
        %add3A_219 = arith.constant 2 : i32
        %add3A_220 = arith.addi %add3A_215, %add3A_219 : i32
        %lt3A_221 = arith.constant 64 : i32
        %lt3A_222 = arith.cmpi slt, %add3A_220, %lt3A_221 : i32
        %convert_element_type3A_223 = arith.extui %lt3A_222 : i1 to i32
        %cond3A_224 = arith.constant 0 : i32
        %cond3A_225 = arith.cmpi ne, %convert_element_type3A_223, %cond3A_224 : i32
        scf.if %cond3A_225 {
          %ge3A_243 = arith.constant 1 : i32
          %ge3A_244 = arith.cmpi sge, %add3A_215, %ge3A_243 : i32
          %convert_element_type3A_245 = arith.extui %ge3A_244 : i1 to i32
          %cond3A_246 = arith.constant 0 : i32
          %cond3A_247 = arith.cmpi ne, %convert_element_type3A_245, %cond3A_246 : i32
          scf.if %cond3A_247 {
            %dma_wait3A_256 = arith.constant 0 : i32
            %dma_wait3A_257 = arith.constant 0 : i32
            %dma_wait3A_258 = tpu.memref_slice %arg7[%dma_wait3A_256, %dma_wait3A_257] : memref<64x80xi32, #tpu.memory_space<vmem>> -> memref<1x80xi32, #tpu.memory_space<vmem>>
            %dma_wait3A_259 = tpu.memref_squeeze %dma_wait3A_258 : memref<1x80xi32, #tpu.memory_space<vmem>> -> memref<80xi32, #tpu.memory_space<vmem>>
            %dma_wait3A_260 = arith.constant 0 : i32
            %dma_wait3A_261 = arith.constant 0 : i32
            %dma_wait3A_262 = tpu.memref_slice %arg13[%dma_wait3A_260, %dma_wait3A_261] : memref<10000x128xf32, #tpu.memory_space<vmem_shared>> -> memref<10000x128xf32, #tpu.memory_space<vmem_shared>>
            tpu.wait_indirect_dma semaphore(%arg19 : memref<!tpu.dma_semaphore, #tpu.memory_space<semaphore_mem>>) src(%arg9 : memref<80x128xf32, #tpu.memory_space<vmem>>) dst(%dma_wait3A_262 : memref<10000x128xf32, #tpu.memory_space<vmem_shared>>)
          } else {
          }
          %add3A_248 = arith.constant 2 : i32
          %add3A_249 = arith.addi %add3A_215, %add3A_248 : i32
          %dma_start3A_250 = arith.constant 0 : i32
          %dma_start3A_251 = tpu.memref_slice %arg6[%add3A_249, %dma_start3A_250] : memref<64x80xi32, #tpu.memory_space<vmem>> -> memref<1x80xi32, #tpu.memory_space<vmem>>
          %dma_start3A_252 = tpu.memref_squeeze %dma_start3A_251 : memref<1x80xi32, #tpu.memory_space<vmem>> -> memref<80xi32, #tpu.memory_space<vmem>>
          %dma_start3A_253 = arith.constant 0 : i32
          %dma_start3A_254 = arith.constant 0 : i32
          %dma_start3A_255 = tpu.memref_slice %arg2[%dma_start3A_253, %dma_start3A_254] : memref<10000x128xf32, #tpu.memory_space<hbm>> -> memref<10000x128xf32, #tpu.memory_space<hbm>>
          tpu.enqueue_indirect_dma source(%dma_start3A_255 : memref<10000x128xf32, #tpu.memory_space<hbm>>) target(%arg9 : memref<80x128xf32, #tpu.memory_space<vmem>>) offsets(%dma_start3A_252 : memref<80xi32, #tpu.memory_space<vmem>>) semaphore(%arg16 : memref<!tpu.dma_semaphore, #tpu.memory_space<semaphore_mem>>)
        } else {
        }
        %dma_wait3A_226 = arith.constant 0 : i32
        %dma_wait3A_227 = tpu.memref_slice %arg6[%add3A_215, %dma_wait3A_226] : memref<64x80xi32, #tpu.memory_space<vmem>> -> memref<1x80xi32, #tpu.memory_space<vmem>>
        %dma_wait3A_228 = tpu.memref_squeeze %dma_wait3A_227 : memref<1x80xi32, #tpu.memory_space<vmem>> -> memref<80xi32, #tpu.memory_space<vmem>>
        %dma_wait3A_229 = arith.constant 0 : i32
        %dma_wait3A_230 = arith.constant 0 : i32
        %dma_wait3A_231 = tpu.memref_slice %arg2[%dma_wait3A_229, %dma_wait3A_230] : memref<10000x128xf32, #tpu.memory_space<hbm>> -> memref<10000x128xf32, #tpu.memory_space<hbm>>
        tpu.wait_indirect_dma semaphore(%arg17 : memref<!tpu.dma_semaphore, #tpu.memory_space<semaphore_mem>>) src(%dma_wait3A_231 : memref<10000x128xf32, #tpu.memory_space<hbm>>) dst(%arg10 : memref<80x128xf32, #tpu.memory_space<vmem>>)
        %dma_start3A_232 = arith.constant 0 : i32
        %dma_start3A_233 = tpu.memref_slice %arg7[%add3A_215, %dma_start3A_232] : memref<64x80xi32, #tpu.memory_space<vmem>> -> memref<1x80xi32, #tpu.memory_space<vmem>>
        %dma_start3A_234 = tpu.memref_squeeze %dma_start3A_233 : memref<1x80xi32, #tpu.memory_space<vmem>> -> memref<80xi32, #tpu.memory_space<vmem>>
        %dma_start3A_235 = arith.constant 0 : i32
        %dma_start3A_236 = arith.constant 0 : i32
        %dma_start3A_237 = tpu.memref_slice %arg13[%dma_start3A_235, %dma_start3A_236] : memref<10000x128xf32, #tpu.memory_space<vmem_shared>> -> memref<10000x128xf32, #tpu.memory_space<vmem_shared>>
        tpu.enqueue_indirect_dma source(%arg10 : memref<80x128xf32, #tpu.memory_space<vmem>>) target(%dma_start3A_237 : memref<10000x128xf32, #tpu.memory_space<vmem_shared>>) offsets(%dma_start3A_234 : memref<80xi32, #tpu.memory_space<vmem>>) semaphore(%arg20 : memref<!tpu.dma_semaphore, #tpu.memory_space<semaphore_mem>>) {add = true}
        %dma_start3A_238 = arith.constant 0 : i32
        %dma_start3A_239 = tpu.memref_slice %arg7[%add3A_215, %dma_start3A_238] : memref<64x80xi32, #tpu.memory_space<vmem>> -> memref<1x80xi32, #tpu.memory_space<vmem>>
        %dma_start3A_240 = tpu.memref_squeeze %dma_start3A_239 : memref<1x80xi32, #tpu.memory_space<vmem>> -> memref<80xi32, #tpu.memory_space<vmem>>
        %dma_start3A_241 = arith.constant 0 : i32
        %dma_start3A_242 = tpu.memref_slice %arg14[%dma_start3A_241] : memref<10000xf32, #tpu.memory_space<vmem_shared>> -> memref<10000xf32, #tpu.memory_space<vmem_shared>>
        tpu.enqueue_indirect_dma source(%arg11 : memref<80xf32, #tpu.memory_space<vmem>>) target(%dma_start3A_242 : memref<10000xf32, #tpu.memory_space<vmem_shared>>) offsets(%dma_start3A_240 : memref<80xi32, #tpu.memory_space<vmem>>) semaphore(%arg21 : memref<!tpu.dma_semaphore, #tpu.memory_space<semaphore_mem>>) {add = true}
      } else {
      }
    }
    %scan3A_94 = arith.constant 22 : i32
    %dma_wait3A = arith.constant 0 : i32
    %dma_wait3A_95 = arith.constant 0 : i32
    %dma_wait3A_96 = tpu.memref_slice %arg7[%dma_wait3A, %dma_wait3A_95] : memref<64x80xi32, #tpu.memory_space<vmem>> -> memref<1x80xi32, #tpu.memory_space<vmem>>
    %dma_wait3A_97 = tpu.memref_squeeze %dma_wait3A_96 : memref<1x80xi32, #tpu.memory_space<vmem>> -> memref<80xi32, #tpu.memory_space<vmem>>
    %dma_wait3A_98 = arith.constant 0 : i32
    %dma_wait3A_99 = arith.constant 0 : i32
    %dma_wait3A_100 = tpu.memref_slice %arg13[%dma_wait3A_98, %dma_wait3A_99] : memref<10000x128xf32, #tpu.memory_space<vmem_shared>> -> memref<10000x128xf32, #tpu.memory_space<vmem_shared>>
    tpu.wait_indirect_dma semaphore(%arg18 : memref<!tpu.dma_semaphore, #tpu.memory_space<semaphore_mem>>) src(%arg8 : memref<80x128xf32, #tpu.memory_space<vmem>>) dst(%dma_wait3A_100 : memref<10000x128xf32, #tpu.memory_space<vmem_shared>>)
    %dma_wait3A_101 = arith.constant 0 : i32
    %dma_wait3A_102 = arith.constant 0 : i32
    %dma_wait3A_103 = tpu.memref_slice %arg7[%dma_wait3A_101, %dma_wait3A_102] : memref<64x80xi32, #tpu.memory_space<vmem>> -> memref<1x80xi32, #tpu.memory_space<vmem>>
    %dma_wait3A_104 = tpu.memref_squeeze %dma_wait3A_103 : memref<1x80xi32, #tpu.memory_space<vmem>> -> memref<80xi32, #tpu.memory_space<vmem>>
    %dma_wait3A_105 = arith.constant 0 : i32
    %dma_wait3A_106 = arith.constant 0 : i32
    %dma_wait3A_107 = tpu.memref_slice %arg13[%dma_wait3A_105, %dma_wait3A_106] : memref<10000x128xf32, #tpu.memory_space<vmem_shared>> -> memref<10000x128xf32, #tpu.memory_space<vmem_shared>>
    tpu.wait_indirect_dma semaphore(%arg19 : memref<!tpu.dma_semaphore, #tpu.memory_space<semaphore_mem>>) src(%arg9 : memref<80x128xf32, #tpu.memory_space<vmem>>) dst(%dma_wait3A_107 : memref<10000x128xf32, #tpu.memory_space<vmem_shared>>)
    %dma_wait3A_108 = arith.constant 0 : i32
    %dma_wait3A_109 = arith.constant 0 : i32
    %dma_wait3A_110 = tpu.memref_slice %arg7[%dma_wait3A_108, %dma_wait3A_109] : memref<64x80xi32, #tpu.memory_space<vmem>> -> memref<1x80xi32, #tpu.memory_space<vmem>>
    %dma_wait3A_111 = tpu.memref_squeeze %dma_wait3A_110 : memref<1x80xi32, #tpu.memory_space<vmem>> -> memref<80xi32, #tpu.memory_space<vmem>>
    %dma_wait3A_112 = arith.constant 0 : i32
    %dma_wait3A_113 = arith.constant 0 : i32
    %dma_wait3A_114 = tpu.memref_slice %arg13[%dma_wait3A_112, %dma_wait3A_113] : memref<10000x128xf32, #tpu.memory_space<vmem_shared>> -> memref<10000x128xf32, #tpu.memory_space<vmem_shared>>
    tpu.wait_indirect_dma semaphore(%arg20 : memref<!tpu.dma_semaphore, #tpu.memory_space<semaphore_mem>>) src(%arg10 : memref<80x128xf32, #tpu.memory_space<vmem>>) dst(%dma_wait3A_114 : memref<10000x128xf32, #tpu.memory_space<vmem_shared>>)
    %scan3A_115 = arith.constant 0 : i32
    %scan3A_116 = arith.constant 0 : i32
    %scan3A_117 = arith.constant 64 : i32
    %scan3A_118 = arith.addi %scan3A_116, %scan3A_117 : i32
    %scan3A_119 = arith.constant 1 : i32
    %scan3A_120 = scf.for %scan3A_187 = %scan3A_116 to %scan3A_118 step %scan3A_119 iter_args(%scan3A_188 = %scan3A_115) -> (i32)  : i32 {
      %dma_wait3A_189 = arith.constant 0 : i32
      %dma_wait3A_190 = arith.constant 0 : i32
      %dma_wait3A_191 = tpu.memref_slice %arg7[%dma_wait3A_189, %dma_wait3A_190] : memref<64x80xi32, #tpu.memory_space<vmem>> -> memref<1x80xi32, #tpu.memory_space<vmem>>
      %dma_wait3A_192 = tpu.memref_squeeze %dma_wait3A_191 : memref<1x80xi32, #tpu.memory_space<vmem>> -> memref<80xi32, #tpu.memory_space<vmem>>
      %dma_wait3A_193 = arith.constant 0 : i32
      %dma_wait3A_194 = tpu.memref_slice %arg14[%dma_wait3A_193] : memref<10000xf32, #tpu.memory_space<vmem_shared>> -> memref<10000xf32, #tpu.memory_space<vmem_shared>>
      tpu.wait_indirect_dma semaphore(%arg21 : memref<!tpu.dma_semaphore, #tpu.memory_space<semaphore_mem>>) src(%arg11 : memref<80xf32, #tpu.memory_space<vmem>>) dst(%dma_wait3A_194 : memref<10000xf32, #tpu.memory_space<vmem_shared>>)
      %scan3A_195 = arith.constant 0 : i32
      scf.yield %scan3A_195 : i32
    }
    %scan3A_121 = arith.constant 64 : i32
    %run_scoped3A_122 = arith.constant 0 : i32
    "tpu.region"() ({
      %run_scoped3A_187 = tpu.sem_alloc : memref<!tpu.dma_semaphore, #tpu.memory_space<semaphore_mem>>
      %dma_start3A_188 = arith.constant 0 : i32
      %dma_start3A_189 = arith.constant 0 : i32
      %dma_start3A_190 = tpu.memref_slice %arg6[%dma_start3A_188, %dma_start3A_189] : memref<64x80xi32, #tpu.memory_space<vmem>> -> memref<61x80xi32, #tpu.memory_space<vmem>>
      %dma_start3A_191 = arith.constant 64 : i32
      %dma_start3A_192 = arith.constant 0 : i32
      %dma_start3A_193 = tpu.memref_slice %arg3[%run_scoped3A_122, %add3A, %dma_start3A_191, %dma_start3A_192] : memref<2x32x125x80xi32, #tpu.memory_space<hbm>> -> memref<1x1x61x80xi32, #tpu.memory_space<hbm>>
      %dma_start3A_194 = tpu.memref_squeeze %dma_start3A_193 : memref<1x1x61x80xi32, #tpu.memory_space<hbm>> -> memref<61x80xi32, #tpu.memory_space<hbm>>
      %dma_start3A_195 = arith.constant 0 : i32
      %dma_start3A_196 = arith.constant 0 : i32
      %dma_start3A_197 = tpu.memref_slice %arg6[%dma_start3A_195, %dma_start3A_196] : memref<64x80xi32, #tpu.memory_space<vmem>> -> memref<61x80xi32, #tpu.memory_space<vmem>>
      %dma_start3A_198 = arith.constant 64 : i32
      %dma_start3A_199 = arith.constant 0 : i32
      %dma_start3A_200 = tpu.memref_slice %arg3[%run_scoped3A_122, %add3A, %dma_start3A_198, %dma_start3A_199] : memref<2x32x125x80xi32, #tpu.memory_space<hbm>> -> memref<1x1x61x80xi32, #tpu.memory_space<hbm>>
      %dma_start3A_201 = tpu.memref_squeeze %dma_start3A_200 : memref<1x1x61x80xi32, #tpu.memory_space<hbm>> -> memref<61x80xi32, #tpu.memory_space<hbm>>
      tpu.enqueue_dma source(%dma_start3A_201 : memref<61x80xi32, #tpu.memory_space<hbm>>) target(%dma_start3A_197 : memref<61x80xi32, #tpu.memory_space<vmem>>) target_semaphore(%run_scoped3A_187 : memref<!tpu.dma_semaphore, #tpu.memory_space<semaphore_mem>>)
      %dma_wait3A_202 = arith.constant 0 : i32
      %dma_wait3A_203 = arith.constant 0 : i32
      %dma_wait3A_204 = tpu.memref_slice %arg6[%dma_wait3A_202, %dma_wait3A_203] : memref<64x80xi32, #tpu.memory_space<vmem>> -> memref<61x80xi32, #tpu.memory_space<vmem>>
      %dma_wait3A_205 = arith.constant 64 : i32
      %dma_wait3A_206 = arith.constant 0 : i32
      %dma_wait3A_207 = tpu.memref_slice %arg3[%run_scoped3A_122, %add3A, %dma_wait3A_205, %dma_wait3A_206] : memref<2x32x125x80xi32, #tpu.memory_space<hbm>> -> memref<1x1x61x80xi32, #tpu.memory_space<hbm>>
      %dma_wait3A_208 = tpu.memref_squeeze %dma_wait3A_207 : memref<1x1x61x80xi32, #tpu.memory_space<hbm>> -> memref<61x80xi32, #tpu.memory_space<hbm>>
      %dma_wait3A_209 = arith.constant 0 : i32
      %dma_wait3A_210 = arith.constant 0 : i32
      %dma_wait3A_211 = tpu.memref_slice %arg6[%dma_wait3A_209, %dma_wait3A_210] : memref<64x80xi32, #tpu.memory_space<vmem>> -> memref<61x80xi32, #tpu.memory_space<vmem>>
      %dma_wait3A_212 = arith.constant 64 : i32
      %dma_wait3A_213 = arith.constant 0 : i32
      %dma_wait3A_214 = tpu.memref_slice %arg3[%run_scoped3A_122, %add3A, %dma_wait3A_212, %dma_wait3A_213] : memref<2x32x125x80xi32, #tpu.memory_space<hbm>> -> memref<1x1x61x80xi32, #tpu.memory_space<hbm>>
      %dma_wait3A_215 = tpu.memref_squeeze %dma_wait3A_214 : memref<1x1x61x80xi32, #tpu.memory_space<hbm>> -> memref<61x80xi32, #tpu.memory_space<hbm>>
      tpu.wait_dma2 semaphore(%run_scoped3A_187 : memref<!tpu.dma_semaphore, #tpu.memory_space<semaphore_mem>>) src(%dma_wait3A_215 : memref<61x80xi32, #tpu.memory_space<hbm>>) dst(%dma_wait3A_211 : memref<61x80xi32, #tpu.memory_space<vmem>>)
      tpu.yield
    }) : () -> ()
    %run_scoped3A_123 = arith.constant 1 : i32
    "tpu.region"() ({
      %run_scoped3A_187 = tpu.sem_alloc : memref<!tpu.dma_semaphore, #tpu.memory_space<semaphore_mem>>
      %dma_start3A_188 = arith.constant 0 : i32
      %dma_start3A_189 = arith.constant 0 : i32
      %dma_start3A_190 = tpu.memref_slice %arg7[%dma_start3A_188, %dma_start3A_189] : memref<64x80xi32, #tpu.memory_space<vmem>> -> memref<61x80xi32, #tpu.memory_space<vmem>>
      %dma_start3A_191 = arith.constant 64 : i32
      %dma_start3A_192 = arith.constant 0 : i32
      %dma_start3A_193 = tpu.memref_slice %arg3[%run_scoped3A_123, %add3A, %dma_start3A_191, %dma_start3A_192] : memref<2x32x125x80xi32, #tpu.memory_space<hbm>> -> memref<1x1x61x80xi32, #tpu.memory_space<hbm>>
      %dma_start3A_194 = tpu.memref_squeeze %dma_start3A_193 : memref<1x1x61x80xi32, #tpu.memory_space<hbm>> -> memref<61x80xi32, #tpu.memory_space<hbm>>
      %dma_start3A_195 = arith.constant 0 : i32
      %dma_start3A_196 = arith.constant 0 : i32
      %dma_start3A_197 = tpu.memref_slice %arg7[%dma_start3A_195, %dma_start3A_196] : memref<64x80xi32, #tpu.memory_space<vmem>> -> memref<61x80xi32, #tpu.memory_space<vmem>>
      %dma_start3A_198 = arith.constant 64 : i32
      %dma_start3A_199 = arith.constant 0 : i32
      %dma_start3A_200 = tpu.memref_slice %arg3[%run_scoped3A_123, %add3A, %dma_start3A_198, %dma_start3A_199] : memref<2x32x125x80xi32, #tpu.memory_space<hbm>> -> memref<1x1x61x80xi32, #tpu.memory_space<hbm>>
      %dma_start3A_201 = tpu.memref_squeeze %dma_start3A_200 : memref<1x1x61x80xi32, #tpu.memory_space<hbm>> -> memref<61x80xi32, #tpu.memory_space<hbm>>
      tpu.enqueue_dma source(%dma_start3A_201 : memref<61x80xi32, #tpu.memory_space<hbm>>) target(%dma_start3A_197 : memref<61x80xi32, #tpu.memory_space<vmem>>) target_semaphore(%run_scoped3A_187 : memref<!tpu.dma_semaphore, #tpu.memory_space<semaphore_mem>>)
      %dma_wait3A_202 = arith.constant 0 : i32
      %dma_wait3A_203 = arith.constant 0 : i32
      %dma_wait3A_204 = tpu.memref_slice %arg7[%dma_wait3A_202, %dma_wait3A_203] : memref<64x80xi32, #tpu.memory_space<vmem>> -> memref<61x80xi32, #tpu.memory_space<vmem>>
      %dma_wait3A_205 = arith.constant 64 : i32
      %dma_wait3A_206 = arith.constant 0 : i32
      %dma_wait3A_207 = tpu.memref_slice %arg3[%run_scoped3A_123, %add3A, %dma_wait3A_205, %dma_wait3A_206] : memref<2x32x125x80xi32, #tpu.memory_space<hbm>> -> memref<1x1x61x80xi32, #tpu.memory_space<hbm>>
      %dma_wait3A_208 = tpu.memref_squeeze %dma_wait3A_207 : memref<1x1x61x80xi32, #tpu.memory_space<hbm>> -> memref<61x80xi32, #tpu.memory_space<hbm>>
      %dma_wait3A_209 = arith.constant 0 : i32
      %dma_wait3A_210 = arith.constant 0 : i32
      %dma_wait3A_211 = tpu.memref_slice %arg7[%dma_wait3A_209, %dma_wait3A_210] : memref<64x80xi32, #tpu.memory_space<vmem>> -> memref<61x80xi32, #tpu.memory_space<vmem>>
      %dma_wait3A_212 = arith.constant 64 : i32
      %dma_wait3A_213 = arith.constant 0 : i32
      %dma_wait3A_214 = tpu.memref_slice %arg3[%run_scoped3A_123, %add3A, %dma_wait3A_212, %dma_wait3A_213] : memref<2x32x125x80xi32, #tpu.memory_space<hbm>> -> memref<1x1x61x80xi32, #tpu.memory_space<hbm>>
      %dma_wait3A_215 = tpu.memref_squeeze %dma_wait3A_214 : memref<1x1x61x80xi32, #tpu.memory_space<hbm>> -> memref<61x80xi32, #tpu.memory_space<hbm>>
      tpu.wait_dma2 semaphore(%run_scoped3A_187 : memref<!tpu.dma_semaphore, #tpu.memory_space<semaphore_mem>>) src(%dma_wait3A_215 : memref<61x80xi32, #tpu.memory_space<hbm>>) dst(%dma_wait3A_211 : memref<61x80xi32, #tpu.memory_space<vmem>>)
      tpu.yield
    }) : () -> ()
    %dma_start3A_124 = arith.constant 0 : i32
    %dma_start3A_125 = arith.constant 0 : i32
    %dma_start3A_126 = tpu.memref_slice %arg6[%dma_start3A_124, %dma_start3A_125] : memref<64x80xi32, #tpu.memory_space<vmem>> -> memref<1x80xi32, #tpu.memory_space<vmem>>
    %dma_start3A_127 = tpu.memref_squeeze %dma_start3A_126 : memref<1x80xi32, #tpu.memory_space<vmem>> -> memref<80xi32, #tpu.memory_space<vmem>>
    %dma_start3A_128 = arith.constant 0 : i32
    %dma_start3A_129 = arith.constant 0 : i32
    %dma_start3A_130 = tpu.memref_slice %arg2[%dma_start3A_128, %dma_start3A_129] : memref<10000x128xf32, #tpu.memory_space<hbm>> -> memref<10000x128xf32, #tpu.memory_space<hbm>>
    tpu.enqueue_indirect_dma source(%dma_start3A_130 : memref<10000x128xf32, #tpu.memory_space<hbm>>) target(%arg8 : memref<80x128xf32, #tpu.memory_space<vmem>>) offsets(%dma_start3A_127 : memref<80xi32, #tpu.memory_space<vmem>>) semaphore(%arg15 : memref<!tpu.dma_semaphore, #tpu.memory_space<semaphore_mem>>)
    %dma_start3A_131 = arith.constant 1 : i32
    %dma_start3A_132 = arith.constant 0 : i32
    %dma_start3A_133 = tpu.memref_slice %arg6[%dma_start3A_131, %dma_start3A_132] : memref<64x80xi32, #tpu.memory_space<vmem>> -> memref<1x80xi32, #tpu.memory_space<vmem>>
    %dma_start3A_134 = tpu.memref_squeeze %dma_start3A_133 : memref<1x80xi32, #tpu.memory_space<vmem>> -> memref<80xi32, #tpu.memory_space<vmem>>
    %dma_start3A_135 = arith.constant 0 : i32
    %dma_start3A_136 = arith.constant 0 : i32
    %dma_start3A_137 = tpu.memref_slice %arg2[%dma_start3A_135, %dma_start3A_136] : memref<10000x128xf32, #tpu.memory_space<hbm>> -> memref<10000x128xf32, #tpu.memory_space<hbm>>
    tpu.enqueue_indirect_dma source(%dma_start3A_137 : memref<10000x128xf32, #tpu.memory_space<hbm>>) target(%arg9 : memref<80x128xf32, #tpu.memory_space<vmem>>) offsets(%dma_start3A_134 : memref<80xi32, #tpu.memory_space<vmem>>) semaphore(%arg16 : memref<!tpu.dma_semaphore, #tpu.memory_space<semaphore_mem>>)
    %scan3A_138 = arith.constant 0 : i32
    %scan3A_139 = arith.constant 21 : i32
    %scan3A_140 = arith.addi %scan3A_138, %scan3A_139 : i32
    %scan3A_141 = arith.constant 1 : i32
    scf.for %scan3A_187 = %scan3A_138 to %scan3A_140 step %scan3A_141  : i32 {
      %mul3A_188 = arith.constant 3 : i32
      %mul3A_189 = arith.muli %scan3A_187, %mul3A_188 : i32
      %add3A_190 = arith.constant 0 : i32
      %add3A_191 = arith.addi %add3A_190, %mul3A_189 : i32
      %add3A_192 = arith.constant 0 : i32
      %add3A_193 = arith.addi %add3A_191, %add3A_192 : i32
      %lt3A_194 = arith.constant 61 : i32
      %lt3A_195 = arith.cmpi slt, %add3A_193, %lt3A_194 : i32
      %add3A_196 = arith.constant 0 : i32
      %add3A_197 = arith.addi %add3A_191, %add3A_196 : i32
      %convert_element_type3A_198 = arith.extui %lt3A_195 : i1 to i32
      %cond3A_199 = arith.constant 0 : i32
      %cond3A_200 = arith.cmpi ne, %convert_element_type3A_198, %cond3A_199 : i32
      scf.if %cond3A_200 {
        %add3A_219 = arith.constant 2 : i32
        %add3A_220 = arith.addi %add3A_197, %add3A_219 : i32
        %lt3A_221 = arith.constant 61 : i32
        %lt3A_222 = arith.cmpi slt, %add3A_220, %lt3A_221 : i32
        %convert_element_type3A_223 = arith.extui %lt3A_222 : i1 to i32
        %cond3A_224 = arith.constant 0 : i32
        %cond3A_225 = arith.cmpi ne, %convert_element_type3A_223, %cond3A_224 : i32
        scf.if %cond3A_225 {
          %ge3A_243 = arith.constant 1 : i32
          %ge3A_244 = arith.cmpi sge, %add3A_197, %ge3A_243 : i32
          %convert_element_type3A_245 = arith.extui %ge3A_244 : i1 to i32
          %cond3A_246 = arith.constant 0 : i32
          %cond3A_247 = arith.cmpi ne, %convert_element_type3A_245, %cond3A_246 : i32
          scf.if %cond3A_247 {
            %dma_wait3A_256 = arith.constant 0 : i32
            %dma_wait3A_257 = arith.constant 0 : i32
            %dma_wait3A_258 = tpu.memref_slice %arg7[%dma_wait3A_256, %dma_wait3A_257] : memref<64x80xi32, #tpu.memory_space<vmem>> -> memref<1x80xi32, #tpu.memory_space<vmem>>
            %dma_wait3A_259 = tpu.memref_squeeze %dma_wait3A_258 : memref<1x80xi32, #tpu.memory_space<vmem>> -> memref<80xi32, #tpu.memory_space<vmem>>
            %dma_wait3A_260 = arith.constant 0 : i32
            %dma_wait3A_261 = arith.constant 0 : i32
            %dma_wait3A_262 = tpu.memref_slice %arg13[%dma_wait3A_260, %dma_wait3A_261] : memref<10000x128xf32, #tpu.memory_space<vmem_shared>> -> memref<10000x128xf32, #tpu.memory_space<vmem_shared>>
            tpu.wait_indirect_dma semaphore(%arg20 : memref<!tpu.dma_semaphore, #tpu.memory_space<semaphore_mem>>) src(%arg10 : memref<80x128xf32, #tpu.memory_space<vmem>>) dst(%dma_wait3A_262 : memref<10000x128xf32, #tpu.memory_space<vmem_shared>>)
          } else {
          }
          %add3A_248 = arith.constant 2 : i32
          %add3A_249 = arith.addi %add3A_197, %add3A_248 : i32
          %dma_start3A_250 = arith.constant 0 : i32
          %dma_start3A_251 = tpu.memref_slice %arg6[%add3A_249, %dma_start3A_250] : memref<64x80xi32, #tpu.memory_space<vmem>> -> memref<1x80xi32, #tpu.memory_space<vmem>>
          %dma_start3A_252 = tpu.memref_squeeze %dma_start3A_251 : memref<1x80xi32, #tpu.memory_space<vmem>> -> memref<80xi32, #tpu.memory_space<vmem>>
          %dma_start3A_253 = arith.constant 0 : i32
          %dma_start3A_254 = arith.constant 0 : i32
          %dma_start3A_255 = tpu.memref_slice %arg2[%dma_start3A_253, %dma_start3A_254] : memref<10000x128xf32, #tpu.memory_space<hbm>> -> memref<10000x128xf32, #tpu.memory_space<hbm>>
          tpu.enqueue_indirect_dma source(%dma_start3A_255 : memref<10000x128xf32, #tpu.memory_space<hbm>>) target(%arg10 : memref<80x128xf32, #tpu.memory_space<vmem>>) offsets(%dma_start3A_252 : memref<80xi32, #tpu.memory_space<vmem>>) semaphore(%arg17 : memref<!tpu.dma_semaphore, #tpu.memory_space<semaphore_mem>>)
        } else {
        }
        %dma_wait3A_226 = arith.constant 0 : i32
        %dma_wait3A_227 = tpu.memref_slice %arg6[%add3A_197, %dma_wait3A_226] : memref<64x80xi32, #tpu.memory_space<vmem>> -> memref<1x80xi32, #tpu.memory_space<vmem>>
        %dma_wait3A_228 = tpu.memref_squeeze %dma_wait3A_227 : memref<1x80xi32, #tpu.memory_space<vmem>> -> memref<80xi32, #tpu.memory_space<vmem>>
        %dma_wait3A_229 = arith.constant 0 : i32
        %dma_wait3A_230 = arith.constant 0 : i32
        %dma_wait3A_231 = tpu.memref_slice %arg2[%dma_wait3A_229, %dma_wait3A_230] : memref<10000x128xf32, #tpu.memory_space<hbm>> -> memref<10000x128xf32, #tpu.memory_space<hbm>>
        tpu.wait_indirect_dma semaphore(%arg15 : memref<!tpu.dma_semaphore, #tpu.memory_space<semaphore_mem>>) src(%dma_wait3A_231 : memref<10000x128xf32, #tpu.memory_space<hbm>>) dst(%arg8 : memref<80x128xf32, #tpu.memory_space<vmem>>)
        %dma_start3A_232 = arith.constant 0 : i32
        %dma_start3A_233 = tpu.memref_slice %arg7[%add3A_197, %dma_start3A_232] : memref<64x80xi32, #tpu.memory_space<vmem>> -> memref<1x80xi32, #tpu.memory_space<vmem>>
        %dma_start3A_234 = tpu.memref_squeeze %dma_start3A_233 : memref<1x80xi32, #tpu.memory_space<vmem>> -> memref<80xi32, #tpu.memory_space<vmem>>
        %dma_start3A_235 = arith.constant 0 : i32
        %dma_start3A_236 = arith.constant 0 : i32
        %dma_start3A_237 = tpu.memref_slice %arg13[%dma_start3A_235, %dma_start3A_236] : memref<10000x128xf32, #tpu.memory_space<vmem_shared>> -> memref<10000x128xf32, #tpu.memory_space<vmem_shared>>
        tpu.enqueue_indirect_dma source(%arg8 : memref<80x128xf32, #tpu.memory_space<vmem>>) target(%dma_start3A_237 : memref<10000x128xf32, #tpu.memory_space<vmem_shared>>) offsets(%dma_start3A_234 : memref<80xi32, #tpu.memory_space<vmem>>) semaphore(%arg18 : memref<!tpu.dma_semaphore, #tpu.memory_space<semaphore_mem>>) {add = true}
        %dma_start3A_238 = arith.constant 0 : i32
        %dma_start3A_239 = tpu.memref_slice %arg7[%add3A_197, %dma_start3A_238] : memref<64x80xi32, #tpu.memory_space<vmem>> -> memref<1x80xi32, #tpu.memory_space<vmem>>
        %dma_start3A_240 = tpu.memref_squeeze %dma_start3A_239 : memref<1x80xi32, #tpu.memory_space<vmem>> -> memref<80xi32, #tpu.memory_space<vmem>>
        %dma_start3A_241 = arith.constant 0 : i32
        %dma_start3A_242 = tpu.memref_slice %arg14[%dma_start3A_241] : memref<10000xf32, #tpu.memory_space<vmem_shared>> -> memref<10000xf32, #tpu.memory_space<vmem_shared>>
        tpu.enqueue_indirect_dma source(%arg11 : memref<80xf32, #tpu.memory_space<vmem>>) target(%dma_start3A_242 : memref<10000xf32, #tpu.memory_space<vmem_shared>>) offsets(%dma_start3A_240 : memref<80xi32, #tpu.memory_space<vmem>>) semaphore(%arg21 : memref<!tpu.dma_semaphore, #tpu.memory_space<semaphore_mem>>) {add = true}
      } else {
      }
      %add3A_201 = arith.constant 1 : i32
      %add3A_202 = arith.addi %add3A_191, %add3A_201 : i32
      %lt3A_203 = arith.constant 61 : i32
      %lt3A_204 = arith.cmpi slt, %add3A_202, %lt3A_203 : i32
      %add3A_205 = arith.constant 1 : i32
      %add3A_206 = arith.addi %add3A_191, %add3A_205 : i32
      %convert_element_type3A_207 = arith.extui %lt3A_204 : i1 to i32
      %cond3A_208 = arith.constant 0 : i32
      %cond3A_209 = arith.cmpi ne, %convert_element_type3A_207, %cond3A_208 : i32
      scf.if %cond3A_209 {
        %add3A_219 = arith.constant 2 : i32
        %add3A_220 = arith.addi %add3A_206, %add3A_219 : i32
        %lt3A_221 = arith.constant 61 : i32
        %lt3A_222 = arith.cmpi slt, %add3A_220, %lt3A_221 : i32
        %convert_element_type3A_223 = arith.extui %lt3A_222 : i1 to i32
        %cond3A_224 = arith.constant 0 : i32
        %cond3A_225 = arith.cmpi ne, %convert_element_type3A_223, %cond3A_224 : i32
        scf.if %cond3A_225 {
          %ge3A_243 = arith.constant 1 : i32
          %ge3A_244 = arith.cmpi sge, %add3A_206, %ge3A_243 : i32
          %convert_element_type3A_245 = arith.extui %ge3A_244 : i1 to i32
          %cond3A_246 = arith.constant 0 : i32
          %cond3A_247 = arith.cmpi ne, %convert_element_type3A_245, %cond3A_246 : i32
          scf.if %cond3A_247 {
            %dma_wait3A_256 = arith.constant 0 : i32
            %dma_wait3A_257 = arith.constant 0 : i32
            %dma_wait3A_258 = tpu.memref_slice %arg7[%dma_wait3A_256, %dma_wait3A_257] : memref<64x80xi32, #tpu.memory_space<vmem>> -> memref<1x80xi32, #tpu.memory_space<vmem>>
            %dma_wait3A_259 = tpu.memref_squeeze %dma_wait3A_258 : memref<1x80xi32, #tpu.memory_space<vmem>> -> memref<80xi32, #tpu.memory_space<vmem>>
            %dma_wait3A_260 = arith.constant 0 : i32
            %dma_wait3A_261 = arith.constant 0 : i32
            %dma_wait3A_262 = tpu.memref_slice %arg13[%dma_wait3A_260, %dma_wait3A_261] : memref<10000x128xf32, #tpu.memory_space<vmem_shared>> -> memref<10000x128xf32, #tpu.memory_space<vmem_shared>>
            tpu.wait_indirect_dma semaphore(%arg18 : memref<!tpu.dma_semaphore, #tpu.memory_space<semaphore_mem>>) src(%arg8 : memref<80x128xf32, #tpu.memory_space<vmem>>) dst(%dma_wait3A_262 : memref<10000x128xf32, #tpu.memory_space<vmem_shared>>)
          } else {
          }
          %add3A_248 = arith.constant 2 : i32
          %add3A_249 = arith.addi %add3A_206, %add3A_248 : i32
          %dma_start3A_250 = arith.constant 0 : i32
          %dma_start3A_251 = tpu.memref_slice %arg6[%add3A_249, %dma_start3A_250] : memref<64x80xi32, #tpu.memory_space<vmem>> -> memref<1x80xi32, #tpu.memory_space<vmem>>
          %dma_start3A_252 = tpu.memref_squeeze %dma_start3A_251 : memref<1x80xi32, #tpu.memory_space<vmem>> -> memref<80xi32, #tpu.memory_space<vmem>>
          %dma_start3A_253 = arith.constant 0 : i32
          %dma_start3A_254 = arith.constant 0 : i32
          %dma_start3A_255 = tpu.memref_slice %arg2[%dma_start3A_253, %dma_start3A_254] : memref<10000x128xf32, #tpu.memory_space<hbm>> -> memref<10000x128xf32, #tpu.memory_space<hbm>>
          tpu.enqueue_indirect_dma source(%dma_start3A_255 : memref<10000x128xf32, #tpu.memory_space<hbm>>) target(%arg8 : memref<80x128xf32, #tpu.memory_space<vmem>>) offsets(%dma_start3A_252 : memref<80xi32, #tpu.memory_space<vmem>>) semaphore(%arg15 : memref<!tpu.dma_semaphore, #tpu.memory_space<semaphore_mem>>)
        } else {
        }
        %dma_wait3A_226 = arith.constant 0 : i32
        %dma_wait3A_227 = tpu.memref_slice %arg6[%add3A_206, %dma_wait3A_226] : memref<64x80xi32, #tpu.memory_space<vmem>> -> memref<1x80xi32, #tpu.memory_space<vmem>>
        %dma_wait3A_228 = tpu.memref_squeeze %dma_wait3A_227 : memref<1x80xi32, #tpu.memory_space<vmem>> -> memref<80xi32, #tpu.memory_space<vmem>>
        %dma_wait3A_229 = arith.constant 0 : i32
        %dma_wait3A_230 = arith.constant 0 : i32
        %dma_wait3A_231 = tpu.memref_slice %arg2[%dma_wait3A_229, %dma_wait3A_230] : memref<10000x128xf32, #tpu.memory_space<hbm>> -> memref<10000x128xf32, #tpu.memory_space<hbm>>
        tpu.wait_indirect_dma semaphore(%arg16 : memref<!tpu.dma_semaphore, #tpu.memory_space<semaphore_mem>>) src(%dma_wait3A_231 : memref<10000x128xf32, #tpu.memory_space<hbm>>) dst(%arg9 : memref<80x128xf32, #tpu.memory_space<vmem>>)
        %dma_start3A_232 = arith.constant 0 : i32
        %dma_start3A_233 = tpu.memref_slice %arg7[%add3A_206, %dma_start3A_232] : memref<64x80xi32, #tpu.memory_space<vmem>> -> memref<1x80xi32, #tpu.memory_space<vmem>>
        %dma_start3A_234 = tpu.memref_squeeze %dma_start3A_233 : memref<1x80xi32, #tpu.memory_space<vmem>> -> memref<80xi32, #tpu.memory_space<vmem>>
        %dma_start3A_235 = arith.constant 0 : i32
        %dma_start3A_236 = arith.constant 0 : i32
        %dma_start3A_237 = tpu.memref_slice %arg13[%dma_start3A_235, %dma_start3A_236] : memref<10000x128xf32, #tpu.memory_space<vmem_shared>> -> memref<10000x128xf32, #tpu.memory_space<vmem_shared>>
        tpu.enqueue_indirect_dma source(%arg9 : memref<80x128xf32, #tpu.memory_space<vmem>>) target(%dma_start3A_237 : memref<10000x128xf32, #tpu.memory_space<vmem_shared>>) offsets(%dma_start3A_234 : memref<80xi32, #tpu.memory_space<vmem>>) semaphore(%arg19 : memref<!tpu.dma_semaphore, #tpu.memory_space<semaphore_mem>>) {add = true}
        %dma_start3A_238 = arith.constant 0 : i32
        %dma_start3A_239 = tpu.memref_slice %arg7[%add3A_206, %dma_start3A_238] : memref<64x80xi32, #tpu.memory_space<vmem>> -> memref<1x80xi32, #tpu.memory_space<vmem>>
        %dma_start3A_240 = tpu.memref_squeeze %dma_start3A_239 : memref<1x80xi32, #tpu.memory_space<vmem>> -> memref<80xi32, #tpu.memory_space<vmem>>
        %dma_start3A_241 = arith.constant 0 : i32
        %dma_start3A_242 = tpu.memref_slice %arg14[%dma_start3A_241] : memref<10000xf32, #tpu.memory_space<vmem_shared>> -> memref<10000xf32, #tpu.memory_space<vmem_shared>>
        tpu.enqueue_indirect_dma source(%arg11 : memref<80xf32, #tpu.memory_space<vmem>>) target(%dma_start3A_242 : memref<10000xf32, #tpu.memory_space<vmem_shared>>) offsets(%dma_start3A_240 : memref<80xi32, #tpu.memory_space<vmem>>) semaphore(%arg21 : memref<!tpu.dma_semaphore, #tpu.memory_space<semaphore_mem>>) {add = true}
      } else {
      }
      %add3A_210 = arith.constant 2 : i32
      %add3A_211 = arith.addi %add3A_191, %add3A_210 : i32
      %lt3A_212 = arith.constant 61 : i32
      %lt3A_213 = arith.cmpi slt, %add3A_211, %lt3A_212 : i32
      %add3A_214 = arith.constant 2 : i32
      %add3A_215 = arith.addi %add3A_191, %add3A_214 : i32
      %convert_element_type3A_216 = arith.extui %lt3A_213 : i1 to i32
      %cond3A_217 = arith.constant 0 : i32
      %cond3A_218 = arith.cmpi ne, %convert_element_type3A_216, %cond3A_217 : i32
      scf.if %cond3A_218 {
        %add3A_219 = arith.constant 2 : i32
        %add3A_220 = arith.addi %add3A_215, %add3A_219 : i32
        %lt3A_221 = arith.constant 61 : i32
        %lt3A_222 = arith.cmpi slt, %add3A_220, %lt3A_221 : i32
        %convert_element_type3A_223 = arith.extui %lt3A_222 : i1 to i32
        %cond3A_224 = arith.constant 0 : i32
        %cond3A_225 = arith.cmpi ne, %convert_element_type3A_223, %cond3A_224 : i32
        scf.if %cond3A_225 {
          %ge3A_243 = arith.constant 1 : i32
          %ge3A_244 = arith.cmpi sge, %add3A_215, %ge3A_243 : i32
          %convert_element_type3A_245 = arith.extui %ge3A_244 : i1 to i32
          %cond3A_246 = arith.constant 0 : i32
          %cond3A_247 = arith.cmpi ne, %convert_element_type3A_245, %cond3A_246 : i32
          scf.if %cond3A_247 {
            %dma_wait3A_256 = arith.constant 0 : i32
            %dma_wait3A_257 = arith.constant 0 : i32
            %dma_wait3A_258 = tpu.memref_slice %arg7[%dma_wait3A_256, %dma_wait3A_257] : memref<64x80xi32, #tpu.memory_space<vmem>> -> memref<1x80xi32, #tpu.memory_space<vmem>>
            %dma_wait3A_259 = tpu.memref_squeeze %dma_wait3A_258 : memref<1x80xi32, #tpu.memory_space<vmem>> -> memref<80xi32, #tpu.memory_space<vmem>>
            %dma_wait3A_260 = arith.constant 0 : i32
            %dma_wait3A_261 = arith.constant 0 : i32
            %dma_wait3A_262 = tpu.memref_slice %arg13[%dma_wait3A_260, %dma_wait3A_261] : memref<10000x128xf32, #tpu.memory_space<vmem_shared>> -> memref<10000x128xf32, #tpu.memory_space<vmem_shared>>
            tpu.wait_indirect_dma semaphore(%arg19 : memref<!tpu.dma_semaphore, #tpu.memory_space<semaphore_mem>>) src(%arg9 : memref<80x128xf32, #tpu.memory_space<vmem>>) dst(%dma_wait3A_262 : memref<10000x128xf32, #tpu.memory_space<vmem_shared>>)
          } else {
          }
          %add3A_248 = arith.constant 2 : i32
          %add3A_249 = arith.addi %add3A_215, %add3A_248 : i32
          %dma_start3A_250 = arith.constant 0 : i32
          %dma_start3A_251 = tpu.memref_slice %arg6[%add3A_249, %dma_start3A_250] : memref<64x80xi32, #tpu.memory_space<vmem>> -> memref<1x80xi32, #tpu.memory_space<vmem>>
          %dma_start3A_252 = tpu.memref_squeeze %dma_start3A_251 : memref<1x80xi32, #tpu.memory_space<vmem>> -> memref<80xi32, #tpu.memory_space<vmem>>
          %dma_start3A_253 = arith.constant 0 : i32
          %dma_start3A_254 = arith.constant 0 : i32
          %dma_start3A_255 = tpu.memref_slice %arg2[%dma_start3A_253, %dma_start3A_254] : memref<10000x128xf32, #tpu.memory_space<hbm>> -> memref<10000x128xf32, #tpu.memory_space<hbm>>
          tpu.enqueue_indirect_dma source(%dma_start3A_255 : memref<10000x128xf32, #tpu.memory_space<hbm>>) target(%arg9 : memref<80x128xf32, #tpu.memory_space<vmem>>) offsets(%dma_start3A_252 : memref<80xi32, #tpu.memory_space<vmem>>) semaphore(%arg16 : memref<!tpu.dma_semaphore, #tpu.memory_space<semaphore_mem>>)
        } else {
        }
        %dma_wait3A_226 = arith.constant 0 : i32
        %dma_wait3A_227 = tpu.memref_slice %arg6[%add3A_215, %dma_wait3A_226] : memref<64x80xi32, #tpu.memory_space<vmem>> -> memref<1x80xi32, #tpu.memory_space<vmem>>
        %dma_wait3A_228 = tpu.memref_squeeze %dma_wait3A_227 : memref<1x80xi32, #tpu.memory_space<vmem>> -> memref<80xi32, #tpu.memory_space<vmem>>
        %dma_wait3A_229 = arith.constant 0 : i32
        %dma_wait3A_230 = arith.constant 0 : i32
        %dma_wait3A_231 = tpu.memref_slice %arg2[%dma_wait3A_229, %dma_wait3A_230] : memref<10000x128xf32, #tpu.memory_space<hbm>> -> memref<10000x128xf32, #tpu.memory_space<hbm>>
        tpu.wait_indirect_dma semaphore(%arg17 : memref<!tpu.dma_semaphore, #tpu.memory_space<semaphore_mem>>) src(%dma_wait3A_231 : memref<10000x128xf32, #tpu.memory_space<hbm>>) dst(%arg10 : memref<80x128xf32, #tpu.memory_space<vmem>>)
        %dma_start3A_232 = arith.constant 0 : i32
        %dma_start3A_233 = tpu.memref_slice %arg7[%add3A_215, %dma_start3A_232] : memref<64x80xi32, #tpu.memory_space<vmem>> -> memref<1x80xi32, #tpu.memory_space<vmem>>
        %dma_start3A_234 = tpu.memref_squeeze %dma_start3A_233 : memref<1x80xi32, #tpu.memory_space<vmem>> -> memref<80xi32, #tpu.memory_space<vmem>>
        %dma_start3A_235 = arith.constant 0 : i32
        %dma_start3A_236 = arith.constant 0 : i32
        %dma_start3A_237 = tpu.memref_slice %arg13[%dma_start3A_235, %dma_start3A_236] : memref<10000x128xf32, #tpu.memory_space<vmem_shared>> -> memref<10000x128xf32, #tpu.memory_space<vmem_shared>>
        tpu.enqueue_indirect_dma source(%arg10 : memref<80x128xf32, #tpu.memory_space<vmem>>) target(%dma_start3A_237 : memref<10000x128xf32, #tpu.memory_space<vmem_shared>>) offsets(%dma_start3A_234 : memref<80xi32, #tpu.memory_space<vmem>>) semaphore(%arg20 : memref<!tpu.dma_semaphore, #tpu.memory_space<semaphore_mem>>) {add = true}
        %dma_start3A_238 = arith.constant 0 : i32
        %dma_start3A_239 = tpu.memref_slice %arg7[%add3A_215, %dma_start3A_238] : memref<64x80xi32, #tpu.memory_space<vmem>> -> memref<1x80xi32, #tpu.memory_space<vmem>>
        %dma_start3A_240 = tpu.memref_squeeze %dma_start3A_239 : memref<1x80xi32, #tpu.memory_space<vmem>> -> memref<80xi32, #tpu.memory_space<vmem>>
        %dma_start3A_241 = arith.constant 0 : i32
        %dma_start3A_242 = tpu.memref_slice %arg14[%dma_start3A_241] : memref<10000xf32, #tpu.memory_space<vmem_shared>> -> memref<10000xf32, #tpu.memory_space<vmem_shared>>
        tpu.enqueue_indirect_dma source(%arg11 : memref<80xf32, #tpu.memory_space<vmem>>) target(%dma_start3A_242 : memref<10000xf32, #tpu.memory_space<vmem_shared>>) offsets(%dma_start3A_240 : memref<80xi32, #tpu.memory_space<vmem>>) semaphore(%arg21 : memref<!tpu.dma_semaphore, #tpu.memory_space<semaphore_mem>>) {add = true}
      } else {
      }
    }
    %scan3A_142 = arith.constant 21 : i32
    %dma_wait3A_143 = arith.constant 0 : i32
    %dma_wait3A_144 = arith.constant 0 : i32
    %dma_wait3A_145 = tpu.memref_slice %arg7[%dma_wait3A_143, %dma_wait3A_144] : memref<64x80xi32, #tpu.memory_space<vmem>> -> memref<1x80xi32, #tpu.memory_space<vmem>>
    %dma_wait3A_146 = tpu.memref_squeeze %dma_wait3A_145 : memref<1x80xi32, #tpu.memory_space<vmem>> -> memref<80xi32, #tpu.memory_space<vmem>>
    %dma_wait3A_147 = arith.constant 0 : i32
    %dma_wait3A_148 = arith.constant 0 : i32
    %dma_wait3A_149 = tpu.memref_slice %arg13[%dma_wait3A_147, %dma_wait3A_148] : memref<10000x128xf32, #tpu.memory_space<vmem_shared>> -> memref<10000x128xf32, #tpu.memory_space<vmem_shared>>
    tpu.wait_indirect_dma semaphore(%arg18 : memref<!tpu.dma_semaphore, #tpu.memory_space<semaphore_mem>>) src(%arg8 : memref<80x128xf32, #tpu.memory_space<vmem>>) dst(%dma_wait3A_149 : memref<10000x128xf32, #tpu.memory_space<vmem_shared>>)
    %dma_wait3A_150 = arith.constant 0 : i32
    %dma_wait3A_151 = arith.constant 0 : i32
    %dma_wait3A_152 = tpu.memref_slice %arg7[%dma_wait3A_150, %dma_wait3A_151] : memref<64x80xi32, #tpu.memory_space<vmem>> -> memref<1x80xi32, #tpu.memory_space<vmem>>
    %dma_wait3A_153 = tpu.memref_squeeze %dma_wait3A_152 : memref<1x80xi32, #tpu.memory_space<vmem>> -> memref<80xi32, #tpu.memory_space<vmem>>
    %dma_wait3A_154 = arith.constant 0 : i32
    %dma_wait3A_155 = arith.constant 0 : i32
    %dma_wait3A_156 = tpu.memref_slice %arg13[%dma_wait3A_154, %dma_wait3A_155] : memref<10000x128xf32, #tpu.memory_space<vmem_shared>> -> memref<10000x128xf32, #tpu.memory_space<vmem_shared>>
    tpu.wait_indirect_dma semaphore(%arg19 : memref<!tpu.dma_semaphore, #tpu.memory_space<semaphore_mem>>) src(%arg9 : memref<80x128xf32, #tpu.memory_space<vmem>>) dst(%dma_wait3A_156 : memref<10000x128xf32, #tpu.memory_space<vmem_shared>>)
    %dma_wait3A_157 = arith.constant 0 : i32
    %dma_wait3A_158 = arith.constant 0 : i32
    %dma_wait3A_159 = tpu.memref_slice %arg7[%dma_wait3A_157, %dma_wait3A_158] : memref<64x80xi32, #tpu.memory_space<vmem>> -> memref<1x80xi32, #tpu.memory_space<vmem>>
    %dma_wait3A_160 = tpu.memref_squeeze %dma_wait3A_159 : memref<1x80xi32, #tpu.memory_space<vmem>> -> memref<80xi32, #tpu.memory_space<vmem>>
    %dma_wait3A_161 = arith.constant 0 : i32
    %dma_wait3A_162 = arith.constant 0 : i32
    %dma_wait3A_163 = tpu.memref_slice %arg13[%dma_wait3A_161, %dma_wait3A_162] : memref<10000x128xf32, #tpu.memory_space<vmem_shared>> -> memref<10000x128xf32, #tpu.memory_space<vmem_shared>>
    tpu.wait_indirect_dma semaphore(%arg20 : memref<!tpu.dma_semaphore, #tpu.memory_space<semaphore_mem>>) src(%arg10 : memref<80x128xf32, #tpu.memory_space<vmem>>) dst(%dma_wait3A_163 : memref<10000x128xf32, #tpu.memory_space<vmem_shared>>)
    %scan3A_164 = arith.constant 0 : i32
    %scan3A_165 = arith.constant 0 : i32
    %scan3A_166 = arith.constant 61 : i32
    %scan3A_167 = arith.addi %scan3A_165, %scan3A_166 : i32
    %scan3A_168 = arith.constant 1 : i32
    %scan3A_169 = scf.for %scan3A_187 = %scan3A_165 to %scan3A_167 step %scan3A_168 iter_args(%scan3A_188 = %scan3A_164) -> (i32)  : i32 {
      %dma_wait3A_189 = arith.constant 0 : i32
      %dma_wait3A_190 = arith.constant 0 : i32
      %dma_wait3A_191 = tpu.memref_slice %arg7[%dma_wait3A_189, %dma_wait3A_190] : memref<64x80xi32, #tpu.memory_space<vmem>> -> memref<1x80xi32, #tpu.memory_space<vmem>>
      %dma_wait3A_192 = tpu.memref_squeeze %dma_wait3A_191 : memref<1x80xi32, #tpu.memory_space<vmem>> -> memref<80xi32, #tpu.memory_space<vmem>>
      %dma_wait3A_193 = arith.constant 0 : i32
      %dma_wait3A_194 = tpu.memref_slice %arg14[%dma_wait3A_193] : memref<10000xf32, #tpu.memory_space<vmem_shared>> -> memref<10000xf32, #tpu.memory_space<vmem_shared>>
      tpu.wait_indirect_dma semaphore(%arg21 : memref<!tpu.dma_semaphore, #tpu.memory_space<semaphore_mem>>) src(%arg11 : memref<80xf32, #tpu.memory_space<vmem>>) dst(%dma_wait3A_194 : memref<10000xf32, #tpu.memory_space<vmem_shared>>)
      %scan3A_195 = arith.constant 0 : i32
      scf.yield %scan3A_195 : i32
    }
    %scan3A_170 = arith.constant 61 : i32
    %barrier3A_171 = arith.constant 0 : index
    tpu.barrier barrier_id(%barrier3A_171)
    %lt3A_172 = arith.constant 15 : i32
    %lt3A_173 = arith.cmpi slt, %arg1, %lt3A_172 : i32
    %convert_element_type3A_174 = arith.extui %lt3A_173 : i1 to i32
    %cond3A_175 = arith.constant 0 : i32
    %cond3A_176 = arith.cmpi ne, %convert_element_type3A_174, %cond3A_175 : i32
    scf.if %cond3A_176 {
      "tpu.region"() ({
        %run_scoped3A_187 = tpu.sem_alloc : memref<!tpu.dma_semaphore, #tpu.memory_space<semaphore_mem>>
        %dma_start3A_188 = arith.constant 0 : i32
        %dma_start3A_189 = tpu.memref_slice %arg4[%arg0, %mul3A_49, %dma_start3A_188] : memref<2x10000x128xf32, #tpu.memory_space<hbm>> -> memref<1x632x128xf32, #tpu.memory_space<hbm>>
        %dma_start3A_190 = tpu.memref_squeeze %dma_start3A_189 : memref<1x632x128xf32, #tpu.memory_space<hbm>> -> memref<632x128xf32, #tpu.memory_space<hbm>>
        %dma_start3A_191 = arith.constant 0 : i32
        %dma_start3A_192 = tpu.memref_slice %arg13[%mul3A_49, %dma_start3A_191] : memref<10000x128xf32, #tpu.memory_space<vmem_shared>> -> memref<632x128xf32, #tpu.memory_space<vmem_shared>>
        tpu.enqueue_dma source(%dma_start3A_192 : memref<632x128xf32, #tpu.memory_space<vmem_shared>>) target(%dma_start3A_190 : memref<632x128xf32, #tpu.memory_space<hbm>>) target_semaphore(%run_scoped3A_187 : memref<!tpu.dma_semaphore, #tpu.memory_space<semaphore_mem>>)
        %dma_wait3A_193 = arith.constant 0 : i32
        %dma_wait3A_194 = tpu.memref_slice %arg4[%arg0, %mul3A_49, %dma_wait3A_193] : memref<2x10000x128xf32, #tpu.memory_space<hbm>> -> memref<1x632x128xf32, #tpu.memory_space<hbm>>
        %dma_wait3A_195 = tpu.memref_squeeze %dma_wait3A_194 : memref<1x632x128xf32, #tpu.memory_space<hbm>> -> memref<632x128xf32, #tpu.memory_space<hbm>>
        %dma_wait3A_196 = arith.constant 0 : i32
        %dma_wait3A_197 = tpu.memref_slice %arg13[%mul3A_49, %dma_wait3A_196] : memref<10000x128xf32, #tpu.memory_space<vmem_shared>> -> memref<632x128xf32, #tpu.memory_space<vmem_shared>>
        tpu.wait_dma2 semaphore(%run_scoped3A_187 : memref<!tpu.dma_semaphore, #tpu.memory_space<semaphore_mem>>) src(%dma_wait3A_197 : memref<632x128xf32, #tpu.memory_space<vmem_shared>>) dst(%dma_wait3A_195 : memref<632x128xf32, #tpu.memory_space<hbm>>)
        tpu.yield
      }) : () -> ()
    } else {
    }
    %ge3A_177 = arith.constant 15 : i32
    %ge3A_178 = arith.cmpi sge, %arg1, %ge3A_177 : i32
    %convert_element_type3A_179 = arith.extui %ge3A_178 : i1 to i32
    %cond3A_180 = arith.constant 0 : i32
    %cond3A_181 = arith.cmpi ne, %convert_element_type3A_179, %cond3A_180 : i32
    scf.if %cond3A_181 {
      "tpu.region"() ({
        %run_scoped3A_187 = tpu.sem_alloc : memref<!tpu.dma_semaphore, #tpu.memory_space<semaphore_mem>>
        %dma_start3A_188 = arith.constant 0 : i32
        %dma_start3A_189 = tpu.memref_slice %arg4[%arg0, %mul3A_49, %dma_start3A_188] : memref<2x10000x128xf32, #tpu.memory_space<hbm>> -> memref<1x520x128xf32, #tpu.memory_space<hbm>>
        %dma_start3A_190 = tpu.memref_squeeze %dma_start3A_189 : memref<1x520x128xf32, #tpu.memory_space<hbm>> -> memref<520x128xf32, #tpu.memory_space<hbm>>
        %dma_start3A_191 = arith.constant 0 : i32
        %dma_start3A_192 = tpu.memref_slice %arg13[%mul3A_49, %dma_start3A_191] : memref<10000x128xf32, #tpu.memory_space<vmem_shared>> -> memref<520x128xf32, #tpu.memory_space<vmem_shared>>
        tpu.enqueue_dma source(%dma_start3A_192 : memref<520x128xf32, #tpu.memory_space<vmem_shared>>) target(%dma_start3A_190 : memref<520x128xf32, #tpu.memory_space<hbm>>) target_semaphore(%run_scoped3A_187 : memref<!tpu.dma_semaphore, #tpu.memory_space<semaphore_mem>>)
        %dma_wait3A_193 = arith.constant 0 : i32
        %dma_wait3A_194 = tpu.memref_slice %arg4[%arg0, %mul3A_49, %dma_wait3A_193] : memref<2x10000x128xf32, #tpu.memory_space<hbm>> -> memref<1x520x128xf32, #tpu.memory_space<hbm>>
        %dma_wait3A_195 = tpu.memref_squeeze %dma_wait3A_194 : memref<1x520x128xf32, #tpu.memory_space<hbm>> -> memref<520x128xf32, #tpu.memory_space<hbm>>
        %dma_wait3A_196 = arith.constant 0 : i32
        %dma_wait3A_197 = tpu.memref_slice %arg13[%mul3A_49, %dma_wait3A_196] : memref<10000x128xf32, #tpu.memory_space<vmem_shared>> -> memref<520x128xf32, #tpu.memory_space<vmem_shared>>
        tpu.wait_dma2 semaphore(%run_scoped3A_187 : memref<!tpu.dma_semaphore, #tpu.memory_space<semaphore_mem>>) src(%dma_wait3A_197 : memref<520x128xf32, #tpu.memory_space<vmem_shared>>) dst(%dma_wait3A_195 : memref<520x128xf32, #tpu.memory_space<hbm>>)
        tpu.yield
      }) : () -> ()
    } else {
    }
    %lt3A_182 = arith.constant 10 : i32
    %lt3A_183 = arith.cmpi slt, %arg1, %lt3A_182 : i32
    %convert_element_type3A_184 = arith.extui %lt3A_183 : i1 to i32
    %cond3A_185 = arith.constant 0 : i32
    %cond3A_186 = arith.cmpi ne, %convert_element_type3A_184, %cond3A_185 : i32
    scf.if %cond3A_186 {
      %mul3A_187 = arith.constant 1000 : i32
      %mul3A_188 = arith.muli %arg1, %mul3A_187 : i32
      "tpu.region"() ({
        %run_scoped3A_228 = tpu.sem_alloc : memref<!tpu.dma_semaphore, #tpu.memory_space<semaphore_mem>>
        %dma_start3A_229 = tpu.memref_slice %arg14[%mul3A_188] : memref<10000xf32, #tpu.memory_space<vmem_shared>> -> memref<1000xf32, #tpu.memory_space<vmem_shared>>
        %dma_start3A_230 = tpu.memref_slice %arg14[%mul3A_188] : memref<10000xf32, #tpu.memory_space<vmem_shared>> -> memref<1000xf32, #tpu.memory_space<vmem_shared>>
        tpu.enqueue_dma source(%dma_start3A_230 : memref<1000xf32, #tpu.memory_space<vmem_shared>>) target(%arg12 : memref<1000xf32, #tpu.memory_space<vmem>>) target_semaphore(%run_scoped3A_228 : memref<!tpu.dma_semaphore, #tpu.memory_space<semaphore_mem>>)
        %dma_wait3A_231 = tpu.memref_slice %arg14[%mul3A_188] : memref<10000xf32, #tpu.memory_space<vmem_shared>> -> memref<1000xf32, #tpu.memory_space<vmem_shared>>
        %dma_wait3A_232 = tpu.memref_slice %arg14[%mul3A_188] : memref<10000xf32, #tpu.memory_space<vmem_shared>> -> memref<1000xf32, #tpu.memory_space<vmem_shared>>
        tpu.wait_dma2 semaphore(%run_scoped3A_228 : memref<!tpu.dma_semaphore, #tpu.memory_space<semaphore_mem>>) src(%dma_wait3A_232 : memref<1000xf32, #tpu.memory_space<vmem_shared>>) dst(%arg12 : memref<1000xf32, #tpu.memory_space<vmem>>)
        tpu.yield
      }) : () -> ()
      %jit3A = arith.constant 2 : i32
      %div3A = arith.divsi %arg1, %jit3A : i32
      %sign3A = arith.constant 0 : i32
      %sign3A_189 = arith.cmpi sgt, %arg1, %sign3A : i32
      %sign3A_190 = arith.extui %sign3A_189 : i1 to i32
      %sign3A_191 = arith.constant 0 : i32
      %sign3A_192 = arith.cmpi slt, %arg1, %sign3A_191 : i32
      %sign3A_193 = arith.extui %sign3A_192 : i1 to i32
      %sign3A_194 = arith.subi %sign3A_190, %sign3A_193 : i32
      %sign3A_195 = arith.constant 0 : i32
      %sign3A_196 = arith.cmpi sgt, %jit3A, %sign3A_195 : i32
      %sign3A_197 = arith.extui %sign3A_196 : i1 to i32
      %sign3A_198 = arith.constant 0 : i32
      %sign3A_199 = arith.cmpi slt, %jit3A, %sign3A_198 : i32
      %sign3A_200 = arith.extui %sign3A_199 : i1 to i32
      %sign3A_201 = arith.subi %sign3A_197, %sign3A_200 : i32
      %ne3A = arith.cmpi ne, %sign3A_194, %sign3A_201 : i32
      %rem3A = arith.remsi %arg1, %jit3A : i32
      %ne3A_202 = arith.constant 0 : i32
      %ne3A_203 = arith.cmpi ne, %rem3A, %ne3A_202 : i32
      %and3A = arith.andi %ne3A, %ne3A_203 : i1
      %sub3A = arith.constant 1 : i32
      %sub3A_204 = arith.subi %div3A, %sub3A : i32
      %select_n3A = arith.select %and3A, %sub3A_204, %div3A : i32
      %mul3A_205 = arith.constant 4000 : i32
      %mul3A_206 = arith.muli %mul3A_205, %select_n3A : i32
      %mul3A_207 = arith.constant 2000 : i32
      %mul3A_208 = arith.muli %mul3A_207, %arg0 : i32
      %add3A_209 = arith.addi %mul3A_206, %mul3A_208 : i32
      %jit3A_210 = arith.constant 2 : i32
      %eq3A = arith.constant 0 : i32
      %eq3A_211 = arith.cmpi eq, %jit3A_210, %eq3A : i32
      %jit3A_212 = arith.constant 1 : i32
      %select_n3A_213 = arith.select %eq3A_211, %jit3A_212, %jit3A_210 : i32
      %rem3A_214 = arith.remsi %arg1, %select_n3A_213 : i32
      %ne3A_215 = arith.constant 0 : i32
      %ne3A_216 = arith.cmpi ne, %rem3A_214, %ne3A_215 : i32
      %lt3A_217 = arith.constant 0 : i32
      %lt3A_218 = arith.cmpi slt, %rem3A_214, %lt3A_217 : i32
      %lt3A_219 = arith.constant 0 : i32
      %lt3A_220 = arith.cmpi slt, %select_n3A_213, %lt3A_219 : i32
      %ne3A_221 = arith.xori %lt3A_218, %lt3A_220 : i1
      %and3A_222 = arith.andi %ne3A_221, %ne3A_216 : i1
      %add3A_223 = arith.addi %rem3A_214, %select_n3A_213 : i32
      %select_n3A_224 = arith.select %and3A_222, %add3A_223, %rem3A_214 : i32
      %mul3A_225 = arith.constant 1000 : i32
      %mul3A_226 = arith.muli %mul3A_225, %select_n3A_224 : i32
      %add3A_227 = arith.addi %add3A_209, %mul3A_226 : i32
      "tpu.region"() ({
        %run_scoped3A_228 = tpu.sem_alloc : memref<!tpu.dma_semaphore, #tpu.memory_space<semaphore_mem>>
        %dma_start3A_229 = tpu.memref_slice %arg5[%add3A_227] : memref<20000xf32, #tpu.memory_space<hbm>> -> memref<1000xf32, #tpu.memory_space<hbm>>
        %dma_start3A_230 = tpu.memref_slice %arg5[%add3A_227] : memref<20000xf32, #tpu.memory_space<hbm>> -> memref<1000xf32, #tpu.memory_space<hbm>>
        tpu.enqueue_dma source(%arg12 : memref<1000xf32, #tpu.memory_space<vmem>>) target(%dma_start3A_230 : memref<1000xf32, #tpu.memory_space<hbm>>) target_semaphore(%run_scoped3A_228 : memref<!tpu.dma_semaphore, #tpu.memory_space<semaphore_mem>>)
        %dma_wait3A_231 = tpu.memref_slice %arg5[%add3A_227] : memref<20000xf32, #tpu.memory_space<hbm>> -> memref<1000xf32, #tpu.memory_space<hbm>>
        %dma_wait3A_232 = tpu.memref_slice %arg5[%add3A_227] : memref<20000xf32, #tpu.memory_space<hbm>> -> memref<1000xf32, #tpu.memory_space<hbm>>
        tpu.wait_dma2 semaphore(%run_scoped3A_228 : memref<!tpu.dma_semaphore, #tpu.memory_space<semaphore_mem>>) src(%arg12 : memref<1000xf32, #tpu.memory_space<vmem>>) dst(%dma_wait3A_232 : memref<1000xf32, #tpu.memory_space<hbm>>)
        tpu.yield
      }) : () -> ()
    } else {
    }
    return
  }
}

module attributes {stable_mosaic.version = 14 : i64} {
  func.func @_tc_layer_body(%arg0: i32, %arg1: memref<2000x128xf32, #tpu.memory_space<vmem>>, %arg2: memref<2x2000x128xf32, #tpu.memory_space<vmem>>, %arg3: memref<1x2x2000xf32, #tpu.memory_space<vmem>>, %arg4: memref<128x128xf32, #tpu.memory_space<vmem>>, %arg5: memref<128x128xf32, #tpu.memory_space<vmem>>, %arg6: memref<1x128xf32, #tpu.memory_space<vmem>>, %arg7: memref<2000x128xf32, #tpu.memory_space<vmem>>) attributes {dimension_semantics = [#tpu.dimension_semantics<arbitrary>], iteration_bounds = array<i64: 5>, scalar_prefetch = 0 : i64, scratch_operands = 0 : i64, tpu.core_type = #tpu.core_type<tc>, window_params = [{transform_indices = @transform_0, window_bounds = array<i64: 2000, 128>}, {transform_indices = @transform_1, window_bounds = array<i64: 2, 2000, 128>}, {transform_indices = @transform_2, window_bounds = array<i64: 1, 2, 2000>}, {pipeline_mode = #tpu.pipeline_mode<synchronous>, transform_indices = @transform_3, window_bounds = array<i64: 128, 128>}, {pipeline_mode = #tpu.pipeline_mode<synchronous>, transform_indices = @transform_4, window_bounds = array<i64: 128, 128>}, {pipeline_mode = #tpu.pipeline_mode<synchronous>, transform_indices = @transform_5, window_bounds = array<i64: 1, 128>}, {transform_indices = @transform_6, window_bounds = array<i64: 2000, 128>}]} {
    %get3A = arith.constant 0 : index
    %get3A_0 = arith.constant 0 : index
    %get3A_1 = arith.constant 0 : index
    %get3A_2 = vector.load %arg2[%get3A, %get3A_0, %get3A_1] : memref<2x2000x128xf32, #tpu.memory_space<vmem>>, vector<1x2000x128xf32>
    %get3A_3 = vector.shape_cast %get3A_2 : vector<1x2000x128xf32> to vector<2000x128xf32>
    %get3A_4 = arith.constant 1 : index
    %get3A_5 = arith.constant 0 : index
    %get3A_6 = arith.constant 0 : index
    %get3A_7 = vector.load %arg2[%get3A_4, %get3A_5, %get3A_6] : memref<2x2000x128xf32, #tpu.memory_space<vmem>>, vector<1x2000x128xf32>
    %get3A_8 = vector.shape_cast %get3A_7 : vector<1x2000x128xf32> to vector<2000x128xf32>
    %add3A = arith.addf %get3A_3, %get3A_8 : vector<2000x128xf32>
    %get3A_9 = arith.constant 0 : index
    %get3A_10 = arith.constant 0 : index
    %get3A_11 = arith.constant 0 : index
    %get3A_12 = vector.load %arg3[%get3A_9, %get3A_10, %get3A_11] : memref<1x2x2000xf32, #tpu.memory_space<vmem>>, vector<1x1x2000xf32>
    %get3A_13 = vector.shape_cast %get3A_12 : vector<1x1x2000xf32> to vector<2000xf32>
    %get3A_14 = arith.constant 0 : index
    %get3A_15 = arith.constant 1 : index
    %get3A_16 = arith.constant 0 : index
    %get3A_17 = vector.load %arg3[%get3A_14, %get3A_15, %get3A_16] : memref<1x2x2000xf32, #tpu.memory_space<vmem>>, vector<1x1x2000xf32>
    %get3A_18 = vector.shape_cast %get3A_17 : vector<1x1x2000xf32> to vector<2000xf32>
    %add3A_19 = arith.addf %get3A_13, %get3A_18 : vector<2000xf32>
    %max3A = arith.constant 1.000000e+00 : f32
    %max3A_20 = vector.broadcast %max3A : f32 to vector<2000xf32>
    %max3A_21 = arith.maximumf %add3A_19, %max3A_20 : vector<2000xf32>
    %broadcast_in_dim3A = vector.shape_cast %max3A_21 : vector<2000xf32> to vector<2000x1xf32>
    %div3A = vector.broadcast %broadcast_in_dim3A : vector<2000x1xf32> to vector<2000x128xf32>
    %div3A_22 = arith.divf %add3A, %div3A : vector<2000x128xf32>
    %get3A_23 = arith.constant 0 : index
    %get3A_24 = arith.constant 0 : index
    %get3A_25 = vector.load %arg1[%get3A_23, %get3A_24] : memref<2000x128xf32, #tpu.memory_space<vmem>>, vector<2000x128xf32>
    %get3A_26 = arith.constant 0 : index
    %get3A_27 = arith.constant 0 : index
    %get3A_28 = vector.load %arg4[%get3A_26, %get3A_27] : memref<128x128xf32, #tpu.memory_space<vmem>>, vector<128x128xf32>
    %dot_general3A = arith.constant dense<0.000000e+00> : vector<2000x128xf32>
    %dot_general3A_29 = tpu.matmul %get3A_25, %get3A_28, %dot_general3A {dimension_numbers = #tpu.dot_dimension_numbers<[1], [0], [0], [1], [0, 0, 1, 1], [], []>, transpose_lhs_hint = false} : vector<2000x128xf32>, vector<128x128xf32>, vector<2000x128xf32> -> vector<2000x128xf32>
    %get3A_30 = arith.constant 0 : index
    %get3A_31 = arith.constant 0 : index
    %get3A_32 = vector.load %arg5[%get3A_30, %get3A_31] : memref<128x128xf32, #tpu.memory_space<vmem>>, vector<128x128xf32>
    %dot_general3A_33 = arith.constant dense<0.000000e+00> : vector<2000x128xf32>
    %dot_general3A_34 = tpu.matmul %div3A_22, %get3A_32, %dot_general3A_33 {dimension_numbers = #tpu.dot_dimension_numbers<[1], [0], [0], [1], [0, 0, 1, 1], [], []>, transpose_lhs_hint = false} : vector<2000x128xf32>, vector<128x128xf32>, vector<2000x128xf32> -> vector<2000x128xf32>
    %add3A_35 = arith.addf %dot_general3A_29, %dot_general3A_34 : vector<2000x128xf32>
    %get3A_36 = arith.constant 0 : index
    %get3A_37 = arith.constant 0 : index
    %get3A_38 = vector.load %arg6[%get3A_36, %get3A_37] : memref<1x128xf32, #tpu.memory_space<vmem>>, vector<1x128xf32>
    %add3A_39 = vector.broadcast %get3A_38 : vector<1x128xf32> to vector<2000x128xf32>
    %add3A_40 = arith.addf %add3A_35, %add3A_39 : vector<2000x128xf32>
    %max3A_41 = arith.constant 0.000000e+00 : f32
    %max3A_42 = vector.broadcast %max3A_41 : f32 to vector<2000x128xf32>
    %max3A_43 = arith.maximumf %add3A_40, %max3A_42 : vector<2000x128xf32>
    %swap3A = arith.constant 0 : index
    %swap3A_44 = arith.constant 0 : index
    %swap3A_45 = vector.load %arg7[%swap3A, %swap3A_44] : memref<2000x128xf32, #tpu.memory_space<vmem>>, vector<2000x128xf32>
    tpu.vector_store %arg7[%swap3A, %swap3A_44], %max3A_43 {strides = array<i32>} : memref<2000x128xf32, #tpu.memory_space<vmem>>, vector<2000x128xf32>,
    return
  }
  func.func @transform_0(%arg0: i32) -> (i32, i32) {
    %c0_i32 = arith.constant 0 : i32
    %c0_i32_0 = arith.constant 0 : i32
    return %arg0, %c0_i32 : i32, i32
  }
  func.func @transform_1(%arg0: i32) -> (i32, i32, i32) {
    %c0_i32 = arith.constant 0 : i32
    %c0_i32_0 = arith.constant 0 : i32
    %c0_i32_1 = arith.constant 0 : i32
    return %c0_i32, %arg0, %c0_i32_0 : i32, i32, i32
  }
  func.func @transform_2(%arg0: i32) -> (i32, i32, i32) {
    %c0_i32 = arith.constant 0 : i32
    %c0_i32_0 = arith.constant 0 : i32
    %c0_i32_1 = arith.constant 0 : i32
    return %arg0, %c0_i32, %c0_i32_0 : i32, i32, i32
  }
  func.func @transform_3(%arg0: i32) -> (i32, i32) {
    %c0_i32 = arith.constant 0 : i32
    %c0_i32_0 = arith.constant 0 : i32
    %c0_i32_1 = arith.constant 0 : i32
    return %c0_i32, %c0_i32_0 : i32, i32
  }
  func.func @transform_4(%arg0: i32) -> (i32, i32) {
    %c0_i32 = arith.constant 0 : i32
    %c0_i32_0 = arith.constant 0 : i32
    %c0_i32_1 = arith.constant 0 : i32
    return %c0_i32, %c0_i32_0 : i32, i32
  }
  func.func @transform_5(%arg0: i32) -> (i32, i32) {
    %c0_i32 = arith.constant 0 : i32
    %c0_i32_0 = arith.constant 0 : i32
    %c0_i32_1 = arith.constant 0 : i32
    return %c0_i32, %c0_i32_0 : i32, i32
  }
  func.func @transform_6(%arg0: i32) -> (i32, i32) {
    %c0_i32 = arith.constant 0 : i32
    %c0_i32_0 = arith.constant 0 : i32
    return %arg0, %c0_i32 : i32, i32
  }
}

module attributes {stable_mosaic.version = 14 : i64} {
  func.func @_tc_layer_body(%arg0: i32, %arg1: memref<2000x128xf32, #tpu.memory_space<vmem>>, %arg2: memref<2x2000x128xf32, #tpu.memory_space<vmem>>, %arg3: memref<1x2x2000xf32, #tpu.memory_space<vmem>>, %arg4: memref<128x128xf32, #tpu.memory_space<vmem>>, %arg5: memref<128x128xf32, #tpu.memory_space<vmem>>, %arg6: memref<1x128xf32, #tpu.memory_space<vmem>>, %arg7: memref<2000x128xf32, #tpu.memory_space<vmem>>) attributes {dimension_semantics = [#tpu.dimension_semantics<arbitrary>], iteration_bounds = array<i64: 5>, scalar_prefetch = 0 : i64, scratch_operands = 0 : i64, tpu.core_type = #tpu.core_type<tc>, window_params = [{transform_indices = @transform_0, window_bounds = array<i64: 2000, 128>}, {transform_indices = @transform_1, window_bounds = array<i64: 2, 2000, 128>}, {transform_indices = @transform_2, window_bounds = array<i64: 1, 2, 2000>}, {pipeline_mode = #tpu.pipeline_mode<synchronous>, transform_indices = @transform_3, window_bounds = array<i64: 128, 128>}, {pipeline_mode = #tpu.pipeline_mode<synchronous>, transform_indices = @transform_4, window_bounds = array<i64: 128, 128>}, {pipeline_mode = #tpu.pipeline_mode<synchronous>, transform_indices = @transform_5, window_bounds = array<i64: 1, 128>}, {transform_indices = @transform_6, window_bounds = array<i64: 2000, 128>}]} {
    %get3A = arith.constant 0 : index
    %get3A_0 = arith.constant 0 : index
    %get3A_1 = arith.constant 0 : index
    %get3A_2 = vector.load %arg2[%get3A, %get3A_0, %get3A_1] : memref<2x2000x128xf32, #tpu.memory_space<vmem>>, vector<1x2000x128xf32>
    %get3A_3 = vector.shape_cast %get3A_2 : vector<1x2000x128xf32> to vector<2000x128xf32>
    %get3A_4 = arith.constant 1 : index
    %get3A_5 = arith.constant 0 : index
    %get3A_6 = arith.constant 0 : index
    %get3A_7 = vector.load %arg2[%get3A_4, %get3A_5, %get3A_6] : memref<2x2000x128xf32, #tpu.memory_space<vmem>>, vector<1x2000x128xf32>
    %get3A_8 = vector.shape_cast %get3A_7 : vector<1x2000x128xf32> to vector<2000x128xf32>
    %add3A = arith.addf %get3A_3, %get3A_8 : vector<2000x128xf32>
    %get3A_9 = arith.constant 0 : index
    %get3A_10 = arith.constant 0 : index
    %get3A_11 = arith.constant 0 : index
    %get3A_12 = vector.load %arg3[%get3A_9, %get3A_10, %get3A_11] : memref<1x2x2000xf32, #tpu.memory_space<vmem>>, vector<1x1x2000xf32>
    %get3A_13 = vector.shape_cast %get3A_12 : vector<1x1x2000xf32> to vector<2000xf32>
    %get3A_14 = arith.constant 0 : index
    %get3A_15 = arith.constant 1 : index
    %get3A_16 = arith.constant 0 : index
    %get3A_17 = vector.load %arg3[%get3A_14, %get3A_15, %get3A_16] : memref<1x2x2000xf32, #tpu.memory_space<vmem>>, vector<1x1x2000xf32>
    %get3A_18 = vector.shape_cast %get3A_17 : vector<1x1x2000xf32> to vector<2000xf32>
    %add3A_19 = arith.addf %get3A_13, %get3A_18 : vector<2000xf32>
    %max3A = arith.constant 1.000000e+00 : f32
    %max3A_20 = vector.broadcast %max3A : f32 to vector<2000xf32>
    %max3A_21 = arith.maximumf %add3A_19, %max3A_20 : vector<2000xf32>
    %broadcast_in_dim3A = vector.shape_cast %max3A_21 : vector<2000xf32> to vector<2000x1xf32>
    %div3A = vector.broadcast %broadcast_in_dim3A : vector<2000x1xf32> to vector<2000x128xf32>
    %div3A_22 = arith.divf %add3A, %div3A : vector<2000x128xf32>
    %get3A_23 = arith.constant 0 : index
    %get3A_24 = arith.constant 0 : index
    %get3A_25 = vector.load %arg1[%get3A_23, %get3A_24] : memref<2000x128xf32, #tpu.memory_space<vmem>>, vector<2000x128xf32>
    %get3A_26 = arith.constant 0 : index
    %get3A_27 = arith.constant 0 : index
    %get3A_28 = vector.load %arg4[%get3A_26, %get3A_27] : memref<128x128xf32, #tpu.memory_space<vmem>>, vector<128x128xf32>
    %dot_general3A = arith.constant dense<0.000000e+00> : vector<2000x128xf32>
    %dot_general3A_29 = tpu.matmul %get3A_25, %get3A_28, %dot_general3A {dimension_numbers = #tpu.dot_dimension_numbers<[1], [0], [0], [1], [0, 0, 1, 1], [], []>, transpose_lhs_hint = false} : vector<2000x128xf32>, vector<128x128xf32>, vector<2000x128xf32> -> vector<2000x128xf32>
    %get3A_30 = arith.constant 0 : index
    %get3A_31 = arith.constant 0 : index
    %get3A_32 = vector.load %arg5[%get3A_30, %get3A_31] : memref<128x128xf32, #tpu.memory_space<vmem>>, vector<128x128xf32>
    %dot_general3A_33 = arith.constant dense<0.000000e+00> : vector<2000x128xf32>
    %dot_general3A_34 = tpu.matmul %div3A_22, %get3A_32, %dot_general3A_33 {dimension_numbers = #tpu.dot_dimension_numbers<[1], [0], [0], [1], [0, 0, 1, 1], [], []>, transpose_lhs_hint = false} : vector<2000x128xf32>, vector<128x128xf32>, vector<2000x128xf32> -> vector<2000x128xf32>
    %add3A_35 = arith.addf %dot_general3A_29, %dot_general3A_34 : vector<2000x128xf32>
    %get3A_36 = arith.constant 0 : index
    %get3A_37 = arith.constant 0 : index
    %get3A_38 = vector.load %arg6[%get3A_36, %get3A_37] : memref<1x128xf32, #tpu.memory_space<vmem>>, vector<1x128xf32>
    %add3A_39 = vector.broadcast %get3A_38 : vector<1x128xf32> to vector<2000x128xf32>
    %add3A_40 = arith.addf %add3A_35, %add3A_39 : vector<2000x128xf32>
    %swap3A = arith.constant 0 : index
    %swap3A_41 = arith.constant 0 : index
    %swap3A_42 = vector.load %arg7[%swap3A, %swap3A_41] : memref<2000x128xf32, #tpu.memory_space<vmem>>, vector<2000x128xf32>
    tpu.vector_store %arg7[%swap3A, %swap3A_41], %add3A_40 {strides = array<i32>} : memref<2000x128xf32, #tpu.memory_space<vmem>>, vector<2000x128xf32>,
    return
  }
  func.func @transform_0(%arg0: i32) -> (i32, i32) {
    %c0_i32 = arith.constant 0 : i32
    %c0_i32_0 = arith.constant 0 : i32
    return %arg0, %c0_i32 : i32, i32
  }
  func.func @transform_1(%arg0: i32) -> (i32, i32, i32) {
    %c0_i32 = arith.constant 0 : i32
    %c0_i32_0 = arith.constant 0 : i32
    %c0_i32_1 = arith.constant 0 : i32
    return %c0_i32, %arg0, %c0_i32_0 : i32, i32, i32
  }
  func.func @transform_2(%arg0: i32) -> (i32, i32, i32) {
    %c0_i32 = arith.constant 0 : i32
    %c0_i32_0 = arith.constant 0 : i32
    %c0_i32_1 = arith.constant 0 : i32
    return %arg0, %c0_i32, %c0_i32_0 : i32, i32, i32
  }
  func.func @transform_3(%arg0: i32) -> (i32, i32) {
    %c0_i32 = arith.constant 0 : i32
    %c0_i32_0 = arith.constant 0 : i32
    %c0_i32_1 = arith.constant 0 : i32
    return %c0_i32, %c0_i32_0 : i32, i32
  }
  func.func @transform_4(%arg0: i32) -> (i32, i32) {
    %c0_i32 = arith.constant 0 : i32
    %c0_i32_0 = arith.constant 0 : i32
    %c0_i32_1 = arith.constant 0 : i32
    return %c0_i32, %c0_i32_0 : i32, i32
  }
  func.func @transform_5(%arg0: i32) -> (i32, i32) {
    %c0_i32 = arith.constant 0 : i32
    %c0_i32_0 = arith.constant 0 : i32
    %c0_i32_1 = arith.constant 0 : i32
    return %c0_i32, %c0_i32_0 : i32, i32
  }
  func.func @transform_6(%arg0: i32) -> (i32, i32) {
    %c0_i32 = arith.constant 0 : i32
    %c0_i32_0 = arith.constant 0 : i32
    return %arg0, %c0_i32 : i32, i32
  }
}

module attributes {stable_mosaic.version = 14 : i64} {
  func.func @_edge_relayout_body(%arg0: i32, %arg1: memref<2x80000xi32, #tpu.memory_space<vmem>>, %arg2: memref<2x8x125x80xi32, #tpu.memory_space<vmem>>) attributes {dimension_semantics = [#tpu.dimension_semantics<arbitrary>], iteration_bounds = array<i64: 4>, scalar_prefetch = 0 : i64, scratch_operands = 0 : i64, tpu.core_type = #tpu.core_type<tc>, window_params = [{transform_indices = @transform_0, window_bounds = array<i64: 2, 80000>}, {transform_indices = @transform_1, window_bounds = array<i64: 2, 8, 125, 80>}]} {
    %get3A = arith.constant 0 : index
    %get3A_0 = arith.constant 0 : index
    %get3A_1 = vector.load %arg1[%get3A, %get3A_0] : memref<2x80000xi32, #tpu.memory_space<vmem>>, vector<2x80000xi32>
    %reshape3A = vector.shape_cast %get3A_1 : vector<2x80000xi32> to vector<2x8x125x80xi32>
    %swap3A = arith.constant 0 : index
    %swap3A_2 = arith.constant 0 : index
    %swap3A_3 = arith.constant 0 : index
    %swap3A_4 = arith.constant 0 : index
    %swap3A_5 = vector.load %arg2[%swap3A, %swap3A_2, %swap3A_3, %swap3A_4] : memref<2x8x125x80xi32, #tpu.memory_space<vmem>>, vector<2x8x125x80xi32>
    tpu.vector_store %arg2[%swap3A, %swap3A_2, %swap3A_3, %swap3A_4], %reshape3A {strides = array<i32>} : memref<2x8x125x80xi32, #tpu.memory_space<vmem>>, vector<2x8x125x80xi32>,
    return
  }
  func.func @transform_0(%arg0: i32) -> (i32, i32) {
    %c0_i32 = arith.constant 0 : i32
    %c0_i32_0 = arith.constant 0 : i32
    return %c0_i32, %arg0 : i32, i32
  }
  func.func @transform_1(%arg0: i32) -> (i32, i32, i32, i32) {
    %c0_i32 = arith.constant 0 : i32
    %c0_i32_0 = arith.constant 0 : i32
    %c0_i32_1 = arith.constant 0 : i32
    %c0_i32_2 = arith.constant 0 : i32
    return %c0_i32, %arg0, %c0_i32_0, %c0_i32_1 : i32, i32, i32, i32
  }
}

</mosaic_0001>

<sc_bundles>
// kernel: kernel.11.cloned.1.call-start
scs
__scs_entry_jumppad:
0x0: {  	(pc) =	sbr.rel $0x88, $3  }
0x1: {  	(tag) =	ssettag $0x0;
	lr =	simm.s32 $0x1  }
0x2: {  	[smem:$0x3F98] =	sst lr;
	_ =	strace $0xD0000000  }
0x3: {  	_ = 	snop  }
0x4: {  	_ = 	snop  }
0x5: {  	_ = 	snop  }
0x6: {  	_ = 	snop  }
0x7: {  	_ = 	snop  }
__scs_overlays_trampoline_lowered:
0x8: {  	[smem:$0x3FA7] =	sst s0  }
0x9: {  	[smem:$0x3FA8] =	sst s1  }
0xa: {  	[smem:$0x3FA9] =	sst s2  }
0xb: {  	[smem:$0x3FAA] =	sst s3  }
0xc: {  	[smem:$0x3FAB] =	sst s4  }
0xd: {  	[smem:$0x3FAC] =	sst s5  }
0xe: {  	[smem:$0x3FAD] =	sst s6  }
0xf: {  	[smem:$0x3FAE] =	sst s7  }
0x10: {  	[smem:$0x3FAF] =	sst s8  }
0x11: {  	[smem:$0x3FB0] =	sst s9;
	s0 =	simm.s32 @!p0 $0x0  }
0x12: {  	s1 =	sld [smem:$0x3F96];
	s0 =	simm.s32 @p0 $0x1  }
0x13: {  	[smem:$0x3FB1] =	sst s0;
	s0 =	simm.s32 @!p1 $0x0  }
0x14: {  	s2 =	sld [smem:$0x3F95];
	s0 =	simm.s32 @p1 $0x1  }
0x15: {  	[smem:$0x3FB2] =	sst s0;
	s0 =	simm.s32 @!p2 $0x0  }
0x16: {  	s3 =	sld [smem:$0x3FDB];
	s0 =	simm.s32 @p2 $0x1  }
0x17: {  	s4 =	simm.s32 $0x1BF5;
	[smem:$0x3FB4] =	sst s0  }
0x18: {  	s0 =	sld [smem:$0x3F97];
	_ =	swait.ge [sflag:s4], $0x0  }
0x19: {  	s7 =	sld [smem:$0x3F98]  }
0x1a: {  	s8 =	sadd.s32 $0xFFFFE003, lr  }
0x1b: {  	s9 =	sadd.s32 $0xFFFFFEF7, lr;
	s5 =	simm.s32 $0xFFFFFFFF;
	p2 =	slt.u32 s8, $0xFFFFF086  }
0x1c: {  	p1 =	slt.u32 s9, $0xF7A;
	s5 =	simm.s32 @!p2 $0x0  }
0x1d: {  	s5 =	simm.s32 @p1 $0x1;
	p0 =	seq.s32 s7, s2  }
0x1e: {  	s7 =	smul.u32 @!p0 $0xF7A, s2;
	p2 =	seq.s32 @!p0 s5, $0x0  }
0x1f: {  	s9 =	smul.u32 $0xF7A, s1;
	s8 =	simm.s32 @!p0 $0x1BF5;
	p2 =	por !p2, p0  }
0x20: {  	[sflag:s8] =	ssyncset.s32 @!p0 $0xFFFFF086;
	s6 =	sadd.s32 @!p0 s3, s7;
	s7 =	simm.s32 @!p0 $0x108  }
0x21: {  	s3 =	sadd.s32 s3, s9;
	s6 =	sadd.s32 @!p0 $0x88, s6;
	s7 =	simm.s32 @p2 $0x1082  }
0x22: {  	[simem:s7], [sflag:s8] =	dma.local @!p0 [hbm:s6], $0xF7A  }
0x23: {  	s9 =	sor.u32 $0xD0000000, s2;
	s6 =	simm.s32 $0x108;
	_ =	swait.ge @!p0 [sflag:s8], $0x0  }
0x24: {  	s3 =	sadd.s32 $0x88, s3;
	s6 =	simm.s32 @!p1 $0x1082;
	[sflag:s4] =	ssyncset.s32 $0xFFFFF086  }
0x25: {  	[simem:s6], [sflag:s4] =	dma.local [hbm:s3], $0xF7A  }
0x26: {  	[smem:$0x3F98] =	sst s1;
	(tag) =	ssettag s2;
	_ =	strace s9  }
0x27: {  	s1 =	sld [smem:$0x3FA8]  }
0x28: {  	s2 =	sld [smem:$0x3FA9]  }
0x29: {  	s4 =	sld [smem:$0x3FAB]  }
0x2a: {  	p0 =	seq.s32 s5, $0x0;
	s5 =	sld [smem:$0x3FAC]  }
0x2b: {  	s6 =	sld [smem:$0x3FAD]  }
0x2c: {  	s7 =	sld [smem:$0x3FAE]  }
0x2d: {  	s3 =	simm.s32 $0x108;
	s8 =	sld [smem:$0x3FAF]  }
0x2e: {  	s3 =	simm.s32 @!p0 $0x1082;
	s9 =	sld [smem:$0x3FB0]  }
0x2f: {  	lr =	sadd.s32 s0, s3;
	s0 =	sld [smem:$0x3FA7]  }
0x30: {  	s3 =	sld [smem:$0x3FAA]  }
0x31: {  	[smem:$0x3FB3] =	sst s10  }
0x32: {  	s10 =	sld [smem:$0x3FB1];
	_ =	sdelay $0x3  }
0x33: {  	p0 =	seq.s32 s10, $0x1;
	s10 =	sld [smem:$0x3FB3];
	_ =	sdelay $0x3  }
0x34: {  	[smem:$0x3FB3] =	sst s10  }
0x35: {  	s10 =	sld [smem:$0x3FB2];
	_ =	sdelay $0x3  }
0x36: {  	p1 =	seq.s32 s10, $0x1;
	s10 =	sld [smem:$0x3FB3];
	_ =	sdelay $0x3  }
0x37: {  	[smem:$0x3FB3] =	sst s10  }
0x38: {  	s10 =	sld [smem:$0x3FB4]  }
0x39: {  	_ = 	snop;
	(pc) =	sbr.ind lr, $3  }
0x3a: {  	_ = 	snop  }
0x3b: {  	_ = 	snop  }
0x3c: {  	p2 =	seq.s32 s10, $0x1;
	s10 =	sld [smem:$0x3FB3]  }
0x3d: {  	_ =	shalt  }
0x3e: {  	_ =	shalt  }
0x3f: {  	_ =	shalt  }
0x40: {  	_ =	shalt  }
0x41: {  	_ =	shalt  }
0x42: {  	_ =	shalt  }
0x43: {  	_ =	shalt  }
0x44: {  	_ =	shalt  }
0x45: {  	_ =	shalt  }
0x46: {  	_ =	shalt  }
0x47: {  	_ =	shalt  }
0x48: {  	_ =	shalt  }
0x49: {  	_ =	shalt  }
0x4a: {  	_ =	shalt  }
0x4b: {  	_ =	shalt  }
0x4c: {  	_ =	shalt  }
0x4d: {  	_ =	shalt  }
0x4e: {  	_ =	shalt  }
0x4f: {  	_ =	shalt  }
0x50: {  	_ =	shalt  }
0x51: {  	_ =	shalt  }
0x52: {  	_ =	shalt  }
0x53: {  	_ =	shalt  }
0x54: {  	_ =	shalt  }
0x55: {  	_ =	shalt  }
0x56: {  	_ =	shalt  }
0x57: {  	_ =	shalt  }
0x58: {  	_ =	shalt  }
0x59: {  	_ =	shalt  }
0x5a: {  	_ =	shalt  }
0x5b: {  	_ =	shalt  }
0x5c: {  	_ =	shalt  }
0x5d: {  	_ =	shalt  }
0x5e: {  	_ =	shalt  }
0x5f: {  	_ =	shalt  }
0x60: {  	_ =	shalt  }
0x61: {  	_ =	shalt  }
0x62: {  	_ =	shalt  }
0x63: {  	_ =	shalt  }
0x64: {  	_ =	shalt  }
0x65: {  	_ =	shalt  }
0x66: {  	_ =	shalt  }
0x67: {  	_ =	shalt  }
0x68: {  	_ =	shalt  }
0x69: {  	_ =	shalt  }
0x6a: {  	_ =	shalt  }
0x6b: {  	_ =	shalt  }
0x6c: {  	_ =	shalt  }
0x6d: {  	_ =	shalt  }
0x6e: {  	_ =	shalt  }
0x6f: {  	_ =	shalt  }
0x70: {  	_ =	shalt  }
0x71: {  	_ =	shalt  }
0x72: {  	_ =	shalt  }
0x73: {  	_ =	shalt  }
0x74: {  	_ =	shalt  }
0x75: {  	_ =	shalt  }
0x76: {  	_ =	shalt  }
0x77: {  	_ =	shalt  }
0x78: {  	_ =	shalt  }
0x79: {  	_ =	shalt  }
0x7a: {  	_ =	shalt  }
0x7b: {  	_ =	shalt  }
0x7c: {  	_ =	shalt  }
0x7d: {  	_ =	shalt  }
0x7e: {  	_ =	shalt  }
0x7f: {  	_ =	shalt  }
0x80: {  	_ =	shalt  }
0x81: {  	_ =	shalt  }
0x82: {  	_ =	shalt  }
0x83: {  	_ =	shalt  }
0x84: {  	_ =	shalt  }
0x85: {  	_ =	shalt  }
0x86: {  	_ =	shalt  }
0x87: {  	_ =	shalt  }
.Lfunc_end0:
.L_simem_size_0:
called_computation.1_lowered:
.L_overlay_start_0:
0x88: {  	s2 =	sld [smem:$0x3FD9]  }
0x89: {  	s3 =	sld [smem:$0x3FFE];
	_ =	sdelay $0x1  }
0x8a: {  	s1 =	srdreg.scid  }
0x8b: {  	s0 =	sand.u32 $0x1, s1  }
0x8c: {  	s17 =	sshll.u32 s0, $0xA;
	s2 =	sadd.s32 s3, s2  }
0x8d: {  	s2 =	sadd.s32 s2, s17  }
0x8e: {  	[smem:$0x3FBF] =	sst s2  }
0x8f: {  	_ = 	snop  }
0x90: {  	s2 =	sld [smem:$0x3FD0];
	(tm) =	ssettm $0x1  }
0x91: {  	s18 =	sld [smem:$0x3FFB];
	_ =	sdelay $0x3  }
0x92: {  	_ =	strace s18  }
0x93: {  	s3 =	sld [smem:$0x3FFC];
	_ =	sdelay $0x3  }
0x94: {  	_ =	strace s3  }
0x95: {  	s3 =	sld [smem:$0x3FFD];
	_ =	sdelay $0x3  }
0x96: {  	_ =	strace s3  }
0x97: {  	_ =	strace $0x8FFFFFFF  }
0x98: {  	s19 =	sld [smem:$0x3FDB];
	_ =	sdelay $0x1  }
0x99: {  	s4 =	simm.s32 $_scs_section_size  }
0x9a: {  	s5 =	simm.s32 $_size__tile_overlayer_lowered;
	s6 =	simm.s32 $_tile_overlayer_lowered  }
0x9b: {  	s22 =	simm.s32 $0x1BFF;
	s21 =	sshll.u32 s6, $0x1;
	s3 =	sadd.s32 s4, s19  }
0x9c: {  	s7 =	simm.s32 $0x0;
	s20 =	sshll.u32 s5, $0x1;
	s5 =	sadd.s32 s21, s3  }
0x9d: {  	[timem:s7], [sflag:s22] =	dma.local [hbm:s5], s20  }
0x9e: {  	_ =	swait.ge [sflag:s22], s20  }
0x9f: {  	s4 =	ssub.s32 $0x0, s20;
	[sflag:s22] =	ssyncset.done $0x0  }
0xa0: {  	[sflag:s22] =	ssyncadd.s32 s4;
	_ =	sdelay $0x1  }
0xa1: {  	s23 =	simm.s32 $0x1B8B  }
0xa2: {  	_ =	swait.ge [sflag:s23], $0x1  }
0xa3: {  	[sflag:s23] =	ssyncset.done $0x0  }
0xa4: {  	s25 =	simm.s32 $0x1B8E;
	s24 =	sld [smem:$0x3FFE];
	[sflag:s23] =	ssyncadd.s32 $0xFFFFFFFF  }
0xa5: {  	s26 =	simm.s32 $execute0_lowered;
	[smem:$0x3FD2] =	sst s25  }
0xa6: {  	s5 =	sshll.u32 s26, $0x1;
	_ =	strace $0x80000049;
	[dreg:$0x1] =	wrdreg $0xFFFFFFFF  }
0xa7: {  	s28 =	simm.s32 $_size_execute0_lowered;
	s3 =	sadd.s32 s3, s5;
	[dreg:$0x0] =	wrdreg $0x0  }
0xa8: {  	s5 =	sshll.u32 s28, $0x1;
	[dreg:$0x2] =	wrdreg s3  }
0xa9: {  	[dreg:$0x3] =	wrdreg s5  }
0xaa: {  	[dreg:$0x4] =	wrdreg $0xC0  }
0xab: {  	_ =	task [dreg:s7], $0x5FFFF  }
0xac: {  	[dreg:$0x1] =	wrdreg $0xFFFFFFFF  }
0xad: {  	[dreg:$0x0] =	wrdreg $0x60  }
0xae: {  	[dreg:$0x2] =	wrdreg s2  }
0xaf: {  	[dreg:$0x3] =	wrdreg s24  }
0xb0: {  	[dreg:$0x4] =	wrdreg $0xBC800  }
0xb1: {  	[dreg:$0x5] =	wrdreg $0x1F5000  }
0xb2: {  	[dreg:$0x6] =	wrdreg $0x9  }
0xb3: {  	_ =	task.clear_ibuf [dreg:s7], $0x7FFFF;
	_ =	strace $0x90000049  }
0xb4: {  	s29 =	simm.s32 $0x9;
	_ =	strace $0x8000004B  }
0xb5: {  	_ =	swait.ge [sflag:s29], $0x1  }
0xb6: {  	[sflag:s29] =	ssyncadd.s32 $0xFFFFFFFF  }
0xb7: {  	_ =	strace $0x9000004B  }
0xb8: {  	_ =	sfence  }
0xb9: {  	s30 =	sld [smem:$0x0];
	_ =	sdelay $0x2  }
0xba: {  	s31 =	sshll.u32 s1, $0xD;
	s1 =	sshrl.u32 s1, $0x2  }
0xbb: {  	s3 =	sand.u32 $0x4000, s31;
	s1 =	sadd.s32 s1, s30  }
0xbc: {  	s0 =	sor.u32 s3, s0;
	s1 =	sshll.u32 s1, $0x11  }
0xbd: {  	s0 =	sor.u32 s1, s0  }
0xbe: {  	s0 =	sadd.s32 $0x8F2B, s0  }
0xbf: {  	[sflag:s0] =	ssyncadd.remote.s32 $0x1  }
0xc0: {  	_ =	sfence.sel $0xFFFF  }
0xc1: {  	[dreg:$0x0] =	wrdreg $0xFFFFFFFF;
	(pc) =	sbr.abs _section_cstart, $3  }
0xc2: {  	[dreg:$0x1] =	wrdreg $0xFFFFFFFF  }
0xc3: {  	_ =	task.clear_ibuf [dreg:s7], $0x2FFFF;
	_ =	strace $0x9FFFFFFF  }
0xc4: {  	(tm) =	ssettm $0x7FFFFFFF  }
0xc5: {  	_ =	shalt  }
tec
execute0_lowered:
.L_overlay_start_1:
0x0: {  	(tag) =	ssettag $0x1  }
0x1: {  	s1 =	rddreg [dreg:$0x0]  }
0x2: {  	s0 =	rddreg [dreg:$0x1]  }
0x3: {  	s3 =	rddreg [dreg:$0x2];
	s13 =	stileid.u32  }
0x4: {  	s4 =	rddreg [dreg:$0x3];
	s2 =	srdreg.scid  }
0x5: {  	s31 =	simm.s32 $0x6800;
	s28 =	simm.s32 $0x3;
	s30 =	simm.s32 $0x3F80  }
0x6: {  	s29 =	simm.s32 $0x6;
	s19 =	sadd.s32 $0x12AC00, s3;
	s20 =	sadd.s32 $0x12D400, s3  }
0x7: {  	s5 =	sshrl.u32 s13, $0x1;
	s11 =	sadd.s32 $0x12FC00, s3;
	s22 =	smul.u32 $0x4F000, s13  }
0x8: {  	s2 =	sand.u32 $0x1, s2;
	s23 =	sadd.s32 $0x132400, s3;
	s24 =	smul.u32 $0xFA0, s13  }
0x9: {  	s8 =	sand.u32 $0x1, s13;
	s12 =	sadd.s32 $0x134C00, s3;
	s25 =	smul.u32 $0x13C00, s13  }
0xa: {  	s10 =	sshll.u32 s13, $0xB;
	s14 =	sadd.s32 $0x137400, s3;
	s6 =	smul.u32 $0xFA0, s5  }
0xb: {  	p1 =	seq.s32 s13, $0xF;
	s5 =	simm.s32 $0x0;
	s7 =	smul.u32 $0x7D0, s2  }
0xc: {  	s9 =	sshll.u32 s2, $0xF;
	p0 =	seq.s32 s8, $0x1;
	s8 =	simm.s32 $0x3E8  }
0xd: {  	s18 =	ssub.s32 $0x2, s2;
	s2 =	smul.u32 $0x138800, s2;
	[smem:$0x7FF] =	sst s5  }
0xe: {  	s8 =	simm.s32 @!p0 $0x0;
	_ =	strace $0x8000004A;
	[dreg:$0x5] =	wrdreg s19  }
0xf: {  	s17 =	sor.u32 s10, s9;
	s21 =	sshrl.u32 s18, $0x1;
	[dreg:$0x6] =	wrdreg s20  }
0x10: {  	s10 =	sshrl.u32 s24, $0x2;
	p0 =	sgt.u32 s13, $0x9;
	[dreg:$0x7] =	wrdreg s11  }
0x11: {  	s13 =	simm.s32 $0x4;
	s6 =	sadd.s32 s7, s6;
	[dreg:$0x8] =	wrdreg s23  }
0x12: {  	s7 =	sadd.s32 s17, s0;
	s9 =	ssub.s32 s18, s21;
	[dreg:$0x9] =	wrdreg s12  }
0x13: {  	s11 =	sshrl.u32 s22, $0x2;
	[dreg:$0xa] =	wrdreg s14;
	s14 =	sadd.s32 s10, s4  }
0x14: {  	s17 =	sadd.s32 s25, s2;
	s2 =	sshrl.u32 s2, $0x3;
	s6 =	sadd.s32 s8, s6  }
0x15: {  	s8 =	sadd.s32 $0x3E00, s0;
	s12 =	sadd.s32 s11, s3;
	s18 =	sadd.s32 $0x52000, s7  }
0x16: {  	s10 =	sshrl.u32 s17, $0x3;
	s19 =	sadd.s32 $0x62000, s7;
	s20 =	sadd.s32 $0x52400, s7  }
0x17: {  	s7 =	sadd.s32 $0x62400, s7;
	s25 =	smax.u32 s9, $0x1;
	[dreg:$0xe] =	wrdreg s18  }
0x18: {  	s9 =	simm.s32 $0x50;
	s11 =	simm.s32 $0x80;
	[dreg:$0xf] =	wrdreg s19  }
0x19: {  	s17 =	simm.s32 $0x2;
	s6 =	sshrl.u32 s6, $0x3;
	[dreg:$0x11] =	wrdreg s20  }
0x1a: {  	s26 =	sadd.s32 $0x2800, s12;
	s15 =	sadd.s32 $0x5000, s12;
	[dreg:$0x12] =	wrdreg s7  }
0x1b: {  	s16 =	sadd.s32 $0x7800, s12;
	s10 =	sadd.s32 s8, s10;
	[dreg:$0xb] =	wrdreg s26  }
0x1c: {  	s2 =	sadd.s32 s8, s2;
	s21 =	sadd.s32 $0xA000, s12;
	[dreg:$0xc] =	wrdreg s15  }
0x1d: {  	s22 =	sadd.s32 $0xC800, s12;
	s23 =	sadd.s32 $0xF000, s12;
	[dreg:$0xd] =	wrdreg s16  }
0x1e: {  	s7 =	simm.s32 $0x8;
	s8 =	simm.s32 $0x2000;
	[dreg:$0x10] =	wrdreg s10  }
0x1f: {  	s18 =	simm.s32 $0x7;
	s19 =	simm.s32 $0x3E00;
	[dreg:$0x14] =	wrdreg s21  }
0x20: {  	s20 =	simm.s32 $0x0;
	s0 =	sadd.s32 s6, s0;
	[dreg:$0x15] =	wrdreg s22  }
0x21: {  	s6 =	sadd.s32 $0x128400, s3;
	s2 =	sadd.s32 $0x25080, s2;
	[dreg:$0x16] =	wrdreg s23  }
0x22: {  	s26 =	sadd.s32 $0x11800, s12;
	s10 =	simm.s32 $0x4000;
	s15 =	simm.s32 $0x1  }
0x23: {  	s16 =	simm.s32 $0xB800;
	[dreg:$0x13] =	wrdreg s2;
	s24 =	sadd.s32 $0x3400, s0  }
0x24: {  	v0 =	vimm.f32 $1.000000000e+00;
	v1 =	vimm.f32 $0.0e+00;
	[dreg:$0x17] =	wrdreg s26;
	s2 =	simm.s32 $0x9000;
	s26 =	simm.s32 $0x5  }
.LBB2_1:
0x25: {  	[tilespmem:$0xB800] =	vst v0  }
0x26: {  	[tilespmem:$0xB810] =	vst v0  }
0x27: {  	[tilespmem:$0xB820] =	vst v0  }
0x28: {  	[tilespmem:$0xB830] =	vst v0  }
0x29: {  	[tilespmem:$0xB840] =	vst v0;
	s0 =	simm.s32 $0x0;
	s21 =	simm.s32 $0x0  }
.LBB2_2:
0x2a: {  	p2 =	sne.s32 s21, $0x9FC0  }
.Ltmp0:
0x2b: {  	_ = 	snop;
	(pc) =	sbr.rel @p2 .LBB2_2-.Ltmp0, $4  }
0x2c: {  	s22 =	sand.u32 $0xFE00, s21  }
0x2d: {  	s23 =	sand.u32 $0x70, s0;
	s22 =	sshrl.u32 s22, $0x2  }
0x2e: {  	s22 =	sor.u32 s23, s22  }
0x2f: {  	s0 =	sadd.s32 $0x10, s0;
	s21 =	sadd.s32 $0x40, s21;
	[tilespmem:s22+$0x9000] =	vst v1  }
0x30: {  	s0 =	simm.s32 $0x40;
	s21 =	simm.s32 $0x0  }
.LBB2_4:
0x31: {  	p2 =	sne.s32 s0, $0xF40;
	[tilespmem:s21+$0xB880] =	vst v1;
	s21 =	smov.u32 s0;
	s0 =	sadd.s32 $0x40, s0  }
.Ltmp1:
0x32: {  	(pc) =	sbr.rel @p2 .LBB2_4-.Ltmp1, $2  }
0x33: {  	_ =	sdelay $0x2  }
0x34: {  	s21 =	sshra.s32 s21, $0x2  }
.Ltmp2:
0x35: {  	(pc) =	sbr.rel @p0 .LBB2_7-.Ltmp2, $3  }
0x36: {  	_ =	sdelay $0x1  }
0x37: {  	[tilespmem:s21+$0xB880] =	vst v1  }
0x38: {  	[tilespmem:$0xBC58] =	vst v1  }
.Ltmp3:
0x39: {  	(pc) =	sbr.rel .LBB2_8-.Ltmp3, $3  }
0x3a: {  	_ =	sdelay $0x1  }
0x3b: {  	s0 =	simm.s32 $0xB880  }
0x3c: {  	[spmem:s14] =	stream.linear.scatter [tilespmem:s0], [sflag:$0x5], $0x3E8, $0x38;
	[tilespmem:$0x1F778] =	vst v63  }
.LBB2_7:
.Ltmp4:
0x3d: {  	(pc) =	sbr.rel @!p1 .LBB2_8-.Ltmp4, $1  }
0x3e: {  	_ =	sdelay $0x3  }
0x3f: {  	[spmem:s6] =	stream.linear.scatter [tilespmem:s2], [sflag:$0x4], $0x2800, $0x38;
	[tilespmem:$0x1F778] =	vst v63  }
0x40: {  	s0 =	rddreg [dreg:$0x5]  }
0x41: {  	[spmem:s0] =	stream.linear.scatter [tilespmem:s2], [sflag:$0x4], $0x2800, $0x38;
	[tilespmem:$0x1F778] =	vst v63  }
0x42: {  	s22 =	rddreg [dreg:$0x6]  }
0x43: {  	[spmem:s22] =	stream.linear.scatter [tilespmem:s2], [sflag:$0x4], $0x2800, $0x38;
	[tilespmem:$0x1F778] =	vst v63  }
0x44: {  	s23 =	rddreg [dreg:$0x7]  }
0x45: {  	[spmem:s23] =	stream.linear.scatter [tilespmem:s2], [sflag:$0x4], $0x2800, $0x38;
	[tilespmem:$0x1F778] =	vst v63  }
0x46: {  	s21 =	rddreg [dreg:$0x8]  }
0x47: {  	[spmem:s21] =	stream.linear.scatter [tilespmem:s2], [sflag:$0x4], $0x2800, $0x38;
	[tilespmem:$0x1F778] =	vst v63  }
.Ltmp5:
0x48: {  	_ = 	snop;
	(pc) =	sbr.rel .LBB2_10-.Ltmp5, $4  }
0x49: {  	s22 =	rddreg [dreg:$0x9]  }
0x4a: {  	[spmem:s22] =	stream.linear.scatter [tilespmem:s2], [sflag:$0x4], $0x2800, $0x38;
	[tilespmem:$0x1F778] =	vst v63  }
0x4b: {  	p2 =	por $0x1, $0x1;
	s23 =	rddreg [dreg:$0xa]  }
0x4c: {  	[spmem:s23] =	stream.linear.scatter [tilespmem:s2], [sflag:$0x4], $0x1400, $0x38;
	[tilespmem:$0x1F778] =	vst v63  }
.LBB2_8:
0x4d: {  	[spmem:s12] =	stream.linear.scatter [tilespmem:s2], [sflag:$0x4], $0x2800, $0x38;
	[tilespmem:$0x1F778] =	vst v63  }
0x4e: {  	s0 =	rddreg [dreg:$0xb]  }
0x4f: {  	[spmem:s0] =	stream.linear.scatter [tilespmem:s2], [sflag:$0x4], $0x2800, $0x38;
	[tilespmem:$0x1F778] =	vst v63  }
0x50: {  	s21 =	rddreg [dreg:$0xc]  }
0x51: {  	[spmem:s21] =	stream.linear.scatter [tilespmem:s2], [sflag:$0x4], $0x2800, $0x38;
	[tilespmem:$0x1F778] =	vst v63  }
0x52: {  	s22 =	rddreg [dreg:$0xd]  }
0x53: {  	[spmem:s22] =	stream.linear.scatter [tilespmem:s2], [sflag:$0x4], $0x2800, $0x38;
	[tilespmem:$0x1F778] =	vst v63  }
0x54: {  	s23 =	rddreg [dreg:$0x14]  }
0x55: {  	[spmem:s23] =	stream.linear.scatter [tilespmem:s2], [sflag:$0x4], $0x2800, $0x38;
	[tilespmem:$0x1F778] =	vst v63  }
0x56: {  	s21 =	rddreg [dreg:$0x15]  }
0x57: {  	[spmem:s21] =	stream.linear.scatter [tilespmem:s2], [sflag:$0x4], $0x2800, $0x38;
	[tilespmem:$0x1F778] =	vst v63  }
0x58: {  	s22 =	rddreg [dreg:$0x16]  }
0x59: {  	[spmem:s22] =	stream.linear.scatter [tilespmem:s2], [sflag:$0x4], $0x2800, $0x38;
	[tilespmem:$0x1F778] =	vst v63  }
0x5a: {  	p2 =	por $0x0, $0x0;
	s23 =	rddreg [dreg:$0x17]  }
0x5b: {  	[spmem:s23] =	stream.linear.scatter [tilespmem:s2], [sflag:$0x4], $0x2400, $0x38;
	[tilespmem:$0x1F778] =	vst v63  }
.LBB2_10:
0x5c: {  	s0 =	rddreg [dreg:$0xe]  }
0x5d: {  	[tilespmem:s5], [sflag:$0x8] =	stream.linear.gather [hbm4b:s0+s5], $0x2000, $0x38;
	[tilespmem:$0x1F778] =	vst v63  }
0x5e: {  	_ =	swait.ge [sflag:s7], $0x2000  }
0x5f: {  	[sflag:s7] =	ssyncset.done $0x0  }
0x60: {  	s23 =	rddreg [dreg:$0xf];
	[sflag:s7] =	ssyncadd.s32 $0xFFFFE000  }
0x61: {  	[tilespmem:s8], [sflag:$0x8] =	stream.linear.gather [hbm4b:s23+s5], $0x2000, $0x38;
	[tilespmem:$0x1F778] =	vst v63  }
0x62: {  	_ =	swait.ge [sflag:s7], $0x2000  }
0x63: {  	[sflag:s7] =	ssyncset.done $0x0  }
0x64: {  	[sflag:s7] =	ssyncadd.s32 $0xFFFFE000  }
0x65: {  	[tilespmem:s10], [sflag:$0x1] =	stream.indirect.gather [hbm4b:s1+s9], $0x80, s5, s9, $0xb8;
	[tilespmem:$0x1F778] =	vst v63  }
0x66: {  	s0 =	simm.s32 @!p0 $0x5  }
0x67: {  	[tilespmem:s31], [sflag:$0x2] =	stream.indirect.gather [hbm4b:s1+s9], $0x80, s11, s9, $0xb8;
	[tilespmem:$0x1F778] =	vst v63  }
0x68: {  	_ =	swait.ge @!p0 [sflag:s0], $0x3E8  }
0x69: {  	[sflag:s0] =	ssyncset.done @!p0 $0x0  }
0x6a: {  	[sflag:s0] =	ssyncadd.s32 @!p0 $0xFFFFFC18  }
0x6b: {  	_ =	swait.ge [sflag:s13], $0x2800  }
0x6c: {  	[sflag:s13] =	ssyncset.done $0x0  }
0x6d: {  	[sflag:s13] =	ssyncadd.s32 $0xFFFFD800  }
0x6e: {  	_ =	swait.ge [sflag:s13], $0x2800  }
0x6f: {  	[sflag:s13] =	ssyncset.done $0x0  }
0x70: {  	[sflag:s13] =	ssyncadd.s32 $0xFFFFD800  }
0x71: {  	_ =	swait.ge [sflag:s13], $0x2800  }
0x72: {  	[sflag:s13] =	ssyncset.done $0x0  }
0x73: {  	[sflag:s13] =	ssyncadd.s32 $0xFFFFD800  }
0x74: {  	_ =	swait.ge [sflag:s13], $0x2800  }
0x75: {  	[sflag:s13] =	ssyncset.done $0x0  }
0x76: {  	[sflag:s13] =	ssyncadd.s32 $0xFFFFD800  }
0x77: {  	_ =	swait.ge [sflag:s13], $0x2800  }
0x78: {  	[sflag:s13] =	ssyncset.done $0x0  }
0x79: {  	[sflag:s13] =	ssyncadd.s32 $0xFFFFD800  }
0x7a: {  	_ =	swait.ge [sflag:s13], $0x2800  }
0x7b: {  	[sflag:s13] =	ssyncset.done $0x0  }
0x7c: {  	s0 =	simm.s32 @p2 $0x4;
	[sflag:s13] =	ssyncadd.s32 $0xFFFFD800  }
0x7d: {  	_ =	swait.ge @p2 [sflag:s0], $0x1400  }
0x7e: {  	[sflag:s0] =	ssyncset.done @p2 $0x0  }
0x7f: {  	[sflag:s0] =	ssyncadd.s32 @p2 $0xFFFFEC00;
	s0 =	simm.s32 @!p2 $0x4  }
0x80: {  	_ =	swait.ge @!p2 [sflag:s0], $0x2800  }
0x81: {  	[sflag:s0] =	ssyncset.done @!p2 $0x0  }
0x82: {  	[sflag:s0] =	ssyncadd.s32 @!p2 $0xFFFFD800  }
.Ltmp6:
0x83: {  	_ =	swait.ge @!p2 [sflag:s0], $0x2400;
	(pc) =	sbr.rel .LBB2_11-.Ltmp6, $4  }
0x84: {  	[sflag:s0] =	ssyncset.done @!p2 $0x0  }
0x85: {  	[sflag:s0] =	ssyncadd.s32 @!p2 $0xFFFFDC00  }
0x86: {  	[bflag:$0x0] =	sbarrier.arrive $0xFFFF  }
0x87: {  	s21 =	simm.s32 $0x0;
	s0 =	simm.s32 $0x0  }
.LBB2_14:
0x88: {  	s22 =	sshra.s32 s0, $0x2  }
0x89: {  	s22 =	sadd.s32 $0x100, s22  }
0x8a: {  	[tilespmem:s2], [sflag:$0x3] =	stream.indirect.gather [hbm4b:s1+s9], $0x80, s22, s9, $0xb8;
	[tilespmem:$0x1F778] =	vst v63  }
0x8b: {  	s22 =	smov.u32 s0  }
.LBB2_15:
0x8c: {  	_ =	swait.ge [sflag:s15], $0x2800  }
0x8d: {  	s22 =	sshra.s32 s22, $0x2;
	[sflag:s15] =	ssyncset.done $0x0  }
0x8e: {  	s23 =	sadd.s32 $0x2000, s22;
	[sflag:s15] =	ssyncadd.s32 $0xFFFFD800  }
0x8f: {  	[spmem:s3] =	stream.indirect.scatter.add.f32 [tilespmem:s10], [sflag:$0x4], $0x80, s23, s9, $0xb8;
	[tilespmem:$0x1F778] =	vst v63  }
0x90: {  	_ = 	snop  }
0x91: {  	[spmem:s4] =	stream.indirect.scatter.add.f32 [tilespmem:s16], [sflag:$0x7], $0x1, s23, s9, $0xb8;
	[tilespmem:$0x1F778] =	vst v63  }
0x92: {  	_ =	swait.ge [sflag:s13], $0x2800  }
0x93: {  	[sflag:s13] =	ssyncset.done $0x0  }
0x94: {  	s23 =	sadd.s32 $0x180, s22;
	[sflag:s13] =	ssyncadd.s32 $0xFFFFD800  }
0x95: {  	[tilespmem:s10], [sflag:$0x1] =	stream.indirect.gather [hbm4b:s1+s9], $0x80, s23, s9, $0xb8;
	[tilespmem:$0x1F778] =	vst v63  }
0x96: {  	_ =	swait.ge [sflag:s17], $0x2800  }
0x97: {  	[sflag:s17] =	ssyncset.done $0x0  }
0x98: {  	s23 =	sadd.s32 $0x2080, s22;
	[sflag:s17] =	ssyncadd.s32 $0xFFFFD800  }
0x99: {  	[spmem:s3] =	stream.indirect.scatter.add.f32 [tilespmem:s31], [sflag:$0x5], $0x80, s23, s9, $0xb8;
	[tilespmem:$0x1F778] =	vst v63  }
0x9a: {  	_ = 	snop  }
0x9b: {  	[spmem:s4] =	stream.indirect.scatter.add.f32 [tilespmem:s16], [sflag:$0x7], $0x1, s23, s9, $0xb8;
	[tilespmem:$0x1F778] =	vst v63  }
0x9c: {  	_ =	swait.ge [sflag:s26], $0x2800  }
0x9d: {  	[sflag:s26] =	ssyncset.done $0x0  }
0x9e: {  	s0 =	sadd.s32 $0x600, s0;
	s23 =	sadd.s32 $0x200, s22;
	[sflag:s26] =	ssyncadd.s32 $0xFFFFD800  }
0x9f: {  	[tilespmem:s31], [sflag:$0x2] =	stream.indirect.gather [hbm4b:s1+s9], $0x80, s23, s9, $0xb8;
	[tilespmem:$0x1F778] =	vst v63  }
0xa0: {  	p3 =	sne.s32 s0, $0x7800;
	_ =	swait.ge [sflag:s28], $0x2800  }
.Ltmp7:
0xa1: {  	[sflag:s28] =	ssyncset.done $0x0;
	(pc) =	sbr.rel @!p3 .LBB2_16-.Ltmp7, $4  }
0xa2: {  	s22 =	sadd.s32 $0x2100, s22;
	[sflag:s28] =	ssyncadd.s32 $0xFFFFD800  }
0xa3: {  	[spmem:s3] =	stream.indirect.scatter.add.f32 [tilespmem:s2], [sflag:$0x6], $0x80, s22, s9, $0xb8;
	[tilespmem:$0x1F778] =	vst v63  }
0xa4: {  	s21 =	sadd.s32 $0x1, s21  }
0xa5: {  	[spmem:s4] =	stream.indirect.scatter.add.f32 [tilespmem:s16], [sflag:$0x7], $0x1, s22, s9, $0xb8;
	[tilespmem:$0x1F778] =	vst v63  }
.LBB2_11:
0xa6: {  	p3 =	seq.s32 s21, $0x0  }
.Ltmp8:
0xa7: {  	_ = 	snop;
	(pc) =	sbr.rel @p3 .LBB2_14-.Ltmp8, $1  }
0xa8: {  	_ =	sdelay $0x3  }
0xa9: {  	p3 =	seq.s32 s21, $0x15  }
.Ltmp9:
0xaa: {  	_ = 	snop;
	(pc) =	sbr.rel @p3 .LBB2_15-.Ltmp9, $2  }
0xab: {  	_ =	sdelay $0x2  }
0xac: {  	s22 =	simm.s32 $0x7E00  }
.Ltmp10:
0xad: {  	(pc) =	sbr.rel .LBB2_14-.Ltmp10, $4  }
0xae: {  	_ = 	snop  }
0xaf: {  	_ =	swait.ge [sflag:s29], $0x2800  }
0xb0: {  	[sflag:s29] =	ssyncset.done $0x0  }
0xb1: {  	[sflag:s29] =	ssyncadd.s32 $0xFFFFD800  }
.LBB2_16:
0xb2: {  	_ =	swait.ge [sflag:s29], $0x2800  }
0xb3: {  	s0 =	sshra.s32 s0, $0x2;
	[sflag:s29] =	ssyncset.done $0x0  }
0xb4: {  	s21 =	sadd.s32 $0x100, s0;
	[sflag:s29] =	ssyncadd.s32 $0xFFFFD800  }
0xb5: {  	[tilespmem:s2], [sflag:$0x3] =	stream.indirect.gather [hbm4b:s1+s9], $0x80, s21, s9, $0xb8;
	[tilespmem:$0x1F778] =	vst v63  }
0xb6: {  	_ =	swait.ge [sflag:s15], $0x2800  }
0xb7: {  	[sflag:s15] =	ssyncset.done $0x0  }
0xb8: {  	s23 =	sadd.s32 $0x2000, s0;
	[sflag:s15] =	ssyncadd.s32 $0xFFFFD800  }
0xb9: {  	[spmem:s3] =	stream.indirect.scatter.add.f32 [tilespmem:s10], [sflag:$0x4], $0x80, s23, s9, $0xb8;
	[tilespmem:$0x1F778] =	vst v63  }
0xba: {  	_ = 	snop  }
0xbb: {  	[spmem:s4] =	stream.indirect.scatter.add.f32 [tilespmem:s16], [sflag:$0x7], $0x1, s23, s9, $0xb8;
	[tilespmem:$0x1F778] =	vst v63  }
0xbc: {  	_ =	swait.ge [sflag:s13], $0x2800  }
0xbd: {  	[sflag:s13] =	ssyncset.done $0x0  }
0xbe: {  	s22 =	sadd.s32 $0x180, s0;
	[sflag:s13] =	ssyncadd.s32 $0xFFFFD800  }
0xbf: {  	[tilespmem:s10], [sflag:$0x1] =	stream.indirect.gather [hbm4b:s1+s9], $0x80, s22, s9, $0xb8;
	[tilespmem:$0x1F778] =	vst v63  }
0xc0: {  	_ =	swait.ge [sflag:s17], $0x2800  }
0xc1: {  	[sflag:s17] =	ssyncset.done $0x0  }
0xc2: {  	s23 =	sadd.s32 $0x2080, s0;
	[sflag:s17] =	ssyncadd.s32 $0xFFFFD800  }
0xc3: {  	[spmem:s3] =	stream.indirect.scatter.add.f32 [tilespmem:s31], [sflag:$0x5], $0x80, s23, s9, $0xb8;
	[tilespmem:$0x1F778] =	vst v63  }
0xc4: {  	_ = 	snop  }
0xc5: {  	[spmem:s4] =	stream.indirect.scatter.add.f32 [tilespmem:s16], [sflag:$0x7], $0x1, s23, s9, $0xb8;
	[tilespmem:$0x1F778] =	vst v63  }
0xc6: {  	_ =	swait.ge [sflag:s28], $0x2800  }
0xc7: {  	[sflag:s28] =	ssyncset.done $0x0  }
0xc8: {  	s0 =	sadd.s32 $0x2100, s0;
	[sflag:s28] =	ssyncadd.s32 $0xFFFFD800  }
0xc9: {  	[spmem:s3] =	stream.indirect.scatter.add.f32 [tilespmem:s2], [sflag:$0x6], $0x80, s0, s9, $0xb8;
	[tilespmem:$0x1F778] =	vst v63  }
0xca: {  	_ = 	snop  }
0xcb: {  	[spmem:s4] =	stream.indirect.scatter.add.f32 [tilespmem:s16], [sflag:$0x7], $0x1, s0, s9, $0xb8;
	[tilespmem:$0x1F778] =	vst v63  }
0xcc: {  	_ =	swait.ge [sflag:s15], $0x2800  }
0xcd: {  	[sflag:s15] =	ssyncset.done $0x0  }
0xce: {  	[sflag:s15] =	ssyncadd.s32 $0xFFFFD800  }
0xcf: {  	[spmem:s3] =	stream.indirect.scatter.add.f32 [tilespmem:s10], [sflag:$0x4], $0x80, s30, s9, $0xb8;
	[tilespmem:$0x1F778] =	vst v63  }
0xd0: {  	_ = 	snop  }
0xd1: {  	[spmem:s4] =	stream.indirect.scatter.add.f32 [tilespmem:s16], [sflag:$0x7], $0x1, s30, s9, $0xb8;
	[tilespmem:$0x1F778] =	vst v63  }
0xd2: {  	_ =	swait.ge [sflag:s13], $0x2800  }
0xd3: {  	[sflag:s13] =	ssyncset.done $0x0  }
0xd4: {  	[sflag:s13] =	ssyncadd.s32 $0xFFFFD800  }
0xd5: {  	_ =	swait.ge [sflag:s26], $0x2800  }
0xd6: {  	[sflag:s26] =	ssyncset.done $0x0  }
0xd7: {  	[sflag:s26] =	ssyncadd.s32 $0xFFFFD800  }
0xd8: {  	_ =	swait.ge [sflag:s29], $0x2800  }
0xd9: {  	[sflag:s29] =	ssyncset.done $0x0  }
0xda: {  	[sflag:s29] =	ssyncadd.s32 $0xFFFFD800  }
0xdb: {  	_ =	swait.ge [sflag:s18], $0x50  }
0xdc: {  	s0 =	simm.s32 $0x3F;
	[sflag:s18] =	ssyncset.done $0x0  }
.LBB2_17:
0xdd: {  	p3 =	sne.s32 s0, $0x1;
	s0 =	sadd.s32 $0xFFFFFFFF, s0;
	[sflag:s18] =	ssyncadd.s32 $0xFFFFFFB0  }
.Ltmp11:
0xde: {  	(pc) =	sbr.rel @p3 .LBB2_17-.Ltmp11, $3  }
0xdf: {  	_ =	sdelay $0x1  }
0xe0: {  	_ =	swait.ge [sflag:s18], $0x50  }
0xe1: {  	[sflag:s18] =	ssyncset.done $0x0  }
0xe2: {  	[sflag:s18] =	ssyncadd.s32 $0xFFFFFFB0;
	s0 =	simm.s32 $0x0;
	s21 =	rddreg [dreg:$0x11]  }
0xe3: {  	[tilespmem:s0], [sflag:$0x8] =	stream.linear.gather [hbm4b:s21+s0], $0x1E80, $0x38;
	[tilespmem:$0x1F778] =	vst v63  }
0xe4: {  	_ =	swait.ge [sflag:s7], $0x1E80  }
0xe5: {  	[sflag:s7] =	ssyncset.done $0x0  }
0xe6: {  	s23 =	rddreg [dreg:$0x12];
	[sflag:s7] =	ssyncadd.s32 $0xFFFFE180  }
0xe7: {  	[tilespmem:s8], [sflag:$0x8] =	stream.linear.gather [hbm4b:s23+s0], $0x1E80, $0x38;
	[tilespmem:$0x1F778] =	vst v63  }
0xe8: {  	_ =	swait.ge [sflag:s7], $0x1E80  }
.Ltmp12:
0xe9: {  	[sflag:s7] =	ssyncset.done $0x0;
	(pc) =	sbr.rel .LBB2_19-.Ltmp12, $4  }
0xea: {  	[sflag:s7] =	ssyncadd.s32 $0xFFFFE180  }
0xeb: {  	[tilespmem:s10], [sflag:$0x1] =	stream.indirect.gather [hbm4b:s1+s9], $0x80, s0, s9, $0xb8;
	[tilespmem:$0x1F778] =	vst v63  }
0xec: {  	s21 =	simm.s32 $0x0  }
0xed: {  	[tilespmem:s31], [sflag:$0x2] =	stream.indirect.gather [hbm4b:s1+s9], $0x80, s11, s9, $0xb8;
	[tilespmem:$0x1F778] =	vst v63  }
.LBB2_22:
0xee: {  	s22 =	sshra.s32 s0, $0x2  }
0xef: {  	s22 =	sadd.s32 $0x100, s22  }
0xf0: {  	[tilespmem:s2], [sflag:$0x3] =	stream.indirect.gather [hbm4b:s1+s9], $0x80, s22, s9, $0xb8;
	[tilespmem:$0x1F778] =	vst v63  }
0xf1: {  	s22 =	smov.u32 s0  }
.LBB2_23:
0xf2: {  	_ =	swait.ge [sflag:s15], $0x2800  }
0xf3: {  	s22 =	sshra.s32 s22, $0x2;
	[sflag:s15] =	ssyncset.done $0x0  }
0xf4: {  	s23 =	sadd.s32 $0x2000, s22;
	[sflag:s15] =	ssyncadd.s32 $0xFFFFD800  }
0xf5: {  	[spmem:s3] =	stream.indirect.scatter.add.f32 [tilespmem:s10], [sflag:$0x4], $0x80, s23, s9, $0xb8;
	[tilespmem:$0x1F778] =	vst v63  }
0xf6: {  	_ = 	snop  }
0xf7: {  	[spmem:s4] =	stream.indirect.scatter.add.f32 [tilespmem:s16], [sflag:$0x7], $0x1, s23, s9, $0xb8;
	[tilespmem:$0x1F778] =	vst v63  }
0xf8: {  	_ =	swait.ge [sflag:s13], $0x2800  }
0xf9: {  	[sflag:s13] =	ssyncset.done $0x0  }
0xfa: {  	s23 =	sadd.s32 $0x180, s22;
	[sflag:s13] =	ssyncadd.s32 $0xFFFFD800  }
0xfb: {  	[tilespmem:s10], [sflag:$0x1] =	stream.indirect.gather [hbm4b:s1+s9], $0x80, s23, s9, $0xb8;
	[tilespmem:$0x1F778] =	vst v63  }
0xfc: {  	_ =	swait.ge [sflag:s17], $0x2800  }
0xfd: {  	[sflag:s17] =	ssyncset.done $0x0  }
0xfe: {  	s23 =	sadd.s32 $0x2080, s22;
	[sflag:s17] =	ssyncadd.s32 $0xFFFFD800  }
0xff: {  	[spmem:s3] =	stream.indirect.scatter.add.f32 [tilespmem:s31], [sflag:$0x5], $0x80, s23, s9, $0xb8;
	[tilespmem:$0x1F778] =	vst v63  }
0x100: {  	_ = 	snop  }
0x101: {  	[spmem:s4] =	stream.indirect.scatter.add.f32 [tilespmem:s16], [sflag:$0x7], $0x1, s23, s9, $0xb8;
	[tilespmem:$0x1F778] =	vst v63  }
0x102: {  	_ =	swait.ge [sflag:s26], $0x2800  }
0x103: {  	[sflag:s26] =	ssyncset.done $0x0  }
0x104: {  	s0 =	sadd.s32 $0x600, s0;
	s23 =	sadd.s32 $0x200, s22;
	[sflag:s26] =	ssyncadd.s32 $0xFFFFD800  }
0x105: {  	[tilespmem:s31], [sflag:$0x2] =	stream.indirect.gather [hbm4b:s1+s9], $0x80, s23, s9, $0xb8;
	[tilespmem:$0x1F778] =	vst v63  }
0x106: {  	p3 =	sne.s32 s0, $0x7200;
	_ =	swait.ge [sflag:s28], $0x2800  }
.Ltmp13:
0x107: {  	[sflag:s28] =	ssyncset.done $0x0;
	(pc) =	sbr.rel @!p3 .LBB2_24-.Ltmp13, $4  }
0x108: {  	s22 =	sadd.s32 $0x2100, s22;
	[sflag:s28] =	ssyncadd.s32 $0xFFFFD800  }
0x109: {  	[spmem:s3] =	stream.indirect.scatter.add.f32 [tilespmem:s2], [sflag:$0x6], $0x80, s22, s9, $0xb8;
	[tilespmem:$0x1F778] =	vst v63  }
0x10a: {  	s21 =	sadd.s32 $0x1, s21  }
0x10b: {  	[spmem:s4] =	stream.indirect.scatter.add.f32 [tilespmem:s16], [sflag:$0x7], $0x1, s22, s9, $0xb8;
	[tilespmem:$0x1F778] =	vst v63  }
.LBB2_19:
0x10c: {  	p3 =	seq.s32 s21, $0x0  }
.Ltmp14:
0x10d: {  	_ = 	snop;
	(pc) =	sbr.rel @p3 .LBB2_22-.Ltmp14, $1  }
0x10e: {  	_ =	sdelay $0x3  }
0x10f: {  	p3 =	seq.s32 s21, $0x14  }
.Ltmp15:
0x110: {  	_ = 	snop;
	(pc) =	sbr.rel @p3 .LBB2_23-.Ltmp15, $2  }
0x111: {  	_ =	sdelay $0x2  }
0x112: {  	s22 =	simm.s32 $0x7800  }
.Ltmp16:
0x113: {  	(pc) =	sbr.rel .LBB2_22-.Ltmp16, $4  }
0x114: {  	_ = 	snop  }
0x115: {  	_ =	swait.ge [sflag:s29], $0x2800  }
0x116: {  	[sflag:s29] =	ssyncset.done $0x0  }
0x117: {  	[sflag:s29] =	ssyncadd.s32 $0xFFFFD800  }
.LBB2_24:
0x118: {  	_ =	swait.ge [sflag:s29], $0x2800  }
0x119: {  	s0 =	sshra.s32 s0, $0x2;
	[sflag:s29] =	ssyncset.done $0x0  }
0x11a: {  	s21 =	sadd.s32 $0x100, s0;
	[sflag:s29] =	ssyncadd.s32 $0xFFFFD800  }
0x11b: {  	[tilespmem:s2], [sflag:$0x3] =	stream.indirect.gather [hbm4b:s1+s9], $0x80, s21, s9, $0xb8;
	[tilespmem:$0x1F778] =	vst v63  }
0x11c: {  	_ =	swait.ge [sflag:s15], $0x2800  }
0x11d: {  	[sflag:s15] =	ssyncset.done $0x0  }
0x11e: {  	s23 =	sadd.s32 $0x2000, s0;
	[sflag:s15] =	ssyncadd.s32 $0xFFFFD800  }
0x11f: {  	[spmem:s3] =	stream.indirect.scatter.add.f32 [tilespmem:s10], [sflag:$0x4], $0x80, s23, s9, $0xb8;
	[tilespmem:$0x1F778] =	vst v63  }
0x120: {  	_ = 	snop  }
0x121: {  	[spmem:s4] =	stream.indirect.scatter.add.f32 [tilespmem:s16], [sflag:$0x7], $0x1, s23, s9, $0xb8;
	[tilespmem:$0x1F778] =	vst v63  }
0x122: {  	_ =	swait.ge [sflag:s13], $0x2800  }
0x123: {  	[sflag:s13] =	ssyncset.done $0x0  }
0x124: {  	s22 =	sadd.s32 $0x180, s0;
	[sflag:s13] =	ssyncadd.s32 $0xFFFFD800  }
0x125: {  	[tilespmem:s10], [sflag:$0x1] =	stream.indirect.gather [hbm4b:s1+s9], $0x80, s22, s9, $0xb8;
	[tilespmem:$0x1F778] =	vst v63  }
0x126: {  	_ =	swait.ge [sflag:s17], $0x2800  }
0x127: {  	[sflag:s17] =	ssyncset.done $0x0  }
0x128: {  	s23 =	sadd.s32 $0x2080, s0;
	[sflag:s17] =	ssyncadd.s32 $0xFFFFD800  }
0x129: {  	[spmem:s3] =	stream.indirect.scatter.add.f32 [tilespmem:s31], [sflag:$0x5], $0x80, s23, s9, $0xb8;
	[tilespmem:$0x1F778] =	vst v63  }
0x12a: {  	_ = 	snop  }
0x12b: {  	[spmem:s4] =	stream.indirect.scatter.add.f32 [tilespmem:s16], [sflag:$0x7], $0x1, s23, s9, $0xb8;
	[tilespmem:$0x1F778] =	vst v63  }
0x12c: {  	_ =	swait.ge [sflag:s28], $0x2800  }
0x12d: {  	[sflag:s28] =	ssyncset.done $0x0  }
0x12e: {  	s0 =	sadd.s32 $0x2100, s0;
	[sflag:s28] =	ssyncadd.s32 $0xFFFFD800  }
0x12f: {  	[spmem:s3] =	stream.indirect.scatter.add.f32 [tilespmem:s2], [sflag:$0x6], $0x80, s0, s9, $0xb8;
	[tilespmem:$0x1F778] =	vst v63  }
0x130: {  	_ = 	snop  }
0x131: {  	[spmem:s4] =	stream.indirect.scatter.add.f32 [tilespmem:s16], [sflag:$0x7], $0x1, s0, s9, $0xb8;
	[tilespmem:$0x1F778] =	vst v63  }
0x132: {  	_ =	swait.ge [sflag:s15], $0x2800  }
0x133: {  	[sflag:s15] =	ssyncset.done $0x0  }
0x134: {  	[sflag:s15] =	ssyncadd.s32 $0xFFFFD800  }
0x135: {  	[spmem:s3] =	stream.indirect.scatter.add.f32 [tilespmem:s10], [sflag:$0x4], $0x80, s19, s9, $0xb8;
	[tilespmem:$0x1F778] =	vst v63  }
0x136: {  	_ = 	snop  }
0x137: {  	[spmem:s4] =	stream.indirect.scatter.add.f32 [tilespmem:s16], [sflag:$0x7], $0x1, s19, s9, $0xb8;
	[tilespmem:$0x1F778] =	vst v63  }
0x138: {  	_ =	swait.ge [sflag:s13], $0x2800  }
0x139: {  	[sflag:s13] =	ssyncset.done $0x0  }
0x13a: {  	[sflag:s13] =	ssyncadd.s32 $0xFFFFD800  }
0x13b: {  	_ =	swait.ge [sflag:s26], $0x2800  }
0x13c: {  	[sflag:s26] =	ssyncset.done $0x0  }
0x13d: {  	[sflag:s26] =	ssyncadd.s32 $0xFFFFD800  }
0x13e: {  	_ =	swait.ge [sflag:s29], $0x2800  }
0x13f: {  	[sflag:s29] =	ssyncset.done $0x0  }
0x140: {  	[sflag:s29] =	ssyncadd.s32 $0xFFFFD800  }
0x141: {  	_ =	swait.ge [sflag:s18], $0x50  }
0x142: {  	s0 =	simm.s32 $0x3C;
	[sflag:s18] =	ssyncset.done $0x0  }
.LBB2_25:
0x143: {  	p3 =	sne.s32 s0, $0x1;
	s0 =	sadd.s32 $0xFFFFFFFF, s0;
	[sflag:s18] =	ssyncadd.s32 $0xFFFFFFB0  }
.Ltmp17:
0x144: {  	(pc) =	sbr.rel @p3 .LBB2_25-.Ltmp17, $3  }
0x145: {  	_ =	sdelay $0x1  }
0x146: {  	_ =	swait.ge [sflag:s18], $0x50  }
0x147: {  	[sflag:s18] =	ssyncset.done $0x0  }
0x148: {  	[sflag:s18] =	ssyncadd.s32 $0xFFFFFFB0;
	s22 =	stileid.u32  }
0x149: {  	s0 =	sshll.u32 @p2 s22, $0x6;
	[bflag:$0x0] =	sbarrier.arrive $0xFFFF  }
0x14a: {  	s21 =	sshrl.u32 @p2 s6, $0x3;
	s0 =	sor.u32 @p2 $0x1C08, s0;
	s23 =	rddreg [dreg:$0x13]  }
0x14b: {  	[hbm:s23], [sflag:s0] =	dma.local @p2 [spmem:s21], $0x2080  }
0x14c: {  	s0 =	simm.s32 @p2 $0x8  }
0x14d: {  	_ =	swait.ge @p2 [sflag:s0], $0x2080  }
0x14e: {  	s21 =	sshll.u32 @!p2 s22, $0x6;
	[sflag:s0] =	ssyncset.done @p2 $0x0;
	s22 =	rddreg [dreg:$0x10]  }
0x14f: {  	[sflag:s0] =	ssyncadd.s32 @p2 $0xFFFFDF80;
	s0 =	sor.u32 @!p2 $0x1C08, s21;
	s21 =	sshrl.u32 @!p2 s12, $0x3  }
0x150: {  	[hbm:s22], [sflag:s0] =	dma.local @!p2 [spmem:s21], $0x2780  }
0x151: {  	s0 =	simm.s32 @!p2 $0x8  }
0x152: {  	_ =	swait.ge @!p2 [sflag:s0], $0x2780  }
0x153: {  	[sflag:s0] =	ssyncset.done @!p2 $0x0  }
0x154: {  	s21 =	simm.s32 @!p0 $0x8;
	[sflag:s0] =	ssyncadd.s32 @!p2 $0xFFFFD880;
	s0 =	simm.s32 @!p0 $0xB880  }
0x155: {  	[tilespmem:s0], [sflag:$0x8] =	stream.linear.gather @!p0 [spmem:s14], $0x3E8, $0x38;
	[tilespmem:$0x1F778] =	vst v63  }
0x156: {  	s20 =	sadd.s32 $0x1, s20;
	_ =	swait.ge @!p0 [sflag:s21], $0x3E8  }
0x157: {  	p2 =	sne.s32 s20, s25;
	[sflag:s21] =	ssyncset.done @!p0 $0x0  }
.Ltmp18:
0x158: {  	s22 =	simm.s32 @!p0 $0x0;
	[sflag:s21] =	ssyncadd.s32 @!p0 $0xFFFFFC18;
	(pc) =	sbr.rel @p2 .LBB2_1-.Ltmp18, $4  }
0x159: {  	[hbm4b:s24+s22] =	stream.linear.scatter @!p0 [tilespmem:s0], [sflag:$0x8], $0x3E8, $0x38;
	[tilespmem:$0x1F778] =	vst v63  }
0x15a: {  	_ =	swait.ge @!p0 [sflag:s21], $0x3E8  }
0x15b: {  	[sflag:s21] =	ssyncset.done @!p0 $0x0  }
0x15c: {  	s23 =	stileid.u32;
	[sflag:s21] =	ssyncadd.s32 @!p0 $0xFFFFFC18  }
0x15d: {  	_ =	sfence.sel $0x180000  }
0x15e: {  	[bflag:$0x0] =	sbarrier.arrive $0xFFFF  }
0x15f: {  	_ =	strace $0x9000004A  }
0x160: {  	[bflag:$0x2] =	sbarrier.arrive $0xFFFF  }
0x161: {  	p0 =	sne.s32 s23, $0x0;
	s0 =	rddreg [dreg:$0x4]  }
0x162: {  	s0 =	sadd.s32 @!p0 $0x100000, s0  }
0x163: {  	[sflag:s0] =	ssyncadd.tile.s32 @!p0 $0x1;
	_ =	shalt  }
.Lfunc_end2:
_tile_overlayer_lowered:
.L_overlay_start_2:
0x164: {  	(tag) =	ssettag $0x2  }
0x165: {  	s0 =	rddreg [dreg:$0x0];
	s2 =	stileid.u32  }
0x166: {  	s1 =	rddreg [dreg:$0x1];
	p0 =	sne.s32 s2, $0x0  }
0x167: {  	s3 =	rddreg [dreg:$0x2];
	[bflag:$0x3] =	sbarrier.arrive $0xFFFF;
	s2 =	simm.s32 @!p0 $0x1C08  }
0x168: {  	[timem:s3], [sflag:s2] =	dma.local @!p0 [hbm:s0], s1  }
0x169: {  	s0 =	simm.s32 @!p0 $0x8  }
0x16a: {  	_ =	swait.ge @!p0 [sflag:s0], s1  }
0x16b: {  	s1 =	ssub.s32 @!p0 $0x0, s1;
	[sflag:s0] =	ssyncset.done @!p0 $0x0  }
0x16c: {  	[sflag:s0] =	ssyncadd.s32 @!p0 s1  }
0x16d: {  	[bflag:$0x3] =	sbarrier.arrive $0xFFFF  }
0x16e: {  	_ =	shalt  }

// kernel: kernel.8.cloned.1.call-start
scs
__scs_entry_jumppad:
0x0: {  	(pc) =	sbr.rel $0x88, $3  }
0x1: {  	(tag) =	ssettag $0x0;
	lr =	simm.s32 $0x1  }
0x2: {  	[smem:$0x3F98] =	sst lr;
	_ =	strace $0xD0000000  }
0x3: {  	_ = 	snop  }
0x4: {  	_ = 	snop  }
0x5: {  	_ = 	snop  }
0x6: {  	_ = 	snop  }
0x7: {  	_ = 	snop  }
__scs_overlays_trampoline_lowered:
0x8: {  	[smem:$0x3FA7] =	sst s0  }
0x9: {  	[smem:$0x3FA8] =	sst s1  }
0xa: {  	[smem:$0x3FA9] =	sst s2  }
0xb: {  	[smem:$0x3FAA] =	sst s3  }
0xc: {  	[smem:$0x3FAB] =	sst s4  }
0xd: {  	[smem:$0x3FAC] =	sst s5  }
0xe: {  	[smem:$0x3FAD] =	sst s6  }
0xf: {  	[smem:$0x3FAE] =	sst s7  }
0x10: {  	[smem:$0x3FAF] =	sst s8  }
0x11: {  	[smem:$0x3FB0] =	sst s9;
	s0 =	simm.s32 @!p0 $0x0  }
0x12: {  	s1 =	sld [smem:$0x3F96];
	s0 =	simm.s32 @p0 $0x1  }
0x13: {  	[smem:$0x3FB1] =	sst s0;
	s0 =	simm.s32 @!p1 $0x0  }
0x14: {  	s2 =	sld [smem:$0x3F95];
	s0 =	simm.s32 @p1 $0x1  }
0x15: {  	[smem:$0x3FB2] =	sst s0;
	s0 =	simm.s32 @!p2 $0x0  }
0x16: {  	s3 =	sld [smem:$0x3FDB];
	s0 =	simm.s32 @p2 $0x1  }
0x17: {  	s4 =	simm.s32 $0x1BF5;
	[smem:$0x3FB4] =	sst s0  }
0x18: {  	s0 =	sld [smem:$0x3F97];
	_ =	swait.ge [sflag:s4], $0x0  }
0x19: {  	s7 =	sld [smem:$0x3F98]  }
0x1a: {  	s8 =	sadd.s32 $0xFFFFE003, lr  }
0x1b: {  	s9 =	sadd.s32 $0xFFFFFEF7, lr;
	s5 =	simm.s32 $0xFFFFFFFF;
	p2 =	slt.u32 s8, $0xFFFFF086  }
0x1c: {  	p1 =	slt.u32 s9, $0xF7A;
	s5 =	simm.s32 @!p2 $0x0  }
0x1d: {  	s5 =	simm.s32 @p1 $0x1;
	p0 =	seq.s32 s7, s2  }
0x1e: {  	s7 =	smul.u32 @!p0 $0xF7A, s2;
	p2 =	seq.s32 @!p0 s5, $0x0  }
0x1f: {  	s9 =	smul.u32 $0xF7A, s1;
	s8 =	simm.s32 @!p0 $0x1BF5;
	p2 =	por !p2, p0  }
0x20: {  	[sflag:s8] =	ssyncset.s32 @!p0 $0xFFFFF086;
	s6 =	sadd.s32 @!p0 s3, s7;
	s7 =	simm.s32 @!p0 $0x108  }
0x21: {  	s3 =	sadd.s32 s3, s9;
	s6 =	sadd.s32 @!p0 $0x88, s6;
	s7 =	simm.s32 @p2 $0x1082  }
0x22: {  	[simem:s7], [sflag:s8] =	dma.local @!p0 [hbm:s6], $0xF7A  }
0x23: {  	s9 =	sor.u32 $0xD0000000, s2;
	s6 =	simm.s32 $0x108;
	_ =	swait.ge @!p0 [sflag:s8], $0x0  }
0x24: {  	s3 =	sadd.s32 $0x88, s3;
	s6 =	simm.s32 @!p1 $0x1082;
	[sflag:s4] =	ssyncset.s32 $0xFFFFF086  }
0x25: {  	[simem:s6], [sflag:s4] =	dma.local [hbm:s3], $0xF7A  }
0x26: {  	[smem:$0x3F98] =	sst s1;
	(tag) =	ssettag s2;
	_ =	strace s9  }
0x27: {  	s1 =	sld [smem:$0x3FA8]  }
0x28: {  	s2 =	sld [smem:$0x3FA9]  }
0x29: {  	s4 =	sld [smem:$0x3FAB]  }
0x2a: {  	p0 =	seq.s32 s5, $0x0;
	s5 =	sld [smem:$0x3FAC]  }
0x2b: {  	s6 =	sld [smem:$0x3FAD]  }
0x2c: {  	s7 =	sld [smem:$0x3FAE]  }
0x2d: {  	s3 =	simm.s32 $0x108;
	s8 =	sld [smem:$0x3FAF]  }
0x2e: {  	s3 =	simm.s32 @!p0 $0x1082;
	s9 =	sld [smem:$0x3FB0]  }
0x2f: {  	lr =	sadd.s32 s0, s3;
	s0 =	sld [smem:$0x3FA7]  }
0x30: {  	s3 =	sld [smem:$0x3FAA]  }
0x31: {  	[smem:$0x3FB3] =	sst s10  }
0x32: {  	s10 =	sld [smem:$0x3FB1];
	_ =	sdelay $0x3  }
0x33: {  	p0 =	seq.s32 s10, $0x1;
	s10 =	sld [smem:$0x3FB3];
	_ =	sdelay $0x3  }
0x34: {  	[smem:$0x3FB3] =	sst s10  }
0x35: {  	s10 =	sld [smem:$0x3FB2];
	_ =	sdelay $0x3  }
0x36: {  	p1 =	seq.s32 s10, $0x1;
	s10 =	sld [smem:$0x3FB3];
	_ =	sdelay $0x3  }
0x37: {  	[smem:$0x3FB3] =	sst s10  }
0x38: {  	s10 =	sld [smem:$0x3FB4]  }
0x39: {  	_ = 	snop;
	(pc) =	sbr.ind lr, $3  }
0x3a: {  	_ = 	snop  }
0x3b: {  	_ = 	snop  }
0x3c: {  	p2 =	seq.s32 s10, $0x1;
	s10 =	sld [smem:$0x3FB3]  }
0x3d: {  	_ =	shalt  }
0x3e: {  	_ =	shalt  }
0x3f: {  	_ =	shalt  }
0x40: {  	_ =	shalt  }
0x41: {  	_ =	shalt  }
0x42: {  	_ =	shalt  }
0x43: {  	_ =	shalt  }
0x44: {  	_ =	shalt  }
0x45: {  	_ =	shalt  }
0x46: {  	_ =	shalt  }
0x47: {  	_ =	shalt  }
0x48: {  	_ =	shalt  }
0x49: {  	_ =	shalt  }
0x4a: {  	_ =	shalt  }
0x4b: {  	_ =	shalt  }
0x4c: {  	_ =	shalt  }
0x4d: {  	_ =	shalt  }
0x4e: {  	_ =	shalt  }
0x4f: {  	_ =	shalt  }
0x50: {  	_ =	shalt  }
0x51: {  	_ =	shalt  }
0x52: {  	_ =	shalt  }
0x53: {  	_ =	shalt  }
0x54: {  	_ =	shalt  }
0x55: {  	_ =	shalt  }
0x56: {  	_ =	shalt  }
0x57: {  	_ =	shalt  }
0x58: {  	_ =	shalt  }
0x59: {  	_ =	shalt  }
0x5a: {  	_ =	shalt  }
0x5b: {  	_ =	shalt  }
0x5c: {  	_ =	shalt  }
0x5d: {  	_ =	shalt  }
0x5e: {  	_ =	shalt  }
0x5f: {  	_ =	shalt  }
0x60: {  	_ =	shalt  }
0x61: {  	_ =	shalt  }
0x62: {  	_ =	shalt  }
0x63: {  	_ =	shalt  }
0x64: {  	_ =	shalt  }
0x65: {  	_ =	shalt  }
0x66: {  	_ =	shalt  }
0x67: {  	_ =	shalt  }
0x68: {  	_ =	shalt  }
0x69: {  	_ =	shalt  }
0x6a: {  	_ =	shalt  }
0x6b: {  	_ =	shalt  }
0x6c: {  	_ =	shalt  }
0x6d: {  	_ =	shalt  }
0x6e: {  	_ =	shalt  }
0x6f: {  	_ =	shalt  }
0x70: {  	_ =	shalt  }
0x71: {  	_ =	shalt  }
0x72: {  	_ =	shalt  }
0x73: {  	_ =	shalt  }
0x74: {  	_ =	shalt  }
0x75: {  	_ =	shalt  }
0x76: {  	_ =	shalt  }
0x77: {  	_ =	shalt  }
0x78: {  	_ =	shalt  }
0x79: {  	_ =	shalt  }
0x7a: {  	_ =	shalt  }
0x7b: {  	_ =	shalt  }
0x7c: {  	_ =	shalt  }
0x7d: {  	_ =	shalt  }
0x7e: {  	_ =	shalt  }
0x7f: {  	_ =	shalt  }
0x80: {  	_ =	shalt  }
0x81: {  	_ =	shalt  }
0x82: {  	_ =	shalt  }
0x83: {  	_ =	shalt  }
0x84: {  	_ =	shalt  }
0x85: {  	_ =	shalt  }
0x86: {  	_ =	shalt  }
0x87: {  	_ =	shalt  }
.Lfunc_end0:
.L_simem_size_0:
called_computation_lowered:
.L_overlay_start_0:
0x88: {  	s2 =	sld [smem:$0x3FD9]  }
0x89: {  	s3 =	sld [smem:$0x3FFE];
	_ =	sdelay $0x1  }
0x8a: {  	s1 =	srdreg.scid  }
0x8b: {  	s0 =	sand.u32 $0x1, s1  }
0x8c: {  	s17 =	sshll.u32 s0, $0xA;
	s2 =	sadd.s32 s3, s2  }
0x8d: {  	s2 =	sadd.s32 s2, s17  }
0x8e: {  	[smem:$0x3FBF] =	sst s2  }
0x8f: {  	_ = 	snop  }
0x90: {  	s2 =	sld [smem:$0x3FC9]  }
0x91: {  	s18 =	sld [smem:$0x3FD0];
	(tm) =	ssettm $0x1  }
0x92: {  	s4 =	sld [smem:$0x3FFB];
	_ =	sdelay $0x3  }
0x93: {  	_ =	strace s4  }
0x94: {  	s4 =	sld [smem:$0x3FFC];
	_ =	sdelay $0x3  }
0x95: {  	_ =	strace s4  }
0x96: {  	s4 =	sld [smem:$0x3FFD];
	_ =	sdelay $0x3  }
0x97: {  	_ =	strace s4  }
0x98: {  	_ =	strace $0x8FFFFFFF  }
0x99: {  	s19 =	sld [smem:$0x3FDB];
	_ =	sdelay $0x1  }
0x9a: {  	s5 =	simm.s32 $_scs_section_size  }
0x9b: {  	s6 =	simm.s32 $_size__tile_overlayer_lowered;
	s7 =	simm.s32 $_tile_overlayer_lowered  }
0x9c: {  	s22 =	simm.s32 $0x1BFF;
	s21 =	sshll.u32 s7, $0x1;
	s4 =	sadd.s32 s5, s19  }
0x9d: {  	s8 =	simm.s32 $0x0;
	s20 =	sshll.u32 s6, $0x1;
	s6 =	sadd.s32 s21, s4  }
0x9e: {  	[timem:s8], [sflag:s22] =	dma.local [hbm:s6], s20  }
0x9f: {  	_ =	swait.ge [sflag:s22], s20  }
0xa0: {  	s5 =	ssub.s32 $0x0, s20;
	[sflag:s22] =	ssyncset.done $0x0  }
0xa1: {  	[sflag:s22] =	ssyncadd.s32 s5;
	_ =	sdelay $0x1  }
0xa2: {  	s23 =	simm.s32 $0x1B8B  }
0xa3: {  	_ =	swait.ge [sflag:s23], $0x1  }
0xa4: {  	[sflag:s23] =	ssyncset.done $0x0  }
0xa5: {  	s25 =	simm.s32 $0x1B8E;
	s24 =	sld [smem:$0x3FFE];
	[sflag:s23] =	ssyncadd.s32 $0xFFFFFFFF  }
0xa6: {  	s26 =	simm.s32 $execute0_lowered;
	[smem:$0x3FD2] =	sst s25  }
0xa7: {  	s6 =	sshll.u32 s26, $0x1;
	_ =	strace $0x80000046;
	[dreg:$0x1] =	wrdreg $0xFFFFFFFF  }
0xa8: {  	s28 =	simm.s32 $_size_execute0_lowered;
	s4 =	sadd.s32 s4, s6;
	[dreg:$0x0] =	wrdreg $0x0  }
0xa9: {  	s6 =	sshll.u32 s28, $0x1;
	[dreg:$0x2] =	wrdreg s4  }
0xaa: {  	[dreg:$0x3] =	wrdreg s6  }
0xab: {  	[dreg:$0x4] =	wrdreg $0xC0  }
0xac: {  	_ =	task [dreg:s8], $0x5FFFF  }
0xad: {  	[dreg:$0x1] =	wrdreg $0xFFFFFFFF  }
0xae: {  	[dreg:$0x0] =	wrdreg $0x60  }
0xaf: {  	[dreg:$0x2] =	wrdreg s2  }
0xb0: {  	[dreg:$0x3] =	wrdreg s18  }
0xb1: {  	[dreg:$0x4] =	wrdreg s24  }
0xb2: {  	[dreg:$0x5] =	wrdreg $0xBC800  }
0xb3: {  	[dreg:$0x6] =	wrdreg $0x1F5000  }
0xb4: {  	[dreg:$0x7] =	wrdreg $0x9  }
0xb5: {  	_ =	task.clear_ibuf [dreg:s8], $0x8FFFF;
	_ =	strace $0x90000046  }
0xb6: {  	s29 =	simm.s32 $0x9;
	_ =	strace $0x80000048  }
0xb7: {  	_ =	swait.ge [sflag:s29], $0x1  }
0xb8: {  	[sflag:s29] =	ssyncadd.s32 $0xFFFFFFFF  }
0xb9: {  	_ =	strace $0x90000048  }
0xba: {  	_ =	sfence  }
0xbb: {  	s30 =	sld [smem:$0x0];
	_ =	sdelay $0x2  }
0xbc: {  	s31 =	sshll.u32 s1, $0xD;
	s1 =	sshrl.u32 s1, $0x2  }
0xbd: {  	s3 =	sand.u32 $0x4000, s31;
	s1 =	sadd.s32 s1, s30  }
0xbe: {  	s0 =	sor.u32 s3, s0;
	s1 =	sshll.u32 s1, $0x11  }
0xbf: {  	s0 =	sor.u32 s1, s0  }
0xc0: {  	s0 =	sadd.s32 $0x8F2B, s0  }
0xc1: {  	[sflag:s0] =	ssyncadd.remote.s32 $0x1  }
0xc2: {  	_ =	sfence.sel $0xFFFF  }
0xc3: {  	[dreg:$0x0] =	wrdreg $0xFFFFFFFF;
	(pc) =	sbr.abs _section_cstart, $3  }
0xc4: {  	[dreg:$0x1] =	wrdreg $0xFFFFFFFF  }
0xc5: {  	_ =	task.clear_ibuf [dreg:s8], $0x2FFFF;
	_ =	strace $0x9FFFFFFF  }
0xc6: {  	(tm) =	ssettm $0x7FFFFFFF  }
0xc7: {  	_ =	shalt  }
tec
execute0_lowered:
.L_overlay_start_1:
0x0: {  	(tag) =	ssettag $0x1  }
0x1: {  	s1 =	rddreg [dreg:$0x0]  }
0x2: {  	s0 =	rddreg [dreg:$0x1]  }
0x3: {  	s15 =	stileid.u32;
	s2 =	rddreg [dreg:$0x2]  }
0x4: {  	s4 =	srdreg.scid;
	s3 =	rddreg [dreg:$0x3]  }
0x5: {  	s9 =	simm.s32 $0x3E8;
	s29 =	simm.s32 $0x2000;
	s31 =	simm.s32 $0x4  }
0x6: {  	s5 =	sshrl.u32 s15, $0x1;
	s10 =	sadd.s32 $0x12AC00, s3;
	s16 =	smul.u32 $0xFA0, s15  }
0x7: {  	s7 =	sand.u32 $0x1, s4;
	s12 =	sadd.s32 $0x12D400, s3;
	s17 =	smul.u32 $0x4F000, s15  }
0x8: {  	s4 =	rddreg [dreg:$0x4];
	s18 =	sadd.s32 $0x12FC00, s3;
	s19 =	sadd.s32 $0x132400, s3  }
0x9: {  	s13 =	sand.u32 $0x1, s15;
	s20 =	sadd.s32 $0x134C00, s3;
	s28 =	smul.u32 $0x13C00, s15  }
0xa: {  	s22 =	sadd.s32 $0x137400, s3;
	s26 =	sshll.u32 s15, $0xB;
	s6 =	smul.u32 $0xFA0, s5  }
0xb: {  	p1 =	seq.s32 s15, $0xF;
	s8 =	smul.u32 $0x7D0, s7;
	s5 =	simm.s32 $0x0  }
0xc: {  	p0 =	seq.s32 s13, $0x1;
	s14 =	ssub.s32 $0x2, s7;
	[smem:$0x7FF] =	sst s5  }
0xd: {  	s25 =	smul.u32 $0x138800, s7;
	_ =	strace $0x80000047;
	[dreg:$0x6] =	wrdreg s10  }
0xe: {  	s7 =	sshll.u32 s7, $0xF;
	s9 =	simm.s32 @!p0 $0x0;
	[dreg:$0x7] =	wrdreg s12  }
0xf: {  	s11 =	sshrl.u32 s14, $0x1;
	s21 =	sshrl.u32 s17, $0x2;
	[dreg:$0x8] =	wrdreg s18  }
0x10: {  	s7 =	sor.u32 s26, s7;
	p0 =	sgt.u32 s15, $0x9;
	[dreg:$0x9] =	wrdreg s19  }
0x11: {  	s15 =	simm.s32 $0x1;
	s6 =	sadd.s32 s8, s6;
	[dreg:$0xa] =	wrdreg s20  }
0x12: {  	s8 =	sadd.s32 $0x3E00, s2;
	s10 =	sshrl.u32 s16, $0x2;
	[dreg:$0xb] =	wrdreg s22  }
0x13: {  	s19 =	sadd.s32 s0, s7;
	s17 =	sadd.s32 s28, s25;
	s18 =	sshrl.u32 s25, $0x3  }
0x14: {  	s12 =	simm.s32 $0x6800;
	s6 =	sadd.s32 s9, s6;
	s9 =	ssub.s32 s14, s11  }
0x15: {  	s13 =	sadd.s32 s10, s4;
	s14 =	sadd.s32 s21, s3;
	s0 =	sshrl.u32 s17, $0x3  }
0x16: {  	s7 =	sadd.s32 s8, s18;
	s26 =	sadd.s32 $0x10000, s19;
	s28 =	sadd.s32 $0x400, s19  }
0x17: {  	s30 =	sadd.s32 $0x10400, s19;
	s10 =	simm.s32 $0x4000;
	[dreg:$0x17] =	wrdreg s26  }
0x18: {  	s11 =	simm.s32 $0x80;
	s23 =	sadd.s32 $0x2800, s14;
	[dreg:$0x18] =	wrdreg s28  }
0x19: {  	s17 =	simm.s32 $0x2;
	s24 =	sadd.s32 $0x5000, s14;
	[dreg:$0xc] =	wrdreg s23  }
0x1a: {  	s18 =	simm.s32 $0x5;
	s16 =	sadd.s32 $0x7800, s14;
	[dreg:$0xd] =	wrdreg s24  }
0x1b: {  	s6 =	sshrl.u32 s6, $0x3;
	s20 =	sadd.s32 $0xC800, s14;
	[dreg:$0xe] =	wrdreg s16  }
0x1c: {  	s0 =	sadd.s32 s8, s0;
	s21 =	sadd.s32 $0xF000, s14;
	[dreg:$0x10] =	wrdreg s20  }
0x1d: {  	s22 =	sadd.s32 $0x25080, s7;
	s25 =	sadd.s32 $0x11800, s14;
	[dreg:$0x11] =	wrdreg s0  }
0x1e: {  	s7 =	simm.s32 $0x8;
	s26 =	simm.s32 $0x3F80;
	[dreg:$0x12] =	wrdreg s21  }
0x1f: {  	s2 =	sadd.s32 s6, s2;
	s6 =	sadd.s32 $0x128400, s3;
	[dreg:$0x13] =	wrdreg s22  }
0x20: {  	s16 =	sadd.s32 $0xA000, s14;
	s24 =	smax.u32 s9, $0x1;
	[dreg:$0x16] =	wrdreg s25  }
0x21: {  	s9 =	simm.s32 $0x50;
	s20 =	simm.s32 $0x3;
	s22 =	simm.s32 $0x6  }
0x22: {  	s0 =	simm.s32 $0x7;
	s21 =	simm.s32 $0x3E00;
	[dreg:$0xf] =	wrdreg s16  }
0x23: {  	s23 =	sadd.s32 $0x3400, s2;
	[dreg:$0x15] =	wrdreg s24;
	s2 =	simm.s32 $0x9000  }
0x24: {  	v0 =	vimm.f32 $1.000000000e+00;
	v1 =	vimm.f32 $0.0e+00;
	s16 =	simm.s32 $0xB800;
	[dreg:$0x14] =	wrdreg s23;
	s23 =	simm.s32 $0x0  }
.LBB2_1:
0x25: {  	[tilespmem:$0xB800] =	vst v0  }
0x26: {  	[tilespmem:$0xB810] =	vst v0  }
0x27: {  	[tilespmem:$0xB820] =	vst v0  }
0x28: {  	[tilespmem:$0xB830] =	vst v0  }
0x29: {  	[tilespmem:$0xB840] =	vst v0;
	s24 =	simm.s32 $0x0;
	s25 =	simm.s32 $0x0  }
.LBB2_2:
0x2a: {  	p2 =	sne.s32 s25, $0x9FC0  }
.Ltmp0:
0x2b: {  	_ = 	snop;
	(pc) =	sbr.rel @p2 .LBB2_2-.Ltmp0, $4  }
0x2c: {  	s8 =	sand.u32 $0xFE00, s25  }
0x2d: {  	s28 =	sand.u32 $0x70, s24;
	s8 =	sshrl.u32 s8, $0x2  }
0x2e: {  	s8 =	sor.u32 s28, s8  }
0x2f: {  	s24 =	sadd.s32 $0x10, s24;
	s25 =	sadd.s32 $0x40, s25;
	[tilespmem:s8+$0x9000] =	vst v1  }
0x30: {  	s24 =	simm.s32 $0x40;
	s25 =	simm.s32 $0x0  }
.LBB2_4:
0x31: {  	p2 =	sne.s32 s24, $0xF40;
	[tilespmem:s25+$0xB880] =	vst v1;
	s8 =	smov.u32 s24;
	s24 =	sadd.s32 $0x40, s24  }
.Ltmp1:
0x32: {  	(pc) =	sbr.rel @p2 .LBB2_4-.Ltmp1, $2  }
0x33: {  	_ =	sdelay $0x2  }
0x34: {  	s25 =	sshra.s32 s8, $0x2  }
.Ltmp2:
0x35: {  	(pc) =	sbr.rel @p0 .LBB2_7-.Ltmp2, $3  }
0x36: {  	_ =	sdelay $0x1  }
0x37: {  	[tilespmem:s25+$0xB880] =	vst v1  }
0x38: {  	[tilespmem:$0xBC58] =	vst v1  }
.Ltmp3:
0x39: {  	(pc) =	sbr.rel .LBB2_8-.Ltmp3, $3  }
0x3a: {  	_ =	sdelay $0x1  }
0x3b: {  	s8 =	simm.s32 $0xB880  }
0x3c: {  	[spmem:s13] =	stream.linear.scatter [tilespmem:s8], [sflag:$0x5], $0x3E8, $0x38;
	[tilespmem:$0x1F778] =	vst v63  }
.LBB2_7:
.Ltmp4:
0x3d: {  	(pc) =	sbr.rel @!p1 .LBB2_8-.Ltmp4, $1  }
0x3e: {  	_ =	sdelay $0x3  }
0x3f: {  	[spmem:s6] =	stream.linear.scatter [tilespmem:s2], [sflag:$0x4], $0x2800, $0x38;
	[tilespmem:$0x1F778] =	vst v63  }
0x40: {  	s8 =	rddreg [dreg:$0x6]  }
0x41: {  	[spmem:s8] =	stream.linear.scatter [tilespmem:s2], [sflag:$0x4], $0x2800, $0x38;
	[tilespmem:$0x1F778] =	vst v63  }
0x42: {  	s25 =	rddreg [dreg:$0x7]  }
0x43: {  	[spmem:s25] =	stream.linear.scatter [tilespmem:s2], [sflag:$0x4], $0x2800, $0x38;
	[tilespmem:$0x1F778] =	vst v63  }
0x44: {  	s28 =	rddreg [dreg:$0x8]  }
0x45: {  	[spmem:s28] =	stream.linear.scatter [tilespmem:s2], [sflag:$0x4], $0x2800, $0x38;
	[tilespmem:$0x1F778] =	vst v63  }
0x46: {  	s24 =	rddreg [dreg:$0x9]  }
0x47: {  	[spmem:s24] =	stream.linear.scatter [tilespmem:s2], [sflag:$0x4], $0x2800, $0x38;
	[tilespmem:$0x1F778] =	vst v63  }
.Ltmp5:
0x48: {  	_ = 	snop;
	(pc) =	sbr.rel .LBB2_10-.Ltmp5, $4  }
0x49: {  	s25 =	rddreg [dreg:$0xa]  }
0x4a: {  	[spmem:s25] =	stream.linear.scatter [tilespmem:s2], [sflag:$0x4], $0x2800, $0x38;
	[tilespmem:$0x1F778] =	vst v63  }
0x4b: {  	p2 =	por $0x1, $0x1;
	s28 =	rddreg [dreg:$0xb]  }
0x4c: {  	[spmem:s28] =	stream.linear.scatter [tilespmem:s2], [sflag:$0x4], $0x1400, $0x38;
	[tilespmem:$0x1F778] =	vst v63  }
.LBB2_8:
0x4d: {  	[spmem:s14] =	stream.linear.scatter [tilespmem:s2], [sflag:$0x4], $0x2800, $0x38;
	[tilespmem:$0x1F778] =	vst v63  }
0x4e: {  	s8 =	rddreg [dreg:$0xc]  }
0x4f: {  	[spmem:s8] =	stream.linear.scatter [tilespmem:s2], [sflag:$0x4], $0x2800, $0x38;
	[tilespmem:$0x1F778] =	vst v63  }
0x50: {  	s24 =	rddreg [dreg:$0xd]  }
0x51: {  	[spmem:s24] =	stream.linear.scatter [tilespmem:s2], [sflag:$0x4], $0x2800, $0x38;
	[tilespmem:$0x1F778] =	vst v63  }
0x52: {  	s25 =	rddreg [dreg:$0xe]  }
0x53: {  	[spmem:s25] =	stream.linear.scatter [tilespmem:s2], [sflag:$0x4], $0x2800, $0x38;
	[tilespmem:$0x1F778] =	vst v63  }
0x54: {  	s28 =	rddreg [dreg:$0xf]  }
0x55: {  	[spmem:s28] =	stream.linear.scatter [tilespmem:s2], [sflag:$0x4], $0x2800, $0x38;
	[tilespmem:$0x1F778] =	vst v63  }
0x56: {  	s24 =	rddreg [dreg:$0x10]  }
0x57: {  	[spmem:s24] =	stream.linear.scatter [tilespmem:s2], [sflag:$0x4], $0x2800, $0x38;
	[tilespmem:$0x1F778] =	vst v63  }
0x58: {  	s25 =	rddreg [dreg:$0x12]  }
0x59: {  	[spmem:s25] =	stream.linear.scatter [tilespmem:s2], [sflag:$0x4], $0x2800, $0x38;
	[tilespmem:$0x1F778] =	vst v63  }
0x5a: {  	p2 =	por $0x0, $0x0;
	s28 =	rddreg [dreg:$0x16]  }
0x5b: {  	[spmem:s28] =	stream.linear.scatter [tilespmem:s2], [sflag:$0x4], $0x2400, $0x38;
	[tilespmem:$0x1F778] =	vst v63  }
.LBB2_10:
0x5c: {  	[tilespmem:s5], [sflag:$0x8] =	stream.linear.gather [hbm4b:s19+s5], $0x2000, $0x38;
	[tilespmem:$0x1F778] =	vst v63  }
0x5d: {  	_ =	swait.ge [sflag:s7], $0x2000  }
0x5e: {  	[sflag:s7] =	ssyncset.done $0x0  }
0x5f: {  	s8 =	rddreg [dreg:$0x17];
	[sflag:s7] =	ssyncadd.s32 $0xFFFFE000  }
0x60: {  	[tilespmem:s29], [sflag:$0x8] =	stream.linear.gather [hbm4b:s8+s5], $0x2000, $0x38;
	[tilespmem:$0x1F778] =	vst v63  }
0x61: {  	_ =	swait.ge [sflag:s7], $0x2000  }
0x62: {  	[sflag:s7] =	ssyncset.done $0x0  }
0x63: {  	[sflag:s7] =	ssyncadd.s32 $0xFFFFE000  }
0x64: {  	[tilespmem:s10], [sflag:$0x1] =	stream.indirect.gather [hbm4b:s1+s9], $0x80, s5, s9, $0xb8;
	[tilespmem:$0x1F778] =	vst v63  }
0x65: {  	s8 =	simm.s32 @!p0 $0x5  }
0x66: {  	[tilespmem:s12], [sflag:$0x2] =	stream.indirect.gather [hbm4b:s1+s9], $0x80, s11, s9, $0xb8;
	[tilespmem:$0x1F778] =	vst v63  }
0x67: {  	_ =	swait.ge @!p0 [sflag:s8], $0x3E8  }
0x68: {  	[sflag:s8] =	ssyncset.done @!p0 $0x0  }
0x69: {  	[sflag:s8] =	ssyncadd.s32 @!p0 $0xFFFFFC18  }
0x6a: {  	_ =	swait.ge [sflag:s31], $0x2800  }
0x6b: {  	[sflag:s31] =	ssyncset.done $0x0  }
0x6c: {  	[sflag:s31] =	ssyncadd.s32 $0xFFFFD800  }
0x6d: {  	_ =	swait.ge [sflag:s31], $0x2800  }
0x6e: {  	[sflag:s31] =	ssyncset.done $0x0  }
0x6f: {  	[sflag:s31] =	ssyncadd.s32 $0xFFFFD800  }
0x70: {  	_ =	swait.ge [sflag:s31], $0x2800  }
0x71: {  	[sflag:s31] =	ssyncset.done $0x0  }
0x72: {  	[sflag:s31] =	ssyncadd.s32 $0xFFFFD800  }
0x73: {  	_ =	swait.ge [sflag:s31], $0x2800  }
0x74: {  	[sflag:s31] =	ssyncset.done $0x0  }
0x75: {  	[sflag:s31] =	ssyncadd.s32 $0xFFFFD800  }
0x76: {  	_ =	swait.ge [sflag:s31], $0x2800  }
0x77: {  	[sflag:s31] =	ssyncset.done $0x0  }
0x78: {  	[sflag:s31] =	ssyncadd.s32 $0xFFFFD800  }
0x79: {  	_ =	swait.ge [sflag:s31], $0x2800  }
0x7a: {  	[sflag:s31] =	ssyncset.done $0x0  }
0x7b: {  	s8 =	simm.s32 @p2 $0x4;
	[sflag:s31] =	ssyncadd.s32 $0xFFFFD800  }
0x7c: {  	_ =	swait.ge @p2 [sflag:s8], $0x1400  }
0x7d: {  	[sflag:s8] =	ssyncset.done @p2 $0x0  }
0x7e: {  	[sflag:s8] =	ssyncadd.s32 @p2 $0xFFFFEC00;
	s8 =	simm.s32 @!p2 $0x4  }
0x7f: {  	_ =	swait.ge @!p2 [sflag:s8], $0x2800  }
0x80: {  	[sflag:s8] =	ssyncset.done @!p2 $0x0  }
0x81: {  	[sflag:s8] =	ssyncadd.s32 @!p2 $0xFFFFD800  }
.Ltmp6:
0x82: {  	_ =	swait.ge @!p2 [sflag:s8], $0x2400;
	(pc) =	sbr.rel .LBB2_11-.Ltmp6, $4  }
0x83: {  	[sflag:s8] =	ssyncset.done @!p2 $0x0  }
0x84: {  	[sflag:s8] =	ssyncadd.s32 @!p2 $0xFFFFDC00  }
0x85: {  	[bflag:$0x0] =	sbarrier.arrive $0xFFFF  }
0x86: {  	s24 =	simm.s32 $0x0;
	s25 =	simm.s32 $0x0  }
.LBB2_14:
0x87: {  	s8 =	sshra.s32 s24, $0x2  }
0x88: {  	s8 =	sadd.s32 $0x100, s8  }
0x89: {  	[tilespmem:s2], [sflag:$0x3] =	stream.indirect.gather [hbm4b:s1+s9], $0x80, s8, s9, $0xb8;
	[tilespmem:$0x1F778] =	vst v63  }
0x8a: {  	s8 =	smov.u32 s24  }
.LBB2_15:
0x8b: {  	_ =	swait.ge [sflag:s15], $0x2800  }
0x8c: {  	s8 =	sshra.s32 s8, $0x2;
	[sflag:s15] =	ssyncset.done $0x0  }
0x8d: {  	s28 =	sadd.s32 $0x2000, s8;
	[sflag:s15] =	ssyncadd.s32 $0xFFFFD800  }
0x8e: {  	[spmem:s3] =	stream.indirect.scatter.add.f32 [tilespmem:s10], [sflag:$0x4], $0x80, s28, s9, $0xb8;
	[tilespmem:$0x1F778] =	vst v63  }
0x8f: {  	_ = 	snop  }
0x90: {  	[spmem:s4] =	stream.indirect.scatter.add.f32 [tilespmem:s16], [sflag:$0x7], $0x1, s28, s9, $0xb8;
	[tilespmem:$0x1F778] =	vst v63  }
0x91: {  	_ =	swait.ge [sflag:s31], $0x2800  }
0x92: {  	[sflag:s31] =	ssyncset.done $0x0  }
0x93: {  	s28 =	sadd.s32 $0x180, s8;
	[sflag:s31] =	ssyncadd.s32 $0xFFFFD800  }
0x94: {  	[tilespmem:s10], [sflag:$0x1] =	stream.indirect.gather [hbm4b:s1+s9], $0x80, s28, s9, $0xb8;
	[tilespmem:$0x1F778] =	vst v63  }
0x95: {  	_ =	swait.ge [sflag:s17], $0x2800  }
0x96: {  	[sflag:s17] =	ssyncset.done $0x0  }
0x97: {  	s28 =	sadd.s32 $0x2080, s8;
	[sflag:s17] =	ssyncadd.s32 $0xFFFFD800  }
0x98: {  	[spmem:s3] =	stream.indirect.scatter.add.f32 [tilespmem:s12], [sflag:$0x5], $0x80, s28, s9, $0xb8;
	[tilespmem:$0x1F778] =	vst v63  }
0x99: {  	_ = 	snop  }
0x9a: {  	[spmem:s4] =	stream.indirect.scatter.add.f32 [tilespmem:s16], [sflag:$0x7], $0x1, s28, s9, $0xb8;
	[tilespmem:$0x1F778] =	vst v63  }
0x9b: {  	_ =	swait.ge [sflag:s18], $0x2800  }
0x9c: {  	[sflag:s18] =	ssyncset.done $0x0  }
0x9d: {  	s24 =	sadd.s32 $0x600, s24;
	s28 =	sadd.s32 $0x200, s8;
	[sflag:s18] =	ssyncadd.s32 $0xFFFFD800  }
0x9e: {  	[tilespmem:s12], [sflag:$0x2] =	stream.indirect.gather [hbm4b:s1+s9], $0x80, s28, s9, $0xb8;
	[tilespmem:$0x1F778] =	vst v63  }
0x9f: {  	p3 =	sne.s32 s24, $0x7800;
	_ =	swait.ge [sflag:s20], $0x2800  }
.Ltmp7:
0xa0: {  	[sflag:s20] =	ssyncset.done $0x0;
	(pc) =	sbr.rel @!p3 .LBB2_16-.Ltmp7, $4  }
0xa1: {  	s8 =	sadd.s32 $0x2100, s8;
	[sflag:s20] =	ssyncadd.s32 $0xFFFFD800  }
0xa2: {  	[spmem:s3] =	stream.indirect.scatter.add.f32 [tilespmem:s2], [sflag:$0x6], $0x80, s8, s9, $0xb8;
	[tilespmem:$0x1F778] =	vst v63  }
0xa3: {  	s25 =	sadd.s32 $0x1, s25  }
0xa4: {  	[spmem:s4] =	stream.indirect.scatter.add.f32 [tilespmem:s16], [sflag:$0x7], $0x1, s8, s9, $0xb8;
	[tilespmem:$0x1F778] =	vst v63  }
.LBB2_11:
0xa5: {  	p3 =	seq.s32 s25, $0x0  }
.Ltmp8:
0xa6: {  	_ = 	snop;
	(pc) =	sbr.rel @p3 .LBB2_14-.Ltmp8, $1  }
0xa7: {  	_ =	sdelay $0x3  }
0xa8: {  	p3 =	seq.s32 s25, $0x15  }
.Ltmp9:
0xa9: {  	_ = 	snop;
	(pc) =	sbr.rel @p3 .LBB2_15-.Ltmp9, $2  }
0xaa: {  	_ =	sdelay $0x2  }
0xab: {  	s8 =	simm.s32 $0x7E00  }
.Ltmp10:
0xac: {  	(pc) =	sbr.rel .LBB2_14-.Ltmp10, $4  }
0xad: {  	_ = 	snop  }
0xae: {  	_ =	swait.ge [sflag:s22], $0x2800  }
0xaf: {  	[sflag:s22] =	ssyncset.done $0x0  }
0xb0: {  	[sflag:s22] =	ssyncadd.s32 $0xFFFFD800  }
.LBB2_16:
0xb1: {  	_ =	swait.ge [sflag:s22], $0x2800  }
0xb2: {  	s8 =	sshra.s32 s24, $0x2;
	[sflag:s22] =	ssyncset.done $0x0  }
0xb3: {  	s24 =	sadd.s32 $0x100, s8;
	[sflag:s22] =	ssyncadd.s32 $0xFFFFD800  }
0xb4: {  	[tilespmem:s2], [sflag:$0x3] =	stream.indirect.gather [hbm4b:s1+s9], $0x80, s24, s9, $0xb8;
	[tilespmem:$0x1F778] =	vst v63  }
0xb5: {  	_ =	swait.ge [sflag:s15], $0x2800  }
0xb6: {  	[sflag:s15] =	ssyncset.done $0x0  }
0xb7: {  	s28 =	sadd.s32 $0x2000, s8;
	[sflag:s15] =	ssyncadd.s32 $0xFFFFD800  }
0xb8: {  	[spmem:s3] =	stream.indirect.scatter.add.f32 [tilespmem:s10], [sflag:$0x4], $0x80, s28, s9, $0xb8;
	[tilespmem:$0x1F778] =	vst v63  }
0xb9: {  	_ = 	snop  }
0xba: {  	[spmem:s4] =	stream.indirect.scatter.add.f32 [tilespmem:s16], [sflag:$0x7], $0x1, s28, s9, $0xb8;
	[tilespmem:$0x1F778] =	vst v63  }
0xbb: {  	_ =	swait.ge [sflag:s31], $0x2800  }
0xbc: {  	[sflag:s31] =	ssyncset.done $0x0  }
0xbd: {  	s25 =	sadd.s32 $0x180, s8;
	[sflag:s31] =	ssyncadd.s32 $0xFFFFD800  }
0xbe: {  	[tilespmem:s10], [sflag:$0x1] =	stream.indirect.gather [hbm4b:s1+s9], $0x80, s25, s9, $0xb8;
	[tilespmem:$0x1F778] =	vst v63  }
0xbf: {  	_ =	swait.ge [sflag:s17], $0x2800  }
0xc0: {  	[sflag:s17] =	ssyncset.done $0x0  }
0xc1: {  	s28 =	sadd.s32 $0x2080, s8;
	[sflag:s17] =	ssyncadd.s32 $0xFFFFD800  }
0xc2: {  	[spmem:s3] =	stream.indirect.scatter.add.f32 [tilespmem:s12], [sflag:$0x5], $0x80, s28, s9, $0xb8;
	[tilespmem:$0x1F778] =	vst v63  }
0xc3: {  	_ = 	snop  }
0xc4: {  	[spmem:s4] =	stream.indirect.scatter.add.f32 [tilespmem:s16], [sflag:$0x7], $0x1, s28, s9, $0xb8;
	[tilespmem:$0x1F778] =	vst v63  }
0xc5: {  	_ =	swait.ge [sflag:s20], $0x2800  }
0xc6: {  	[sflag:s20] =	ssyncset.done $0x0  }
0xc7: {  	s8 =	sadd.s32 $0x2100, s8;
	[sflag:s20] =	ssyncadd.s32 $0xFFFFD800  }
0xc8: {  	[spmem:s3] =	stream.indirect.scatter.add.f32 [tilespmem:s2], [sflag:$0x6], $0x80, s8, s9, $0xb8;
	[tilespmem:$0x1F778] =	vst v63  }
0xc9: {  	_ = 	snop  }
0xca: {  	[spmem:s4] =	stream.indirect.scatter.add.f32 [tilespmem:s16], [sflag:$0x7], $0x1, s8, s9, $0xb8;
	[tilespmem:$0x1F778] =	vst v63  }
0xcb: {  	_ =	swait.ge [sflag:s15], $0x2800  }
0xcc: {  	[sflag:s15] =	ssyncset.done $0x0  }
0xcd: {  	[sflag:s15] =	ssyncadd.s32 $0xFFFFD800  }
0xce: {  	[spmem:s3] =	stream.indirect.scatter.add.f32 [tilespmem:s10], [sflag:$0x4], $0x80, s26, s9, $0xb8;
	[tilespmem:$0x1F778] =	vst v63  }
0xcf: {  	_ = 	snop  }
0xd0: {  	[spmem:s4] =	stream.indirect.scatter.add.f32 [tilespmem:s16], [sflag:$0x7], $0x1, s26, s9, $0xb8;
	[tilespmem:$0x1F778] =	vst v63  }
0xd1: {  	_ =	swait.ge [sflag:s31], $0x2800  }
0xd2: {  	[sflag:s31] =	ssyncset.done $0x0  }
0xd3: {  	[sflag:s31] =	ssyncadd.s32 $0xFFFFD800  }
0xd4: {  	_ =	swait.ge [sflag:s18], $0x2800  }
0xd5: {  	[sflag:s18] =	ssyncset.done $0x0  }
0xd6: {  	[sflag:s18] =	ssyncadd.s32 $0xFFFFD800  }
0xd7: {  	_ =	swait.ge [sflag:s22], $0x2800  }
0xd8: {  	[sflag:s22] =	ssyncset.done $0x0  }
0xd9: {  	[sflag:s22] =	ssyncadd.s32 $0xFFFFD800  }
0xda: {  	_ =	swait.ge [sflag:s0], $0x50  }
0xdb: {  	s24 =	simm.s32 $0x3F;
	[sflag:s0] =	ssyncset.done $0x0  }
.LBB2_17:
0xdc: {  	p3 =	sne.s32 s24, $0x1;
	s24 =	sadd.s32 $0xFFFFFFFF, s24;
	[sflag:s0] =	ssyncadd.s32 $0xFFFFFFB0  }
.Ltmp11:
0xdd: {  	(pc) =	sbr.rel @p3 .LBB2_17-.Ltmp11, $3  }
0xde: {  	_ =	sdelay $0x1  }
0xdf: {  	_ =	swait.ge [sflag:s0], $0x50  }
0xe0: {  	[sflag:s0] =	ssyncset.done $0x0  }
0xe1: {  	[sflag:s0] =	ssyncadd.s32 $0xFFFFFFB0;
	s24 =	simm.s32 $0x0;
	s8 =	rddreg [dreg:$0x18]  }
0xe2: {  	[tilespmem:s24], [sflag:$0x8] =	stream.linear.gather [hbm4b:s8+s24], $0x1E80, $0x38;
	[tilespmem:$0x1F778] =	vst v63  }
0xe3: {  	_ =	swait.ge [sflag:s7], $0x1E80  }
0xe4: {  	[sflag:s7] =	ssyncset.done $0x0  }
0xe5: {  	[sflag:s7] =	ssyncadd.s32 $0xFFFFE180  }
0xe6: {  	[tilespmem:s29], [sflag:$0x8] =	stream.linear.gather [hbm4b:s30+s24], $0x1E80, $0x38;
	[tilespmem:$0x1F778] =	vst v63  }
0xe7: {  	_ =	swait.ge [sflag:s7], $0x1E80  }
.Ltmp12:
0xe8: {  	[sflag:s7] =	ssyncset.done $0x0;
	(pc) =	sbr.rel .LBB2_19-.Ltmp12, $4  }
0xe9: {  	[sflag:s7] =	ssyncadd.s32 $0xFFFFE180  }
0xea: {  	[tilespmem:s10], [sflag:$0x1] =	stream.indirect.gather [hbm4b:s1+s9], $0x80, s24, s9, $0xb8;
	[tilespmem:$0x1F778] =	vst v63  }
0xeb: {  	s25 =	simm.s32 $0x0  }
0xec: {  	[tilespmem:s12], [sflag:$0x2] =	stream.indirect.gather [hbm4b:s1+s9], $0x80, s11, s9, $0xb8;
	[tilespmem:$0x1F778] =	vst v63  }
.LBB2_22:
0xed: {  	s8 =	sshra.s32 s24, $0x2  }
0xee: {  	s8 =	sadd.s32 $0x100, s8  }
0xef: {  	[tilespmem:s2], [sflag:$0x3] =	stream.indirect.gather [hbm4b:s1+s9], $0x80, s8, s9, $0xb8;
	[tilespmem:$0x1F778] =	vst v63  }
0xf0: {  	s8 =	smov.u32 s24  }
.LBB2_23:
0xf1: {  	_ =	swait.ge [sflag:s15], $0x2800  }
0xf2: {  	s8 =	sshra.s32 s8, $0x2;
	[sflag:s15] =	ssyncset.done $0x0  }
0xf3: {  	s28 =	sadd.s32 $0x2000, s8;
	[sflag:s15] =	ssyncadd.s32 $0xFFFFD800  }
0xf4: {  	[spmem:s3] =	stream.indirect.scatter.add.f32 [tilespmem:s10], [sflag:$0x4], $0x80, s28, s9, $0xb8;
	[tilespmem:$0x1F778] =	vst v63  }
0xf5: {  	_ = 	snop  }
0xf6: {  	[spmem:s4] =	stream.indirect.scatter.add.f32 [tilespmem:s16], [sflag:$0x7], $0x1, s28, s9, $0xb8;
	[tilespmem:$0x1F778] =	vst v63  }
0xf7: {  	_ =	swait.ge [sflag:s31], $0x2800  }
0xf8: {  	[sflag:s31] =	ssyncset.done $0x0  }
0xf9: {  	s29 =	sadd.s32 $0x180, s8;
	[sflag:s31] =	ssyncadd.s32 $0xFFFFD800  }
0xfa: {  	[tilespmem:s10], [sflag:$0x1] =	stream.indirect.gather [hbm4b:s1+s9], $0x80, s29, s9, $0xb8;
	[tilespmem:$0x1F778] =	vst v63  }
0xfb: {  	_ =	swait.ge [sflag:s17], $0x2800  }
0xfc: {  	[sflag:s17] =	ssyncset.done $0x0  }
0xfd: {  	s29 =	sadd.s32 $0x2080, s8;
	[sflag:s17] =	ssyncadd.s32 $0xFFFFD800  }
0xfe: {  	[spmem:s3] =	stream.indirect.scatter.add.f32 [tilespmem:s12], [sflag:$0x5], $0x80, s29, s9, $0xb8;
	[tilespmem:$0x1F778] =	vst v63  }
0xff: {  	_ = 	snop  }
0x100: {  	[spmem:s4] =	stream.indirect.scatter.add.f32 [tilespmem:s16], [sflag:$0x7], $0x1, s29, s9, $0xb8;
	[tilespmem:$0x1F778] =	vst v63  }
0x101: {  	_ =	swait.ge [sflag:s18], $0x2800  }
0x102: {  	[sflag:s18] =	ssyncset.done $0x0  }
0x103: {  	s24 =	sadd.s32 $0x600, s24;
	s29 =	sadd.s32 $0x200, s8;
	[sflag:s18] =	ssyncadd.s32 $0xFFFFD800  }
0x104: {  	[tilespmem:s12], [sflag:$0x2] =	stream.indirect.gather [hbm4b:s1+s9], $0x80, s29, s9, $0xb8;
	[tilespmem:$0x1F778] =	vst v63  }
0x105: {  	p3 =	sne.s32 s24, $0x7200;
	_ =	swait.ge [sflag:s20], $0x2800  }
.Ltmp13:
0x106: {  	[sflag:s20] =	ssyncset.done $0x0;
	(pc) =	sbr.rel @!p3 .LBB2_24-.Ltmp13, $4  }
0x107: {  	s8 =	sadd.s32 $0x2100, s8;
	[sflag:s20] =	ssyncadd.s32 $0xFFFFD800  }
0x108: {  	[spmem:s3] =	stream.indirect.scatter.add.f32 [tilespmem:s2], [sflag:$0x6], $0x80, s8, s9, $0xb8;
	[tilespmem:$0x1F778] =	vst v63  }
0x109: {  	s25 =	sadd.s32 $0x1, s25  }
0x10a: {  	[spmem:s4] =	stream.indirect.scatter.add.f32 [tilespmem:s16], [sflag:$0x7], $0x1, s8, s9, $0xb8;
	[tilespmem:$0x1F778] =	vst v63  }
.LBB2_19:
0x10b: {  	p3 =	seq.s32 s25, $0x0  }
.Ltmp14:
0x10c: {  	_ = 	snop;
	(pc) =	sbr.rel @p3 .LBB2_22-.Ltmp14, $1  }
0x10d: {  	_ =	sdelay $0x3  }
0x10e: {  	p3 =	seq.s32 s25, $0x14  }
.Ltmp15:
0x10f: {  	_ = 	snop;
	(pc) =	sbr.rel @p3 .LBB2_23-.Ltmp15, $2  }
0x110: {  	_ =	sdelay $0x2  }
0x111: {  	s8 =	simm.s32 $0x7800  }
.Ltmp16:
0x112: {  	(pc) =	sbr.rel .LBB2_22-.Ltmp16, $4  }
0x113: {  	_ = 	snop  }
0x114: {  	_ =	swait.ge [sflag:s22], $0x2800  }
0x115: {  	[sflag:s22] =	ssyncset.done $0x0  }
0x116: {  	[sflag:s22] =	ssyncadd.s32 $0xFFFFD800  }
.LBB2_24:
0x117: {  	_ =	swait.ge [sflag:s22], $0x2800  }
0x118: {  	s8 =	sshra.s32 s24, $0x2;
	[sflag:s22] =	ssyncset.done $0x0  }
0x119: {  	s24 =	sadd.s32 $0x100, s8;
	[sflag:s22] =	ssyncadd.s32 $0xFFFFD800  }
0x11a: {  	[tilespmem:s2], [sflag:$0x3] =	stream.indirect.gather [hbm4b:s1+s9], $0x80, s24, s9, $0xb8;
	[tilespmem:$0x1F778] =	vst v63  }
0x11b: {  	_ =	swait.ge [sflag:s15], $0x2800  }
0x11c: {  	[sflag:s15] =	ssyncset.done $0x0  }
0x11d: {  	s25 =	sadd.s32 $0x2000, s8;
	[sflag:s15] =	ssyncadd.s32 $0xFFFFD800  }
0x11e: {  	[spmem:s3] =	stream.indirect.scatter.add.f32 [tilespmem:s10], [sflag:$0x4], $0x80, s25, s9, $0xb8;
	[tilespmem:$0x1F778] =	vst v63  }
0x11f: {  	_ = 	snop  }
0x120: {  	[spmem:s4] =	stream.indirect.scatter.add.f32 [tilespmem:s16], [sflag:$0x7], $0x1, s25, s9, $0xb8;
	[tilespmem:$0x1F778] =	vst v63  }
0x121: {  	_ =	swait.ge [sflag:s31], $0x2800  }
0x122: {  	[sflag:s31] =	ssyncset.done $0x0  }
0x123: {  	s28 =	sadd.s32 $0x180, s8;
	[sflag:s31] =	ssyncadd.s32 $0xFFFFD800  }
0x124: {  	[tilespmem:s10], [sflag:$0x1] =	stream.indirect.gather [hbm4b:s1+s9], $0x80, s28, s9, $0xb8;
	[tilespmem:$0x1F778] =	vst v63  }
0x125: {  	_ =	swait.ge [sflag:s17], $0x2800  }
0x126: {  	[sflag:s17] =	ssyncset.done $0x0  }
0x127: {  	s29 =	sadd.s32 $0x2080, s8;
	[sflag:s17] =	ssyncadd.s32 $0xFFFFD800  }
0x128: {  	[spmem:s3] =	stream.indirect.scatter.add.f32 [tilespmem:s12], [sflag:$0x5], $0x80, s29, s9, $0xb8;
	[tilespmem:$0x1F778] =	vst v63  }
0x129: {  	_ = 	snop  }
0x12a: {  	[spmem:s4] =	stream.indirect.scatter.add.f32 [tilespmem:s16], [sflag:$0x7], $0x1, s29, s9, $0xb8;
	[tilespmem:$0x1F778] =	vst v63  }
0x12b: {  	_ =	swait.ge [sflag:s20], $0x2800  }
0x12c: {  	[sflag:s20] =	ssyncset.done $0x0  }
0x12d: {  	s8 =	sadd.s32 $0x2100, s8;
	[sflag:s20] =	ssyncadd.s32 $0xFFFFD800  }
0x12e: {  	[spmem:s3] =	stream.indirect.scatter.add.f32 [tilespmem:s2], [sflag:$0x6], $0x80, s8, s9, $0xb8;
	[tilespmem:$0x1F778] =	vst v63  }
0x12f: {  	_ = 	snop  }
0x130: {  	[spmem:s4] =	stream.indirect.scatter.add.f32 [tilespmem:s16], [sflag:$0x7], $0x1, s8, s9, $0xb8;
	[tilespmem:$0x1F778] =	vst v63  }
0x131: {  	_ =	swait.ge [sflag:s15], $0x2800  }
0x132: {  	[sflag:s15] =	ssyncset.done $0x0  }
0x133: {  	[sflag:s15] =	ssyncadd.s32 $0xFFFFD800  }
0x134: {  	[spmem:s3] =	stream.indirect.scatter.add.f32 [tilespmem:s10], [sflag:$0x4], $0x80, s21, s9, $0xb8;
	[tilespmem:$0x1F778] =	vst v63  }
0x135: {  	_ = 	snop  }
0x136: {  	[spmem:s4] =	stream.indirect.scatter.add.f32 [tilespmem:s16], [sflag:$0x7], $0x1, s21, s9, $0xb8;
	[tilespmem:$0x1F778] =	vst v63  }
0x137: {  	_ =	swait.ge [sflag:s31], $0x2800  }
0x138: {  	[sflag:s31] =	ssyncset.done $0x0  }
0x139: {  	[sflag:s31] =	ssyncadd.s32 $0xFFFFD800  }
0x13a: {  	_ =	swait.ge [sflag:s18], $0x2800  }
0x13b: {  	[sflag:s18] =	ssyncset.done $0x0  }
0x13c: {  	[sflag:s18] =	ssyncadd.s32 $0xFFFFD800  }
0x13d: {  	_ =	swait.ge [sflag:s22], $0x2800  }
0x13e: {  	[sflag:s22] =	ssyncset.done $0x0  }
0x13f: {  	[sflag:s22] =	ssyncadd.s32 $0xFFFFD800  }
0x140: {  	_ =	swait.ge [sflag:s0], $0x50  }
0x141: {  	s24 =	simm.s32 $0x3C;
	[sflag:s0] =	ssyncset.done $0x0  }
.LBB2_25:
0x142: {  	p3 =	sne.s32 s24, $0x1;
	s24 =	sadd.s32 $0xFFFFFFFF, s24;
	[sflag:s0] =	ssyncadd.s32 $0xFFFFFFB0  }
.Ltmp17:
0x143: {  	(pc) =	sbr.rel @p3 .LBB2_25-.Ltmp17, $3  }
0x144: {  	_ =	sdelay $0x1  }
0x145: {  	_ =	swait.ge [sflag:s0], $0x50  }
0x146: {  	[sflag:s0] =	ssyncset.done $0x0  }
0x147: {  	[sflag:s0] =	ssyncadd.s32 $0xFFFFFFB0;
	s25 =	stileid.u32  }
0x148: {  	s8 =	sshll.u32 @p2 s25, $0x6;
	[bflag:$0x0] =	sbarrier.arrive $0xFFFF  }
0x149: {  	s24 =	sshrl.u32 @p2 s6, $0x3;
	s8 =	sor.u32 @p2 $0x1C08, s8;
	s28 =	rddreg [dreg:$0x13]  }
0x14a: {  	[hbm:s28], [sflag:s8] =	dma.local @p2 [spmem:s24], $0x2080  }
0x14b: {  	s8 =	simm.s32 @p2 $0x8  }
0x14c: {  	_ =	swait.ge @p2 [sflag:s8], $0x2080  }
0x14d: {  	s24 =	sshll.u32 @!p2 s25, $0x6;
	[sflag:s8] =	ssyncset.done @p2 $0x0;
	s25 =	rddreg [dreg:$0x11]  }
0x14e: {  	[sflag:s8] =	ssyncadd.s32 @p2 $0xFFFFDF80;
	s8 =	sor.u32 @!p2 $0x1C08, s24;
	s24 =	sshrl.u32 @!p2 s14, $0x3  }
0x14f: {  	[hbm:s25], [sflag:s8] =	dma.local @!p2 [spmem:s24], $0x2780  }
0x150: {  	s8 =	simm.s32 @!p2 $0x8  }
0x151: {  	_ =	swait.ge @!p2 [sflag:s8], $0x2780  }
0x152: {  	[sflag:s8] =	ssyncset.done @!p2 $0x0  }
0x153: {  	s24 =	simm.s32 @!p0 $0x8;
	[sflag:s8] =	ssyncadd.s32 @!p2 $0xFFFFD880;
	s8 =	simm.s32 @!p0 $0xB880  }
0x154: {  	[tilespmem:s8], [sflag:$0x8] =	stream.linear.gather @!p0 [spmem:s13], $0x3E8, $0x38;
	[tilespmem:$0x1F778] =	vst v63  }
0x155: {  	_ =	swait.ge @!p0 [sflag:s24], $0x3E8  }
0x156: {  	[sflag:s24] =	ssyncset.done @!p0 $0x0  }
0x157: {  	s25 =	simm.s32 @!p0 $0x0;
	s29 =	rddreg [dreg:$0x14];
	[sflag:s24] =	ssyncadd.s32 @!p0 $0xFFFFFC18  }
0x158: {  	[hbm4b:s29+s25] =	stream.linear.scatter @!p0 [tilespmem:s8], [sflag:$0x8], $0x3E8, $0x38;
	[tilespmem:$0x1F778] =	vst v63  }
0x159: {  	_ =	swait.ge @!p0 [sflag:s24], $0x3E8  }
0x15a: {  	s23 =	sadd.s32 $0x1, s23;
	s25 =	rddreg [dreg:$0x15]  }
0x15b: {  	p2 =	sne.s32 s23, s25  }
.Ltmp18:
0x15c: {  	_ = 	snop;
	(pc) =	sbr.rel @p2 .LBB2_1-.Ltmp18, $3  }
0x15d: {  	_ =	sdelay $0x1  }
0x15e: {  	[sflag:s24] =	ssyncset.done @!p0 $0x0  }
0x15f: {  	s28 =	stileid.u32;
	s29 =	simm.s32 $0x2000;
	[sflag:s24] =	ssyncadd.s32 @!p0 $0xFFFFFC18  }
0x160: {  	_ =	sfence.sel $0x180000  }
0x161: {  	[bflag:$0x0] =	sbarrier.arrive $0xFFFF  }
0x162: {  	_ =	strace $0x90000047  }
0x163: {  	[bflag:$0x2] =	sbarrier.arrive $0xFFFF  }
0x164: {  	p0 =	sne.s32 s28, $0x0;
	s0 =	rddreg [dreg:$0x5]  }
0x165: {  	s0 =	sadd.s32 @!p0 $0x100000, s0  }
0x166: {  	[sflag:s0] =	ssyncadd.tile.s32 @!p0 $0x1;
	_ =	shalt  }
.Lfunc_end2:
_tile_overlayer_lowered:
.L_overlay_start_2:
0x167: {  	(tag) =	ssettag $0x2  }
0x168: {  	s0 =	rddreg [dreg:$0x0];
	s2 =	stileid.u32  }
0x169: {  	s1 =	rddreg [dreg:$0x1];
	p0 =	sne.s32 s2, $0x0  }
0x16a: {  	s3 =	rddreg [dreg:$0x2];
	[bflag:$0x3] =	sbarrier.arrive $0xFFFF;
	s2 =	simm.s32 @!p0 $0x1C08  }
0x16b: {  	[timem:s3], [sflag:s2] =	dma.local @!p0 [hbm:s0], s1  }
0x16c: {  	s0 =	simm.s32 @!p0 $0x8  }
0x16d: {  	_ =	swait.ge @!p0 [sflag:s0], s1  }
0x16e: {  	s1 =	ssub.s32 @!p0 $0x0, s1;
	[sflag:s0] =	ssyncset.done @!p0 $0x0  }
0x16f: {  	[sflag:s0] =	ssyncadd.s32 @!p0 s1  }
0x170: {  	[bflag:$0x3] =	sbarrier.arrive $0xFFFF  }
0x171: {  	_ =	shalt  }

</sc_bundles>
